<compile_context>
chip_gen: v7x
topology: tpu7x:2x2x1
jax: 0.10.2.dev20260603
libtpu: 0.0.44.dev20260713+nightly
codegen_flags: <defaults>
</compile_context>

<pallas_src>
import jax
import jax.numpy as jnp
from jax import lax
from jax.experimental import pallas as pl
from jax.experimental.pallas import tpu as pltpu
from jax.experimental.pallas import tpu_sc as plsc

_B = 32
_N = 16384
_L = 16
_RB = 8
_C = 2048
_NSH = _N // _C

_NEG_INF = float("-inf")


def _combine(a, b):
    take = (b[0] > a[0]) | ((b[0] == a[0]) & (b[1] < a[1]))
    return tuple(jnp.where(take, y, x) for x, y in zip(a, b))


def _butterfly(acc, lanes):
    for sh in (8, 4, 2, 1):
        perm = lanes ^ sh
        other = tuple(v.at[perm].get(mode="promise_in_bounds") for v in acc)
        acc = _combine(acc, other)
    return acc


def _fps_body(xyz_hbm, out_hbm, x_v, y_v, z_v,
              pub_v, comb_v, stage_v, cent_v, stage_o,
              sem_x, sem_y, sem_z):
    c = lax.axis_index("c")
    s = lax.axis_index("s")
    slab = s // _NSH
    shard = s % _NSH
    row0 = c * 16 + slab * _RB
    col0 = shard * _C

    lanes = lax.iota(jnp.int32, _L)

    cp_y = pltpu.async_copy(
        xyz_hbm.at[0, 1, pl.ds(row0, _RB), pl.ds(col0, _C)], y_v, sem_y)
    cp_x = pltpu.async_copy(
        xyz_hbm.at[0, 0, pl.ds(row0, _RB), pl.ds(col0, _C)], x_v, sem_x)
    cp_z = pltpu.async_copy(
        xyz_hbm.at[0, 2, pl.ds(row0, _RB), pl.ds(col0, _C)], z_v, sem_z)

    cp_y.wait()

    init1 = tuple(
        (
            jnp.full((_L,), _NEG_INF, jnp.float32),
            jnp.zeros((_L,), jnp.int32),
        )
        for _ in range(_RB)
    )

    @plsc.parallel_loop(0, _C, step=_L, carry=init1)
    def accs1(i, accs):
        idx = lanes + (col0 + i)
        sl = pl.ds(i, _L)
        out = []
        for k in range(_RB):
            av, ai = accs[k]
            v = y_v[k, sl]
            take = v > av
            out.append((jnp.where(take, v, av), jnp.where(take, idx, ai)))
        return tuple(out)

    cp_x.wait()
    cp_z.wait()
    for k in range(_RB):
        v, i = _butterfly(accs1[k], lanes)
        loc = i & (_C - 1)
        rowk = jnp.full((_L,), k, jnp.int32)
        x = plsc.load_gather(x_v, [rowk, loc])
        z = plsc.load_gather(z_v, [rowk, loc])
        stage_v[pl.ds(k * 64, _L)] = v
        stage_v[pl.ds(k * 64 + 16, _L)] = plsc.bitcast(i, jnp.float32)
        stage_v[pl.ds(k * 64 + 32, _L)] = x
        stage_v[pl.ds(k * 64 + 48, _L)] = z
    pltpu.sync_copy(stage_v, pub_v.at[pl.ds(s * 512, 512)])
    plsc.subcore_barrier()

    pltpu.sync_copy(pub_v.at[pl.ds(slab * _NSH * 512, _NSH * 512)], comb_v)

    @plsc.parallel_loop(0, _RB)
    def _merge1(k):
        def load(r):
            base = r * 512 + k * 64
            return (comb_v[pl.ds(base, _L)],
                    plsc.bitcast(comb_v[pl.ds(base + 16, _L)], jnp.int32),
                    comb_v[pl.ds(base + 32, _L)],
                    comb_v[pl.ds(base + 48, _L)])

        acc = load(0)
        for r in range(1, _NSH):
            acc = _combine(acc, load(r))
        cy, i0, cx, cz = acc
        cent_v[pl.ds(k * 64, _L)] = cy
        cent_v[pl.ds(k * 64 + 16, _L)] = plsc.bitcast(i0, jnp.float32)
        cent_v[pl.ds(k * 64 + 32, _L)] = cx
        cent_v[pl.ds(k * 64 + 48, _L)] = cz

    cents = [
        (cent_v[pl.ds(k * 64, _L)],
         plsc.bitcast(cent_v[pl.ds(k * 64 + 16, _L)], jnp.int32),
         cent_v[pl.ds(k * 64 + 32, _L)],
         cent_v[pl.ds(k * 64 + 48, _L)])
        for k in range(_RB)
    ]

    init2 = tuple(
        (
            jnp.full((_L,), _NEG_INF, jnp.float32),
            jnp.zeros((_L,), jnp.int32),
        )
        for _ in range(_RB)
    )

    @plsc.parallel_loop(0, _C, step=_L, carry=init2)
    def accs2(i, accs):
        idx = lanes + (col0 + i)
        sl = pl.ds(i, _L)
        out = []
        for k in range(_RB):
            cy, _, cx, cz = cents[k]
            av, ai = accs[k]
            dx = x_v[k, sl] - cx
            dy = y_v[k, sl] - cy
            dz = z_v[k, sl] - cz
            d = dx * dx + dy * dy + dz * dz
            d = jnp.minimum(d, jnp.float32(1e10))
            take = d > av
            out.append((jnp.where(take, d, av), jnp.where(take, idx, ai)))
        return tuple(out)

    for k in range(_RB):
        v, i = _butterfly(accs2[k], lanes)
        stage_v[pl.ds(k * 64, _L)] = v
        stage_v[pl.ds(k * 64 + 16, _L)] = plsc.bitcast(i, jnp.float32)
    pltpu.sync_copy(stage_v, pub_v.at[pl.ds(8192 + s * 512, 512)])
    plsc.subcore_barrier()

    @pl.when(shard == 0)
    def _():
        pltpu.sync_copy(
            pub_v.at[pl.ds(8192 + slab * _NSH * 512, _NSH * 512)], comb_v)

        @plsc.parallel_loop(0, _RB)
        def _merge2(k):
            def load(r):
                base = r * 512 + k * 64
                return (comb_v[pl.ds(base, _L)],
                        plsc.bitcast(comb_v[pl.ds(base + 16, _L)], jnp.int32))

            acc = load(0)
            for r in range(1, _NSH):
                acc = _combine(acc, load(r))
            _, i1 = acc
            i0 = plsc.bitcast(cent_v[pl.ds(k * 64 + 16, _L)], jnp.int32)
            pair = jnp.where(lanes == 0, i0, i1)
            stage_v[pl.ds(k * 64, _L)] = plsc.bitcast(pair, jnp.float32)

        for k in range(_RB):
            stage_o[...] = plsc.bitcast(stage_v[pl.ds(k * 64, _L)], jnp.int32)
            pltpu.sync_copy(stage_o, out_hbm.at[row0 + k])


@jax.jit
def kernel(xyz):
    pts = jnp.transpose(xyz, (0, 2, 1, 3))
    mesh = plsc.VectorSubcoreMesh(core_axis_name="c", subcore_axis_name="s")
    fps = pl.kernel(
        _fps_body,
        out_type=jax.ShapeDtypeStruct((_B, _L), jnp.int32),
        mesh=mesh,
        compiler_params=pltpu.CompilerParams(
            use_tc_tiling_on_sc=True, needs_layout_passes=False
        ),
        scratch_types=(
            [pltpu.VMEM((_RB, _C), jnp.float32) for _ in range(3)]
            + [
                pltpu.VMEM_SHARED((2 * 16 * 512,), jnp.float32),
                pltpu.VMEM((_NSH * 512,), jnp.float32),
                pltpu.VMEM((512,), jnp.float32),
                pltpu.VMEM((512,), jnp.float32),
                pltpu.VMEM((_L,), jnp.int32),
            ]
            + [pltpu.SemaphoreType.DMA for _ in range(3)]
        ),
    )
    out = fps(pts)
    return out[:, :2]

# --- scband reference (transcript-rebuilt; emitter-appended) ---
"""Pipeline reference for scband-net-63986422776223 (READ-ONLY COPY).

The authoritative reference and input builder live on the scoring server;
editing this copy changes nothing except your own understanding.
"""

import jax, jax.numpy as jnp
import numpy as np


def farthest_point_sample(xyz, npoint):
    B, N, C = xyz.shape
    distance = jnp.full((B, N), 10000000000.0, dtype=xyz.dtype)
    farthest = jnp.argmax(xyz[:, :, 1], axis=1)
    batch_indices = jnp.arange(B)
    centroids = []
    for i in range(int(npoint)):
        centroids.append(farthest)
        centroid = xyz[batch_indices, farthest, :].reshape(B, 1, 3)
        dist = jnp.sum((xyz - centroid) ** 2, -1)
        distance = jnp.where(dist < distance, dist, distance)
        farthest = jnp.argmax(distance, axis=-1)
    return jnp.stack(centroids, axis=1)


def setup_inputs(seed: int = 0) -> dict:
    key = jax.random.key(seed)
    xyz = jax.random.normal(key, (1, 32, 3, 16384), dtype=jnp.float32)
    return {"xyz": xyz}


def reference(xyz):
    npoint = 2
    x = jnp.transpose(xyz, (0, 1, 3, 2))
    x = jnp.squeeze(x, axis=0)
    select = farthest_point_sample(x, npoint)
    return select

if __name__ == "__main__":
    import jax
    _d = setup_inputs()
    print(jax.jit(kernel)(*tuple(_d.values())))

</pallas_src>

<mosaic_0001>
#map = affine_map<(d0, d1) -> (0, 0, 0, 0)>
#map1 = affine_map<(d0, d1) -> (0, 0)>
module attributes {stable_mosaic.version = 14 : i64} {
  func.func @_fps_body(%arg0: i32, %arg1: i32, %arg2: memref<1x3x32x16384xf32, #tpu.memory_space<hbm>>, %arg3: memref<32x16xi32, #tpu.memory_space<hbm>>, %arg4: memref<8x2048xf32, #tpu.memory_space<vmem>>, %arg5: memref<8x2048xf32, #tpu.memory_space<vmem>>, %arg6: memref<8x2048xf32, #tpu.memory_space<vmem>>, %arg7: memref<16384xf32, #tpu.memory_space<vmem_shared>>, %arg8: memref<4096xf32, #tpu.memory_space<vmem>>, %arg9: memref<512xf32, #tpu.memory_space<vmem>>, %arg10: memref<512xf32, #tpu.memory_space<vmem>>, %arg11: memref<16xi32, #tpu.memory_space<vmem>>, %arg12: memref<!tpu.dma_semaphore, #tpu.memory_space<semaphore_mem>>, %arg13: memref<!tpu.dma_semaphore, #tpu.memory_space<semaphore_mem>>, %arg14: memref<!tpu.dma_semaphore, #tpu.memory_space<semaphore_mem>>) attributes {dimension_semantics = [#tpu.dimension_semantics<core_parallel>, #tpu.dimension_semantics<subcore_parallel>], iteration_bounds = array<i64: 2, 16>, scalar_prefetch = 0 : i64, scratch_operands = 11 : i64, tpu.core_type = #tpu.core_type<sc_vector_subcore>, window_params = [{transform_indices = #map}, {transform_indices = #map1}]} {
    %jit3A = arith.constant 8 : i32
    %div3A = arith.divsi %arg1, %jit3A : i32
    %sign3A = arith.constant 0 : i32
    %sign3A_0 = arith.cmpi sgt, %arg1, %sign3A : i32
    %sign3A_1 = arith.extui %sign3A_0 : i1 to i32
    %sign3A_2 = arith.constant 0 : i32
    %sign3A_3 = arith.cmpi slt, %arg1, %sign3A_2 : i32
    %sign3A_4 = arith.extui %sign3A_3 : i1 to i32
    %sign3A_5 = arith.subi %sign3A_1, %sign3A_4 : i32
    %sign3A_6 = arith.constant 0 : i32
    %sign3A_7 = arith.cmpi sgt, %jit3A, %sign3A_6 : i32
    %sign3A_8 = arith.extui %sign3A_7 : i1 to i32
    %sign3A_9 = arith.constant 0 : i32
    %sign3A_10 = arith.cmpi slt, %jit3A, %sign3A_9 : i32
    %sign3A_11 = arith.extui %sign3A_10 : i1 to i32
    %sign3A_12 = arith.subi %sign3A_8, %sign3A_11 : i32
    %ne3A = arith.cmpi ne, %sign3A_5, %sign3A_12 : i32
    %rem3A = arith.remsi %arg1, %jit3A : i32
    %ne3A_13 = arith.constant 0 : i32
    %ne3A_14 = arith.cmpi ne, %rem3A, %ne3A_13 : i32
    %and3A = arith.andi %ne3A, %ne3A_14 : i1
    %sub3A = arith.constant 1 : i32
    %sub3A_15 = arith.subi %div3A, %sub3A : i32
    %select_n3A = arith.select %and3A, %sub3A_15, %div3A : i32
    %jit3A_16 = arith.constant 8 : i32
    %eq3A = arith.constant 0 : i32
    %eq3A_17 = arith.cmpi eq, %jit3A_16, %eq3A : i32
    %jit3A_18 = arith.constant 1 : i32
    %select_n3A_19 = arith.select %eq3A_17, %jit3A_18, %jit3A_16 : i32
    %rem3A_20 = arith.remsi %arg1, %select_n3A_19 : i32
    %ne3A_21 = arith.constant 0 : i32
    %ne3A_22 = arith.cmpi ne, %rem3A_20, %ne3A_21 : i32
    %lt3A = arith.constant 0 : i32
    %lt3A_23 = arith.cmpi slt, %rem3A_20, %lt3A : i32
    %lt3A_24 = arith.constant 0 : i32
    %lt3A_25 = arith.cmpi slt, %select_n3A_19, %lt3A_24 : i32
    %ne3A_26 = arith.xori %lt3A_23, %lt3A_25 : i1
    %and3A_27 = arith.andi %ne3A_26, %ne3A_22 : i1
    %add3A = arith.addi %rem3A_20, %select_n3A_19 : i32
    %select_n3A_28 = arith.select %and3A_27, %add3A, %rem3A_20 : i32
    %mul3A = arith.constant 16 : i32
    %mul3A_29 = arith.muli %arg0, %mul3A : i32
    %mul3A_30 = arith.constant 8 : i32
    %mul3A_31 = arith.muli %select_n3A, %mul3A_30 : i32
    %add3A_32 = arith.addi %mul3A_29, %mul3A_31 : i32
    %mul3A_33 = arith.constant 2048 : i32
    %mul3A_34 = arith.muli %select_n3A_28, %mul3A_33 : i32
    %iota3A = tpu.iota {dimensions = array<i32: 0>} : vector<16xi32>
    %dma_start3A = arith.constant 0 : i32
    %dma_start3A_35 = arith.constant 1 : i32
    %dma_start3A_36 = tpu.memref_slice %arg2[%dma_start3A, %dma_start3A_35, %add3A_32, %mul3A_34] : memref<1x3x32x16384xf32, #tpu.memory_space<hbm>> -> memref<1x1x8x2048xf32, #tpu.memory_space<hbm>>
    %dma_start3A_37 = tpu.memref_squeeze %dma_start3A_36 : memref<1x1x8x2048xf32, #tpu.memory_space<hbm>> -> memref<8x2048xf32, #tpu.memory_space<hbm>>
    %dma_start3A_38 = tpu.memref_slice %arg2[%dma_start3A, %dma_start3A_35, %add3A_32, %mul3A_34] : memref<1x3x32x16384xf32, #tpu.memory_space<hbm>> -> memref<1x1x8x2048xf32, #tpu.memory_space<hbm>>
    %dma_start3A_39 = tpu.memref_squeeze %dma_start3A_38 : memref<1x1x8x2048xf32, #tpu.memory_space<hbm>> -> memref<8x2048xf32, #tpu.memory_space<hbm>>
    tpu.enqueue_dma source(%dma_start3A_39 : memref<8x2048xf32, #tpu.memory_space<hbm>>) target(%arg5 : memref<8x2048xf32, #tpu.memory_space<vmem>>) target_semaphore(%arg13 : memref<!tpu.dma_semaphore, #tpu.memory_space<semaphore_mem>>)
    %dma_start3A_40 = arith.constant 0 : i32
    %dma_start3A_41 = arith.constant 0 : i32
    %dma_start3A_42 = tpu.memref_slice %arg2[%dma_start3A_40, %dma_start3A_41, %add3A_32, %mul3A_34] : memref<1x3x32x16384xf32, #tpu.memory_space<hbm>> -> memref<1x1x8x2048xf32, #tpu.memory_space<hbm>>
    %dma_start3A_43 = tpu.memref_squeeze %dma_start3A_42 : memref<1x1x8x2048xf32, #tpu.memory_space<hbm>> -> memref<8x2048xf32, #tpu.memory_space<hbm>>
    %dma_start3A_44 = tpu.memref_slice %arg2[%dma_start3A_40, %dma_start3A_41, %add3A_32, %mul3A_34] : memref<1x3x32x16384xf32, #tpu.memory_space<hbm>> -> memref<1x1x8x2048xf32, #tpu.memory_space<hbm>>
    %dma_start3A_45 = tpu.memref_squeeze %dma_start3A_44 : memref<1x1x8x2048xf32, #tpu.memory_space<hbm>> -> memref<8x2048xf32, #tpu.memory_space<hbm>>
    tpu.enqueue_dma source(%dma_start3A_45 : memref<8x2048xf32, #tpu.memory_space<hbm>>) target(%arg4 : memref<8x2048xf32, #tpu.memory_space<vmem>>) target_semaphore(%arg12 : memref<!tpu.dma_semaphore, #tpu.memory_space<semaphore_mem>>)
    %dma_start3A_46 = arith.constant 0 : i32
    %dma_start3A_47 = arith.constant 2 : i32
    %dma_start3A_48 = tpu.memref_slice %arg2[%dma_start3A_46, %dma_start3A_47, %add3A_32, %mul3A_34] : memref<1x3x32x16384xf32, #tpu.memory_space<hbm>> -> memref<1x1x8x2048xf32, #tpu.memory_space<hbm>>
    %dma_start3A_49 = tpu.memref_squeeze %dma_start3A_48 : memref<1x1x8x2048xf32, #tpu.memory_space<hbm>> -> memref<8x2048xf32, #tpu.memory_space<hbm>>
    %dma_start3A_50 = tpu.memref_slice %arg2[%dma_start3A_46, %dma_start3A_47, %add3A_32, %mul3A_34] : memref<1x3x32x16384xf32, #tpu.memory_space<hbm>> -> memref<1x1x8x2048xf32, #tpu.memory_space<hbm>>
    %dma_start3A_51 = tpu.memref_squeeze %dma_start3A_50 : memref<1x1x8x2048xf32, #tpu.memory_space<hbm>> -> memref<8x2048xf32, #tpu.memory_space<hbm>>
    tpu.enqueue_dma source(%dma_start3A_51 : memref<8x2048xf32, #tpu.memory_space<hbm>>) target(%arg6 : memref<8x2048xf32, #tpu.memory_space<vmem>>) target_semaphore(%arg14 : memref<!tpu.dma_semaphore, #tpu.memory_space<semaphore_mem>>)
    %dma_wait3A = arith.constant 0 : i32
    %dma_wait3A_52 = arith.constant 1 : i32
    %dma_wait3A_53 = tpu.memref_slice %arg2[%dma_wait3A, %dma_wait3A_52, %add3A_32, %mul3A_34] : memref<1x3x32x16384xf32, #tpu.memory_space<hbm>> -> memref<1x1x8x2048xf32, #tpu.memory_space<hbm>>
    %dma_wait3A_54 = tpu.memref_squeeze %dma_wait3A_53 : memref<1x1x8x2048xf32, #tpu.memory_space<hbm>> -> memref<8x2048xf32, #tpu.memory_space<hbm>>
    %dma_wait3A_55 = tpu.memref_slice %arg2[%dma_wait3A, %dma_wait3A_52, %add3A_32, %mul3A_34] : memref<1x3x32x16384xf32, #tpu.memory_space<hbm>> -> memref<1x1x8x2048xf32, #tpu.memory_space<hbm>>
    %dma_wait3A_56 = tpu.memref_squeeze %dma_wait3A_55 : memref<1x1x8x2048xf32, #tpu.memory_space<hbm>> -> memref<8x2048xf32, #tpu.memory_space<hbm>>
    tpu.wait_dma2 semaphore(%arg13 : memref<!tpu.dma_semaphore, #tpu.memory_space<semaphore_mem>>) src(%dma_wait3A_56 : memref<8x2048xf32, #tpu.memory_space<hbm>>) dst(%arg5 : memref<8x2048xf32, #tpu.memory_space<vmem>>)
    %broadcast_in_dim3A = arith.constant 0xFF800000 : f32
    %broadcast_in_dim3A_57 = vector.broadcast %broadcast_in_dim3A : f32 to vector<16xf32>
    %broadcast_in_dim3A_58 = arith.constant 0 : i32
    %broadcast_in_dim3A_59 = vector.broadcast %broadcast_in_dim3A_58 : i32 to vector<16xi32>
    %broadcast_in_dim3A_60 = arith.constant 0xFF800000 : f32
    %broadcast_in_dim3A_61 = vector.broadcast %broadcast_in_dim3A_60 : f32 to vector<16xf32>
    %broadcast_in_dim3A_62 = arith.constant 0 : i32
    %broadcast_in_dim3A_63 = vector.broadcast %broadcast_in_dim3A_62 : i32 to vector<16xi32>
    %broadcast_in_dim3A_64 = arith.constant 0xFF800000 : f32
    %broadcast_in_dim3A_65 = vector.broadcast %broadcast_in_dim3A_64 : f32 to vector<16xf32>
    %broadcast_in_dim3A_66 = arith.constant 0 : i32
    %broadcast_in_dim3A_67 = vector.broadcast %broadcast_in_dim3A_66 : i32 to vector<16xi32>
    %broadcast_in_dim3A_68 = arith.constant 0xFF800000 : f32
    %broadcast_in_dim3A_69 = vector.broadcast %broadcast_in_dim3A_68 : f32 to vector<16xf32>
    %broadcast_in_dim3A_70 = arith.constant 0 : i32
    %broadcast_in_dim3A_71 = vector.broadcast %broadcast_in_dim3A_70 : i32 to vector<16xi32>
    %broadcast_in_dim3A_72 = arith.constant 0xFF800000 : f32
    %broadcast_in_dim3A_73 = vector.broadcast %broadcast_in_dim3A_72 : f32 to vector<16xf32>
    %broadcast_in_dim3A_74 = arith.constant 0 : i32
    %broadcast_in_dim3A_75 = vector.broadcast %broadcast_in_dim3A_74 : i32 to vector<16xi32>
    %broadcast_in_dim3A_76 = arith.constant 0xFF800000 : f32
    %broadcast_in_dim3A_77 = vector.broadcast %broadcast_in_dim3A_76 : f32 to vector<16xf32>
    %broadcast_in_dim3A_78 = arith.constant 0 : i32
    %broadcast_in_dim3A_79 = vector.broadcast %broadcast_in_dim3A_78 : i32 to vector<16xi32>
    %broadcast_in_dim3A_80 = arith.constant 0xFF800000 : f32
    %broadcast_in_dim3A_81 = vector.broadcast %broadcast_in_dim3A_80 : f32 to vector<16xf32>
    %broadcast_in_dim3A_82 = arith.constant 0 : i32
    %broadcast_in_dim3A_83 = vector.broadcast %broadcast_in_dim3A_82 : i32 to vector<16xi32>
    %broadcast_in_dim3A_84 = arith.constant 0xFF800000 : f32
    %broadcast_in_dim3A_85 = vector.broadcast %broadcast_in_dim3A_84 : f32 to vector<16xf32>
    %broadcast_in_dim3A_86 = arith.constant 0 : i32
    %broadcast_in_dim3A_87 = vector.broadcast %broadcast_in_dim3A_86 : i32 to vector<16xi32>
    %parallel_loop3A = arith.constant 0 : i32
    %parallel_loop3A_88 = arith.constant 2048 : i32
    %parallel_loop3A_89 = arith.constant 16 : i32
    %parallel_loop3A_90:16 = scf.for %parallel_loop3A_2309 = %parallel_loop3A to %parallel_loop3A_88 step %parallel_loop3A_89 iter_args(%parallel_loop3A_2310 = %broadcast_in_dim3A_57, %parallel_loop3A_2311 = %broadcast_in_dim3A_59, %parallel_loop3A_2312 = %broadcast_in_dim3A_61, %parallel_loop3A_2313 = %broadcast_in_dim3A_63, %parallel_loop3A_2314 = %broadcast_in_dim3A_65, %parallel_loop3A_2315 = %broadcast_in_dim3A_67, %parallel_loop3A_2316 = %broadcast_in_dim3A_69, %parallel_loop3A_2317 = %broadcast_in_dim3A_71, %parallel_loop3A_2318 = %broadcast_in_dim3A_73, %parallel_loop3A_2319 = %broadcast_in_dim3A_75, %parallel_loop3A_2320 = %broadcast_in_dim3A_77, %parallel_loop3A_2321 = %broadcast_in_dim3A_79, %parallel_loop3A_2322 = %broadcast_in_dim3A_81, %parallel_loop3A_2323 = %broadcast_in_dim3A_83, %parallel_loop3A_2324 = %broadcast_in_dim3A_85, %parallel_loop3A_2325 = %broadcast_in_dim3A_87) -> (vector<16xf32>, vector<16xi32>, vector<16xf32>, vector<16xi32>, vector<16xf32>, vector<16xi32>, vector<16xf32>, vector<16xi32>, vector<16xf32>, vector<16xi32>, vector<16xf32>, vector<16xi32>, vector<16xf32>, vector<16xi32>, vector<16xf32>, vector<16xi32>)  : i32 {
      %parallel_loop3A_2326 = arith.addi %mul3A_34, %parallel_loop3A_2309 : i32
      %parallel_loop3A_2327 = vector.broadcast %parallel_loop3A_2326 : i32 to vector<16xi32>
      %parallel_loop3A_2328 = arith.addi %iota3A, %parallel_loop3A_2327 : vector<16xi32>
      %parallel_loop3A_2329 = arith.constant 0 : i32
      %parallel_loop3A_2330 = arith.index_cast %parallel_loop3A_2329 : i32 to index
      %parallel_loop3A_2331 = arith.index_cast %parallel_loop3A_2309 : i32 to index
      %parallel_loop3A_2332 = tpu.vector_load %arg5[%parallel_loop3A_2330, %parallel_loop3A_2331] {strides = array<i32>} : memref<8x2048xf32, #tpu.memory_space<vmem>>, vector<16xf32>,
      %parallel_loop3A_2333 = arith.cmpf ogt, %parallel_loop3A_2332, %parallel_loop3A_2310 : vector<16xf32>
      %parallel_loop3A_2334 = arith.select %parallel_loop3A_2333, %parallel_loop3A_2332, %parallel_loop3A_2310 : vector<16xi1>, vector<16xf32>
      %parallel_loop3A_2335 = arith.select %parallel_loop3A_2333, %parallel_loop3A_2328, %parallel_loop3A_2311 : vector<16xi1>, vector<16xi32>
      %parallel_loop3A_2336 = arith.constant 1 : i32
      %parallel_loop3A_2337 = arith.index_cast %parallel_loop3A_2336 : i32 to index
      %parallel_loop3A_2338 = arith.index_cast %parallel_loop3A_2309 : i32 to index
      %parallel_loop3A_2339 = tpu.vector_load %arg5[%parallel_loop3A_2337, %parallel_loop3A_2338] {strides = array<i32>} : memref<8x2048xf32, #tpu.memory_space<vmem>>, vector<16xf32>,
      %parallel_loop3A_2340 = arith.cmpf ogt, %parallel_loop3A_2339, %parallel_loop3A_2312 : vector<16xf32>
      %parallel_loop3A_2341 = arith.select %parallel_loop3A_2340, %parallel_loop3A_2339, %parallel_loop3A_2312 : vector<16xi1>, vector<16xf32>
      %parallel_loop3A_2342 = arith.select %parallel_loop3A_2340, %parallel_loop3A_2328, %parallel_loop3A_2313 : vector<16xi1>, vector<16xi32>
      %parallel_loop3A_2343 = arith.constant 2 : i32
      %parallel_loop3A_2344 = arith.index_cast %parallel_loop3A_2343 : i32 to index
      %parallel_loop3A_2345 = arith.index_cast %parallel_loop3A_2309 : i32 to index
      %parallel_loop3A_2346 = tpu.vector_load %arg5[%parallel_loop3A_2344, %parallel_loop3A_2345] {strides = array<i32>} : memref<8x2048xf32, #tpu.memory_space<vmem>>, vector<16xf32>,
      %parallel_loop3A_2347 = arith.cmpf ogt, %parallel_loop3A_2346, %parallel_loop3A_2314 : vector<16xf32>
      %parallel_loop3A_2348 = arith.select %parallel_loop3A_2347, %parallel_loop3A_2346, %parallel_loop3A_2314 : vector<16xi1>, vector<16xf32>
      %parallel_loop3A_2349 = arith.select %parallel_loop3A_2347, %parallel_loop3A_2328, %parallel_loop3A_2315 : vector<16xi1>, vector<16xi32>
      %parallel_loop3A_2350 = arith.constant 3 : i32
      %parallel_loop3A_2351 = arith.index_cast %parallel_loop3A_2350 : i32 to index
      %parallel_loop3A_2352 = arith.index_cast %parallel_loop3A_2309 : i32 to index
      %parallel_loop3A_2353 = tpu.vector_load %arg5[%parallel_loop3A_2351, %parallel_loop3A_2352] {strides = array<i32>} : memref<8x2048xf32, #tpu.memory_space<vmem>>, vector<16xf32>,
      %parallel_loop3A_2354 = arith.cmpf ogt, %parallel_loop3A_2353, %parallel_loop3A_2316 : vector<16xf32>
      %parallel_loop3A_2355 = arith.select %parallel_loop3A_2354, %parallel_loop3A_2353, %parallel_loop3A_2316 : vector<16xi1>, vector<16xf32>
      %parallel_loop3A_2356 = arith.select %parallel_loop3A_2354, %parallel_loop3A_2328, %parallel_loop3A_2317 : vector<16xi1>, vector<16xi32>
      %parallel_loop3A_2357 = arith.constant 4 : i32
      %parallel_loop3A_2358 = arith.index_cast %parallel_loop3A_2357 : i32 to index
      %parallel_loop3A_2359 = arith.index_cast %parallel_loop3A_2309 : i32 to index
      %parallel_loop3A_2360 = tpu.vector_load %arg5[%parallel_loop3A_2358, %parallel_loop3A_2359] {strides = array<i32>} : memref<8x2048xf32, #tpu.memory_space<vmem>>, vector<16xf32>,
      %parallel_loop3A_2361 = arith.cmpf ogt, %parallel_loop3A_2360, %parallel_loop3A_2318 : vector<16xf32>
      %parallel_loop3A_2362 = arith.select %parallel_loop3A_2361, %parallel_loop3A_2360, %parallel_loop3A_2318 : vector<16xi1>, vector<16xf32>
      %parallel_loop3A_2363 = arith.select %parallel_loop3A_2361, %parallel_loop3A_2328, %parallel_loop3A_2319 : vector<16xi1>, vector<16xi32>
      %parallel_loop3A_2364 = arith.constant 5 : i32
      %parallel_loop3A_2365 = arith.index_cast %parallel_loop3A_2364 : i32 to index
      %parallel_loop3A_2366 = arith.index_cast %parallel_loop3A_2309 : i32 to index
      %parallel_loop3A_2367 = tpu.vector_load %arg5[%parallel_loop3A_2365, %parallel_loop3A_2366] {strides = array<i32>} : memref<8x2048xf32, #tpu.memory_space<vmem>>, vector<16xf32>,
      %parallel_loop3A_2368 = arith.cmpf ogt, %parallel_loop3A_2367, %parallel_loop3A_2320 : vector<16xf32>
      %parallel_loop3A_2369 = arith.select %parallel_loop3A_2368, %parallel_loop3A_2367, %parallel_loop3A_2320 : vector<16xi1>, vector<16xf32>
      %parallel_loop3A_2370 = arith.select %parallel_loop3A_2368, %parallel_loop3A_2328, %parallel_loop3A_2321 : vector<16xi1>, vector<16xi32>
      %parallel_loop3A_2371 = arith.constant 6 : i32
      %parallel_loop3A_2372 = arith.index_cast %parallel_loop3A_2371 : i32 to index
      %parallel_loop3A_2373 = arith.index_cast %parallel_loop3A_2309 : i32 to index
      %parallel_loop3A_2374 = tpu.vector_load %arg5[%parallel_loop3A_2372, %parallel_loop3A_2373] {strides = array<i32>} : memref<8x2048xf32, #tpu.memory_space<vmem>>, vector<16xf32>,
      %parallel_loop3A_2375 = arith.cmpf ogt, %parallel_loop3A_2374, %parallel_loop3A_2322 : vector<16xf32>
      %parallel_loop3A_2376 = arith.select %parallel_loop3A_2375, %parallel_loop3A_2374, %parallel_loop3A_2322 : vector<16xi1>, vector<16xf32>
      %parallel_loop3A_2377 = arith.select %parallel_loop3A_2375, %parallel_loop3A_2328, %parallel_loop3A_2323 : vector<16xi1>, vector<16xi32>
      %parallel_loop3A_2378 = arith.constant 7 : i32
      %parallel_loop3A_2379 = arith.index_cast %parallel_loop3A_2378 : i32 to index
      %parallel_loop3A_2380 = arith.index_cast %parallel_loop3A_2309 : i32 to index
      %parallel_loop3A_2381 = tpu.vector_load %arg5[%parallel_loop3A_2379, %parallel_loop3A_2380] {strides = array<i32>} : memref<8x2048xf32, #tpu.memory_space<vmem>>, vector<16xf32>,
      %parallel_loop3A_2382 = arith.cmpf ogt, %parallel_loop3A_2381, %parallel_loop3A_2324 : vector<16xf32>
      %parallel_loop3A_2383 = arith.select %parallel_loop3A_2382, %parallel_loop3A_2381, %parallel_loop3A_2324 : vector<16xi1>, vector<16xf32>
      %parallel_loop3A_2384 = arith.select %parallel_loop3A_2382, %parallel_loop3A_2328, %parallel_loop3A_2325 : vector<16xi1>, vector<16xi32>
      scf.yield %parallel_loop3A_2334, %parallel_loop3A_2335, %parallel_loop3A_2341, %parallel_loop3A_2342, %parallel_loop3A_2348, %parallel_loop3A_2349, %parallel_loop3A_2355, %parallel_loop3A_2356, %parallel_loop3A_2362, %parallel_loop3A_2363, %parallel_loop3A_2369, %parallel_loop3A_2370, %parallel_loop3A_2376, %parallel_loop3A_2377, %parallel_loop3A_2383, %parallel_loop3A_2384 : vector<16xf32>, vector<16xi32>, vector<16xf32>, vector<16xi32>, vector<16xf32>, vector<16xi32>, vector<16xf32>, vector<16xi32>, vector<16xf32>, vector<16xi32>, vector<16xf32>, vector<16xi32>, vector<16xf32>, vector<16xi32>, vector<16xf32>, vector<16xi32>
    } {sc.loop_unroll_factor = 1 : i64, sc.parallel_access}
    %dma_wait3A_91 = arith.constant 0 : i32
    %dma_wait3A_92 = arith.constant 0 : i32
    %dma_wait3A_93 = tpu.memref_slice %arg2[%dma_wait3A_91, %dma_wait3A_92, %add3A_32, %mul3A_34] : memref<1x3x32x16384xf32, #tpu.memory_space<hbm>> -> memref<1x1x8x2048xf32, #tpu.memory_space<hbm>>
    %dma_wait3A_94 = tpu.memref_squeeze %dma_wait3A_93 : memref<1x1x8x2048xf32, #tpu.memory_space<hbm>> -> memref<8x2048xf32, #tpu.memory_space<hbm>>
    %dma_wait3A_95 = tpu.memref_slice %arg2[%dma_wait3A_91, %dma_wait3A_92, %add3A_32, %mul3A_34] : memref<1x3x32x16384xf32, #tpu.memory_space<hbm>> -> memref<1x1x8x2048xf32, #tpu.memory_space<hbm>>
    %dma_wait3A_96 = tpu.memref_squeeze %dma_wait3A_95 : memref<1x1x8x2048xf32, #tpu.memory_space<hbm>> -> memref<8x2048xf32, #tpu.memory_space<hbm>>
    tpu.wait_dma2 semaphore(%arg12 : memref<!tpu.dma_semaphore, #tpu.memory_space<semaphore_mem>>) src(%dma_wait3A_96 : memref<8x2048xf32, #tpu.memory_space<hbm>>) dst(%arg4 : memref<8x2048xf32, #tpu.memory_space<vmem>>)
    %dma_wait3A_97 = arith.constant 0 : i32
    %dma_wait3A_98 = arith.constant 2 : i32
    %dma_wait3A_99 = tpu.memref_slice %arg2[%dma_wait3A_97, %dma_wait3A_98, %add3A_32, %mul3A_34] : memref<1x3x32x16384xf32, #tpu.memory_space<hbm>> -> memref<1x1x8x2048xf32, #tpu.memory_space<hbm>>
    %dma_wait3A_100 = tpu.memref_squeeze %dma_wait3A_99 : memref<1x1x8x2048xf32, #tpu.memory_space<hbm>> -> memref<8x2048xf32, #tpu.memory_space<hbm>>
    %dma_wait3A_101 = tpu.memref_slice %arg2[%dma_wait3A_97, %dma_wait3A_98, %add3A_32, %mul3A_34] : memref<1x3x32x16384xf32, #tpu.memory_space<hbm>> -> memref<1x1x8x2048xf32, #tpu.memory_space<hbm>>
    %dma_wait3A_102 = tpu.memref_squeeze %dma_wait3A_101 : memref<1x1x8x2048xf32, #tpu.memory_space<hbm>> -> memref<8x2048xf32, #tpu.memory_space<hbm>>
    tpu.wait_dma2 semaphore(%arg14 : memref<!tpu.dma_semaphore, #tpu.memory_space<semaphore_mem>>) src(%dma_wait3A_102 : memref<8x2048xf32, #tpu.memory_space<hbm>>) dst(%arg6 : memref<8x2048xf32, #tpu.memory_space<vmem>>)
    %xor3A = arith.constant 8 : i32
    %xor3A_103 = vector.broadcast %xor3A : i32 to vector<16xi32>
    %xor3A_104 = arith.xori %iota3A, %xor3A_103 : vector<16xi32>
    %lt3A_105 = arith.constant 0 : i32
    %lt3A_106 = vector.broadcast %lt3A_105 : i32 to vector<16xi32>
    %lt3A_107 = arith.cmpi slt, %xor3A_104, %lt3A_106 : vector<16xi32>
    %add3A_108 = arith.constant 16 : i32
    %add3A_109 = vector.broadcast %add3A_108 : i32 to vector<16xi32>
    %add3A_110 = arith.addi %xor3A_104, %add3A_109 : vector<16xi32>
    %select_n3A_111 = arith.select %lt3A_107, %add3A_110, %xor3A_104 : vector<16xi1>, vector<16xi32>
    %broadcast_in_dim3A_112 = vector.shape_cast %select_n3A_111 : vector<16xi32> to vector<16x1xi32>
    %gather3A = vector.shape_cast %broadcast_in_dim3A_112 : vector<16x1xi32> to vector<16xi32>
    %gather3A_113 = tpu.dynamic_gather %parallel_loop3A_90#0[%gather3A] in [0] : vector<16xf32>, vector<16xi32> -> vector<16xf32>
    %lt3A_114 = arith.constant 0 : i32
    %lt3A_115 = vector.broadcast %lt3A_114 : i32 to vector<16xi32>
    %lt3A_116 = arith.cmpi slt, %xor3A_104, %lt3A_115 : vector<16xi32>
    %add3A_117 = arith.constant 16 : i32
    %add3A_118 = vector.broadcast %add3A_117 : i32 to vector<16xi32>
    %add3A_119 = arith.addi %xor3A_104, %add3A_118 : vector<16xi32>
    %select_n3A_120 = arith.select %lt3A_116, %add3A_119, %xor3A_104 : vector<16xi1>, vector<16xi32>
    %broadcast_in_dim3A_121 = vector.shape_cast %select_n3A_120 : vector<16xi32> to vector<16x1xi32>
    %gather3A_122 = vector.shape_cast %broadcast_in_dim3A_121 : vector<16x1xi32> to vector<16xi32>
    %gather3A_123 = tpu.dynamic_gather %parallel_loop3A_90#1[%gather3A_122] in [0] : vector<16xi32>, vector<16xi32> -> vector<16xi32>
    %gt3A = arith.cmpf ogt, %gather3A_113, %parallel_loop3A_90#0 : vector<16xf32>
    %eq3A_124 = arith.cmpf oeq, %gather3A_113, %parallel_loop3A_90#0 : vector<16xf32>
    %lt3A_125 = arith.cmpi slt, %gather3A_123, %parallel_loop3A_90#1 : vector<16xi32>
    %and3A_126 = arith.andi %eq3A_124, %lt3A_125 : vector<16xi1>
    %or3A = arith.ori %gt3A, %and3A_126 : vector<16xi1>
    %select_n3A_127 = arith.select %or3A, %gather3A_113, %parallel_loop3A_90#0 : vector<16xi1>, vector<16xf32>
    %select_n3A_128 = arith.select %or3A, %gather3A_123, %parallel_loop3A_90#1 : vector<16xi1>, vector<16xi32>
    %xor3A_129 = arith.constant 4 : i32
    %xor3A_130 = vector.broadcast %xor3A_129 : i32 to vector<16xi32>
    %xor3A_131 = arith.xori %iota3A, %xor3A_130 : vector<16xi32>
    %lt3A_132 = arith.constant 0 : i32
    %lt3A_133 = vector.broadcast %lt3A_132 : i32 to vector<16xi32>
    %lt3A_134 = arith.cmpi slt, %xor3A_131, %lt3A_133 : vector<16xi32>
    %add3A_135 = arith.constant 16 : i32
    %add3A_136 = vector.broadcast %add3A_135 : i32 to vector<16xi32>
    %add3A_137 = arith.addi %xor3A_131, %add3A_136 : vector<16xi32>
    %select_n3A_138 = arith.select %lt3A_134, %add3A_137, %xor3A_131 : vector<16xi1>, vector<16xi32>
    %broadcast_in_dim3A_139 = vector.shape_cast %select_n3A_138 : vector<16xi32> to vector<16x1xi32>
    %gather3A_140 = vector.shape_cast %broadcast_in_dim3A_139 : vector<16x1xi32> to vector<16xi32>
    %gather3A_141 = tpu.dynamic_gather %select_n3A_127[%gather3A_140] in [0] : vector<16xf32>, vector<16xi32> -> vector<16xf32>
    %lt3A_142 = arith.constant 0 : i32
    %lt3A_143 = vector.broadcast %lt3A_142 : i32 to vector<16xi32>
    %lt3A_144 = arith.cmpi slt, %xor3A_131, %lt3A_143 : vector<16xi32>
    %add3A_145 = arith.constant 16 : i32
    %add3A_146 = vector.broadcast %add3A_145 : i32 to vector<16xi32>
    %add3A_147 = arith.addi %xor3A_131, %add3A_146 : vector<16xi32>
    %select_n3A_148 = arith.select %lt3A_144, %add3A_147, %xor3A_131 : vector<16xi1>, vector<16xi32>
    %broadcast_in_dim3A_149 = vector.shape_cast %select_n3A_148 : vector<16xi32> to vector<16x1xi32>
    %gather3A_150 = vector.shape_cast %broadcast_in_dim3A_149 : vector<16x1xi32> to vector<16xi32>
    %gather3A_151 = tpu.dynamic_gather %select_n3A_128[%gather3A_150] in [0] : vector<16xi32>, vector<16xi32> -> vector<16xi32>
    %gt3A_152 = arith.cmpf ogt, %gather3A_141, %select_n3A_127 : vector<16xf32>
    %eq3A_153 = arith.cmpf oeq, %gather3A_141, %select_n3A_127 : vector<16xf32>
    %lt3A_154 = arith.cmpi slt, %gather3A_151, %select_n3A_128 : vector<16xi32>
    %and3A_155 = arith.andi %eq3A_153, %lt3A_154 : vector<16xi1>
    %or3A_156 = arith.ori %gt3A_152, %and3A_155 : vector<16xi1>
    %select_n3A_157 = arith.select %or3A_156, %gather3A_141, %select_n3A_127 : vector<16xi1>, vector<16xf32>
    %select_n3A_158 = arith.select %or3A_156, %gather3A_151, %select_n3A_128 : vector<16xi1>, vector<16xi32>
    %xor3A_159 = arith.constant 2 : i32
    %xor3A_160 = vector.broadcast %xor3A_159 : i32 to vector<16xi32>
    %xor3A_161 = arith.xori %iota3A, %xor3A_160 : vector<16xi32>
    %lt3A_162 = arith.constant 0 : i32
    %lt3A_163 = vector.broadcast %lt3A_162 : i32 to vector<16xi32>
    %lt3A_164 = arith.cmpi slt, %xor3A_161, %lt3A_163 : vector<16xi32>
    %add3A_165 = arith.constant 16 : i32
    %add3A_166 = vector.broadcast %add3A_165 : i32 to vector<16xi32>
    %add3A_167 = arith.addi %xor3A_161, %add3A_166 : vector<16xi32>
    %select_n3A_168 = arith.select %lt3A_164, %add3A_167, %xor3A_161 : vector<16xi1>, vector<16xi32>
    %broadcast_in_dim3A_169 = vector.shape_cast %select_n3A_168 : vector<16xi32> to vector<16x1xi32>
    %gather3A_170 = vector.shape_cast %broadcast_in_dim3A_169 : vector<16x1xi32> to vector<16xi32>
    %gather3A_171 = tpu.dynamic_gather %select_n3A_157[%gather3A_170] in [0] : vector<16xf32>, vector<16xi32> -> vector<16xf32>
    %lt3A_172 = arith.constant 0 : i32
    %lt3A_173 = vector.broadcast %lt3A_172 : i32 to vector<16xi32>
    %lt3A_174 = arith.cmpi slt, %xor3A_161, %lt3A_173 : vector<16xi32>
    %add3A_175 = arith.constant 16 : i32
    %add3A_176 = vector.broadcast %add3A_175 : i32 to vector<16xi32>
    %add3A_177 = arith.addi %xor3A_161, %add3A_176 : vector<16xi32>
    %select_n3A_178 = arith.select %lt3A_174, %add3A_177, %xor3A_161 : vector<16xi1>, vector<16xi32>
    %broadcast_in_dim3A_179 = vector.shape_cast %select_n3A_178 : vector<16xi32> to vector<16x1xi32>
    %gather3A_180 = vector.shape_cast %broadcast_in_dim3A_179 : vector<16x1xi32> to vector<16xi32>
    %gather3A_181 = tpu.dynamic_gather %select_n3A_158[%gather3A_180] in [0] : vector<16xi32>, vector<16xi32> -> vector<16xi32>
    %gt3A_182 = arith.cmpf ogt, %gather3A_171, %select_n3A_157 : vector<16xf32>
    %eq3A_183 = arith.cmpf oeq, %gather3A_171, %select_n3A_157 : vector<16xf32>
    %lt3A_184 = arith.cmpi slt, %gather3A_181, %select_n3A_158 : vector<16xi32>
    %and3A_185 = arith.andi %eq3A_183, %lt3A_184 : vector<16xi1>
    %or3A_186 = arith.ori %gt3A_182, %and3A_185 : vector<16xi1>
    %select_n3A_187 = arith.select %or3A_186, %gather3A_171, %select_n3A_157 : vector<16xi1>, vector<16xf32>
    %select_n3A_188 = arith.select %or3A_186, %gather3A_181, %select_n3A_158 : vector<16xi1>, vector<16xi32>
    %xor3A_189 = arith.constant 1 : i32
    %xor3A_190 = vector.broadcast %xor3A_189 : i32 to vector<16xi32>
    %xor3A_191 = arith.xori %iota3A, %xor3A_190 : vector<16xi32>
    %lt3A_192 = arith.constant 0 : i32
    %lt3A_193 = vector.broadcast %lt3A_192 : i32 to vector<16xi32>
    %lt3A_194 = arith.cmpi slt, %xor3A_191, %lt3A_193 : vector<16xi32>
    %add3A_195 = arith.constant 16 : i32
    %add3A_196 = vector.broadcast %add3A_195 : i32 to vector<16xi32>
    %add3A_197 = arith.addi %xor3A_191, %add3A_196 : vector<16xi32>
    %select_n3A_198 = arith.select %lt3A_194, %add3A_197, %xor3A_191 : vector<16xi1>, vector<16xi32>
    %broadcast_in_dim3A_199 = vector.shape_cast %select_n3A_198 : vector<16xi32> to vector<16x1xi32>
    %gather3A_200 = vector.shape_cast %broadcast_in_dim3A_199 : vector<16x1xi32> to vector<16xi32>
    %gather3A_201 = tpu.dynamic_gather %select_n3A_187[%gather3A_200] in [0] : vector<16xf32>, vector<16xi32> -> vector<16xf32>
    %lt3A_202 = arith.constant 0 : i32
    %lt3A_203 = vector.broadcast %lt3A_202 : i32 to vector<16xi32>
    %lt3A_204 = arith.cmpi slt, %xor3A_191, %lt3A_203 : vector<16xi32>
    %add3A_205 = arith.constant 16 : i32
    %add3A_206 = vector.broadcast %add3A_205 : i32 to vector<16xi32>
    %add3A_207 = arith.addi %xor3A_191, %add3A_206 : vector<16xi32>
    %select_n3A_208 = arith.select %lt3A_204, %add3A_207, %xor3A_191 : vector<16xi1>, vector<16xi32>
    %broadcast_in_dim3A_209 = vector.shape_cast %select_n3A_208 : vector<16xi32> to vector<16x1xi32>
    %gather3A_210 = vector.shape_cast %broadcast_in_dim3A_209 : vector<16x1xi32> to vector<16xi32>
    %gather3A_211 = tpu.dynamic_gather %select_n3A_188[%gather3A_210] in [0] : vector<16xi32>, vector<16xi32> -> vector<16xi32>
    %gt3A_212 = arith.cmpf ogt, %gather3A_201, %select_n3A_187 : vector<16xf32>
    %eq3A_213 = arith.cmpf oeq, %gather3A_201, %select_n3A_187 : vector<16xf32>
    %lt3A_214 = arith.cmpi slt, %gather3A_211, %select_n3A_188 : vector<16xi32>
    %and3A_215 = arith.andi %eq3A_213, %lt3A_214 : vector<16xi1>
    %or3A_216 = arith.ori %gt3A_212, %and3A_215 : vector<16xi1>
    %select_n3A_217 = arith.select %or3A_216, %gather3A_201, %select_n3A_187 : vector<16xi1>, vector<16xf32>
    %select_n3A_218 = arith.select %or3A_216, %gather3A_211, %select_n3A_188 : vector<16xi1>, vector<16xi32>
    %and3A_219 = arith.constant 2047 : i32
    %and3A_220 = vector.broadcast %and3A_219 : i32 to vector<16xi32>
    %and3A_221 = arith.andi %select_n3A_218, %and3A_220 : vector<16xi32>
    %broadcast_in_dim3A_222 = arith.constant 0 : i32
    %broadcast_in_dim3A_223 = vector.broadcast %broadcast_in_dim3A_222 : i32 to vector<16xi32>
    %gather3A_224 = tpu.vector_load_idx %arg4[%broadcast_in_dim3A_223, %and3A_221] : memref<8x2048xf32, #tpu.memory_space<vmem>>[vector<16xi32>, vector<16xi32>], vector<16xf32>,
    %gather3A_225 = tpu.vector_load_idx %arg6[%broadcast_in_dim3A_223, %and3A_221] : memref<8x2048xf32, #tpu.memory_space<vmem>>[vector<16xi32>, vector<16xi32>], vector<16xf32>,
    %swap3A = arith.constant 0 : index
    %swap3A_226 = tpu.vector_load %arg9[%swap3A] {strides = array<i32>} : memref<512xf32, #tpu.memory_space<vmem>>, vector<16xf32>,
    tpu.vector_store %arg9[%swap3A], %select_n3A_217 {strides = array<i32>} : memref<512xf32, #tpu.memory_space<vmem>>, vector<16xf32>,
    %bitcast3A = vector.bitcast %select_n3A_218 : vector<16xi32> to vector<16xf32>
    %swap3A_227 = arith.constant 16 : index
    %swap3A_228 = tpu.vector_load %arg9[%swap3A_227] {strides = array<i32>} : memref<512xf32, #tpu.memory_space<vmem>>, vector<16xf32>,
    tpu.vector_store %arg9[%swap3A_227], %bitcast3A {strides = array<i32>} : memref<512xf32, #tpu.memory_space<vmem>>, vector<16xf32>,
    %swap3A_229 = arith.constant 32 : index
    %swap3A_230 = tpu.vector_load %arg9[%swap3A_229] {strides = array<i32>} : memref<512xf32, #tpu.memory_space<vmem>>, vector<16xf32>,
    tpu.vector_store %arg9[%swap3A_229], %gather3A_224 {strides = array<i32>} : memref<512xf32, #tpu.memory_space<vmem>>, vector<16xf32>,
    %swap3A_231 = arith.constant 48 : index
    %swap3A_232 = tpu.vector_load %arg9[%swap3A_231] {strides = array<i32>} : memref<512xf32, #tpu.memory_space<vmem>>, vector<16xf32>,
    tpu.vector_store %arg9[%swap3A_231], %gather3A_225 {strides = array<i32>} : memref<512xf32, #tpu.memory_space<vmem>>, vector<16xf32>,
    %xor3A_233 = arith.constant 8 : i32
    %xor3A_234 = vector.broadcast %xor3A_233 : i32 to vector<16xi32>
    %xor3A_235 = arith.xori %iota3A, %xor3A_234 : vector<16xi32>
    %lt3A_236 = arith.constant 0 : i32
    %lt3A_237 = vector.broadcast %lt3A_236 : i32 to vector<16xi32>
    %lt3A_238 = arith.cmpi slt, %xor3A_235, %lt3A_237 : vector<16xi32>
    %add3A_239 = arith.constant 16 : i32
    %add3A_240 = vector.broadcast %add3A_239 : i32 to vector<16xi32>
    %add3A_241 = arith.addi %xor3A_235, %add3A_240 : vector<16xi32>
    %select_n3A_242 = arith.select %lt3A_238, %add3A_241, %xor3A_235 : vector<16xi1>, vector<16xi32>
    %broadcast_in_dim3A_243 = vector.shape_cast %select_n3A_242 : vector<16xi32> to vector<16x1xi32>
    %gather3A_244 = vector.shape_cast %broadcast_in_dim3A_243 : vector<16x1xi32> to vector<16xi32>
    %gather3A_245 = tpu.dynamic_gather %parallel_loop3A_90#2[%gather3A_244] in [0] : vector<16xf32>, vector<16xi32> -> vector<16xf32>
    %lt3A_246 = arith.constant 0 : i32
    %lt3A_247 = vector.broadcast %lt3A_246 : i32 to vector<16xi32>
    %lt3A_248 = arith.cmpi slt, %xor3A_235, %lt3A_247 : vector<16xi32>
    %add3A_249 = arith.constant 16 : i32
    %add3A_250 = vector.broadcast %add3A_249 : i32 to vector<16xi32>
    %add3A_251 = arith.addi %xor3A_235, %add3A_250 : vector<16xi32>
    %select_n3A_252 = arith.select %lt3A_248, %add3A_251, %xor3A_235 : vector<16xi1>, vector<16xi32>
    %broadcast_in_dim3A_253 = vector.shape_cast %select_n3A_252 : vector<16xi32> to vector<16x1xi32>
    %gather3A_254 = vector.shape_cast %broadcast_in_dim3A_253 : vector<16x1xi32> to vector<16xi32>
    %gather3A_255 = tpu.dynamic_gather %parallel_loop3A_90#3[%gather3A_254] in [0] : vector<16xi32>, vector<16xi32> -> vector<16xi32>
    %gt3A_256 = arith.cmpf ogt, %gather3A_245, %parallel_loop3A_90#2 : vector<16xf32>
    %eq3A_257 = arith.cmpf oeq, %gather3A_245, %parallel_loop3A_90#2 : vector<16xf32>
    %lt3A_258 = arith.cmpi slt, %gather3A_255, %parallel_loop3A_90#3 : vector<16xi32>
    %and3A_259 = arith.andi %eq3A_257, %lt3A_258 : vector<16xi1>
    %or3A_260 = arith.ori %gt3A_256, %and3A_259 : vector<16xi1>
    %select_n3A_261 = arith.select %or3A_260, %gather3A_245, %parallel_loop3A_90#2 : vector<16xi1>, vector<16xf32>
    %select_n3A_262 = arith.select %or3A_260, %gather3A_255, %parallel_loop3A_90#3 : vector<16xi1>, vector<16xi32>
    %xor3A_263 = arith.constant 4 : i32
    %xor3A_264 = vector.broadcast %xor3A_263 : i32 to vector<16xi32>
    %xor3A_265 = arith.xori %iota3A, %xor3A_264 : vector<16xi32>
    %lt3A_266 = arith.constant 0 : i32
    %lt3A_267 = vector.broadcast %lt3A_266 : i32 to vector<16xi32>
    %lt3A_268 = arith.cmpi slt, %xor3A_265, %lt3A_267 : vector<16xi32>
    %add3A_269 = arith.constant 16 : i32
    %add3A_270 = vector.broadcast %add3A_269 : i32 to vector<16xi32>
    %add3A_271 = arith.addi %xor3A_265, %add3A_270 : vector<16xi32>
    %select_n3A_272 = arith.select %lt3A_268, %add3A_271, %xor3A_265 : vector<16xi1>, vector<16xi32>
    %broadcast_in_dim3A_273 = vector.shape_cast %select_n3A_272 : vector<16xi32> to vector<16x1xi32>
    %gather3A_274 = vector.shape_cast %broadcast_in_dim3A_273 : vector<16x1xi32> to vector<16xi32>
    %gather3A_275 = tpu.dynamic_gather %select_n3A_261[%gather3A_274] in [0] : vector<16xf32>, vector<16xi32> -> vector<16xf32>
    %lt3A_276 = arith.constant 0 : i32
    %lt3A_277 = vector.broadcast %lt3A_276 : i32 to vector<16xi32>
    %lt3A_278 = arith.cmpi slt, %xor3A_265, %lt3A_277 : vector<16xi32>
    %add3A_279 = arith.constant 16 : i32
    %add3A_280 = vector.broadcast %add3A_279 : i32 to vector<16xi32>
    %add3A_281 = arith.addi %xor3A_265, %add3A_280 : vector<16xi32>
    %select_n3A_282 = arith.select %lt3A_278, %add3A_281, %xor3A_265 : vector<16xi1>, vector<16xi32>
    %broadcast_in_dim3A_283 = vector.shape_cast %select_n3A_282 : vector<16xi32> to vector<16x1xi32>
    %gather3A_284 = vector.shape_cast %broadcast_in_dim3A_283 : vector<16x1xi32> to vector<16xi32>
    %gather3A_285 = tpu.dynamic_gather %select_n3A_262[%gather3A_284] in [0] : vector<16xi32>, vector<16xi32> -> vector<16xi32>
    %gt3A_286 = arith.cmpf ogt, %gather3A_275, %select_n3A_261 : vector<16xf32>
    %eq3A_287 = arith.cmpf oeq, %gather3A_275, %select_n3A_261 : vector<16xf32>
    %lt3A_288 = arith.cmpi slt, %gather3A_285, %select_n3A_262 : vector<16xi32>
    %and3A_289 = arith.andi %eq3A_287, %lt3A_288 : vector<16xi1>
    %or3A_290 = arith.ori %gt3A_286, %and3A_289 : vector<16xi1>
    %select_n3A_291 = arith.select %or3A_290, %gather3A_275, %select_n3A_261 : vector<16xi1>, vector<16xf32>
    %select_n3A_292 = arith.select %or3A_290, %gather3A_285, %select_n3A_262 : vector<16xi1>, vector<16xi32>
    %xor3A_293 = arith.constant 2 : i32
    %xor3A_294 = vector.broadcast %xor3A_293 : i32 to vector<16xi32>
    %xor3A_295 = arith.xori %iota3A, %xor3A_294 : vector<16xi32>
    %lt3A_296 = arith.constant 0 : i32
    %lt3A_297 = vector.broadcast %lt3A_296 : i32 to vector<16xi32>
    %lt3A_298 = arith.cmpi slt, %xor3A_295, %lt3A_297 : vector<16xi32>
    %add3A_299 = arith.constant 16 : i32
    %add3A_300 = vector.broadcast %add3A_299 : i32 to vector<16xi32>
    %add3A_301 = arith.addi %xor3A_295, %add3A_300 : vector<16xi32>
    %select_n3A_302 = arith.select %lt3A_298, %add3A_301, %xor3A_295 : vector<16xi1>, vector<16xi32>
    %broadcast_in_dim3A_303 = vector.shape_cast %select_n3A_302 : vector<16xi32> to vector<16x1xi32>
    %gather3A_304 = vector.shape_cast %broadcast_in_dim3A_303 : vector<16x1xi32> to vector<16xi32>
    %gather3A_305 = tpu.dynamic_gather %select_n3A_291[%gather3A_304] in [0] : vector<16xf32>, vector<16xi32> -> vector<16xf32>
    %lt3A_306 = arith.constant 0 : i32
    %lt3A_307 = vector.broadcast %lt3A_306 : i32 to vector<16xi32>
    %lt3A_308 = arith.cmpi slt, %xor3A_295, %lt3A_307 : vector<16xi32>
    %add3A_309 = arith.constant 16 : i32
    %add3A_310 = vector.broadcast %add3A_309 : i32 to vector<16xi32>
    %add3A_311 = arith.addi %xor3A_295, %add3A_310 : vector<16xi32>
    %select_n3A_312 = arith.select %lt3A_308, %add3A_311, %xor3A_295 : vector<16xi1>, vector<16xi32>
    %broadcast_in_dim3A_313 = vector.shape_cast %select_n3A_312 : vector<16xi32> to vector<16x1xi32>
    %gather3A_314 = vector.shape_cast %broadcast_in_dim3A_313 : vector<16x1xi32> to vector<16xi32>
    %gather3A_315 = tpu.dynamic_gather %select_n3A_292[%gather3A_314] in [0] : vector<16xi32>, vector<16xi32> -> vector<16xi32>
    %gt3A_316 = arith.cmpf ogt, %gather3A_305, %select_n3A_291 : vector<16xf32>
    %eq3A_317 = arith.cmpf oeq, %gather3A_305, %select_n3A_291 : vector<16xf32>
    %lt3A_318 = arith.cmpi slt, %gather3A_315, %select_n3A_292 : vector<16xi32>
    %and3A_319 = arith.andi %eq3A_317, %lt3A_318 : vector<16xi1>
    %or3A_320 = arith.ori %gt3A_316, %and3A_319 : vector<16xi1>
    %select_n3A_321 = arith.select %or3A_320, %gather3A_305, %select_n3A_291 : vector<16xi1>, vector<16xf32>
    %select_n3A_322 = arith.select %or3A_320, %gather3A_315, %select_n3A_292 : vector<16xi1>, vector<16xi32>
    %xor3A_323 = arith.constant 1 : i32
    %xor3A_324 = vector.broadcast %xor3A_323 : i32 to vector<16xi32>
    %xor3A_325 = arith.xori %iota3A, %xor3A_324 : vector<16xi32>
    %lt3A_326 = arith.constant 0 : i32
    %lt3A_327 = vector.broadcast %lt3A_326 : i32 to vector<16xi32>
    %lt3A_328 = arith.cmpi slt, %xor3A_325, %lt3A_327 : vector<16xi32>
    %add3A_329 = arith.constant 16 : i32
    %add3A_330 = vector.broadcast %add3A_329 : i32 to vector<16xi32>
    %add3A_331 = arith.addi %xor3A_325, %add3A_330 : vector<16xi32>
    %select_n3A_332 = arith.select %lt3A_328, %add3A_331, %xor3A_325 : vector<16xi1>, vector<16xi32>
    %broadcast_in_dim3A_333 = vector.shape_cast %select_n3A_332 : vector<16xi32> to vector<16x1xi32>
    %gather3A_334 = vector.shape_cast %broadcast_in_dim3A_333 : vector<16x1xi32> to vector<16xi32>
    %gather3A_335 = tpu.dynamic_gather %select_n3A_321[%gather3A_334] in [0] : vector<16xf32>, vector<16xi32> -> vector<16xf32>
    %lt3A_336 = arith.constant 0 : i32
    %lt3A_337 = vector.broadcast %lt3A_336 : i32 to vector<16xi32>
    %lt3A_338 = arith.cmpi slt, %xor3A_325, %lt3A_337 : vector<16xi32>
    %add3A_339 = arith.constant 16 : i32
    %add3A_340 = vector.broadcast %add3A_339 : i32 to vector<16xi32>
    %add3A_341 = arith.addi %xor3A_325, %add3A_340 : vector<16xi32>
    %select_n3A_342 = arith.select %lt3A_338, %add3A_341, %xor3A_325 : vector<16xi1>, vector<16xi32>
    %broadcast_in_dim3A_343 = vector.shape_cast %select_n3A_342 : vector<16xi32> to vector<16x1xi32>
    %gather3A_344 = vector.shape_cast %broadcast_in_dim3A_343 : vector<16x1xi32> to vector<16xi32>
    %gather3A_345 = tpu.dynamic_gather %select_n3A_322[%gather3A_344] in [0] : vector<16xi32>, vector<16xi32> -> vector<16xi32>
    %gt3A_346 = arith.cmpf ogt, %gather3A_335, %select_n3A_321 : vector<16xf32>
    %eq3A_347 = arith.cmpf oeq, %gather3A_335, %select_n3A_321 : vector<16xf32>
    %lt3A_348 = arith.cmpi slt, %gather3A_345, %select_n3A_322 : vector<16xi32>
    %and3A_349 = arith.andi %eq3A_347, %lt3A_348 : vector<16xi1>
    %or3A_350 = arith.ori %gt3A_346, %and3A_349 : vector<16xi1>
    %select_n3A_351 = arith.select %or3A_350, %gather3A_335, %select_n3A_321 : vector<16xi1>, vector<16xf32>
    %select_n3A_352 = arith.select %or3A_350, %gather3A_345, %select_n3A_322 : vector<16xi1>, vector<16xi32>
    %and3A_353 = arith.constant 2047 : i32
    %and3A_354 = vector.broadcast %and3A_353 : i32 to vector<16xi32>
    %and3A_355 = arith.andi %select_n3A_352, %and3A_354 : vector<16xi32>
    %broadcast_in_dim3A_356 = arith.constant 1 : i32
    %broadcast_in_dim3A_357 = vector.broadcast %broadcast_in_dim3A_356 : i32 to vector<16xi32>
    %gather3A_358 = tpu.vector_load_idx %arg4[%broadcast_in_dim3A_357, %and3A_355] : memref<8x2048xf32, #tpu.memory_space<vmem>>[vector<16xi32>, vector<16xi32>], vector<16xf32>,
    %gather3A_359 = tpu.vector_load_idx %arg6[%broadcast_in_dim3A_357, %and3A_355] : memref<8x2048xf32, #tpu.memory_space<vmem>>[vector<16xi32>, vector<16xi32>], vector<16xf32>,
    %swap3A_360 = arith.constant 64 : index
    %swap3A_361 = tpu.vector_load %arg9[%swap3A_360] {strides = array<i32>} : memref<512xf32, #tpu.memory_space<vmem>>, vector<16xf32>,
    tpu.vector_store %arg9[%swap3A_360], %select_n3A_351 {strides = array<i32>} : memref<512xf32, #tpu.memory_space<vmem>>, vector<16xf32>,
    %bitcast3A_362 = vector.bitcast %select_n3A_352 : vector<16xi32> to vector<16xf32>
    %swap3A_363 = arith.constant 80 : index
    %swap3A_364 = tpu.vector_load %arg9[%swap3A_363] {strides = array<i32>} : memref<512xf32, #tpu.memory_space<vmem>>, vector<16xf32>,
    tpu.vector_store %arg9[%swap3A_363], %bitcast3A_362 {strides = array<i32>} : memref<512xf32, #tpu.memory_space<vmem>>, vector<16xf32>,
    %swap3A_365 = arith.constant 96 : index
    %swap3A_366 = tpu.vector_load %arg9[%swap3A_365] {strides = array<i32>} : memref<512xf32, #tpu.memory_space<vmem>>, vector<16xf32>,
    tpu.vector_store %arg9[%swap3A_365], %gather3A_358 {strides = array<i32>} : memref<512xf32, #tpu.memory_space<vmem>>, vector<16xf32>,
    %swap3A_367 = arith.constant 112 : index
    %swap3A_368 = tpu.vector_load %arg9[%swap3A_367] {strides = array<i32>} : memref<512xf32, #tpu.memory_space<vmem>>, vector<16xf32>,
    tpu.vector_store %arg9[%swap3A_367], %gather3A_359 {strides = array<i32>} : memref<512xf32, #tpu.memory_space<vmem>>, vector<16xf32>,
    %xor3A_369 = arith.constant 8 : i32
    %xor3A_370 = vector.broadcast %xor3A_369 : i32 to vector<16xi32>
    %xor3A_371 = arith.xori %iota3A, %xor3A_370 : vector<16xi32>
    %lt3A_372 = arith.constant 0 : i32
    %lt3A_373 = vector.broadcast %lt3A_372 : i32 to vector<16xi32>
    %lt3A_374 = arith.cmpi slt, %xor3A_371, %lt3A_373 : vector<16xi32>
    %add3A_375 = arith.constant 16 : i32
    %add3A_376 = vector.broadcast %add3A_375 : i32 to vector<16xi32>
    %add3A_377 = arith.addi %xor3A_371, %add3A_376 : vector<16xi32>
    %select_n3A_378 = arith.select %lt3A_374, %add3A_377, %xor3A_371 : vector<16xi1>, vector<16xi32>
    %broadcast_in_dim3A_379 = vector.shape_cast %select_n3A_378 : vector<16xi32> to vector<16x1xi32>
    %gather3A_380 = vector.shape_cast %broadcast_in_dim3A_379 : vector<16x1xi32> to vector<16xi32>
    %gather3A_381 = tpu.dynamic_gather %parallel_loop3A_90#4[%gather3A_380] in [0] : vector<16xf32>, vector<16xi32> -> vector<16xf32>
    %lt3A_382 = arith.constant 0 : i32
    %lt3A_383 = vector.broadcast %lt3A_382 : i32 to vector<16xi32>
    %lt3A_384 = arith.cmpi slt, %xor3A_371, %lt3A_383 : vector<16xi32>
    %add3A_385 = arith.constant 16 : i32
    %add3A_386 = vector.broadcast %add3A_385 : i32 to vector<16xi32>
    %add3A_387 = arith.addi %xor3A_371, %add3A_386 : vector<16xi32>
    %select_n3A_388 = arith.select %lt3A_384, %add3A_387, %xor3A_371 : vector<16xi1>, vector<16xi32>
    %broadcast_in_dim3A_389 = vector.shape_cast %select_n3A_388 : vector<16xi32> to vector<16x1xi32>
    %gather3A_390 = vector.shape_cast %broadcast_in_dim3A_389 : vector<16x1xi32> to vector<16xi32>
    %gather3A_391 = tpu.dynamic_gather %parallel_loop3A_90#5[%gather3A_390] in [0] : vector<16xi32>, vector<16xi32> -> vector<16xi32>
    %gt3A_392 = arith.cmpf ogt, %gather3A_381, %parallel_loop3A_90#4 : vector<16xf32>
    %eq3A_393 = arith.cmpf oeq, %gather3A_381, %parallel_loop3A_90#4 : vector<16xf32>
    %lt3A_394 = arith.cmpi slt, %gather3A_391, %parallel_loop3A_90#5 : vector<16xi32>
    %and3A_395 = arith.andi %eq3A_393, %lt3A_394 : vector<16xi1>
    %or3A_396 = arith.ori %gt3A_392, %and3A_395 : vector<16xi1>
    %select_n3A_397 = arith.select %or3A_396, %gather3A_381, %parallel_loop3A_90#4 : vector<16xi1>, vector<16xf32>
    %select_n3A_398 = arith.select %or3A_396, %gather3A_391, %parallel_loop3A_90#5 : vector<16xi1>, vector<16xi32>
    %xor3A_399 = arith.constant 4 : i32
    %xor3A_400 = vector.broadcast %xor3A_399 : i32 to vector<16xi32>
    %xor3A_401 = arith.xori %iota3A, %xor3A_400 : vector<16xi32>
    %lt3A_402 = arith.constant 0 : i32
    %lt3A_403 = vector.broadcast %lt3A_402 : i32 to vector<16xi32>
    %lt3A_404 = arith.cmpi slt, %xor3A_401, %lt3A_403 : vector<16xi32>
    %add3A_405 = arith.constant 16 : i32
    %add3A_406 = vector.broadcast %add3A_405 : i32 to vector<16xi32>
    %add3A_407 = arith.addi %xor3A_401, %add3A_406 : vector<16xi32>
    %select_n3A_408 = arith.select %lt3A_404, %add3A_407, %xor3A_401 : vector<16xi1>, vector<16xi32>
    %broadcast_in_dim3A_409 = vector.shape_cast %select_n3A_408 : vector<16xi32> to vector<16x1xi32>
    %gather3A_410 = vector.shape_cast %broadcast_in_dim3A_409 : vector<16x1xi32> to vector<16xi32>
    %gather3A_411 = tpu.dynamic_gather %select_n3A_397[%gather3A_410] in [0] : vector<16xf32>, vector<16xi32> -> vector<16xf32>
    %lt3A_412 = arith.constant 0 : i32
    %lt3A_413 = vector.broadcast %lt3A_412 : i32 to vector<16xi32>
    %lt3A_414 = arith.cmpi slt, %xor3A_401, %lt3A_413 : vector<16xi32>
    %add3A_415 = arith.constant 16 : i32
    %add3A_416 = vector.broadcast %add3A_415 : i32 to vector<16xi32>
    %add3A_417 = arith.addi %xor3A_401, %add3A_416 : vector<16xi32>
    %select_n3A_418 = arith.select %lt3A_414, %add3A_417, %xor3A_401 : vector<16xi1>, vector<16xi32>
    %broadcast_in_dim3A_419 = vector.shape_cast %select_n3A_418 : vector<16xi32> to vector<16x1xi32>
    %gather3A_420 = vector.shape_cast %broadcast_in_dim3A_419 : vector<16x1xi32> to vector<16xi32>
    %gather3A_421 = tpu.dynamic_gather %select_n3A_398[%gather3A_420] in [0] : vector<16xi32>, vector<16xi32> -> vector<16xi32>
    %gt3A_422 = arith.cmpf ogt, %gather3A_411, %select_n3A_397 : vector<16xf32>
    %eq3A_423 = arith.cmpf oeq, %gather3A_411, %select_n3A_397 : vector<16xf32>
    %lt3A_424 = arith.cmpi slt, %gather3A_421, %select_n3A_398 : vector<16xi32>
    %and3A_425 = arith.andi %eq3A_423, %lt3A_424 : vector<16xi1>
    %or3A_426 = arith.ori %gt3A_422, %and3A_425 : vector<16xi1>
    %select_n3A_427 = arith.select %or3A_426, %gather3A_411, %select_n3A_397 : vector<16xi1>, vector<16xf32>
    %select_n3A_428 = arith.select %or3A_426, %gather3A_421, %select_n3A_398 : vector<16xi1>, vector<16xi32>
    %xor3A_429 = arith.constant 2 : i32
    %xor3A_430 = vector.broadcast %xor3A_429 : i32 to vector<16xi32>
    %xor3A_431 = arith.xori %iota3A, %xor3A_430 : vector<16xi32>
    %lt3A_432 = arith.constant 0 : i32
    %lt3A_433 = vector.broadcast %lt3A_432 : i32 to vector<16xi32>
    %lt3A_434 = arith.cmpi slt, %xor3A_431, %lt3A_433 : vector<16xi32>
    %add3A_435 = arith.constant 16 : i32
    %add3A_436 = vector.broadcast %add3A_435 : i32 to vector<16xi32>
    %add3A_437 = arith.addi %xor3A_431, %add3A_436 : vector<16xi32>
    %select_n3A_438 = arith.select %lt3A_434, %add3A_437, %xor3A_431 : vector<16xi1>, vector<16xi32>
    %broadcast_in_dim3A_439 = vector.shape_cast %select_n3A_438 : vector<16xi32> to vector<16x1xi32>
    %gather3A_440 = vector.shape_cast %broadcast_in_dim3A_439 : vector<16x1xi32> to vector<16xi32>
    %gather3A_441 = tpu.dynamic_gather %select_n3A_427[%gather3A_440] in [0] : vector<16xf32>, vector<16xi32> -> vector<16xf32>
    %lt3A_442 = arith.constant 0 : i32
    %lt3A_443 = vector.broadcast %lt3A_442 : i32 to vector<16xi32>
    %lt3A_444 = arith.cmpi slt, %xor3A_431, %lt3A_443 : vector<16xi32>
    %add3A_445 = arith.constant 16 : i32
    %add3A_446 = vector.broadcast %add3A_445 : i32 to vector<16xi32>
    %add3A_447 = arith.addi %xor3A_431, %add3A_446 : vector<16xi32>
    %select_n3A_448 = arith.select %lt3A_444, %add3A_447, %xor3A_431 : vector<16xi1>, vector<16xi32>
    %broadcast_in_dim3A_449 = vector.shape_cast %select_n3A_448 : vector<16xi32> to vector<16x1xi32>
    %gather3A_450 = vector.shape_cast %broadcast_in_dim3A_449 : vector<16x1xi32> to vector<16xi32>
    %gather3A_451 = tpu.dynamic_gather %select_n3A_428[%gather3A_450] in [0] : vector<16xi32>, vector<16xi32> -> vector<16xi32>
    %gt3A_452 = arith.cmpf ogt, %gather3A_441, %select_n3A_427 : vector<16xf32>
    %eq3A_453 = arith.cmpf oeq, %gather3A_441, %select_n3A_427 : vector<16xf32>
    %lt3A_454 = arith.cmpi slt, %gather3A_451, %select_n3A_428 : vector<16xi32>
    %and3A_455 = arith.andi %eq3A_453, %lt3A_454 : vector<16xi1>
    %or3A_456 = arith.ori %gt3A_452, %and3A_455 : vector<16xi1>
    %select_n3A_457 = arith.select %or3A_456, %gather3A_441, %select_n3A_427 : vector<16xi1>, vector<16xf32>
    %select_n3A_458 = arith.select %or3A_456, %gather3A_451, %select_n3A_428 : vector<16xi1>, vector<16xi32>
    %xor3A_459 = arith.constant 1 : i32
    %xor3A_460 = vector.broadcast %xor3A_459 : i32 to vector<16xi32>
    %xor3A_461 = arith.xori %iota3A, %xor3A_460 : vector<16xi32>
    %lt3A_462 = arith.constant 0 : i32
    %lt3A_463 = vector.broadcast %lt3A_462 : i32 to vector<16xi32>
    %lt3A_464 = arith.cmpi slt, %xor3A_461, %lt3A_463 : vector<16xi32>
    %add3A_465 = arith.constant 16 : i32
    %add3A_466 = vector.broadcast %add3A_465 : i32 to vector<16xi32>
    %add3A_467 = arith.addi %xor3A_461, %add3A_466 : vector<16xi32>
    %select_n3A_468 = arith.select %lt3A_464, %add3A_467, %xor3A_461 : vector<16xi1>, vector<16xi32>
    %broadcast_in_dim3A_469 = vector.shape_cast %select_n3A_468 : vector<16xi32> to vector<16x1xi32>
    %gather3A_470 = vector.shape_cast %broadcast_in_dim3A_469 : vector<16x1xi32> to vector<16xi32>
    %gather3A_471 = tpu.dynamic_gather %select_n3A_457[%gather3A_470] in [0] : vector<16xf32>, vector<16xi32> -> vector<16xf32>
    %lt3A_472 = arith.constant 0 : i32
    %lt3A_473 = vector.broadcast %lt3A_472 : i32 to vector<16xi32>
    %lt3A_474 = arith.cmpi slt, %xor3A_461, %lt3A_473 : vector<16xi32>
    %add3A_475 = arith.constant 16 : i32
    %add3A_476 = vector.broadcast %add3A_475 : i32 to vector<16xi32>
    %add3A_477 = arith.addi %xor3A_461, %add3A_476 : vector<16xi32>
    %select_n3A_478 = arith.select %lt3A_474, %add3A_477, %xor3A_461 : vector<16xi1>, vector<16xi32>
    %broadcast_in_dim3A_479 = vector.shape_cast %select_n3A_478 : vector<16xi32> to vector<16x1xi32>
    %gather3A_480 = vector.shape_cast %broadcast_in_dim3A_479 : vector<16x1xi32> to vector<16xi32>
    %gather3A_481 = tpu.dynamic_gather %select_n3A_458[%gather3A_480] in [0] : vector<16xi32>, vector<16xi32> -> vector<16xi32>
    %gt3A_482 = arith.cmpf ogt, %gather3A_471, %select_n3A_457 : vector<16xf32>
    %eq3A_483 = arith.cmpf oeq, %gather3A_471, %select_n3A_457 : vector<16xf32>
    %lt3A_484 = arith.cmpi slt, %gather3A_481, %select_n3A_458 : vector<16xi32>
    %and3A_485 = arith.andi %eq3A_483, %lt3A_484 : vector<16xi1>
    %or3A_486 = arith.ori %gt3A_482, %and3A_485 : vector<16xi1>
    %select_n3A_487 = arith.select %or3A_486, %gather3A_471, %select_n3A_457 : vector<16xi1>, vector<16xf32>
    %select_n3A_488 = arith.select %or3A_486, %gather3A_481, %select_n3A_458 : vector<16xi1>, vector<16xi32>
    %and3A_489 = arith.constant 2047 : i32
    %and3A_490 = vector.broadcast %and3A_489 : i32 to vector<16xi32>
    %and3A_491 = arith.andi %select_n3A_488, %and3A_490 : vector<16xi32>
    %broadcast_in_dim3A_492 = arith.constant 2 : i32
    %broadcast_in_dim3A_493 = vector.broadcast %broadcast_in_dim3A_492 : i32 to vector<16xi32>
    %gather3A_494 = tpu.vector_load_idx %arg4[%broadcast_in_dim3A_493, %and3A_491] : memref<8x2048xf32, #tpu.memory_space<vmem>>[vector<16xi32>, vector<16xi32>], vector<16xf32>,
    %gather3A_495 = tpu.vector_load_idx %arg6[%broadcast_in_dim3A_493, %and3A_491] : memref<8x2048xf32, #tpu.memory_space<vmem>>[vector<16xi32>, vector<16xi32>], vector<16xf32>,
    %swap3A_496 = arith.constant 128 : index
    %swap3A_497 = tpu.vector_load %arg9[%swap3A_496] {strides = array<i32>} : memref<512xf32, #tpu.memory_space<vmem>>, vector<16xf32>,
    tpu.vector_store %arg9[%swap3A_496], %select_n3A_487 {strides = array<i32>} : memref<512xf32, #tpu.memory_space<vmem>>, vector<16xf32>,
    %bitcast3A_498 = vector.bitcast %select_n3A_488 : vector<16xi32> to vector<16xf32>
    %swap3A_499 = arith.constant 144 : index
    %swap3A_500 = tpu.vector_load %arg9[%swap3A_499] {strides = array<i32>} : memref<512xf32, #tpu.memory_space<vmem>>, vector<16xf32>,
    tpu.vector_store %arg9[%swap3A_499], %bitcast3A_498 {strides = array<i32>} : memref<512xf32, #tpu.memory_space<vmem>>, vector<16xf32>,
    %swap3A_501 = arith.constant 160 : index
    %swap3A_502 = tpu.vector_load %arg9[%swap3A_501] {strides = array<i32>} : memref<512xf32, #tpu.memory_space<vmem>>, vector<16xf32>,
    tpu.vector_store %arg9[%swap3A_501], %gather3A_494 {strides = array<i32>} : memref<512xf32, #tpu.memory_space<vmem>>, vector<16xf32>,
    %swap3A_503 = arith.constant 176 : index
    %swap3A_504 = tpu.vector_load %arg9[%swap3A_503] {strides = array<i32>} : memref<512xf32, #tpu.memory_space<vmem>>, vector<16xf32>,
    tpu.vector_store %arg9[%swap3A_503], %gather3A_495 {strides = array<i32>} : memref<512xf32, #tpu.memory_space<vmem>>, vector<16xf32>,
    %xor3A_505 = arith.constant 8 : i32
    %xor3A_506 = vector.broadcast %xor3A_505 : i32 to vector<16xi32>
    %xor3A_507 = arith.xori %iota3A, %xor3A_506 : vector<16xi32>
    %lt3A_508 = arith.constant 0 : i32
    %lt3A_509 = vector.broadcast %lt3A_508 : i32 to vector<16xi32>
    %lt3A_510 = arith.cmpi slt, %xor3A_507, %lt3A_509 : vector<16xi32>
    %add3A_511 = arith.constant 16 : i32
    %add3A_512 = vector.broadcast %add3A_511 : i32 to vector<16xi32>
    %add3A_513 = arith.addi %xor3A_507, %add3A_512 : vector<16xi32>
    %select_n3A_514 = arith.select %lt3A_510, %add3A_513, %xor3A_507 : vector<16xi1>, vector<16xi32>
    %broadcast_in_dim3A_515 = vector.shape_cast %select_n3A_514 : vector<16xi32> to vector<16x1xi32>
    %gather3A_516 = vector.shape_cast %broadcast_in_dim3A_515 : vector<16x1xi32> to vector<16xi32>
    %gather3A_517 = tpu.dynamic_gather %parallel_loop3A_90#6[%gather3A_516] in [0] : vector<16xf32>, vector<16xi32> -> vector<16xf32>
    %lt3A_518 = arith.constant 0 : i32
    %lt3A_519 = vector.broadcast %lt3A_518 : i32 to vector<16xi32>
    %lt3A_520 = arith.cmpi slt, %xor3A_507, %lt3A_519 : vector<16xi32>
    %add3A_521 = arith.constant 16 : i32
    %add3A_522 = vector.broadcast %add3A_521 : i32 to vector<16xi32>
    %add3A_523 = arith.addi %xor3A_507, %add3A_522 : vector<16xi32>
    %select_n3A_524 = arith.select %lt3A_520, %add3A_523, %xor3A_507 : vector<16xi1>, vector<16xi32>
    %broadcast_in_dim3A_525 = vector.shape_cast %select_n3A_524 : vector<16xi32> to vector<16x1xi32>
    %gather3A_526 = vector.shape_cast %broadcast_in_dim3A_525 : vector<16x1xi32> to vector<16xi32>
    %gather3A_527 = tpu.dynamic_gather %parallel_loop3A_90#7[%gather3A_526] in [0] : vector<16xi32>, vector<16xi32> -> vector<16xi32>
    %gt3A_528 = arith.cmpf ogt, %gather3A_517, %parallel_loop3A_90#6 : vector<16xf32>
    %eq3A_529 = arith.cmpf oeq, %gather3A_517, %parallel_loop3A_90#6 : vector<16xf32>
    %lt3A_530 = arith.cmpi slt, %gather3A_527, %parallel_loop3A_90#7 : vector<16xi32>
    %and3A_531 = arith.andi %eq3A_529, %lt3A_530 : vector<16xi1>
    %or3A_532 = arith.ori %gt3A_528, %and3A_531 : vector<16xi1>
    %select_n3A_533 = arith.select %or3A_532, %gather3A_517, %parallel_loop3A_90#6 : vector<16xi1>, vector<16xf32>
    %select_n3A_534 = arith.select %or3A_532, %gather3A_527, %parallel_loop3A_90#7 : vector<16xi1>, vector<16xi32>
    %xor3A_535 = arith.constant 4 : i32
    %xor3A_536 = vector.broadcast %xor3A_535 : i32 to vector<16xi32>
    %xor3A_537 = arith.xori %iota3A, %xor3A_536 : vector<16xi32>
    %lt3A_538 = arith.constant 0 : i32
    %lt3A_539 = vector.broadcast %lt3A_538 : i32 to vector<16xi32>
    %lt3A_540 = arith.cmpi slt, %xor3A_537, %lt3A_539 : vector<16xi32>
    %add3A_541 = arith.constant 16 : i32
    %add3A_542 = vector.broadcast %add3A_541 : i32 to vector<16xi32>
    %add3A_543 = arith.addi %xor3A_537, %add3A_542 : vector<16xi32>
    %select_n3A_544 = arith.select %lt3A_540, %add3A_543, %xor3A_537 : vector<16xi1>, vector<16xi32>
    %broadcast_in_dim3A_545 = vector.shape_cast %select_n3A_544 : vector<16xi32> to vector<16x1xi32>
    %gather3A_546 = vector.shape_cast %broadcast_in_dim3A_545 : vector<16x1xi32> to vector<16xi32>
    %gather3A_547 = tpu.dynamic_gather %select_n3A_533[%gather3A_546] in [0] : vector<16xf32>, vector<16xi32> -> vector<16xf32>
    %lt3A_548 = arith.constant 0 : i32
    %lt3A_549 = vector.broadcast %lt3A_548 : i32 to vector<16xi32>
    %lt3A_550 = arith.cmpi slt, %xor3A_537, %lt3A_549 : vector<16xi32>
    %add3A_551 = arith.constant 16 : i32
    %add3A_552 = vector.broadcast %add3A_551 : i32 to vector<16xi32>
    %add3A_553 = arith.addi %xor3A_537, %add3A_552 : vector<16xi32>
    %select_n3A_554 = arith.select %lt3A_550, %add3A_553, %xor3A_537 : vector<16xi1>, vector<16xi32>
    %broadcast_in_dim3A_555 = vector.shape_cast %select_n3A_554 : vector<16xi32> to vector<16x1xi32>
    %gather3A_556 = vector.shape_cast %broadcast_in_dim3A_555 : vector<16x1xi32> to vector<16xi32>
    %gather3A_557 = tpu.dynamic_gather %select_n3A_534[%gather3A_556] in [0] : vector<16xi32>, vector<16xi32> -> vector<16xi32>
    %gt3A_558 = arith.cmpf ogt, %gather3A_547, %select_n3A_533 : vector<16xf32>
    %eq3A_559 = arith.cmpf oeq, %gather3A_547, %select_n3A_533 : vector<16xf32>
    %lt3A_560 = arith.cmpi slt, %gather3A_557, %select_n3A_534 : vector<16xi32>
    %and3A_561 = arith.andi %eq3A_559, %lt3A_560 : vector<16xi1>
    %or3A_562 = arith.ori %gt3A_558, %and3A_561 : vector<16xi1>
    %select_n3A_563 = arith.select %or3A_562, %gather3A_547, %select_n3A_533 : vector<16xi1>, vector<16xf32>
    %select_n3A_564 = arith.select %or3A_562, %gather3A_557, %select_n3A_534 : vector<16xi1>, vector<16xi32>
    %xor3A_565 = arith.constant 2 : i32
    %xor3A_566 = vector.broadcast %xor3A_565 : i32 to vector<16xi32>
    %xor3A_567 = arith.xori %iota3A, %xor3A_566 : vector<16xi32>
    %lt3A_568 = arith.constant 0 : i32
    %lt3A_569 = vector.broadcast %lt3A_568 : i32 to vector<16xi32>
    %lt3A_570 = arith.cmpi slt, %xor3A_567, %lt3A_569 : vector<16xi32>
    %add3A_571 = arith.constant 16 : i32
    %add3A_572 = vector.broadcast %add3A_571 : i32 to vector<16xi32>
    %add3A_573 = arith.addi %xor3A_567, %add3A_572 : vector<16xi32>
    %select_n3A_574 = arith.select %lt3A_570, %add3A_573, %xor3A_567 : vector<16xi1>, vector<16xi32>
    %broadcast_in_dim3A_575 = vector.shape_cast %select_n3A_574 : vector<16xi32> to vector<16x1xi32>
    %gather3A_576 = vector.shape_cast %broadcast_in_dim3A_575 : vector<16x1xi32> to vector<16xi32>
    %gather3A_577 = tpu.dynamic_gather %select_n3A_563[%gather3A_576] in [0] : vector<16xf32>, vector<16xi32> -> vector<16xf32>
    %lt3A_578 = arith.constant 0 : i32
    %lt3A_579 = vector.broadcast %lt3A_578 : i32 to vector<16xi32>
    %lt3A_580 = arith.cmpi slt, %xor3A_567, %lt3A_579 : vector<16xi32>
    %add3A_581 = arith.constant 16 : i32
    %add3A_582 = vector.broadcast %add3A_581 : i32 to vector<16xi32>
    %add3A_583 = arith.addi %xor3A_567, %add3A_582 : vector<16xi32>
    %select_n3A_584 = arith.select %lt3A_580, %add3A_583, %xor3A_567 : vector<16xi1>, vector<16xi32>
    %broadcast_in_dim3A_585 = vector.shape_cast %select_n3A_584 : vector<16xi32> to vector<16x1xi32>
    %gather3A_586 = vector.shape_cast %broadcast_in_dim3A_585 : vector<16x1xi32> to vector<16xi32>
    %gather3A_587 = tpu.dynamic_gather %select_n3A_564[%gather3A_586] in [0] : vector<16xi32>, vector<16xi32> -> vector<16xi32>
    %gt3A_588 = arith.cmpf ogt, %gather3A_577, %select_n3A_563 : vector<16xf32>
    %eq3A_589 = arith.cmpf oeq, %gather3A_577, %select_n3A_563 : vector<16xf32>
    %lt3A_590 = arith.cmpi slt, %gather3A_587, %select_n3A_564 : vector<16xi32>
    %and3A_591 = arith.andi %eq3A_589, %lt3A_590 : vector<16xi1>
    %or3A_592 = arith.ori %gt3A_588, %and3A_591 : vector<16xi1>
    %select_n3A_593 = arith.select %or3A_592, %gather3A_577, %select_n3A_563 : vector<16xi1>, vector<16xf32>
    %select_n3A_594 = arith.select %or3A_592, %gather3A_587, %select_n3A_564 : vector<16xi1>, vector<16xi32>
    %xor3A_595 = arith.constant 1 : i32
    %xor3A_596 = vector.broadcast %xor3A_595 : i32 to vector<16xi32>
    %xor3A_597 = arith.xori %iota3A, %xor3A_596 : vector<16xi32>
    %lt3A_598 = arith.constant 0 : i32
    %lt3A_599 = vector.broadcast %lt3A_598 : i32 to vector<16xi32>
    %lt3A_600 = arith.cmpi slt, %xor3A_597, %lt3A_599 : vector<16xi32>
    %add3A_601 = arith.constant 16 : i32
    %add3A_602 = vector.broadcast %add3A_601 : i32 to vector<16xi32>
    %add3A_603 = arith.addi %xor3A_597, %add3A_602 : vector<16xi32>
    %select_n3A_604 = arith.select %lt3A_600, %add3A_603, %xor3A_597 : vector<16xi1>, vector<16xi32>
    %broadcast_in_dim3A_605 = vector.shape_cast %select_n3A_604 : vector<16xi32> to vector<16x1xi32>
    %gather3A_606 = vector.shape_cast %broadcast_in_dim3A_605 : vector<16x1xi32> to vector<16xi32>
    %gather3A_607 = tpu.dynamic_gather %select_n3A_593[%gather3A_606] in [0] : vector<16xf32>, vector<16xi32> -> vector<16xf32>
    %lt3A_608 = arith.constant 0 : i32
    %lt3A_609 = vector.broadcast %lt3A_608 : i32 to vector<16xi32>
    %lt3A_610 = arith.cmpi slt, %xor3A_597, %lt3A_609 : vector<16xi32>
    %add3A_611 = arith.constant 16 : i32
    %add3A_612 = vector.broadcast %add3A_611 : i32 to vector<16xi32>
    %add3A_613 = arith.addi %xor3A_597, %add3A_612 : vector<16xi32>
    %select_n3A_614 = arith.select %lt3A_610, %add3A_613, %xor3A_597 : vector<16xi1>, vector<16xi32>
    %broadcast_in_dim3A_615 = vector.shape_cast %select_n3A_614 : vector<16xi32> to vector<16x1xi32>
    %gather3A_616 = vector.shape_cast %broadcast_in_dim3A_615 : vector<16x1xi32> to vector<16xi32>
    %gather3A_617 = tpu.dynamic_gather %select_n3A_594[%gather3A_616] in [0] : vector<16xi32>, vector<16xi32> -> vector<16xi32>
    %gt3A_618 = arith.cmpf ogt, %gather3A_607, %select_n3A_593 : vector<16xf32>
    %eq3A_619 = arith.cmpf oeq, %gather3A_607, %select_n3A_593 : vector<16xf32>
    %lt3A_620 = arith.cmpi slt, %gather3A_617, %select_n3A_594 : vector<16xi32>
    %and3A_621 = arith.andi %eq3A_619, %lt3A_620 : vector<16xi1>
    %or3A_622 = arith.ori %gt3A_618, %and3A_621 : vector<16xi1>
    %select_n3A_623 = arith.select %or3A_622, %gather3A_607, %select_n3A_593 : vector<16xi1>, vector<16xf32>
    %select_n3A_624 = arith.select %or3A_622, %gather3A_617, %select_n3A_594 : vector<16xi1>, vector<16xi32>
    %and3A_625 = arith.constant 2047 : i32
    %and3A_626 = vector.broadcast %and3A_625 : i32 to vector<16xi32>
    %and3A_627 = arith.andi %select_n3A_624, %and3A_626 : vector<16xi32>
    %broadcast_in_dim3A_628 = arith.constant 3 : i32
    %broadcast_in_dim3A_629 = vector.broadcast %broadcast_in_dim3A_628 : i32 to vector<16xi32>
    %gather3A_630 = tpu.vector_load_idx %arg4[%broadcast_in_dim3A_629, %and3A_627] : memref<8x2048xf32, #tpu.memory_space<vmem>>[vector<16xi32>, vector<16xi32>], vector<16xf32>,
    %gather3A_631 = tpu.vector_load_idx %arg6[%broadcast_in_dim3A_629, %and3A_627] : memref<8x2048xf32, #tpu.memory_space<vmem>>[vector<16xi32>, vector<16xi32>], vector<16xf32>,
    %swap3A_632 = arith.constant 192 : index
    %swap3A_633 = tpu.vector_load %arg9[%swap3A_632] {strides = array<i32>} : memref<512xf32, #tpu.memory_space<vmem>>, vector<16xf32>,
    tpu.vector_store %arg9[%swap3A_632], %select_n3A_623 {strides = array<i32>} : memref<512xf32, #tpu.memory_space<vmem>>, vector<16xf32>,
    %bitcast3A_634 = vector.bitcast %select_n3A_624 : vector<16xi32> to vector<16xf32>
    %swap3A_635 = arith.constant 208 : index
    %swap3A_636 = tpu.vector_load %arg9[%swap3A_635] {strides = array<i32>} : memref<512xf32, #tpu.memory_space<vmem>>, vector<16xf32>,
    tpu.vector_store %arg9[%swap3A_635], %bitcast3A_634 {strides = array<i32>} : memref<512xf32, #tpu.memory_space<vmem>>, vector<16xf32>,
    %swap3A_637 = arith.constant 224 : index
    %swap3A_638 = tpu.vector_load %arg9[%swap3A_637] {strides = array<i32>} : memref<512xf32, #tpu.memory_space<vmem>>, vector<16xf32>,
    tpu.vector_store %arg9[%swap3A_637], %gather3A_630 {strides = array<i32>} : memref<512xf32, #tpu.memory_space<vmem>>, vector<16xf32>,
    %swap3A_639 = arith.constant 240 : index
    %swap3A_640 = tpu.vector_load %arg9[%swap3A_639] {strides = array<i32>} : memref<512xf32, #tpu.memory_space<vmem>>, vector<16xf32>,
    tpu.vector_store %arg9[%swap3A_639], %gather3A_631 {strides = array<i32>} : memref<512xf32, #tpu.memory_space<vmem>>, vector<16xf32>,
    %xor3A_641 = arith.constant 8 : i32
    %xor3A_642 = vector.broadcast %xor3A_641 : i32 to vector<16xi32>
    %xor3A_643 = arith.xori %iota3A, %xor3A_642 : vector<16xi32>
    %lt3A_644 = arith.constant 0 : i32
    %lt3A_645 = vector.broadcast %lt3A_644 : i32 to vector<16xi32>
    %lt3A_646 = arith.cmpi slt, %xor3A_643, %lt3A_645 : vector<16xi32>
    %add3A_647 = arith.constant 16 : i32
    %add3A_648 = vector.broadcast %add3A_647 : i32 to vector<16xi32>
    %add3A_649 = arith.addi %xor3A_643, %add3A_648 : vector<16xi32>
    %select_n3A_650 = arith.select %lt3A_646, %add3A_649, %xor3A_643 : vector<16xi1>, vector<16xi32>
    %broadcast_in_dim3A_651 = vector.shape_cast %select_n3A_650 : vector<16xi32> to vector<16x1xi32>
    %gather3A_652 = vector.shape_cast %broadcast_in_dim3A_651 : vector<16x1xi32> to vector<16xi32>
    %gather3A_653 = tpu.dynamic_gather %parallel_loop3A_90#8[%gather3A_652] in [0] : vector<16xf32>, vector<16xi32> -> vector<16xf32>
    %lt3A_654 = arith.constant 0 : i32
    %lt3A_655 = vector.broadcast %lt3A_654 : i32 to vector<16xi32>
    %lt3A_656 = arith.cmpi slt, %xor3A_643, %lt3A_655 : vector<16xi32>
    %add3A_657 = arith.constant 16 : i32
    %add3A_658 = vector.broadcast %add3A_657 : i32 to vector<16xi32>
    %add3A_659 = arith.addi %xor3A_643, %add3A_658 : vector<16xi32>
    %select_n3A_660 = arith.select %lt3A_656, %add3A_659, %xor3A_643 : vector<16xi1>, vector<16xi32>
    %broadcast_in_dim3A_661 = vector.shape_cast %select_n3A_660 : vector<16xi32> to vector<16x1xi32>
    %gather3A_662 = vector.shape_cast %broadcast_in_dim3A_661 : vector<16x1xi32> to vector<16xi32>
    %gather3A_663 = tpu.dynamic_gather %parallel_loop3A_90#9[%gather3A_662] in [0] : vector<16xi32>, vector<16xi32> -> vector<16xi32>
    %gt3A_664 = arith.cmpf ogt, %gather3A_653, %parallel_loop3A_90#8 : vector<16xf32>
    %eq3A_665 = arith.cmpf oeq, %gather3A_653, %parallel_loop3A_90#8 : vector<16xf32>
    %lt3A_666 = arith.cmpi slt, %gather3A_663, %parallel_loop3A_90#9 : vector<16xi32>
    %and3A_667 = arith.andi %eq3A_665, %lt3A_666 : vector<16xi1>
    %or3A_668 = arith.ori %gt3A_664, %and3A_667 : vector<16xi1>
    %select_n3A_669 = arith.select %or3A_668, %gather3A_653, %parallel_loop3A_90#8 : vector<16xi1>, vector<16xf32>
    %select_n3A_670 = arith.select %or3A_668, %gather3A_663, %parallel_loop3A_90#9 : vector<16xi1>, vector<16xi32>
    %xor3A_671 = arith.constant 4 : i32
    %xor3A_672 = vector.broadcast %xor3A_671 : i32 to vector<16xi32>
    %xor3A_673 = arith.xori %iota3A, %xor3A_672 : vector<16xi32>
    %lt3A_674 = arith.constant 0 : i32
    %lt3A_675 = vector.broadcast %lt3A_674 : i32 to vector<16xi32>
    %lt3A_676 = arith.cmpi slt, %xor3A_673, %lt3A_675 : vector<16xi32>
    %add3A_677 = arith.constant 16 : i32
    %add3A_678 = vector.broadcast %add3A_677 : i32 to vector<16xi32>
    %add3A_679 = arith.addi %xor3A_673, %add3A_678 : vector<16xi32>
    %select_n3A_680 = arith.select %lt3A_676, %add3A_679, %xor3A_673 : vector<16xi1>, vector<16xi32>
    %broadcast_in_dim3A_681 = vector.shape_cast %select_n3A_680 : vector<16xi32> to vector<16x1xi32>
    %gather3A_682 = vector.shape_cast %broadcast_in_dim3A_681 : vector<16x1xi32> to vector<16xi32>
    %gather3A_683 = tpu.dynamic_gather %select_n3A_669[%gather3A_682] in [0] : vector<16xf32>, vector<16xi32> -> vector<16xf32>
    %lt3A_684 = arith.constant 0 : i32
    %lt3A_685 = vector.broadcast %lt3A_684 : i32 to vector<16xi32>
    %lt3A_686 = arith.cmpi slt, %xor3A_673, %lt3A_685 : vector<16xi32>
    %add3A_687 = arith.constant 16 : i32
    %add3A_688 = vector.broadcast %add3A_687 : i32 to vector<16xi32>
    %add3A_689 = arith.addi %xor3A_673, %add3A_688 : vector<16xi32>
    %select_n3A_690 = arith.select %lt3A_686, %add3A_689, %xor3A_673 : vector<16xi1>, vector<16xi32>
    %broadcast_in_dim3A_691 = vector.shape_cast %select_n3A_690 : vector<16xi32> to vector<16x1xi32>
    %gather3A_692 = vector.shape_cast %broadcast_in_dim3A_691 : vector<16x1xi32> to vector<16xi32>
    %gather3A_693 = tpu.dynamic_gather %select_n3A_670[%gather3A_692] in [0] : vector<16xi32>, vector<16xi32> -> vector<16xi32>
    %gt3A_694 = arith.cmpf ogt, %gather3A_683, %select_n3A_669 : vector<16xf32>
    %eq3A_695 = arith.cmpf oeq, %gather3A_683, %select_n3A_669 : vector<16xf32>
    %lt3A_696 = arith.cmpi slt, %gather3A_693, %select_n3A_670 : vector<16xi32>
    %and3A_697 = arith.andi %eq3A_695, %lt3A_696 : vector<16xi1>
    %or3A_698 = arith.ori %gt3A_694, %and3A_697 : vector<16xi1>
    %select_n3A_699 = arith.select %or3A_698, %gather3A_683, %select_n3A_669 : vector<16xi1>, vector<16xf32>
    %select_n3A_700 = arith.select %or3A_698, %gather3A_693, %select_n3A_670 : vector<16xi1>, vector<16xi32>
    %xor3A_701 = arith.constant 2 : i32
    %xor3A_702 = vector.broadcast %xor3A_701 : i32 to vector<16xi32>
    %xor3A_703 = arith.xori %iota3A, %xor3A_702 : vector<16xi32>
    %lt3A_704 = arith.constant 0 : i32
    %lt3A_705 = vector.broadcast %lt3A_704 : i32 to vector<16xi32>
    %lt3A_706 = arith.cmpi slt, %xor3A_703, %lt3A_705 : vector<16xi32>
    %add3A_707 = arith.constant 16 : i32
    %add3A_708 = vector.broadcast %add3A_707 : i32 to vector<16xi32>
    %add3A_709 = arith.addi %xor3A_703, %add3A_708 : vector<16xi32>
    %select_n3A_710 = arith.select %lt3A_706, %add3A_709, %xor3A_703 : vector<16xi1>, vector<16xi32>
    %broadcast_in_dim3A_711 = vector.shape_cast %select_n3A_710 : vector<16xi32> to vector<16x1xi32>
    %gather3A_712 = vector.shape_cast %broadcast_in_dim3A_711 : vector<16x1xi32> to vector<16xi32>
    %gather3A_713 = tpu.dynamic_gather %select_n3A_699[%gather3A_712] in [0] : vector<16xf32>, vector<16xi32> -> vector<16xf32>
    %lt3A_714 = arith.constant 0 : i32
    %lt3A_715 = vector.broadcast %lt3A_714 : i32 to vector<16xi32>
    %lt3A_716 = arith.cmpi slt, %xor3A_703, %lt3A_715 : vector<16xi32>
    %add3A_717 = arith.constant 16 : i32
    %add3A_718 = vector.broadcast %add3A_717 : i32 to vector<16xi32>
    %add3A_719 = arith.addi %xor3A_703, %add3A_718 : vector<16xi32>
    %select_n3A_720 = arith.select %lt3A_716, %add3A_719, %xor3A_703 : vector<16xi1>, vector<16xi32>
    %broadcast_in_dim3A_721 = vector.shape_cast %select_n3A_720 : vector<16xi32> to vector<16x1xi32>
    %gather3A_722 = vector.shape_cast %broadcast_in_dim3A_721 : vector<16x1xi32> to vector<16xi32>
    %gather3A_723 = tpu.dynamic_gather %select_n3A_700[%gather3A_722] in [0] : vector<16xi32>, vector<16xi32> -> vector<16xi32>
    %gt3A_724 = arith.cmpf ogt, %gather3A_713, %select_n3A_699 : vector<16xf32>
    %eq3A_725 = arith.cmpf oeq, %gather3A_713, %select_n3A_699 : vector<16xf32>
    %lt3A_726 = arith.cmpi slt, %gather3A_723, %select_n3A_700 : vector<16xi32>
    %and3A_727 = arith.andi %eq3A_725, %lt3A_726 : vector<16xi1>
    %or3A_728 = arith.ori %gt3A_724, %and3A_727 : vector<16xi1>
    %select_n3A_729 = arith.select %or3A_728, %gather3A_713, %select_n3A_699 : vector<16xi1>, vector<16xf32>
    %select_n3A_730 = arith.select %or3A_728, %gather3A_723, %select_n3A_700 : vector<16xi1>, vector<16xi32>
    %xor3A_731 = arith.constant 1 : i32
    %xor3A_732 = vector.broadcast %xor3A_731 : i32 to vector<16xi32>
    %xor3A_733 = arith.xori %iota3A, %xor3A_732 : vector<16xi32>
    %lt3A_734 = arith.constant 0 : i32
    %lt3A_735 = vector.broadcast %lt3A_734 : i32 to vector<16xi32>
    %lt3A_736 = arith.cmpi slt, %xor3A_733, %lt3A_735 : vector<16xi32>
    %add3A_737 = arith.constant 16 : i32
    %add3A_738 = vector.broadcast %add3A_737 : i32 to vector<16xi32>
    %add3A_739 = arith.addi %xor3A_733, %add3A_738 : vector<16xi32>
    %select_n3A_740 = arith.select %lt3A_736, %add3A_739, %xor3A_733 : vector<16xi1>, vector<16xi32>
    %broadcast_in_dim3A_741 = vector.shape_cast %select_n3A_740 : vector<16xi32> to vector<16x1xi32>
    %gather3A_742 = vector.shape_cast %broadcast_in_dim3A_741 : vector<16x1xi32> to vector<16xi32>
    %gather3A_743 = tpu.dynamic_gather %select_n3A_729[%gather3A_742] in [0] : vector<16xf32>, vector<16xi32> -> vector<16xf32>
    %lt3A_744 = arith.constant 0 : i32
    %lt3A_745 = vector.broadcast %lt3A_744 : i32 to vector<16xi32>
    %lt3A_746 = arith.cmpi slt, %xor3A_733, %lt3A_745 : vector<16xi32>
    %add3A_747 = arith.constant 16 : i32
    %add3A_748 = vector.broadcast %add3A_747 : i32 to vector<16xi32>
    %add3A_749 = arith.addi %xor3A_733, %add3A_748 : vector<16xi32>
    %select_n3A_750 = arith.select %lt3A_746, %add3A_749, %xor3A_733 : vector<16xi1>, vector<16xi32>
    %broadcast_in_dim3A_751 = vector.shape_cast %select_n3A_750 : vector<16xi32> to vector<16x1xi32>
    %gather3A_752 = vector.shape_cast %broadcast_in_dim3A_751 : vector<16x1xi32> to vector<16xi32>
    %gather3A_753 = tpu.dynamic_gather %select_n3A_730[%gather3A_752] in [0] : vector<16xi32>, vector<16xi32> -> vector<16xi32>
    %gt3A_754 = arith.cmpf ogt, %gather3A_743, %select_n3A_729 : vector<16xf32>
    %eq3A_755 = arith.cmpf oeq, %gather3A_743, %select_n3A_729 : vector<16xf32>
    %lt3A_756 = arith.cmpi slt, %gather3A_753, %select_n3A_730 : vector<16xi32>
    %and3A_757 = arith.andi %eq3A_755, %lt3A_756 : vector<16xi1>
    %or3A_758 = arith.ori %gt3A_754, %and3A_757 : vector<16xi1>
    %select_n3A_759 = arith.select %or3A_758, %gather3A_743, %select_n3A_729 : vector<16xi1>, vector<16xf32>
    %select_n3A_760 = arith.select %or3A_758, %gather3A_753, %select_n3A_730 : vector<16xi1>, vector<16xi32>
    %and3A_761 = arith.constant 2047 : i32
    %and3A_762 = vector.broadcast %and3A_761 : i32 to vector<16xi32>
    %and3A_763 = arith.andi %select_n3A_760, %and3A_762 : vector<16xi32>
    %broadcast_in_dim3A_764 = arith.constant 4 : i32
    %broadcast_in_dim3A_765 = vector.broadcast %broadcast_in_dim3A_764 : i32 to vector<16xi32>
    %gather3A_766 = tpu.vector_load_idx %arg4[%broadcast_in_dim3A_765, %and3A_763] : memref<8x2048xf32, #tpu.memory_space<vmem>>[vector<16xi32>, vector<16xi32>], vector<16xf32>,
    %gather3A_767 = tpu.vector_load_idx %arg6[%broadcast_in_dim3A_765, %and3A_763] : memref<8x2048xf32, #tpu.memory_space<vmem>>[vector<16xi32>, vector<16xi32>], vector<16xf32>,
    %swap3A_768 = arith.constant 256 : index
    %swap3A_769 = tpu.vector_load %arg9[%swap3A_768] {strides = array<i32>} : memref<512xf32, #tpu.memory_space<vmem>>, vector<16xf32>,
    tpu.vector_store %arg9[%swap3A_768], %select_n3A_759 {strides = array<i32>} : memref<512xf32, #tpu.memory_space<vmem>>, vector<16xf32>,
    %bitcast3A_770 = vector.bitcast %select_n3A_760 : vector<16xi32> to vector<16xf32>
    %swap3A_771 = arith.constant 272 : index
    %swap3A_772 = tpu.vector_load %arg9[%swap3A_771] {strides = array<i32>} : memref<512xf32, #tpu.memory_space<vmem>>, vector<16xf32>,
    tpu.vector_store %arg9[%swap3A_771], %bitcast3A_770 {strides = array<i32>} : memref<512xf32, #tpu.memory_space<vmem>>, vector<16xf32>,
    %swap3A_773 = arith.constant 288 : index
    %swap3A_774 = tpu.vector_load %arg9[%swap3A_773] {strides = array<i32>} : memref<512xf32, #tpu.memory_space<vmem>>, vector<16xf32>,
    tpu.vector_store %arg9[%swap3A_773], %gather3A_766 {strides = array<i32>} : memref<512xf32, #tpu.memory_space<vmem>>, vector<16xf32>,
    %swap3A_775 = arith.constant 304 : index
    %swap3A_776 = tpu.vector_load %arg9[%swap3A_775] {strides = array<i32>} : memref<512xf32, #tpu.memory_space<vmem>>, vector<16xf32>,
    tpu.vector_store %arg9[%swap3A_775], %gather3A_767 {strides = array<i32>} : memref<512xf32, #tpu.memory_space<vmem>>, vector<16xf32>,
    %xor3A_777 = arith.constant 8 : i32
    %xor3A_778 = vector.broadcast %xor3A_777 : i32 to vector<16xi32>
    %xor3A_779 = arith.xori %iota3A, %xor3A_778 : vector<16xi32>
    %lt3A_780 = arith.constant 0 : i32
    %lt3A_781 = vector.broadcast %lt3A_780 : i32 to vector<16xi32>
    %lt3A_782 = arith.cmpi slt, %xor3A_779, %lt3A_781 : vector<16xi32>
    %add3A_783 = arith.constant 16 : i32
    %add3A_784 = vector.broadcast %add3A_783 : i32 to vector<16xi32>
    %add3A_785 = arith.addi %xor3A_779, %add3A_784 : vector<16xi32>
    %select_n3A_786 = arith.select %lt3A_782, %add3A_785, %xor3A_779 : vector<16xi1>, vector<16xi32>
    %broadcast_in_dim3A_787 = vector.shape_cast %select_n3A_786 : vector<16xi32> to vector<16x1xi32>
    %gather3A_788 = vector.shape_cast %broadcast_in_dim3A_787 : vector<16x1xi32> to vector<16xi32>
    %gather3A_789 = tpu.dynamic_gather %parallel_loop3A_90#10[%gather3A_788] in [0] : vector<16xf32>, vector<16xi32> -> vector<16xf32>
    %lt3A_790 = arith.constant 0 : i32
    %lt3A_791 = vector.broadcast %lt3A_790 : i32 to vector<16xi32>
    %lt3A_792 = arith.cmpi slt, %xor3A_779, %lt3A_791 : vector<16xi32>
    %add3A_793 = arith.constant 16 : i32
    %add3A_794 = vector.broadcast %add3A_793 : i32 to vector<16xi32>
    %add3A_795 = arith.addi %xor3A_779, %add3A_794 : vector<16xi32>
    %select_n3A_796 = arith.select %lt3A_792, %add3A_795, %xor3A_779 : vector<16xi1>, vector<16xi32>
    %broadcast_in_dim3A_797 = vector.shape_cast %select_n3A_796 : vector<16xi32> to vector<16x1xi32>
    %gather3A_798 = vector.shape_cast %broadcast_in_dim3A_797 : vector<16x1xi32> to vector<16xi32>
    %gather3A_799 = tpu.dynamic_gather %parallel_loop3A_90#11[%gather3A_798] in [0] : vector<16xi32>, vector<16xi32> -> vector<16xi32>
    %gt3A_800 = arith.cmpf ogt, %gather3A_789, %parallel_loop3A_90#10 : vector<16xf32>
    %eq3A_801 = arith.cmpf oeq, %gather3A_789, %parallel_loop3A_90#10 : vector<16xf32>
    %lt3A_802 = arith.cmpi slt, %gather3A_799, %parallel_loop3A_90#11 : vector<16xi32>
    %and3A_803 = arith.andi %eq3A_801, %lt3A_802 : vector<16xi1>
    %or3A_804 = arith.ori %gt3A_800, %and3A_803 : vector<16xi1>
    %select_n3A_805 = arith.select %or3A_804, %gather3A_789, %parallel_loop3A_90#10 : vector<16xi1>, vector<16xf32>
    %select_n3A_806 = arith.select %or3A_804, %gather3A_799, %parallel_loop3A_90#11 : vector<16xi1>, vector<16xi32>
    %xor3A_807 = arith.constant 4 : i32
    %xor3A_808 = vector.broadcast %xor3A_807 : i32 to vector<16xi32>
    %xor3A_809 = arith.xori %iota3A, %xor3A_808 : vector<16xi32>
    %lt3A_810 = arith.constant 0 : i32
    %lt3A_811 = vector.broadcast %lt3A_810 : i32 to vector<16xi32>
    %lt3A_812 = arith.cmpi slt, %xor3A_809, %lt3A_811 : vector<16xi32>
    %add3A_813 = arith.constant 16 : i32
    %add3A_814 = vector.broadcast %add3A_813 : i32 to vector<16xi32>
    %add3A_815 = arith.addi %xor3A_809, %add3A_814 : vector<16xi32>
    %select_n3A_816 = arith.select %lt3A_812, %add3A_815, %xor3A_809 : vector<16xi1>, vector<16xi32>
    %broadcast_in_dim3A_817 = vector.shape_cast %select_n3A_816 : vector<16xi32> to vector<16x1xi32>
    %gather3A_818 = vector.shape_cast %broadcast_in_dim3A_817 : vector<16x1xi32> to vector<16xi32>
    %gather3A_819 = tpu.dynamic_gather %select_n3A_805[%gather3A_818] in [0] : vector<16xf32>, vector<16xi32> -> vector<16xf32>
    %lt3A_820 = arith.constant 0 : i32
    %lt3A_821 = vector.broadcast %lt3A_820 : i32 to vector<16xi32>
    %lt3A_822 = arith.cmpi slt, %xor3A_809, %lt3A_821 : vector<16xi32>
    %add3A_823 = arith.constant 16 : i32
    %add3A_824 = vector.broadcast %add3A_823 : i32 to vector<16xi32>
    %add3A_825 = arith.addi %xor3A_809, %add3A_824 : vector<16xi32>
    %select_n3A_826 = arith.select %lt3A_822, %add3A_825, %xor3A_809 : vector<16xi1>, vector<16xi32>
    %broadcast_in_dim3A_827 = vector.shape_cast %select_n3A_826 : vector<16xi32> to vector<16x1xi32>
    %gather3A_828 = vector.shape_cast %broadcast_in_dim3A_827 : vector<16x1xi32> to vector<16xi32>
    %gather3A_829 = tpu.dynamic_gather %select_n3A_806[%gather3A_828] in [0] : vector<16xi32>, vector<16xi32> -> vector<16xi32>
    %gt3A_830 = arith.cmpf ogt, %gather3A_819, %select_n3A_805 : vector<16xf32>
    %eq3A_831 = arith.cmpf oeq, %gather3A_819, %select_n3A_805 : vector<16xf32>
    %lt3A_832 = arith.cmpi slt, %gather3A_829, %select_n3A_806 : vector<16xi32>
    %and3A_833 = arith.andi %eq3A_831, %lt3A_832 : vector<16xi1>
    %or3A_834 = arith.ori %gt3A_830, %and3A_833 : vector<16xi1>
    %select_n3A_835 = arith.select %or3A_834, %gather3A_819, %select_n3A_805 : vector<16xi1>, vector<16xf32>
    %select_n3A_836 = arith.select %or3A_834, %gather3A_829, %select_n3A_806 : vector<16xi1>, vector<16xi32>
    %xor3A_837 = arith.constant 2 : i32
    %xor3A_838 = vector.broadcast %xor3A_837 : i32 to vector<16xi32>
    %xor3A_839 = arith.xori %iota3A, %xor3A_838 : vector<16xi32>
    %lt3A_840 = arith.constant 0 : i32
    %lt3A_841 = vector.broadcast %lt3A_840 : i32 to vector<16xi32>
    %lt3A_842 = arith.cmpi slt, %xor3A_839, %lt3A_841 : vector<16xi32>
    %add3A_843 = arith.constant 16 : i32
    %add3A_844 = vector.broadcast %add3A_843 : i32 to vector<16xi32>
    %add3A_845 = arith.addi %xor3A_839, %add3A_844 : vector<16xi32>
    %select_n3A_846 = arith.select %lt3A_842, %add3A_845, %xor3A_839 : vector<16xi1>, vector<16xi32>
    %broadcast_in_dim3A_847 = vector.shape_cast %select_n3A_846 : vector<16xi32> to vector<16x1xi32>
    %gather3A_848 = vector.shape_cast %broadcast_in_dim3A_847 : vector<16x1xi32> to vector<16xi32>
    %gather3A_849 = tpu.dynamic_gather %select_n3A_835[%gather3A_848] in [0] : vector<16xf32>, vector<16xi32> -> vector<16xf32>
    %lt3A_850 = arith.constant 0 : i32
    %lt3A_851 = vector.broadcast %lt3A_850 : i32 to vector<16xi32>
    %lt3A_852 = arith.cmpi slt, %xor3A_839, %lt3A_851 : vector<16xi32>
    %add3A_853 = arith.constant 16 : i32
    %add3A_854 = vector.broadcast %add3A_853 : i32 to vector<16xi32>
    %add3A_855 = arith.addi %xor3A_839, %add3A_854 : vector<16xi32>
    %select_n3A_856 = arith.select %lt3A_852, %add3A_855, %xor3A_839 : vector<16xi1>, vector<16xi32>
    %broadcast_in_dim3A_857 = vector.shape_cast %select_n3A_856 : vector<16xi32> to vector<16x1xi32>
    %gather3A_858 = vector.shape_cast %broadcast_in_dim3A_857 : vector<16x1xi32> to vector<16xi32>
    %gather3A_859 = tpu.dynamic_gather %select_n3A_836[%gather3A_858] in [0] : vector<16xi32>, vector<16xi32> -> vector<16xi32>
    %gt3A_860 = arith.cmpf ogt, %gather3A_849, %select_n3A_835 : vector<16xf32>
    %eq3A_861 = arith.cmpf oeq, %gather3A_849, %select_n3A_835 : vector<16xf32>
    %lt3A_862 = arith.cmpi slt, %gather3A_859, %select_n3A_836 : vector<16xi32>
    %and3A_863 = arith.andi %eq3A_861, %lt3A_862 : vector<16xi1>
    %or3A_864 = arith.ori %gt3A_860, %and3A_863 : vector<16xi1>
    %select_n3A_865 = arith.select %or3A_864, %gather3A_849, %select_n3A_835 : vector<16xi1>, vector<16xf32>
    %select_n3A_866 = arith.select %or3A_864, %gather3A_859, %select_n3A_836 : vector<16xi1>, vector<16xi32>
    %xor3A_867 = arith.constant 1 : i32
    %xor3A_868 = vector.broadcast %xor3A_867 : i32 to vector<16xi32>
    %xor3A_869 = arith.xori %iota3A, %xor3A_868 : vector<16xi32>
    %lt3A_870 = arith.constant 0 : i32
    %lt3A_871 = vector.broadcast %lt3A_870 : i32 to vector<16xi32>
    %lt3A_872 = arith.cmpi slt, %xor3A_869, %lt3A_871 : vector<16xi32>
    %add3A_873 = arith.constant 16 : i32
    %add3A_874 = vector.broadcast %add3A_873 : i32 to vector<16xi32>
    %add3A_875 = arith.addi %xor3A_869, %add3A_874 : vector<16xi32>
    %select_n3A_876 = arith.select %lt3A_872, %add3A_875, %xor3A_869 : vector<16xi1>, vector<16xi32>
    %broadcast_in_dim3A_877 = vector.shape_cast %select_n3A_876 : vector<16xi32> to vector<16x1xi32>
    %gather3A_878 = vector.shape_cast %broadcast_in_dim3A_877 : vector<16x1xi32> to vector<16xi32>
    %gather3A_879 = tpu.dynamic_gather %select_n3A_865[%gather3A_878] in [0] : vector<16xf32>, vector<16xi32> -> vector<16xf32>
    %lt3A_880 = arith.constant 0 : i32
    %lt3A_881 = vector.broadcast %lt3A_880 : i32 to vector<16xi32>
    %lt3A_882 = arith.cmpi slt, %xor3A_869, %lt3A_881 : vector<16xi32>
    %add3A_883 = arith.constant 16 : i32
    %add3A_884 = vector.broadcast %add3A_883 : i32 to vector<16xi32>
    %add3A_885 = arith.addi %xor3A_869, %add3A_884 : vector<16xi32>
    %select_n3A_886 = arith.select %lt3A_882, %add3A_885, %xor3A_869 : vector<16xi1>, vector<16xi32>
    %broadcast_in_dim3A_887 = vector.shape_cast %select_n3A_886 : vector<16xi32> to vector<16x1xi32>
    %gather3A_888 = vector.shape_cast %broadcast_in_dim3A_887 : vector<16x1xi32> to vector<16xi32>
    %gather3A_889 = tpu.dynamic_gather %select_n3A_866[%gather3A_888] in [0] : vector<16xi32>, vector<16xi32> -> vector<16xi32>
    %gt3A_890 = arith.cmpf ogt, %gather3A_879, %select_n3A_865 : vector<16xf32>
    %eq3A_891 = arith.cmpf oeq, %gather3A_879, %select_n3A_865 : vector<16xf32>
    %lt3A_892 = arith.cmpi slt, %gather3A_889, %select_n3A_866 : vector<16xi32>
    %and3A_893 = arith.andi %eq3A_891, %lt3A_892 : vector<16xi1>
    %or3A_894 = arith.ori %gt3A_890, %and3A_893 : vector<16xi1>
    %select_n3A_895 = arith.select %or3A_894, %gather3A_879, %select_n3A_865 : vector<16xi1>, vector<16xf32>
    %select_n3A_896 = arith.select %or3A_894, %gather3A_889, %select_n3A_866 : vector<16xi1>, vector<16xi32>
    %and3A_897 = arith.constant 2047 : i32
    %and3A_898 = vector.broadcast %and3A_897 : i32 to vector<16xi32>
    %and3A_899 = arith.andi %select_n3A_896, %and3A_898 : vector<16xi32>
    %broadcast_in_dim3A_900 = arith.constant 5 : i32
    %broadcast_in_dim3A_901 = vector.broadcast %broadcast_in_dim3A_900 : i32 to vector<16xi32>
    %gather3A_902 = tpu.vector_load_idx %arg4[%broadcast_in_dim3A_901, %and3A_899] : memref<8x2048xf32, #tpu.memory_space<vmem>>[vector<16xi32>, vector<16xi32>], vector<16xf32>,
    %gather3A_903 = tpu.vector_load_idx %arg6[%broadcast_in_dim3A_901, %and3A_899] : memref<8x2048xf32, #tpu.memory_space<vmem>>[vector<16xi32>, vector<16xi32>], vector<16xf32>,
    %swap3A_904 = arith.constant 320 : index
    %swap3A_905 = tpu.vector_load %arg9[%swap3A_904] {strides = array<i32>} : memref<512xf32, #tpu.memory_space<vmem>>, vector<16xf32>,
    tpu.vector_store %arg9[%swap3A_904], %select_n3A_895 {strides = array<i32>} : memref<512xf32, #tpu.memory_space<vmem>>, vector<16xf32>,
    %bitcast3A_906 = vector.bitcast %select_n3A_896 : vector<16xi32> to vector<16xf32>
    %swap3A_907 = arith.constant 336 : index
    %swap3A_908 = tpu.vector_load %arg9[%swap3A_907] {strides = array<i32>} : memref<512xf32, #tpu.memory_space<vmem>>, vector<16xf32>,
    tpu.vector_store %arg9[%swap3A_907], %bitcast3A_906 {strides = array<i32>} : memref<512xf32, #tpu.memory_space<vmem>>, vector<16xf32>,
    %swap3A_909 = arith.constant 352 : index
    %swap3A_910 = tpu.vector_load %arg9[%swap3A_909] {strides = array<i32>} : memref<512xf32, #tpu.memory_space<vmem>>, vector<16xf32>,
    tpu.vector_store %arg9[%swap3A_909], %gather3A_902 {strides = array<i32>} : memref<512xf32, #tpu.memory_space<vmem>>, vector<16xf32>,
    %swap3A_911 = arith.constant 368 : index
    %swap3A_912 = tpu.vector_load %arg9[%swap3A_911] {strides = array<i32>} : memref<512xf32, #tpu.memory_space<vmem>>, vector<16xf32>,
    tpu.vector_store %arg9[%swap3A_911], %gather3A_903 {strides = array<i32>} : memref<512xf32, #tpu.memory_space<vmem>>, vector<16xf32>,
    %xor3A_913 = arith.constant 8 : i32
    %xor3A_914 = vector.broadcast %xor3A_913 : i32 to vector<16xi32>
    %xor3A_915 = arith.xori %iota3A, %xor3A_914 : vector<16xi32>
    %lt3A_916 = arith.constant 0 : i32
    %lt3A_917 = vector.broadcast %lt3A_916 : i32 to vector<16xi32>
    %lt3A_918 = arith.cmpi slt, %xor3A_915, %lt3A_917 : vector<16xi32>
    %add3A_919 = arith.constant 16 : i32
    %add3A_920 = vector.broadcast %add3A_919 : i32 to vector<16xi32>
    %add3A_921 = arith.addi %xor3A_915, %add3A_920 : vector<16xi32>
    %select_n3A_922 = arith.select %lt3A_918, %add3A_921, %xor3A_915 : vector<16xi1>, vector<16xi32>
    %broadcast_in_dim3A_923 = vector.shape_cast %select_n3A_922 : vector<16xi32> to vector<16x1xi32>
    %gather3A_924 = vector.shape_cast %broadcast_in_dim3A_923 : vector<16x1xi32> to vector<16xi32>
    %gather3A_925 = tpu.dynamic_gather %parallel_loop3A_90#12[%gather3A_924] in [0] : vector<16xf32>, vector<16xi32> -> vector<16xf32>
    %lt3A_926 = arith.constant 0 : i32
    %lt3A_927 = vector.broadcast %lt3A_926 : i32 to vector<16xi32>
    %lt3A_928 = arith.cmpi slt, %xor3A_915, %lt3A_927 : vector<16xi32>
    %add3A_929 = arith.constant 16 : i32
    %add3A_930 = vector.broadcast %add3A_929 : i32 to vector<16xi32>
    %add3A_931 = arith.addi %xor3A_915, %add3A_930 : vector<16xi32>
    %select_n3A_932 = arith.select %lt3A_928, %add3A_931, %xor3A_915 : vector<16xi1>, vector<16xi32>
    %broadcast_in_dim3A_933 = vector.shape_cast %select_n3A_932 : vector<16xi32> to vector<16x1xi32>
    %gather3A_934 = vector.shape_cast %broadcast_in_dim3A_933 : vector<16x1xi32> to vector<16xi32>
    %gather3A_935 = tpu.dynamic_gather %parallel_loop3A_90#13[%gather3A_934] in [0] : vector<16xi32>, vector<16xi32> -> vector<16xi32>
    %gt3A_936 = arith.cmpf ogt, %gather3A_925, %parallel_loop3A_90#12 : vector<16xf32>
    %eq3A_937 = arith.cmpf oeq, %gather3A_925, %parallel_loop3A_90#12 : vector<16xf32>
    %lt3A_938 = arith.cmpi slt, %gather3A_935, %parallel_loop3A_90#13 : vector<16xi32>
    %and3A_939 = arith.andi %eq3A_937, %lt3A_938 : vector<16xi1>
    %or3A_940 = arith.ori %gt3A_936, %and3A_939 : vector<16xi1>
    %select_n3A_941 = arith.select %or3A_940, %gather3A_925, %parallel_loop3A_90#12 : vector<16xi1>, vector<16xf32>
    %select_n3A_942 = arith.select %or3A_940, %gather3A_935, %parallel_loop3A_90#13 : vector<16xi1>, vector<16xi32>
    %xor3A_943 = arith.constant 4 : i32
    %xor3A_944 = vector.broadcast %xor3A_943 : i32 to vector<16xi32>
    %xor3A_945 = arith.xori %iota3A, %xor3A_944 : vector<16xi32>
    %lt3A_946 = arith.constant 0 : i32
    %lt3A_947 = vector.broadcast %lt3A_946 : i32 to vector<16xi32>
    %lt3A_948 = arith.cmpi slt, %xor3A_945, %lt3A_947 : vector<16xi32>
    %add3A_949 = arith.constant 16 : i32
    %add3A_950 = vector.broadcast %add3A_949 : i32 to vector<16xi32>
    %add3A_951 = arith.addi %xor3A_945, %add3A_950 : vector<16xi32>
    %select_n3A_952 = arith.select %lt3A_948, %add3A_951, %xor3A_945 : vector<16xi1>, vector<16xi32>
    %broadcast_in_dim3A_953 = vector.shape_cast %select_n3A_952 : vector<16xi32> to vector<16x1xi32>
    %gather3A_954 = vector.shape_cast %broadcast_in_dim3A_953 : vector<16x1xi32> to vector<16xi32>
    %gather3A_955 = tpu.dynamic_gather %select_n3A_941[%gather3A_954] in [0] : vector<16xf32>, vector<16xi32> -> vector<16xf32>
    %lt3A_956 = arith.constant 0 : i32
    %lt3A_957 = vector.broadcast %lt3A_956 : i32 to vector<16xi32>
    %lt3A_958 = arith.cmpi slt, %xor3A_945, %lt3A_957 : vector<16xi32>
    %add3A_959 = arith.constant 16 : i32
    %add3A_960 = vector.broadcast %add3A_959 : i32 to vector<16xi32>
    %add3A_961 = arith.addi %xor3A_945, %add3A_960 : vector<16xi32>
    %select_n3A_962 = arith.select %lt3A_958, %add3A_961, %xor3A_945 : vector<16xi1>, vector<16xi32>
    %broadcast_in_dim3A_963 = vector.shape_cast %select_n3A_962 : vector<16xi32> to vector<16x1xi32>
    %gather3A_964 = vector.shape_cast %broadcast_in_dim3A_963 : vector<16x1xi32> to vector<16xi32>
    %gather3A_965 = tpu.dynamic_gather %select_n3A_942[%gather3A_964] in [0] : vector<16xi32>, vector<16xi32> -> vector<16xi32>
    %gt3A_966 = arith.cmpf ogt, %gather3A_955, %select_n3A_941 : vector<16xf32>
    %eq3A_967 = arith.cmpf oeq, %gather3A_955, %select_n3A_941 : vector<16xf32>
    %lt3A_968 = arith.cmpi slt, %gather3A_965, %select_n3A_942 : vector<16xi32>
    %and3A_969 = arith.andi %eq3A_967, %lt3A_968 : vector<16xi1>
    %or3A_970 = arith.ori %gt3A_966, %and3A_969 : vector<16xi1>
    %select_n3A_971 = arith.select %or3A_970, %gather3A_955, %select_n3A_941 : vector<16xi1>, vector<16xf32>
    %select_n3A_972 = arith.select %or3A_970, %gather3A_965, %select_n3A_942 : vector<16xi1>, vector<16xi32>
    %xor3A_973 = arith.constant 2 : i32
    %xor3A_974 = vector.broadcast %xor3A_973 : i32 to vector<16xi32>
    %xor3A_975 = arith.xori %iota3A, %xor3A_974 : vector<16xi32>
    %lt3A_976 = arith.constant 0 : i32
    %lt3A_977 = vector.broadcast %lt3A_976 : i32 to vector<16xi32>
    %lt3A_978 = arith.cmpi slt, %xor3A_975, %lt3A_977 : vector<16xi32>
    %add3A_979 = arith.constant 16 : i32
    %add3A_980 = vector.broadcast %add3A_979 : i32 to vector<16xi32>
    %add3A_981 = arith.addi %xor3A_975, %add3A_980 : vector<16xi32>
    %select_n3A_982 = arith.select %lt3A_978, %add3A_981, %xor3A_975 : vector<16xi1>, vector<16xi32>
    %broadcast_in_dim3A_983 = vector.shape_cast %select_n3A_982 : vector<16xi32> to vector<16x1xi32>
    %gather3A_984 = vector.shape_cast %broadcast_in_dim3A_983 : vector<16x1xi32> to vector<16xi32>
    %gather3A_985 = tpu.dynamic_gather %select_n3A_971[%gather3A_984] in [0] : vector<16xf32>, vector<16xi32> -> vector<16xf32>
    %lt3A_986 = arith.constant 0 : i32
    %lt3A_987 = vector.broadcast %lt3A_986 : i32 to vector<16xi32>
    %lt3A_988 = arith.cmpi slt, %xor3A_975, %lt3A_987 : vector<16xi32>
    %add3A_989 = arith.constant 16 : i32
    %add3A_990 = vector.broadcast %add3A_989 : i32 to vector<16xi32>
    %add3A_991 = arith.addi %xor3A_975, %add3A_990 : vector<16xi32>
    %select_n3A_992 = arith.select %lt3A_988, %add3A_991, %xor3A_975 : vector<16xi1>, vector<16xi32>
    %broadcast_in_dim3A_993 = vector.shape_cast %select_n3A_992 : vector<16xi32> to vector<16x1xi32>
    %gather3A_994 = vector.shape_cast %broadcast_in_dim3A_993 : vector<16x1xi32> to vector<16xi32>
    %gather3A_995 = tpu.dynamic_gather %select_n3A_972[%gather3A_994] in [0] : vector<16xi32>, vector<16xi32> -> vector<16xi32>
    %gt3A_996 = arith.cmpf ogt, %gather3A_985, %select_n3A_971 : vector<16xf32>
    %eq3A_997 = arith.cmpf oeq, %gather3A_985, %select_n3A_971 : vector<16xf32>
    %lt3A_998 = arith.cmpi slt, %gather3A_995, %select_n3A_972 : vector<16xi32>
    %and3A_999 = arith.andi %eq3A_997, %lt3A_998 : vector<16xi1>
    %or3A_1000 = arith.ori %gt3A_996, %and3A_999 : vector<16xi1>
    %select_n3A_1001 = arith.select %or3A_1000, %gather3A_985, %select_n3A_971 : vector<16xi1>, vector<16xf32>
    %select_n3A_1002 = arith.select %or3A_1000, %gather3A_995, %select_n3A_972 : vector<16xi1>, vector<16xi32>
    %xor3A_1003 = arith.constant 1 : i32
    %xor3A_1004 = vector.broadcast %xor3A_1003 : i32 to vector<16xi32>
    %xor3A_1005 = arith.xori %iota3A, %xor3A_1004 : vector<16xi32>
    %lt3A_1006 = arith.constant 0 : i32
    %lt3A_1007 = vector.broadcast %lt3A_1006 : i32 to vector<16xi32>
    %lt3A_1008 = arith.cmpi slt, %xor3A_1005, %lt3A_1007 : vector<16xi32>
    %add3A_1009 = arith.constant 16 : i32
    %add3A_1010 = vector.broadcast %add3A_1009 : i32 to vector<16xi32>
    %add3A_1011 = arith.addi %xor3A_1005, %add3A_1010 : vector<16xi32>
    %select_n3A_1012 = arith.select %lt3A_1008, %add3A_1011, %xor3A_1005 : vector<16xi1>, vector<16xi32>
    %broadcast_in_dim3A_1013 = vector.shape_cast %select_n3A_1012 : vector<16xi32> to vector<16x1xi32>
    %gather3A_1014 = vector.shape_cast %broadcast_in_dim3A_1013 : vector<16x1xi32> to vector<16xi32>
    %gather3A_1015 = tpu.dynamic_gather %select_n3A_1001[%gather3A_1014] in [0] : vector<16xf32>, vector<16xi32> -> vector<16xf32>
    %lt3A_1016 = arith.constant 0 : i32
    %lt3A_1017 = vector.broadcast %lt3A_1016 : i32 to vector<16xi32>
    %lt3A_1018 = arith.cmpi slt, %xor3A_1005, %lt3A_1017 : vector<16xi32>
    %add3A_1019 = arith.constant 16 : i32
    %add3A_1020 = vector.broadcast %add3A_1019 : i32 to vector<16xi32>
    %add3A_1021 = arith.addi %xor3A_1005, %add3A_1020 : vector<16xi32>
    %select_n3A_1022 = arith.select %lt3A_1018, %add3A_1021, %xor3A_1005 : vector<16xi1>, vector<16xi32>
    %broadcast_in_dim3A_1023 = vector.shape_cast %select_n3A_1022 : vector<16xi32> to vector<16x1xi32>
    %gather3A_1024 = vector.shape_cast %broadcast_in_dim3A_1023 : vector<16x1xi32> to vector<16xi32>
    %gather3A_1025 = tpu.dynamic_gather %select_n3A_1002[%gather3A_1024] in [0] : vector<16xi32>, vector<16xi32> -> vector<16xi32>
    %gt3A_1026 = arith.cmpf ogt, %gather3A_1015, %select_n3A_1001 : vector<16xf32>
    %eq3A_1027 = arith.cmpf oeq, %gather3A_1015, %select_n3A_1001 : vector<16xf32>
    %lt3A_1028 = arith.cmpi slt, %gather3A_1025, %select_n3A_1002 : vector<16xi32>
    %and3A_1029 = arith.andi %eq3A_1027, %lt3A_1028 : vector<16xi1>
    %or3A_1030 = arith.ori %gt3A_1026, %and3A_1029 : vector<16xi1>
    %select_n3A_1031 = arith.select %or3A_1030, %gather3A_1015, %select_n3A_1001 : vector<16xi1>, vector<16xf32>
    %select_n3A_1032 = arith.select %or3A_1030, %gather3A_1025, %select_n3A_1002 : vector<16xi1>, vector<16xi32>
    %and3A_1033 = arith.constant 2047 : i32
    %and3A_1034 = vector.broadcast %and3A_1033 : i32 to vector<16xi32>
    %and3A_1035 = arith.andi %select_n3A_1032, %and3A_1034 : vector<16xi32>
    %broadcast_in_dim3A_1036 = arith.constant 6 : i32
    %broadcast_in_dim3A_1037 = vector.broadcast %broadcast_in_dim3A_1036 : i32 to vector<16xi32>
    %gather3A_1038 = tpu.vector_load_idx %arg4[%broadcast_in_dim3A_1037, %and3A_1035] : memref<8x2048xf32, #tpu.memory_space<vmem>>[vector<16xi32>, vector<16xi32>], vector<16xf32>,
    %gather3A_1039 = tpu.vector_load_idx %arg6[%broadcast_in_dim3A_1037, %and3A_1035] : memref<8x2048xf32, #tpu.memory_space<vmem>>[vector<16xi32>, vector<16xi32>], vector<16xf32>,
    %swap3A_1040 = arith.constant 384 : index
    %swap3A_1041 = tpu.vector_load %arg9[%swap3A_1040] {strides = array<i32>} : memref<512xf32, #tpu.memory_space<vmem>>, vector<16xf32>,
    tpu.vector_store %arg9[%swap3A_1040], %select_n3A_1031 {strides = array<i32>} : memref<512xf32, #tpu.memory_space<vmem>>, vector<16xf32>,
    %bitcast3A_1042 = vector.bitcast %select_n3A_1032 : vector<16xi32> to vector<16xf32>
    %swap3A_1043 = arith.constant 400 : index
    %swap3A_1044 = tpu.vector_load %arg9[%swap3A_1043] {strides = array<i32>} : memref<512xf32, #tpu.memory_space<vmem>>, vector<16xf32>,
    tpu.vector_store %arg9[%swap3A_1043], %bitcast3A_1042 {strides = array<i32>} : memref<512xf32, #tpu.memory_space<vmem>>, vector<16xf32>,
    %swap3A_1045 = arith.constant 416 : index
    %swap3A_1046 = tpu.vector_load %arg9[%swap3A_1045] {strides = array<i32>} : memref<512xf32, #tpu.memory_space<vmem>>, vector<16xf32>,
    tpu.vector_store %arg9[%swap3A_1045], %gather3A_1038 {strides = array<i32>} : memref<512xf32, #tpu.memory_space<vmem>>, vector<16xf32>,
    %swap3A_1047 = arith.constant 432 : index
    %swap3A_1048 = tpu.vector_load %arg9[%swap3A_1047] {strides = array<i32>} : memref<512xf32, #tpu.memory_space<vmem>>, vector<16xf32>,
    tpu.vector_store %arg9[%swap3A_1047], %gather3A_1039 {strides = array<i32>} : memref<512xf32, #tpu.memory_space<vmem>>, vector<16xf32>,
    %xor3A_1049 = arith.constant 8 : i32
    %xor3A_1050 = vector.broadcast %xor3A_1049 : i32 to vector<16xi32>
    %xor3A_1051 = arith.xori %iota3A, %xor3A_1050 : vector<16xi32>
    %lt3A_1052 = arith.constant 0 : i32
    %lt3A_1053 = vector.broadcast %lt3A_1052 : i32 to vector<16xi32>
    %lt3A_1054 = arith.cmpi slt, %xor3A_1051, %lt3A_1053 : vector<16xi32>
    %add3A_1055 = arith.constant 16 : i32
    %add3A_1056 = vector.broadcast %add3A_1055 : i32 to vector<16xi32>
    %add3A_1057 = arith.addi %xor3A_1051, %add3A_1056 : vector<16xi32>
    %select_n3A_1058 = arith.select %lt3A_1054, %add3A_1057, %xor3A_1051 : vector<16xi1>, vector<16xi32>
    %broadcast_in_dim3A_1059 = vector.shape_cast %select_n3A_1058 : vector<16xi32> to vector<16x1xi32>
    %gather3A_1060 = vector.shape_cast %broadcast_in_dim3A_1059 : vector<16x1xi32> to vector<16xi32>
    %gather3A_1061 = tpu.dynamic_gather %parallel_loop3A_90#14[%gather3A_1060] in [0] : vector<16xf32>, vector<16xi32> -> vector<16xf32>
    %lt3A_1062 = arith.constant 0 : i32
    %lt3A_1063 = vector.broadcast %lt3A_1062 : i32 to vector<16xi32>
    %lt3A_1064 = arith.cmpi slt, %xor3A_1051, %lt3A_1063 : vector<16xi32>
    %add3A_1065 = arith.constant 16 : i32
    %add3A_1066 = vector.broadcast %add3A_1065 : i32 to vector<16xi32>
    %add3A_1067 = arith.addi %xor3A_1051, %add3A_1066 : vector<16xi32>
    %select_n3A_1068 = arith.select %lt3A_1064, %add3A_1067, %xor3A_1051 : vector<16xi1>, vector<16xi32>
    %broadcast_in_dim3A_1069 = vector.shape_cast %select_n3A_1068 : vector<16xi32> to vector<16x1xi32>
    %gather3A_1070 = vector.shape_cast %broadcast_in_dim3A_1069 : vector<16x1xi32> to vector<16xi32>
    %gather3A_1071 = tpu.dynamic_gather %parallel_loop3A_90#15[%gather3A_1070] in [0] : vector<16xi32>, vector<16xi32> -> vector<16xi32>
    %gt3A_1072 = arith.cmpf ogt, %gather3A_1061, %parallel_loop3A_90#14 : vector<16xf32>
    %eq3A_1073 = arith.cmpf oeq, %gather3A_1061, %parallel_loop3A_90#14 : vector<16xf32>
    %lt3A_1074 = arith.cmpi slt, %gather3A_1071, %parallel_loop3A_90#15 : vector<16xi32>
    %and3A_1075 = arith.andi %eq3A_1073, %lt3A_1074 : vector<16xi1>
    %or3A_1076 = arith.ori %gt3A_1072, %and3A_1075 : vector<16xi1>
    %select_n3A_1077 = arith.select %or3A_1076, %gather3A_1061, %parallel_loop3A_90#14 : vector<16xi1>, vector<16xf32>
    %select_n3A_1078 = arith.select %or3A_1076, %gather3A_1071, %parallel_loop3A_90#15 : vector<16xi1>, vector<16xi32>
    %xor3A_1079 = arith.constant 4 : i32
    %xor3A_1080 = vector.broadcast %xor3A_1079 : i32 to vector<16xi32>
    %xor3A_1081 = arith.xori %iota3A, %xor3A_1080 : vector<16xi32>
    %lt3A_1082 = arith.constant 0 : i32
    %lt3A_1083 = vector.broadcast %lt3A_1082 : i32 to vector<16xi32>
    %lt3A_1084 = arith.cmpi slt, %xor3A_1081, %lt3A_1083 : vector<16xi32>
    %add3A_1085 = arith.constant 16 : i32
    %add3A_1086 = vector.broadcast %add3A_1085 : i32 to vector<16xi32>
    %add3A_1087 = arith.addi %xor3A_1081, %add3A_1086 : vector<16xi32>
    %select_n3A_1088 = arith.select %lt3A_1084, %add3A_1087, %xor3A_1081 : vector<16xi1>, vector<16xi32>
    %broadcast_in_dim3A_1089 = vector.shape_cast %select_n3A_1088 : vector<16xi32> to vector<16x1xi32>
    %gather3A_1090 = vector.shape_cast %broadcast_in_dim3A_1089 : vector<16x1xi32> to vector<16xi32>
    %gather3A_1091 = tpu.dynamic_gather %select_n3A_1077[%gather3A_1090] in [0] : vector<16xf32>, vector<16xi32> -> vector<16xf32>
    %lt3A_1092 = arith.constant 0 : i32
    %lt3A_1093 = vector.broadcast %lt3A_1092 : i32 to vector<16xi32>
    %lt3A_1094 = arith.cmpi slt, %xor3A_1081, %lt3A_1093 : vector<16xi32>
    %add3A_1095 = arith.constant 16 : i32
    %add3A_1096 = vector.broadcast %add3A_1095 : i32 to vector<16xi32>
    %add3A_1097 = arith.addi %xor3A_1081, %add3A_1096 : vector<16xi32>
    %select_n3A_1098 = arith.select %lt3A_1094, %add3A_1097, %xor3A_1081 : vector<16xi1>, vector<16xi32>
    %broadcast_in_dim3A_1099 = vector.shape_cast %select_n3A_1098 : vector<16xi32> to vector<16x1xi32>
    %gather3A_1100 = vector.shape_cast %broadcast_in_dim3A_1099 : vector<16x1xi32> to vector<16xi32>
    %gather3A_1101 = tpu.dynamic_gather %select_n3A_1078[%gather3A_1100] in [0] : vector<16xi32>, vector<16xi32> -> vector<16xi32>
    %gt3A_1102 = arith.cmpf ogt, %gather3A_1091, %select_n3A_1077 : vector<16xf32>
    %eq3A_1103 = arith.cmpf oeq, %gather3A_1091, %select_n3A_1077 : vector<16xf32>
    %lt3A_1104 = arith.cmpi slt, %gather3A_1101, %select_n3A_1078 : vector<16xi32>
    %and3A_1105 = arith.andi %eq3A_1103, %lt3A_1104 : vector<16xi1>
    %or3A_1106 = arith.ori %gt3A_1102, %and3A_1105 : vector<16xi1>
    %select_n3A_1107 = arith.select %or3A_1106, %gather3A_1091, %select_n3A_1077 : vector<16xi1>, vector<16xf32>
    %select_n3A_1108 = arith.select %or3A_1106, %gather3A_1101, %select_n3A_1078 : vector<16xi1>, vector<16xi32>
    %xor3A_1109 = arith.constant 2 : i32
    %xor3A_1110 = vector.broadcast %xor3A_1109 : i32 to vector<16xi32>
    %xor3A_1111 = arith.xori %iota3A, %xor3A_1110 : vector<16xi32>
    %lt3A_1112 = arith.constant 0 : i32
    %lt3A_1113 = vector.broadcast %lt3A_1112 : i32 to vector<16xi32>
    %lt3A_1114 = arith.cmpi slt, %xor3A_1111, %lt3A_1113 : vector<16xi32>
    %add3A_1115 = arith.constant 16 : i32
    %add3A_1116 = vector.broadcast %add3A_1115 : i32 to vector<16xi32>
    %add3A_1117 = arith.addi %xor3A_1111, %add3A_1116 : vector<16xi32>
    %select_n3A_1118 = arith.select %lt3A_1114, %add3A_1117, %xor3A_1111 : vector<16xi1>, vector<16xi32>
    %broadcast_in_dim3A_1119 = vector.shape_cast %select_n3A_1118 : vector<16xi32> to vector<16x1xi32>
    %gather3A_1120 = vector.shape_cast %broadcast_in_dim3A_1119 : vector<16x1xi32> to vector<16xi32>
    %gather3A_1121 = tpu.dynamic_gather %select_n3A_1107[%gather3A_1120] in [0] : vector<16xf32>, vector<16xi32> -> vector<16xf32>
    %lt3A_1122 = arith.constant 0 : i32
    %lt3A_1123 = vector.broadcast %lt3A_1122 : i32 to vector<16xi32>
    %lt3A_1124 = arith.cmpi slt, %xor3A_1111, %lt3A_1123 : vector<16xi32>
    %add3A_1125 = arith.constant 16 : i32
    %add3A_1126 = vector.broadcast %add3A_1125 : i32 to vector<16xi32>
    %add3A_1127 = arith.addi %xor3A_1111, %add3A_1126 : vector<16xi32>
    %select_n3A_1128 = arith.select %lt3A_1124, %add3A_1127, %xor3A_1111 : vector<16xi1>, vector<16xi32>
    %broadcast_in_dim3A_1129 = vector.shape_cast %select_n3A_1128 : vector<16xi32> to vector<16x1xi32>
    %gather3A_1130 = vector.shape_cast %broadcast_in_dim3A_1129 : vector<16x1xi32> to vector<16xi32>
    %gather3A_1131 = tpu.dynamic_gather %select_n3A_1108[%gather3A_1130] in [0] : vector<16xi32>, vector<16xi32> -> vector<16xi32>
    %gt3A_1132 = arith.cmpf ogt, %gather3A_1121, %select_n3A_1107 : vector<16xf32>
    %eq3A_1133 = arith.cmpf oeq, %gather3A_1121, %select_n3A_1107 : vector<16xf32>
    %lt3A_1134 = arith.cmpi slt, %gather3A_1131, %select_n3A_1108 : vector<16xi32>
    %and3A_1135 = arith.andi %eq3A_1133, %lt3A_1134 : vector<16xi1>
    %or3A_1136 = arith.ori %gt3A_1132, %and3A_1135 : vector<16xi1>
    %select_n3A_1137 = arith.select %or3A_1136, %gather3A_1121, %select_n3A_1107 : vector<16xi1>, vector<16xf32>
    %select_n3A_1138 = arith.select %or3A_1136, %gather3A_1131, %select_n3A_1108 : vector<16xi1>, vector<16xi32>
    %xor3A_1139 = arith.constant 1 : i32
    %xor3A_1140 = vector.broadcast %xor3A_1139 : i32 to vector<16xi32>
    %xor3A_1141 = arith.xori %iota3A, %xor3A_1140 : vector<16xi32>
    %lt3A_1142 = arith.constant 0 : i32
    %lt3A_1143 = vector.broadcast %lt3A_1142 : i32 to vector<16xi32>
    %lt3A_1144 = arith.cmpi slt, %xor3A_1141, %lt3A_1143 : vector<16xi32>
    %add3A_1145 = arith.constant 16 : i32
    %add3A_1146 = vector.broadcast %add3A_1145 : i32 to vector<16xi32>
    %add3A_1147 = arith.addi %xor3A_1141, %add3A_1146 : vector<16xi32>
    %select_n3A_1148 = arith.select %lt3A_1144, %add3A_1147, %xor3A_1141 : vector<16xi1>, vector<16xi32>
    %broadcast_in_dim3A_1149 = vector.shape_cast %select_n3A_1148 : vector<16xi32> to vector<16x1xi32>
    %gather3A_1150 = vector.shape_cast %broadcast_in_dim3A_1149 : vector<16x1xi32> to vector<16xi32>
    %gather3A_1151 = tpu.dynamic_gather %select_n3A_1137[%gather3A_1150] in [0] : vector<16xf32>, vector<16xi32> -> vector<16xf32>
    %lt3A_1152 = arith.constant 0 : i32
    %lt3A_1153 = vector.broadcast %lt3A_1152 : i32 to vector<16xi32>
    %lt3A_1154 = arith.cmpi slt, %xor3A_1141, %lt3A_1153 : vector<16xi32>
    %add3A_1155 = arith.constant 16 : i32
    %add3A_1156 = vector.broadcast %add3A_1155 : i32 to vector<16xi32>
    %add3A_1157 = arith.addi %xor3A_1141, %add3A_1156 : vector<16xi32>
    %select_n3A_1158 = arith.select %lt3A_1154, %add3A_1157, %xor3A_1141 : vector<16xi1>, vector<16xi32>
    %broadcast_in_dim3A_1159 = vector.shape_cast %select_n3A_1158 : vector<16xi32> to vector<16x1xi32>
    %gather3A_1160 = vector.shape_cast %broadcast_in_dim3A_1159 : vector<16x1xi32> to vector<16xi32>
    %gather3A_1161 = tpu.dynamic_gather %select_n3A_1138[%gather3A_1160] in [0] : vector<16xi32>, vector<16xi32> -> vector<16xi32>
    %gt3A_1162 = arith.cmpf ogt, %gather3A_1151, %select_n3A_1137 : vector<16xf32>
    %eq3A_1163 = arith.cmpf oeq, %gather3A_1151, %select_n3A_1137 : vector<16xf32>
    %lt3A_1164 = arith.cmpi slt, %gather3A_1161, %select_n3A_1138 : vector<16xi32>
    %and3A_1165 = arith.andi %eq3A_1163, %lt3A_1164 : vector<16xi1>
    %or3A_1166 = arith.ori %gt3A_1162, %and3A_1165 : vector<16xi1>
    %select_n3A_1167 = arith.select %or3A_1166, %gather3A_1151, %select_n3A_1137 : vector<16xi1>, vector<16xf32>
    %select_n3A_1168 = arith.select %or3A_1166, %gather3A_1161, %select_n3A_1138 : vector<16xi1>, vector<16xi32>
    %and3A_1169 = arith.constant 2047 : i32
    %and3A_1170 = vector.broadcast %and3A_1169 : i32 to vector<16xi32>
    %and3A_1171 = arith.andi %select_n3A_1168, %and3A_1170 : vector<16xi32>
    %broadcast_in_dim3A_1172 = arith.constant 7 : i32
    %broadcast_in_dim3A_1173 = vector.broadcast %broadcast_in_dim3A_1172 : i32 to vector<16xi32>
    %gather3A_1174 = tpu.vector_load_idx %arg4[%broadcast_in_dim3A_1173, %and3A_1171] : memref<8x2048xf32, #tpu.memory_space<vmem>>[vector<16xi32>, vector<16xi32>], vector<16xf32>,
    %gather3A_1175 = tpu.vector_load_idx %arg6[%broadcast_in_dim3A_1173, %and3A_1171] : memref<8x2048xf32, #tpu.memory_space<vmem>>[vector<16xi32>, vector<16xi32>], vector<16xf32>,
    %swap3A_1176 = arith.constant 448 : index
    %swap3A_1177 = tpu.vector_load %arg9[%swap3A_1176] {strides = array<i32>} : memref<512xf32, #tpu.memory_space<vmem>>, vector<16xf32>,
    tpu.vector_store %arg9[%swap3A_1176], %select_n3A_1167 {strides = array<i32>} : memref<512xf32, #tpu.memory_space<vmem>>, vector<16xf32>,
    %bitcast3A_1178 = vector.bitcast %select_n3A_1168 : vector<16xi32> to vector<16xf32>
    %swap3A_1179 = arith.constant 464 : index
    %swap3A_1180 = tpu.vector_load %arg9[%swap3A_1179] {strides = array<i32>} : memref<512xf32, #tpu.memory_space<vmem>>, vector<16xf32>,
    tpu.vector_store %arg9[%swap3A_1179], %bitcast3A_1178 {strides = array<i32>} : memref<512xf32, #tpu.memory_space<vmem>>, vector<16xf32>,
    %swap3A_1181 = arith.constant 480 : index
    %swap3A_1182 = tpu.vector_load %arg9[%swap3A_1181] {strides = array<i32>} : memref<512xf32, #tpu.memory_space<vmem>>, vector<16xf32>,
    tpu.vector_store %arg9[%swap3A_1181], %gather3A_1174 {strides = array<i32>} : memref<512xf32, #tpu.memory_space<vmem>>, vector<16xf32>,
    %swap3A_1183 = arith.constant 496 : index
    %swap3A_1184 = tpu.vector_load %arg9[%swap3A_1183] {strides = array<i32>} : memref<512xf32, #tpu.memory_space<vmem>>, vector<16xf32>,
    tpu.vector_store %arg9[%swap3A_1183], %gather3A_1175 {strides = array<i32>} : memref<512xf32, #tpu.memory_space<vmem>>, vector<16xf32>,
    %mul3A_1185 = arith.constant 512 : i32
    %mul3A_1186 = arith.muli %arg1, %mul3A_1185 : i32
    "tpu.region"() ({
      %run_scoped3A = tpu.sem_alloc : memref<!tpu.dma_semaphore, #tpu.memory_space<semaphore_mem>>
      %dma_start3A_2309 = tpu.memref_slice %arg7[%mul3A_1186] : memref<16384xf32, #tpu.memory_space<vmem_shared>> -> memref<512xf32, #tpu.memory_space<vmem_shared>>
      %dma_start3A_2310 = tpu.memref_slice %arg7[%mul3A_1186] : memref<16384xf32, #tpu.memory_space<vmem_shared>> -> memref<512xf32, #tpu.memory_space<vmem_shared>>
      tpu.enqueue_dma source(%arg9 : memref<512xf32, #tpu.memory_space<vmem>>) target(%dma_start3A_2310 : memref<512xf32, #tpu.memory_space<vmem_shared>>) target_semaphore(%run_scoped3A : memref<!tpu.dma_semaphore, #tpu.memory_space<semaphore_mem>>)
      %dma_wait3A_2311 = tpu.memref_slice %arg7[%mul3A_1186] : memref<16384xf32, #tpu.memory_space<vmem_shared>> -> memref<512xf32, #tpu.memory_space<vmem_shared>>
      %dma_wait3A_2312 = tpu.memref_slice %arg7[%mul3A_1186] : memref<16384xf32, #tpu.memory_space<vmem_shared>> -> memref<512xf32, #tpu.memory_space<vmem_shared>>
      tpu.wait_dma2 semaphore(%run_scoped3A : memref<!tpu.dma_semaphore, #tpu.memory_space<semaphore_mem>>) src(%arg9 : memref<512xf32, #tpu.memory_space<vmem>>) dst(%dma_wait3A_2312 : memref<512xf32, #tpu.memory_space<vmem_shared>>)
      tpu.yield
    }) : () -> ()
    %barrier3A = arith.constant 0 : index
    tpu.barrier barrier_id(%barrier3A)
    %mul3A_1187 = arith.constant 8 : i32
    %mul3A_1188 = arith.muli %select_n3A, %mul3A_1187 : i32
    %mul3A_1189 = arith.constant 512 : i32
    %mul3A_1190 = arith.muli %mul3A_1188, %mul3A_1189 : i32
    "tpu.region"() ({
      %run_scoped3A = tpu.sem_alloc : memref<!tpu.dma_semaphore, #tpu.memory_space<semaphore_mem>>
      %dma_start3A_2309 = tpu.memref_slice %arg7[%mul3A_1190] : memref<16384xf32, #tpu.memory_space<vmem_shared>> -> memref<4096xf32, #tpu.memory_space<vmem_shared>>
      %dma_start3A_2310 = tpu.memref_slice %arg7[%mul3A_1190] : memref<16384xf32, #tpu.memory_space<vmem_shared>> -> memref<4096xf32, #tpu.memory_space<vmem_shared>>
      tpu.enqueue_dma source(%dma_start3A_2310 : memref<4096xf32, #tpu.memory_space<vmem_shared>>) target(%arg8 : memref<4096xf32, #tpu.memory_space<vmem>>) target_semaphore(%run_scoped3A : memref<!tpu.dma_semaphore, #tpu.memory_space<semaphore_mem>>)
      %dma_wait3A_2311 = tpu.memref_slice %arg7[%mul3A_1190] : memref<16384xf32, #tpu.memory_space<vmem_shared>> -> memref<4096xf32, #tpu.memory_space<vmem_shared>>
      %dma_wait3A_2312 = tpu.memref_slice %arg7[%mul3A_1190] : memref<16384xf32, #tpu.memory_space<vmem_shared>> -> memref<4096xf32, #tpu.memory_space<vmem_shared>>
      tpu.wait_dma2 semaphore(%run_scoped3A : memref<!tpu.dma_semaphore, #tpu.memory_space<semaphore_mem>>) src(%dma_wait3A_2312 : memref<4096xf32, #tpu.memory_space<vmem_shared>>) dst(%arg8 : memref<4096xf32, #tpu.memory_space<vmem>>)
      tpu.yield
    }) : () -> ()
    %parallel_loop3A_1191 = arith.constant 0 : i32
    %parallel_loop3A_1192 = arith.constant 8 : i32
    %parallel_loop3A_1193 = arith.constant 1 : i32
    scf.for %parallel_loop3A_2309 = %parallel_loop3A_1191 to %parallel_loop3A_1192 step %parallel_loop3A_1193  : i32 {
      %parallel_loop3A_2310 = arith.constant 64 : i32
      %parallel_loop3A_2311 = arith.muli %parallel_loop3A_2309, %parallel_loop3A_2310 : i32
      %parallel_loop3A_2312 = arith.constant 0 : i32
      %parallel_loop3A_2313 = arith.addi %parallel_loop3A_2312, %parallel_loop3A_2311 : i32
      %parallel_loop3A_2314 = arith.index_cast %parallel_loop3A_2313 : i32 to index
      %parallel_loop3A_2315 = tpu.vector_load %arg8[%parallel_loop3A_2314] {strides = array<i32>} : memref<4096xf32, #tpu.memory_space<vmem>>, vector<16xf32>,
      %parallel_loop3A_2316 = arith.constant 16 : i32
      %parallel_loop3A_2317 = arith.addi %parallel_loop3A_2313, %parallel_loop3A_2316 : i32
      %parallel_loop3A_2318 = arith.index_cast %parallel_loop3A_2317 : i32 to index
      %parallel_loop3A_2319 = tpu.vector_load %arg8[%parallel_loop3A_2318] {strides = array<i32>} : memref<4096xf32, #tpu.memory_space<vmem>>, vector<16xf32>,
      %parallel_loop3A_2320 = vector.bitcast %parallel_loop3A_2319 : vector<16xf32> to vector<16xi32>
      %parallel_loop3A_2321 = arith.constant 32 : i32
      %parallel_loop3A_2322 = arith.addi %parallel_loop3A_2313, %parallel_loop3A_2321 : i32
      %parallel_loop3A_2323 = arith.index_cast %parallel_loop3A_2322 : i32 to index
      %parallel_loop3A_2324 = tpu.vector_load %arg8[%parallel_loop3A_2323] {strides = array<i32>} : memref<4096xf32, #tpu.memory_space<vmem>>, vector<16xf32>,
      %parallel_loop3A_2325 = arith.constant 48 : i32
      %parallel_loop3A_2326 = arith.addi %parallel_loop3A_2313, %parallel_loop3A_2325 : i32
      %parallel_loop3A_2327 = arith.index_cast %parallel_loop3A_2326 : i32 to index
      %parallel_loop3A_2328 = tpu.vector_load %arg8[%parallel_loop3A_2327] {strides = array<i32>} : memref<4096xf32, #tpu.memory_space<vmem>>, vector<16xf32>,
      %parallel_loop3A_2329 = arith.constant 64 : i32
      %parallel_loop3A_2330 = arith.muli %parallel_loop3A_2309, %parallel_loop3A_2329 : i32
      %parallel_loop3A_2331 = arith.constant 512 : i32
      %parallel_loop3A_2332 = arith.addi %parallel_loop3A_2331, %parallel_loop3A_2330 : i32
      %parallel_loop3A_2333 = arith.index_cast %parallel_loop3A_2332 : i32 to index
      %parallel_loop3A_2334 = tpu.vector_load %arg8[%parallel_loop3A_2333] {strides = array<i32>} : memref<4096xf32, #tpu.memory_space<vmem>>, vector<16xf32>,
      %parallel_loop3A_2335 = arith.constant 16 : i32
      %parallel_loop3A_2336 = arith.addi %parallel_loop3A_2332, %parallel_loop3A_2335 : i32
      %parallel_loop3A_2337 = arith.index_cast %parallel_loop3A_2336 : i32 to index
      %parallel_loop3A_2338 = tpu.vector_load %arg8[%parallel_loop3A_2337] {strides = array<i32>} : memref<4096xf32, #tpu.memory_space<vmem>>, vector<16xf32>,
      %parallel_loop3A_2339 = vector.bitcast %parallel_loop3A_2338 : vector<16xf32> to vector<16xi32>
      %parallel_loop3A_2340 = arith.constant 32 : i32
      %parallel_loop3A_2341 = arith.addi %parallel_loop3A_2332, %parallel_loop3A_2340 : i32
      %parallel_loop3A_2342 = arith.index_cast %parallel_loop3A_2341 : i32 to index
      %parallel_loop3A_2343 = tpu.vector_load %arg8[%parallel_loop3A_2342] {strides = array<i32>} : memref<4096xf32, #tpu.memory_space<vmem>>, vector<16xf32>,
      %parallel_loop3A_2344 = arith.constant 48 : i32
      %parallel_loop3A_2345 = arith.addi %parallel_loop3A_2332, %parallel_loop3A_2344 : i32
      %parallel_loop3A_2346 = arith.index_cast %parallel_loop3A_2345 : i32 to index
      %parallel_loop3A_2347 = tpu.vector_load %arg8[%parallel_loop3A_2346] {strides = array<i32>} : memref<4096xf32, #tpu.memory_space<vmem>>, vector<16xf32>,
      %parallel_loop3A_2348 = arith.cmpf ogt, %parallel_loop3A_2334, %parallel_loop3A_2315 : vector<16xf32>
      %parallel_loop3A_2349 = arith.cmpf oeq, %parallel_loop3A_2334, %parallel_loop3A_2315 : vector<16xf32>
      %parallel_loop3A_2350 = arith.cmpi slt, %parallel_loop3A_2339, %parallel_loop3A_2320 : vector<16xi32>
      %parallel_loop3A_2351 = arith.andi %parallel_loop3A_2349, %parallel_loop3A_2350 : vector<16xi1>
      %parallel_loop3A_2352 = arith.ori %parallel_loop3A_2348, %parallel_loop3A_2351 : vector<16xi1>
      %parallel_loop3A_2353 = arith.select %parallel_loop3A_2352, %parallel_loop3A_2334, %parallel_loop3A_2315 : vector<16xi1>, vector<16xf32>
      %parallel_loop3A_2354 = arith.select %parallel_loop3A_2352, %parallel_loop3A_2339, %parallel_loop3A_2320 : vector<16xi1>, vector<16xi32>
      %parallel_loop3A_2355 = arith.select %parallel_loop3A_2352, %parallel_loop3A_2343, %parallel_loop3A_2324 : vector<16xi1>, vector<16xf32>
      %parallel_loop3A_2356 = arith.select %parallel_loop3A_2352, %parallel_loop3A_2347, %parallel_loop3A_2328 : vector<16xi1>, vector<16xf32>
      %parallel_loop3A_2357 = arith.constant 64 : i32
      %parallel_loop3A_2358 = arith.muli %parallel_loop3A_2309, %parallel_loop3A_2357 : i32
      %parallel_loop3A_2359 = arith.constant 1024 : i32
      %parallel_loop3A_2360 = arith.addi %parallel_loop3A_2359, %parallel_loop3A_2358 : i32
      %parallel_loop3A_2361 = arith.index_cast %parallel_loop3A_2360 : i32 to index
      %parallel_loop3A_2362 = tpu.vector_load %arg8[%parallel_loop3A_2361] {strides = array<i32>} : memref<4096xf32, #tpu.memory_space<vmem>>, vector<16xf32>,
      %parallel_loop3A_2363 = arith.constant 16 : i32
      %parallel_loop3A_2364 = arith.addi %parallel_loop3A_2360, %parallel_loop3A_2363 : i32
      %parallel_loop3A_2365 = arith.index_cast %parallel_loop3A_2364 : i32 to index
      %parallel_loop3A_2366 = tpu.vector_load %arg8[%parallel_loop3A_2365] {strides = array<i32>} : memref<4096xf32, #tpu.memory_space<vmem>>, vector<16xf32>,
      %parallel_loop3A_2367 = vector.bitcast %parallel_loop3A_2366 : vector<16xf32> to vector<16xi32>
      %parallel_loop3A_2368 = arith.constant 32 : i32
      %parallel_loop3A_2369 = arith.addi %parallel_loop3A_2360, %parallel_loop3A_2368 : i32
      %parallel_loop3A_2370 = arith.index_cast %parallel_loop3A_2369 : i32 to index
      %parallel_loop3A_2371 = tpu.vector_load %arg8[%parallel_loop3A_2370] {strides = array<i32>} : memref<4096xf32, #tpu.memory_space<vmem>>, vector<16xf32>,
      %parallel_loop3A_2372 = arith.constant 48 : i32
      %parallel_loop3A_2373 = arith.addi %parallel_loop3A_2360, %parallel_loop3A_2372 : i32
      %parallel_loop3A_2374 = arith.index_cast %parallel_loop3A_2373 : i32 to index
      %parallel_loop3A_2375 = tpu.vector_load %arg8[%parallel_loop3A_2374] {strides = array<i32>} : memref<4096xf32, #tpu.memory_space<vmem>>, vector<16xf32>,
      %parallel_loop3A_2376 = arith.cmpf ogt, %parallel_loop3A_2362, %parallel_loop3A_2353 : vector<16xf32>
      %parallel_loop3A_2377 = arith.cmpf oeq, %parallel_loop3A_2362, %parallel_loop3A_2353 : vector<16xf32>
      %parallel_loop3A_2378 = arith.cmpi slt, %parallel_loop3A_2367, %parallel_loop3A_2354 : vector<16xi32>
      %parallel_loop3A_2379 = arith.andi %parallel_loop3A_2377, %parallel_loop3A_2378 : vector<16xi1>
      %parallel_loop3A_2380 = arith.ori %parallel_loop3A_2376, %parallel_loop3A_2379 : vector<16xi1>
      %parallel_loop3A_2381 = arith.select %parallel_loop3A_2380, %parallel_loop3A_2362, %parallel_loop3A_2353 : vector<16xi1>, vector<16xf32>
      %parallel_loop3A_2382 = arith.select %parallel_loop3A_2380, %parallel_loop3A_2367, %parallel_loop3A_2354 : vector<16xi1>, vector<16xi32>
      %parallel_loop3A_2383 = arith.select %parallel_loop3A_2380, %parallel_loop3A_2371, %parallel_loop3A_2355 : vector<16xi1>, vector<16xf32>
      %parallel_loop3A_2384 = arith.select %parallel_loop3A_2380, %parallel_loop3A_2375, %parallel_loop3A_2356 : vector<16xi1>, vector<16xf32>
      %parallel_loop3A_2385 = arith.constant 64 : i32
      %parallel_loop3A_2386 = arith.muli %parallel_loop3A_2309, %parallel_loop3A_2385 : i32
      %parallel_loop3A_2387 = arith.constant 1536 : i32
      %parallel_loop3A_2388 = arith.addi %parallel_loop3A_2387, %parallel_loop3A_2386 : i32
      %parallel_loop3A_2389 = arith.index_cast %parallel_loop3A_2388 : i32 to index
      %parallel_loop3A_2390 = tpu.vector_load %arg8[%parallel_loop3A_2389] {strides = array<i32>} : memref<4096xf32, #tpu.memory_space<vmem>>, vector<16xf32>,
      %parallel_loop3A_2391 = arith.constant 16 : i32
      %parallel_loop3A_2392 = arith.addi %parallel_loop3A_2388, %parallel_loop3A_2391 : i32
      %parallel_loop3A_2393 = arith.index_cast %parallel_loop3A_2392 : i32 to index
      %parallel_loop3A_2394 = tpu.vector_load %arg8[%parallel_loop3A_2393] {strides = array<i32>} : memref<4096xf32, #tpu.memory_space<vmem>>, vector<16xf32>,
      %parallel_loop3A_2395 = vector.bitcast %parallel_loop3A_2394 : vector<16xf32> to vector<16xi32>
      %parallel_loop3A_2396 = arith.constant 32 : i32
      %parallel_loop3A_2397 = arith.addi %parallel_loop3A_2388, %parallel_loop3A_2396 : i32
      %parallel_loop3A_2398 = arith.index_cast %parallel_loop3A_2397 : i32 to index
      %parallel_loop3A_2399 = tpu.vector_load %arg8[%parallel_loop3A_2398] {strides = array<i32>} : memref<4096xf32, #tpu.memory_space<vmem>>, vector<16xf32>,
      %parallel_loop3A_2400 = arith.constant 48 : i32
      %parallel_loop3A_2401 = arith.addi %parallel_loop3A_2388, %parallel_loop3A_2400 : i32
      %parallel_loop3A_2402 = arith.index_cast %parallel_loop3A_2401 : i32 to index
      %parallel_loop3A_2403 = tpu.vector_load %arg8[%parallel_loop3A_2402] {strides = array<i32>} : memref<4096xf32, #tpu.memory_space<vmem>>, vector<16xf32>,
      %parallel_loop3A_2404 = arith.cmpf ogt, %parallel_loop3A_2390, %parallel_loop3A_2381 : vector<16xf32>
      %parallel_loop3A_2405 = arith.cmpf oeq, %parallel_loop3A_2390, %parallel_loop3A_2381 : vector<16xf32>
      %parallel_loop3A_2406 = arith.cmpi slt, %parallel_loop3A_2395, %parallel_loop3A_2382 : vector<16xi32>
      %parallel_loop3A_2407 = arith.andi %parallel_loop3A_2405, %parallel_loop3A_2406 : vector<16xi1>
      %parallel_loop3A_2408 = arith.ori %parallel_loop3A_2404, %parallel_loop3A_2407 : vector<16xi1>
      %parallel_loop3A_2409 = arith.select %parallel_loop3A_2408, %parallel_loop3A_2390, %parallel_loop3A_2381 : vector<16xi1>, vector<16xf32>
      %parallel_loop3A_2410 = arith.select %parallel_loop3A_2408, %parallel_loop3A_2395, %parallel_loop3A_2382 : vector<16xi1>, vector<16xi32>
      %parallel_loop3A_2411 = arith.select %parallel_loop3A_2408, %parallel_loop3A_2399, %parallel_loop3A_2383 : vector<16xi1>, vector<16xf32>
      %parallel_loop3A_2412 = arith.select %parallel_loop3A_2408, %parallel_loop3A_2403, %parallel_loop3A_2384 : vector<16xi1>, vector<16xf32>
      %parallel_loop3A_2413 = arith.constant 64 : i32
      %parallel_loop3A_2414 = arith.muli %parallel_loop3A_2309, %parallel_loop3A_2413 : i32
      %parallel_loop3A_2415 = arith.constant 2048 : i32
      %parallel_loop3A_2416 = arith.addi %parallel_loop3A_2415, %parallel_loop3A_2414 : i32
      %parallel_loop3A_2417 = arith.index_cast %parallel_loop3A_2416 : i32 to index
      %parallel_loop3A_2418 = tpu.vector_load %arg8[%parallel_loop3A_2417] {strides = array<i32>} : memref<4096xf32, #tpu.memory_space<vmem>>, vector<16xf32>,
      %parallel_loop3A_2419 = arith.constant 16 : i32
      %parallel_loop3A_2420 = arith.addi %parallel_loop3A_2416, %parallel_loop3A_2419 : i32
      %parallel_loop3A_2421 = arith.index_cast %parallel_loop3A_2420 : i32 to index
      %parallel_loop3A_2422 = tpu.vector_load %arg8[%parallel_loop3A_2421] {strides = array<i32>} : memref<4096xf32, #tpu.memory_space<vmem>>, vector<16xf32>,
      %parallel_loop3A_2423 = vector.bitcast %parallel_loop3A_2422 : vector<16xf32> to vector<16xi32>
      %parallel_loop3A_2424 = arith.constant 32 : i32
      %parallel_loop3A_2425 = arith.addi %parallel_loop3A_2416, %parallel_loop3A_2424 : i32
      %parallel_loop3A_2426 = arith.index_cast %parallel_loop3A_2425 : i32 to index
      %parallel_loop3A_2427 = tpu.vector_load %arg8[%parallel_loop3A_2426] {strides = array<i32>} : memref<4096xf32, #tpu.memory_space<vmem>>, vector<16xf32>,
      %parallel_loop3A_2428 = arith.constant 48 : i32
      %parallel_loop3A_2429 = arith.addi %parallel_loop3A_2416, %parallel_loop3A_2428 : i32
      %parallel_loop3A_2430 = arith.index_cast %parallel_loop3A_2429 : i32 to index
      %parallel_loop3A_2431 = tpu.vector_load %arg8[%parallel_loop3A_2430] {strides = array<i32>} : memref<4096xf32, #tpu.memory_space<vmem>>, vector<16xf32>,
      %parallel_loop3A_2432 = arith.cmpf ogt, %parallel_loop3A_2418, %parallel_loop3A_2409 : vector<16xf32>
      %parallel_loop3A_2433 = arith.cmpf oeq, %parallel_loop3A_2418, %parallel_loop3A_2409 : vector<16xf32>
      %parallel_loop3A_2434 = arith.cmpi slt, %parallel_loop3A_2423, %parallel_loop3A_2410 : vector<16xi32>
      %parallel_loop3A_2435 = arith.andi %parallel_loop3A_2433, %parallel_loop3A_2434 : vector<16xi1>
      %parallel_loop3A_2436 = arith.ori %parallel_loop3A_2432, %parallel_loop3A_2435 : vector<16xi1>
      %parallel_loop3A_2437 = arith.select %parallel_loop3A_2436, %parallel_loop3A_2418, %parallel_loop3A_2409 : vector<16xi1>, vector<16xf32>
      %parallel_loop3A_2438 = arith.select %parallel_loop3A_2436, %parallel_loop3A_2423, %parallel_loop3A_2410 : vector<16xi1>, vector<16xi32>
      %parallel_loop3A_2439 = arith.select %parallel_loop3A_2436, %parallel_loop3A_2427, %parallel_loop3A_2411 : vector<16xi1>, vector<16xf32>
      %parallel_loop3A_2440 = arith.select %parallel_loop3A_2436, %parallel_loop3A_2431, %parallel_loop3A_2412 : vector<16xi1>, vector<16xf32>
      %parallel_loop3A_2441 = arith.constant 64 : i32
      %parallel_loop3A_2442 = arith.muli %parallel_loop3A_2309, %parallel_loop3A_2441 : i32
      %parallel_loop3A_2443 = arith.constant 2560 : i32
      %parallel_loop3A_2444 = arith.addi %parallel_loop3A_2443, %parallel_loop3A_2442 : i32
      %parallel_loop3A_2445 = arith.index_cast %parallel_loop3A_2444 : i32 to index
      %parallel_loop3A_2446 = tpu.vector_load %arg8[%parallel_loop3A_2445] {strides = array<i32>} : memref<4096xf32, #tpu.memory_space<vmem>>, vector<16xf32>,
      %parallel_loop3A_2447 = arith.constant 16 : i32
      %parallel_loop3A_2448 = arith.addi %parallel_loop3A_2444, %parallel_loop3A_2447 : i32
      %parallel_loop3A_2449 = arith.index_cast %parallel_loop3A_2448 : i32 to index
      %parallel_loop3A_2450 = tpu.vector_load %arg8[%parallel_loop3A_2449] {strides = array<i32>} : memref<4096xf32, #tpu.memory_space<vmem>>, vector<16xf32>,
      %parallel_loop3A_2451 = vector.bitcast %parallel_loop3A_2450 : vector<16xf32> to vector<16xi32>
      %parallel_loop3A_2452 = arith.constant 32 : i32
      %parallel_loop3A_2453 = arith.addi %parallel_loop3A_2444, %parallel_loop3A_2452 : i32
      %parallel_loop3A_2454 = arith.index_cast %parallel_loop3A_2453 : i32 to index
      %parallel_loop3A_2455 = tpu.vector_load %arg8[%parallel_loop3A_2454] {strides = array<i32>} : memref<4096xf32, #tpu.memory_space<vmem>>, vector<16xf32>,
      %parallel_loop3A_2456 = arith.constant 48 : i32
      %parallel_loop3A_2457 = arith.addi %parallel_loop3A_2444, %parallel_loop3A_2456 : i32
      %parallel_loop3A_2458 = arith.index_cast %parallel_loop3A_2457 : i32 to index
      %parallel_loop3A_2459 = tpu.vector_load %arg8[%parallel_loop3A_2458] {strides = array<i32>} : memref<4096xf32, #tpu.memory_space<vmem>>, vector<16xf32>,
      %parallel_loop3A_2460 = arith.cmpf ogt, %parallel_loop3A_2446, %parallel_loop3A_2437 : vector<16xf32>
      %parallel_loop3A_2461 = arith.cmpf oeq, %parallel_loop3A_2446, %parallel_loop3A_2437 : vector<16xf32>
      %parallel_loop3A_2462 = arith.cmpi slt, %parallel_loop3A_2451, %parallel_loop3A_2438 : vector<16xi32>
      %parallel_loop3A_2463 = arith.andi %parallel_loop3A_2461, %parallel_loop3A_2462 : vector<16xi1>
      %parallel_loop3A_2464 = arith.ori %parallel_loop3A_2460, %parallel_loop3A_2463 : vector<16xi1>
      %parallel_loop3A_2465 = arith.select %parallel_loop3A_2464, %parallel_loop3A_2446, %parallel_loop3A_2437 : vector<16xi1>, vector<16xf32>
      %parallel_loop3A_2466 = arith.select %parallel_loop3A_2464, %parallel_loop3A_2451, %parallel_loop3A_2438 : vector<16xi1>, vector<16xi32>
      %parallel_loop3A_2467 = arith.select %parallel_loop3A_2464, %parallel_loop3A_2455, %parallel_loop3A_2439 : vector<16xi1>, vector<16xf32>
      %parallel_loop3A_2468 = arith.select %parallel_loop3A_2464, %parallel_loop3A_2459, %parallel_loop3A_2440 : vector<16xi1>, vector<16xf32>
      %parallel_loop3A_2469 = arith.constant 64 : i32
      %parallel_loop3A_2470 = arith.muli %parallel_loop3A_2309, %parallel_loop3A_2469 : i32
      %parallel_loop3A_2471 = arith.constant 3072 : i32
      %parallel_loop3A_2472 = arith.addi %parallel_loop3A_2471, %parallel_loop3A_2470 : i32
      %parallel_loop3A_2473 = arith.index_cast %parallel_loop3A_2472 : i32 to index
      %parallel_loop3A_2474 = tpu.vector_load %arg8[%parallel_loop3A_2473] {strides = array<i32>} : memref<4096xf32, #tpu.memory_space<vmem>>, vector<16xf32>,
      %parallel_loop3A_2475 = arith.constant 16 : i32
      %parallel_loop3A_2476 = arith.addi %parallel_loop3A_2472, %parallel_loop3A_2475 : i32
      %parallel_loop3A_2477 = arith.index_cast %parallel_loop3A_2476 : i32 to index
      %parallel_loop3A_2478 = tpu.vector_load %arg8[%parallel_loop3A_2477] {strides = array<i32>} : memref<4096xf32, #tpu.memory_space<vmem>>, vector<16xf32>,
      %parallel_loop3A_2479 = vector.bitcast %parallel_loop3A_2478 : vector<16xf32> to vector<16xi32>
      %parallel_loop3A_2480 = arith.constant 32 : i32
      %parallel_loop3A_2481 = arith.addi %parallel_loop3A_2472, %parallel_loop3A_2480 : i32
      %parallel_loop3A_2482 = arith.index_cast %parallel_loop3A_2481 : i32 to index
      %parallel_loop3A_2483 = tpu.vector_load %arg8[%parallel_loop3A_2482] {strides = array<i32>} : memref<4096xf32, #tpu.memory_space<vmem>>, vector<16xf32>,
      %parallel_loop3A_2484 = arith.constant 48 : i32
      %parallel_loop3A_2485 = arith.addi %parallel_loop3A_2472, %parallel_loop3A_2484 : i32
      %parallel_loop3A_2486 = arith.index_cast %parallel_loop3A_2485 : i32 to index
      %parallel_loop3A_2487 = tpu.vector_load %arg8[%parallel_loop3A_2486] {strides = array<i32>} : memref<4096xf32, #tpu.memory_space<vmem>>, vector<16xf32>,
      %parallel_loop3A_2488 = arith.cmpf ogt, %parallel_loop3A_2474, %parallel_loop3A_2465 : vector<16xf32>
      %parallel_loop3A_2489 = arith.cmpf oeq, %parallel_loop3A_2474, %parallel_loop3A_2465 : vector<16xf32>
      %parallel_loop3A_2490 = arith.cmpi slt, %parallel_loop3A_2479, %parallel_loop3A_2466 : vector<16xi32>
      %parallel_loop3A_2491 = arith.andi %parallel_loop3A_2489, %parallel_loop3A_2490 : vector<16xi1>
      %parallel_loop3A_2492 = arith.ori %parallel_loop3A_2488, %parallel_loop3A_2491 : vector<16xi1>
      %parallel_loop3A_2493 = arith.select %parallel_loop3A_2492, %parallel_loop3A_2474, %parallel_loop3A_2465 : vector<16xi1>, vector<16xf32>
      %parallel_loop3A_2494 = arith.select %parallel_loop3A_2492, %parallel_loop3A_2479, %parallel_loop3A_2466 : vector<16xi1>, vector<16xi32>
      %parallel_loop3A_2495 = arith.select %parallel_loop3A_2492, %parallel_loop3A_2483, %parallel_loop3A_2467 : vector<16xi1>, vector<16xf32>
      %parallel_loop3A_2496 = arith.select %parallel_loop3A_2492, %parallel_loop3A_2487, %parallel_loop3A_2468 : vector<16xi1>, vector<16xf32>
      %parallel_loop3A_2497 = arith.constant 64 : i32
      %parallel_loop3A_2498 = arith.muli %parallel_loop3A_2309, %parallel_loop3A_2497 : i32
      %parallel_loop3A_2499 = arith.constant 3584 : i32
      %parallel_loop3A_2500 = arith.addi %parallel_loop3A_2499, %parallel_loop3A_2498 : i32
      %parallel_loop3A_2501 = arith.index_cast %parallel_loop3A_2500 : i32 to index
      %parallel_loop3A_2502 = tpu.vector_load %arg8[%parallel_loop3A_2501] {strides = array<i32>} : memref<4096xf32, #tpu.memory_space<vmem>>, vector<16xf32>,
      %parallel_loop3A_2503 = arith.constant 16 : i32
      %parallel_loop3A_2504 = arith.addi %parallel_loop3A_2500, %parallel_loop3A_2503 : i32
      %parallel_loop3A_2505 = arith.index_cast %parallel_loop3A_2504 : i32 to index
      %parallel_loop3A_2506 = tpu.vector_load %arg8[%parallel_loop3A_2505] {strides = array<i32>} : memref<4096xf32, #tpu.memory_space<vmem>>, vector<16xf32>,
      %parallel_loop3A_2507 = vector.bitcast %parallel_loop3A_2506 : vector<16xf32> to vector<16xi32>
      %parallel_loop3A_2508 = arith.constant 32 : i32
      %parallel_loop3A_2509 = arith.addi %parallel_loop3A_2500, %parallel_loop3A_2508 : i32
      %parallel_loop3A_2510 = arith.index_cast %parallel_loop3A_2509 : i32 to index
      %parallel_loop3A_2511 = tpu.vector_load %arg8[%parallel_loop3A_2510] {strides = array<i32>} : memref<4096xf32, #tpu.memory_space<vmem>>, vector<16xf32>,
      %parallel_loop3A_2512 = arith.constant 48 : i32
      %parallel_loop3A_2513 = arith.addi %parallel_loop3A_2500, %parallel_loop3A_2512 : i32
      %parallel_loop3A_2514 = arith.index_cast %parallel_loop3A_2513 : i32 to index
      %parallel_loop3A_2515 = tpu.vector_load %arg8[%parallel_loop3A_2514] {strides = array<i32>} : memref<4096xf32, #tpu.memory_space<vmem>>, vector<16xf32>,
      %parallel_loop3A_2516 = arith.cmpf ogt, %parallel_loop3A_2502, %parallel_loop3A_2493 : vector<16xf32>
      %parallel_loop3A_2517 = arith.cmpf oeq, %parallel_loop3A_2502, %parallel_loop3A_2493 : vector<16xf32>
      %parallel_loop3A_2518 = arith.cmpi slt, %parallel_loop3A_2507, %parallel_loop3A_2494 : vector<16xi32>
      %parallel_loop3A_2519 = arith.andi %parallel_loop3A_2517, %parallel_loop3A_2518 : vector<16xi1>
      %parallel_loop3A_2520 = arith.ori %parallel_loop3A_2516, %parallel_loop3A_2519 : vector<16xi1>
      %parallel_loop3A_2521 = arith.select %parallel_loop3A_2520, %parallel_loop3A_2502, %parallel_loop3A_2493 : vector<16xi1>, vector<16xf32>
      %parallel_loop3A_2522 = arith.select %parallel_loop3A_2520, %parallel_loop3A_2507, %parallel_loop3A_2494 : vector<16xi1>, vector<16xi32>
      %parallel_loop3A_2523 = arith.select %parallel_loop3A_2520, %parallel_loop3A_2511, %parallel_loop3A_2495 : vector<16xi1>, vector<16xf32>
      %parallel_loop3A_2524 = arith.select %parallel_loop3A_2520, %parallel_loop3A_2515, %parallel_loop3A_2496 : vector<16xi1>, vector<16xf32>
      %parallel_loop3A_2525 = arith.constant 64 : i32
      %parallel_loop3A_2526 = arith.muli %parallel_loop3A_2309, %parallel_loop3A_2525 : i32
      %parallel_loop3A_2527 = arith.index_cast %parallel_loop3A_2526 : i32 to index
      %parallel_loop3A_2528 = tpu.vector_load %arg10[%parallel_loop3A_2527] {strides = array<i32>} : memref<512xf32, #tpu.memory_space<vmem>>, vector<16xf32>,
      tpu.vector_store %arg10[%parallel_loop3A_2527], %parallel_loop3A_2521 {strides = array<i32>} : memref<512xf32, #tpu.memory_space<vmem>>, vector<16xf32>,
      %parallel_loop3A_2529 = vector.bitcast %parallel_loop3A_2522 : vector<16xi32> to vector<16xf32>
      %parallel_loop3A_2530 = arith.constant 64 : i32
      %parallel_loop3A_2531 = arith.muli %parallel_loop3A_2309, %parallel_loop3A_2530 : i32
      %parallel_loop3A_2532 = arith.constant 16 : i32
      %parallel_loop3A_2533 = arith.addi %parallel_loop3A_2531, %parallel_loop3A_2532 : i32
      %parallel_loop3A_2534 = arith.index_cast %parallel_loop3A_2533 : i32 to index
      %parallel_loop3A_2535 = tpu.vector_load %arg10[%parallel_loop3A_2534] {strides = array<i32>} : memref<512xf32, #tpu.memory_space<vmem>>, vector<16xf32>,
      tpu.vector_store %arg10[%parallel_loop3A_2534], %parallel_loop3A_2529 {strides = array<i32>} : memref<512xf32, #tpu.memory_space<vmem>>, vector<16xf32>,
      %parallel_loop3A_2536 = arith.constant 64 : i32
      %parallel_loop3A_2537 = arith.muli %parallel_loop3A_2309, %parallel_loop3A_2536 : i32
      %parallel_loop3A_2538 = arith.constant 32 : i32
      %parallel_loop3A_2539 = arith.addi %parallel_loop3A_2537, %parallel_loop3A_2538 : i32
      %parallel_loop3A_2540 = arith.index_cast %parallel_loop3A_2539 : i32 to index
      %parallel_loop3A_2541 = tpu.vector_load %arg10[%parallel_loop3A_2540] {strides = array<i32>} : memref<512xf32, #tpu.memory_space<vmem>>, vector<16xf32>,
      tpu.vector_store %arg10[%parallel_loop3A_2540], %parallel_loop3A_2523 {strides = array<i32>} : memref<512xf32, #tpu.memory_space<vmem>>, vector<16xf32>,
      %parallel_loop3A_2542 = arith.constant 64 : i32
      %parallel_loop3A_2543 = arith.muli %parallel_loop3A_2309, %parallel_loop3A_2542 : i32
      %parallel_loop3A_2544 = arith.constant 48 : i32
      %parallel_loop3A_2545 = arith.addi %parallel_loop3A_2543, %parallel_loop3A_2544 : i32
      %parallel_loop3A_2546 = arith.index_cast %parallel_loop3A_2545 : i32 to index
      %parallel_loop3A_2547 = tpu.vector_load %arg10[%parallel_loop3A_2546] {strides = array<i32>} : memref<512xf32, #tpu.memory_space<vmem>>, vector<16xf32>,
      tpu.vector_store %arg10[%parallel_loop3A_2546], %parallel_loop3A_2524 {strides = array<i32>} : memref<512xf32, #tpu.memory_space<vmem>>, vector<16xf32>,
    } {sc.loop_unroll_factor = 1 : i64, sc.parallel_access}
    %get3A = arith.constant 0 : index
    %get3A_1194 = tpu.vector_load %arg10[%get3A] {strides = array<i32>} : memref<512xf32, #tpu.memory_space<vmem>>, vector<16xf32>,
    %get3A_1195 = arith.constant 16 : index
    %get3A_1196 = tpu.vector_load %arg10[%get3A_1195] {strides = array<i32>} : memref<512xf32, #tpu.memory_space<vmem>>, vector<16xf32>,
    %bitcast3A_1197 = vector.bitcast %get3A_1196 : vector<16xf32> to vector<16xi32>
    %get3A_1198 = arith.constant 32 : index
    %get3A_1199 = tpu.vector_load %arg10[%get3A_1198] {strides = array<i32>} : memref<512xf32, #tpu.memory_space<vmem>>, vector<16xf32>,
    %get3A_1200 = arith.constant 48 : index
    %get3A_1201 = tpu.vector_load %arg10[%get3A_1200] {strides = array<i32>} : memref<512xf32, #tpu.memory_space<vmem>>, vector<16xf32>,
    %get3A_1202 = arith.constant 64 : index
    %get3A_1203 = tpu.vector_load %arg10[%get3A_1202] {strides = array<i32>} : memref<512xf32, #tpu.memory_space<vmem>>, vector<16xf32>,
    %get3A_1204 = arith.constant 80 : index
    %get3A_1205 = tpu.vector_load %arg10[%get3A_1204] {strides = array<i32>} : memref<512xf32, #tpu.memory_space<vmem>>, vector<16xf32>,
    %bitcast3A_1206 = vector.bitcast %get3A_1205 : vector<16xf32> to vector<16xi32>
    %get3A_1207 = arith.constant 96 : index
    %get3A_1208 = tpu.vector_load %arg10[%get3A_1207] {strides = array<i32>} : memref<512xf32, #tpu.memory_space<vmem>>, vector<16xf32>,
    %get3A_1209 = arith.constant 112 : index
    %get3A_1210 = tpu.vector_load %arg10[%get3A_1209] {strides = array<i32>} : memref<512xf32, #tpu.memory_space<vmem>>, vector<16xf32>,
    %get3A_1211 = arith.constant 128 : index
    %get3A_1212 = tpu.vector_load %arg10[%get3A_1211] {strides = array<i32>} : memref<512xf32, #tpu.memory_space<vmem>>, vector<16xf32>,
    %get3A_1213 = arith.constant 144 : index
    %get3A_1214 = tpu.vector_load %arg10[%get3A_1213] {strides = array<i32>} : memref<512xf32, #tpu.memory_space<vmem>>, vector<16xf32>,
    %bitcast3A_1215 = vector.bitcast %get3A_1214 : vector<16xf32> to vector<16xi32>
    %get3A_1216 = arith.constant 160 : index
    %get3A_1217 = tpu.vector_load %arg10[%get3A_1216] {strides = array<i32>} : memref<512xf32, #tpu.memory_space<vmem>>, vector<16xf32>,
    %get3A_1218 = arith.constant 176 : index
    %get3A_1219 = tpu.vector_load %arg10[%get3A_1218] {strides = array<i32>} : memref<512xf32, #tpu.memory_space<vmem>>, vector<16xf32>,
    %get3A_1220 = arith.constant 192 : index
    %get3A_1221 = tpu.vector_load %arg10[%get3A_1220] {strides = array<i32>} : memref<512xf32, #tpu.memory_space<vmem>>, vector<16xf32>,
    %get3A_1222 = arith.constant 208 : index
    %get3A_1223 = tpu.vector_load %arg10[%get3A_1222] {strides = array<i32>} : memref<512xf32, #tpu.memory_space<vmem>>, vector<16xf32>,
    %bitcast3A_1224 = vector.bitcast %get3A_1223 : vector<16xf32> to vector<16xi32>
    %get3A_1225 = arith.constant 224 : index
    %get3A_1226 = tpu.vector_load %arg10[%get3A_1225] {strides = array<i32>} : memref<512xf32, #tpu.memory_space<vmem>>, vector<16xf32>,
    %get3A_1227 = arith.constant 240 : index
    %get3A_1228 = tpu.vector_load %arg10[%get3A_1227] {strides = array<i32>} : memref<512xf32, #tpu.memory_space<vmem>>, vector<16xf32>,
    %get3A_1229 = arith.constant 256 : index
    %get3A_1230 = tpu.vector_load %arg10[%get3A_1229] {strides = array<i32>} : memref<512xf32, #tpu.memory_space<vmem>>, vector<16xf32>,
    %get3A_1231 = arith.constant 272 : index
    %get3A_1232 = tpu.vector_load %arg10[%get3A_1231] {strides = array<i32>} : memref<512xf32, #tpu.memory_space<vmem>>, vector<16xf32>,
    %bitcast3A_1233 = vector.bitcast %get3A_1232 : vector<16xf32> to vector<16xi32>
    %get3A_1234 = arith.constant 288 : index
    %get3A_1235 = tpu.vector_load %arg10[%get3A_1234] {strides = array<i32>} : memref<512xf32, #tpu.memory_space<vmem>>, vector<16xf32>,
    %get3A_1236 = arith.constant 304 : index
    %get3A_1237 = tpu.vector_load %arg10[%get3A_1236] {strides = array<i32>} : memref<512xf32, #tpu.memory_space<vmem>>, vector<16xf32>,
    %get3A_1238 = arith.constant 320 : index
    %get3A_1239 = tpu.vector_load %arg10[%get3A_1238] {strides = array<i32>} : memref<512xf32, #tpu.memory_space<vmem>>, vector<16xf32>,
    %get3A_1240 = arith.constant 336 : index
    %get3A_1241 = tpu.vector_load %arg10[%get3A_1240] {strides = array<i32>} : memref<512xf32, #tpu.memory_space<vmem>>, vector<16xf32>,
    %bitcast3A_1242 = vector.bitcast %get3A_1241 : vector<16xf32> to vector<16xi32>
    %get3A_1243 = arith.constant 352 : index
    %get3A_1244 = tpu.vector_load %arg10[%get3A_1243] {strides = array<i32>} : memref<512xf32, #tpu.memory_space<vmem>>, vector<16xf32>,
    %get3A_1245 = arith.constant 368 : index
    %get3A_1246 = tpu.vector_load %arg10[%get3A_1245] {strides = array<i32>} : memref<512xf32, #tpu.memory_space<vmem>>, vector<16xf32>,
    %get3A_1247 = arith.constant 384 : index
    %get3A_1248 = tpu.vector_load %arg10[%get3A_1247] {strides = array<i32>} : memref<512xf32, #tpu.memory_space<vmem>>, vector<16xf32>,
    %get3A_1249 = arith.constant 400 : index
    %get3A_1250 = tpu.vector_load %arg10[%get3A_1249] {strides = array<i32>} : memref<512xf32, #tpu.memory_space<vmem>>, vector<16xf32>,
    %bitcast3A_1251 = vector.bitcast %get3A_1250 : vector<16xf32> to vector<16xi32>
    %get3A_1252 = arith.constant 416 : index
    %get3A_1253 = tpu.vector_load %arg10[%get3A_1252] {strides = array<i32>} : memref<512xf32, #tpu.memory_space<vmem>>, vector<16xf32>,
    %get3A_1254 = arith.constant 432 : index
    %get3A_1255 = tpu.vector_load %arg10[%get3A_1254] {strides = array<i32>} : memref<512xf32, #tpu.memory_space<vmem>>, vector<16xf32>,
    %get3A_1256 = arith.constant 448 : index
    %get3A_1257 = tpu.vector_load %arg10[%get3A_1256] {strides = array<i32>} : memref<512xf32, #tpu.memory_space<vmem>>, vector<16xf32>,
    %get3A_1258 = arith.constant 464 : index
    %get3A_1259 = tpu.vector_load %arg10[%get3A_1258] {strides = array<i32>} : memref<512xf32, #tpu.memory_space<vmem>>, vector<16xf32>,
    %bitcast3A_1260 = vector.bitcast %get3A_1259 : vector<16xf32> to vector<16xi32>
    %get3A_1261 = arith.constant 480 : index
    %get3A_1262 = tpu.vector_load %arg10[%get3A_1261] {strides = array<i32>} : memref<512xf32, #tpu.memory_space<vmem>>, vector<16xf32>,
    %get3A_1263 = arith.constant 496 : index
    %get3A_1264 = tpu.vector_load %arg10[%get3A_1263] {strides = array<i32>} : memref<512xf32, #tpu.memory_space<vmem>>, vector<16xf32>,
    %broadcast_in_dim3A_1265 = arith.constant 0xFF800000 : f32
    %broadcast_in_dim3A_1266 = vector.broadcast %broadcast_in_dim3A_1265 : f32 to vector<16xf32>
    %broadcast_in_dim3A_1267 = arith.constant 0 : i32
    %broadcast_in_dim3A_1268 = vector.broadcast %broadcast_in_dim3A_1267 : i32 to vector<16xi32>
    %broadcast_in_dim3A_1269 = arith.constant 0xFF800000 : f32
    %broadcast_in_dim3A_1270 = vector.broadcast %broadcast_in_dim3A_1269 : f32 to vector<16xf32>
    %broadcast_in_dim3A_1271 = arith.constant 0 : i32
    %broadcast_in_dim3A_1272 = vector.broadcast %broadcast_in_dim3A_1271 : i32 to vector<16xi32>
    %broadcast_in_dim3A_1273 = arith.constant 0xFF800000 : f32
    %broadcast_in_dim3A_1274 = vector.broadcast %broadcast_in_dim3A_1273 : f32 to vector<16xf32>
    %broadcast_in_dim3A_1275 = arith.constant 0 : i32
    %broadcast_in_dim3A_1276 = vector.broadcast %broadcast_in_dim3A_1275 : i32 to vector<16xi32>
    %broadcast_in_dim3A_1277 = arith.constant 0xFF800000 : f32
    %broadcast_in_dim3A_1278 = vector.broadcast %broadcast_in_dim3A_1277 : f32 to vector<16xf32>
    %broadcast_in_dim3A_1279 = arith.constant 0 : i32
    %broadcast_in_dim3A_1280 = vector.broadcast %broadcast_in_dim3A_1279 : i32 to vector<16xi32>
    %broadcast_in_dim3A_1281 = arith.constant 0xFF800000 : f32
    %broadcast_in_dim3A_1282 = vector.broadcast %broadcast_in_dim3A_1281 : f32 to vector<16xf32>
    %broadcast_in_dim3A_1283 = arith.constant 0 : i32
    %broadcast_in_dim3A_1284 = vector.broadcast %broadcast_in_dim3A_1283 : i32 to vector<16xi32>
    %broadcast_in_dim3A_1285 = arith.constant 0xFF800000 : f32
    %broadcast_in_dim3A_1286 = vector.broadcast %broadcast_in_dim3A_1285 : f32 to vector<16xf32>
    %broadcast_in_dim3A_1287 = arith.constant 0 : i32
    %broadcast_in_dim3A_1288 = vector.broadcast %broadcast_in_dim3A_1287 : i32 to vector<16xi32>
    %broadcast_in_dim3A_1289 = arith.constant 0xFF800000 : f32
    %broadcast_in_dim3A_1290 = vector.broadcast %broadcast_in_dim3A_1289 : f32 to vector<16xf32>
    %broadcast_in_dim3A_1291 = arith.constant 0 : i32
    %broadcast_in_dim3A_1292 = vector.broadcast %broadcast_in_dim3A_1291 : i32 to vector<16xi32>
    %broadcast_in_dim3A_1293 = arith.constant 0xFF800000 : f32
    %broadcast_in_dim3A_1294 = vector.broadcast %broadcast_in_dim3A_1293 : f32 to vector<16xf32>
    %broadcast_in_dim3A_1295 = arith.constant 0 : i32
    %broadcast_in_dim3A_1296 = vector.broadcast %broadcast_in_dim3A_1295 : i32 to vector<16xi32>
    %parallel_loop3A_1297 = arith.constant 0 : i32
    %parallel_loop3A_1298 = arith.constant 2048 : i32
    %parallel_loop3A_1299 = arith.constant 16 : i32
    %parallel_loop3A_1300:16 = scf.for %parallel_loop3A_2309 = %parallel_loop3A_1297 to %parallel_loop3A_1298 step %parallel_loop3A_1299 iter_args(%parallel_loop3A_2310 = %broadcast_in_dim3A_1266, %parallel_loop3A_2311 = %broadcast_in_dim3A_1268, %parallel_loop3A_2312 = %broadcast_in_dim3A_1270, %parallel_loop3A_2313 = %broadcast_in_dim3A_1272, %parallel_loop3A_2314 = %broadcast_in_dim3A_1274, %parallel_loop3A_2315 = %broadcast_in_dim3A_1276, %parallel_loop3A_2316 = %broadcast_in_dim3A_1278, %parallel_loop3A_2317 = %broadcast_in_dim3A_1280, %parallel_loop3A_2318 = %broadcast_in_dim3A_1282, %parallel_loop3A_2319 = %broadcast_in_dim3A_1284, %parallel_loop3A_2320 = %broadcast_in_dim3A_1286, %parallel_loop3A_2321 = %broadcast_in_dim3A_1288, %parallel_loop3A_2322 = %broadcast_in_dim3A_1290, %parallel_loop3A_2323 = %broadcast_in_dim3A_1292, %parallel_loop3A_2324 = %broadcast_in_dim3A_1294, %parallel_loop3A_2325 = %broadcast_in_dim3A_1296) -> (vector<16xf32>, vector<16xi32>, vector<16xf32>, vector<16xi32>, vector<16xf32>, vector<16xi32>, vector<16xf32>, vector<16xi32>, vector<16xf32>, vector<16xi32>, vector<16xf32>, vector<16xi32>, vector<16xf32>, vector<16xi32>, vector<16xf32>, vector<16xi32>)  : i32 {
      %parallel_loop3A_2326 = arith.addi %mul3A_34, %parallel_loop3A_2309 : i32
      %parallel_loop3A_2327 = vector.broadcast %parallel_loop3A_2326 : i32 to vector<16xi32>
      %parallel_loop3A_2328 = arith.addi %iota3A, %parallel_loop3A_2327 : vector<16xi32>
      %parallel_loop3A_2329 = arith.constant 0 : i32
      %parallel_loop3A_2330 = arith.index_cast %parallel_loop3A_2329 : i32 to index
      %parallel_loop3A_2331 = arith.index_cast %parallel_loop3A_2309 : i32 to index
      %parallel_loop3A_2332 = tpu.vector_load %arg4[%parallel_loop3A_2330, %parallel_loop3A_2331] {strides = array<i32>} : memref<8x2048xf32, #tpu.memory_space<vmem>>, vector<16xf32>,
      %parallel_loop3A_2333 = arith.subf %parallel_loop3A_2332, %get3A_1199 : vector<16xf32>
      %parallel_loop3A_2334 = arith.constant 0 : i32
      %parallel_loop3A_2335 = arith.index_cast %parallel_loop3A_2334 : i32 to index
      %parallel_loop3A_2336 = arith.index_cast %parallel_loop3A_2309 : i32 to index
      %parallel_loop3A_2337 = tpu.vector_load %arg5[%parallel_loop3A_2335, %parallel_loop3A_2336] {strides = array<i32>} : memref<8x2048xf32, #tpu.memory_space<vmem>>, vector<16xf32>,
      %parallel_loop3A_2338 = arith.subf %parallel_loop3A_2337, %get3A_1194 : vector<16xf32>
      %parallel_loop3A_2339 = arith.constant 0 : i32
      %parallel_loop3A_2340 = arith.index_cast %parallel_loop3A_2339 : i32 to index
      %parallel_loop3A_2341 = arith.index_cast %parallel_loop3A_2309 : i32 to index
      %parallel_loop3A_2342 = tpu.vector_load %arg6[%parallel_loop3A_2340, %parallel_loop3A_2341] {strides = array<i32>} : memref<8x2048xf32, #tpu.memory_space<vmem>>, vector<16xf32>,
      %parallel_loop3A_2343 = arith.subf %parallel_loop3A_2342, %get3A_1201 : vector<16xf32>
      %parallel_loop3A_2344 = arith.mulf %parallel_loop3A_2333, %parallel_loop3A_2333 : vector<16xf32>
      %parallel_loop3A_2345 = arith.mulf %parallel_loop3A_2338, %parallel_loop3A_2338 : vector<16xf32>
      %parallel_loop3A_2346 = arith.addf %parallel_loop3A_2344, %parallel_loop3A_2345 : vector<16xf32>
      %parallel_loop3A_2347 = arith.mulf %parallel_loop3A_2343, %parallel_loop3A_2343 : vector<16xf32>
      %parallel_loop3A_2348 = arith.addf %parallel_loop3A_2346, %parallel_loop3A_2347 : vector<16xf32>
      %parallel_loop3A_2349 = arith.constant 1.000000e+10 : f32
      %parallel_loop3A_2350 = vector.broadcast %parallel_loop3A_2349 : f32 to vector<16xf32>
      %parallel_loop3A_2351 = arith.minimumf %parallel_loop3A_2348, %parallel_loop3A_2350 : vector<16xf32>
      %parallel_loop3A_2352 = arith.cmpf ogt, %parallel_loop3A_2351, %parallel_loop3A_2310 : vector<16xf32>
      %parallel_loop3A_2353 = arith.select %parallel_loop3A_2352, %parallel_loop3A_2351, %parallel_loop3A_2310 : vector<16xi1>, vector<16xf32>
      %parallel_loop3A_2354 = arith.select %parallel_loop3A_2352, %parallel_loop3A_2328, %parallel_loop3A_2311 : vector<16xi1>, vector<16xi32>
      %parallel_loop3A_2355 = arith.constant 1 : i32
      %parallel_loop3A_2356 = arith.index_cast %parallel_loop3A_2355 : i32 to index
      %parallel_loop3A_2357 = arith.index_cast %parallel_loop3A_2309 : i32 to index
      %parallel_loop3A_2358 = tpu.vector_load %arg4[%parallel_loop3A_2356, %parallel_loop3A_2357] {strides = array<i32>} : memref<8x2048xf32, #tpu.memory_space<vmem>>, vector<16xf32>,
      %parallel_loop3A_2359 = arith.subf %parallel_loop3A_2358, %get3A_1208 : vector<16xf32>
      %parallel_loop3A_2360 = arith.constant 1 : i32
      %parallel_loop3A_2361 = arith.index_cast %parallel_loop3A_2360 : i32 to index
      %parallel_loop3A_2362 = arith.index_cast %parallel_loop3A_2309 : i32 to index
      %parallel_loop3A_2363 = tpu.vector_load %arg5[%parallel_loop3A_2361, %parallel_loop3A_2362] {strides = array<i32>} : memref<8x2048xf32, #tpu.memory_space<vmem>>, vector<16xf32>,
      %parallel_loop3A_2364 = arith.subf %parallel_loop3A_2363, %get3A_1203 : vector<16xf32>
      %parallel_loop3A_2365 = arith.constant 1 : i32
      %parallel_loop3A_2366 = arith.index_cast %parallel_loop3A_2365 : i32 to index
      %parallel_loop3A_2367 = arith.index_cast %parallel_loop3A_2309 : i32 to index
      %parallel_loop3A_2368 = tpu.vector_load %arg6[%parallel_loop3A_2366, %parallel_loop3A_2367] {strides = array<i32>} : memref<8x2048xf32, #tpu.memory_space<vmem>>, vector<16xf32>,
      %parallel_loop3A_2369 = arith.subf %parallel_loop3A_2368, %get3A_1210 : vector<16xf32>
      %parallel_loop3A_2370 = arith.mulf %parallel_loop3A_2359, %parallel_loop3A_2359 : vector<16xf32>
      %parallel_loop3A_2371 = arith.mulf %parallel_loop3A_2364, %parallel_loop3A_2364 : vector<16xf32>
      %parallel_loop3A_2372 = arith.addf %parallel_loop3A_2370, %parallel_loop3A_2371 : vector<16xf32>
      %parallel_loop3A_2373 = arith.mulf %parallel_loop3A_2369, %parallel_loop3A_2369 : vector<16xf32>
      %parallel_loop3A_2374 = arith.addf %parallel_loop3A_2372, %parallel_loop3A_2373 : vector<16xf32>
      %parallel_loop3A_2375 = arith.constant 1.000000e+10 : f32
      %parallel_loop3A_2376 = vector.broadcast %parallel_loop3A_2375 : f32 to vector<16xf32>
      %parallel_loop3A_2377 = arith.minimumf %parallel_loop3A_2374, %parallel_loop3A_2376 : vector<16xf32>
      %parallel_loop3A_2378 = arith.cmpf ogt, %parallel_loop3A_2377, %parallel_loop3A_2312 : vector<16xf32>
      %parallel_loop3A_2379 = arith.select %parallel_loop3A_2378, %parallel_loop3A_2377, %parallel_loop3A_2312 : vector<16xi1>, vector<16xf32>
      %parallel_loop3A_2380 = arith.select %parallel_loop3A_2378, %parallel_loop3A_2328, %parallel_loop3A_2313 : vector<16xi1>, vector<16xi32>
      %parallel_loop3A_2381 = arith.constant 2 : i32
      %parallel_loop3A_2382 = arith.index_cast %parallel_loop3A_2381 : i32 to index
      %parallel_loop3A_2383 = arith.index_cast %parallel_loop3A_2309 : i32 to index
      %parallel_loop3A_2384 = tpu.vector_load %arg4[%parallel_loop3A_2382, %parallel_loop3A_2383] {strides = array<i32>} : memref<8x2048xf32, #tpu.memory_space<vmem>>, vector<16xf32>,
      %parallel_loop3A_2385 = arith.subf %parallel_loop3A_2384, %get3A_1217 : vector<16xf32>
      %parallel_loop3A_2386 = arith.constant 2 : i32
      %parallel_loop3A_2387 = arith.index_cast %parallel_loop3A_2386 : i32 to index
      %parallel_loop3A_2388 = arith.index_cast %parallel_loop3A_2309 : i32 to index
      %parallel_loop3A_2389 = tpu.vector_load %arg5[%parallel_loop3A_2387, %parallel_loop3A_2388] {strides = array<i32>} : memref<8x2048xf32, #tpu.memory_space<vmem>>, vector<16xf32>,
      %parallel_loop3A_2390 = arith.subf %parallel_loop3A_2389, %get3A_1212 : vector<16xf32>
      %parallel_loop3A_2391 = arith.constant 2 : i32
      %parallel_loop3A_2392 = arith.index_cast %parallel_loop3A_2391 : i32 to index
      %parallel_loop3A_2393 = arith.index_cast %parallel_loop3A_2309 : i32 to index
      %parallel_loop3A_2394 = tpu.vector_load %arg6[%parallel_loop3A_2392, %parallel_loop3A_2393] {strides = array<i32>} : memref<8x2048xf32, #tpu.memory_space<vmem>>, vector<16xf32>,
      %parallel_loop3A_2395 = arith.subf %parallel_loop3A_2394, %get3A_1219 : vector<16xf32>
      %parallel_loop3A_2396 = arith.mulf %parallel_loop3A_2385, %parallel_loop3A_2385 : vector<16xf32>
      %parallel_loop3A_2397 = arith.mulf %parallel_loop3A_2390, %parallel_loop3A_2390 : vector<16xf32>
      %parallel_loop3A_2398 = arith.addf %parallel_loop3A_2396, %parallel_loop3A_2397 : vector<16xf32>
      %parallel_loop3A_2399 = arith.mulf %parallel_loop3A_2395, %parallel_loop3A_2395 : vector<16xf32>
      %parallel_loop3A_2400 = arith.addf %parallel_loop3A_2398, %parallel_loop3A_2399 : vector<16xf32>
      %parallel_loop3A_2401 = arith.constant 1.000000e+10 : f32
      %parallel_loop3A_2402 = vector.broadcast %parallel_loop3A_2401 : f32 to vector<16xf32>
      %parallel_loop3A_2403 = arith.minimumf %parallel_loop3A_2400, %parallel_loop3A_2402 : vector<16xf32>
      %parallel_loop3A_2404 = arith.cmpf ogt, %parallel_loop3A_2403, %parallel_loop3A_2314 : vector<16xf32>
      %parallel_loop3A_2405 = arith.select %parallel_loop3A_2404, %parallel_loop3A_2403, %parallel_loop3A_2314 : vector<16xi1>, vector<16xf32>
      %parallel_loop3A_2406 = arith.select %parallel_loop3A_2404, %parallel_loop3A_2328, %parallel_loop3A_2315 : vector<16xi1>, vector<16xi32>
      %parallel_loop3A_2407 = arith.constant 3 : i32
      %parallel_loop3A_2408 = arith.index_cast %parallel_loop3A_2407 : i32 to index
      %parallel_loop3A_2409 = arith.index_cast %parallel_loop3A_2309 : i32 to index
      %parallel_loop3A_2410 = tpu.vector_load %arg4[%parallel_loop3A_2408, %parallel_loop3A_2409] {strides = array<i32>} : memref<8x2048xf32, #tpu.memory_space<vmem>>, vector<16xf32>,
      %parallel_loop3A_2411 = arith.subf %parallel_loop3A_2410, %get3A_1226 : vector<16xf32>
      %parallel_loop3A_2412 = arith.constant 3 : i32
      %parallel_loop3A_2413 = arith.index_cast %parallel_loop3A_2412 : i32 to index
      %parallel_loop3A_2414 = arith.index_cast %parallel_loop3A_2309 : i32 to index
      %parallel_loop3A_2415 = tpu.vector_load %arg5[%parallel_loop3A_2413, %parallel_loop3A_2414] {strides = array<i32>} : memref<8x2048xf32, #tpu.memory_space<vmem>>, vector<16xf32>,
      %parallel_loop3A_2416 = arith.subf %parallel_loop3A_2415, %get3A_1221 : vector<16xf32>
      %parallel_loop3A_2417 = arith.constant 3 : i32
      %parallel_loop3A_2418 = arith.index_cast %parallel_loop3A_2417 : i32 to index
      %parallel_loop3A_2419 = arith.index_cast %parallel_loop3A_2309 : i32 to index
      %parallel_loop3A_2420 = tpu.vector_load %arg6[%parallel_loop3A_2418, %parallel_loop3A_2419] {strides = array<i32>} : memref<8x2048xf32, #tpu.memory_space<vmem>>, vector<16xf32>,
      %parallel_loop3A_2421 = arith.subf %parallel_loop3A_2420, %get3A_1228 : vector<16xf32>
      %parallel_loop3A_2422 = arith.mulf %parallel_loop3A_2411, %parallel_loop3A_2411 : vector<16xf32>
      %parallel_loop3A_2423 = arith.mulf %parallel_loop3A_2416, %parallel_loop3A_2416 : vector<16xf32>
      %parallel_loop3A_2424 = arith.addf %parallel_loop3A_2422, %parallel_loop3A_2423 : vector<16xf32>
      %parallel_loop3A_2425 = arith.mulf %parallel_loop3A_2421, %parallel_loop3A_2421 : vector<16xf32>
      %parallel_loop3A_2426 = arith.addf %parallel_loop3A_2424, %parallel_loop3A_2425 : vector<16xf32>
      %parallel_loop3A_2427 = arith.constant 1.000000e+10 : f32
      %parallel_loop3A_2428 = vector.broadcast %parallel_loop3A_2427 : f32 to vector<16xf32>
      %parallel_loop3A_2429 = arith.minimumf %parallel_loop3A_2426, %parallel_loop3A_2428 : vector<16xf32>
      %parallel_loop3A_2430 = arith.cmpf ogt, %parallel_loop3A_2429, %parallel_loop3A_2316 : vector<16xf32>
      %parallel_loop3A_2431 = arith.select %parallel_loop3A_2430, %parallel_loop3A_2429, %parallel_loop3A_2316 : vector<16xi1>, vector<16xf32>
      %parallel_loop3A_2432 = arith.select %parallel_loop3A_2430, %parallel_loop3A_2328, %parallel_loop3A_2317 : vector<16xi1>, vector<16xi32>
      %parallel_loop3A_2433 = arith.constant 4 : i32
      %parallel_loop3A_2434 = arith.index_cast %parallel_loop3A_2433 : i32 to index
      %parallel_loop3A_2435 = arith.index_cast %parallel_loop3A_2309 : i32 to index
      %parallel_loop3A_2436 = tpu.vector_load %arg4[%parallel_loop3A_2434, %parallel_loop3A_2435] {strides = array<i32>} : memref<8x2048xf32, #tpu.memory_space<vmem>>, vector<16xf32>,
      %parallel_loop3A_2437 = arith.subf %parallel_loop3A_2436, %get3A_1235 : vector<16xf32>
      %parallel_loop3A_2438 = arith.constant 4 : i32
      %parallel_loop3A_2439 = arith.index_cast %parallel_loop3A_2438 : i32 to index
      %parallel_loop3A_2440 = arith.index_cast %parallel_loop3A_2309 : i32 to index
      %parallel_loop3A_2441 = tpu.vector_load %arg5[%parallel_loop3A_2439, %parallel_loop3A_2440] {strides = array<i32>} : memref<8x2048xf32, #tpu.memory_space<vmem>>, vector<16xf32>,
      %parallel_loop3A_2442 = arith.subf %parallel_loop3A_2441, %get3A_1230 : vector<16xf32>
      %parallel_loop3A_2443 = arith.constant 4 : i32
      %parallel_loop3A_2444 = arith.index_cast %parallel_loop3A_2443 : i32 to index
      %parallel_loop3A_2445 = arith.index_cast %parallel_loop3A_2309 : i32 to index
      %parallel_loop3A_2446 = tpu.vector_load %arg6[%parallel_loop3A_2444, %parallel_loop3A_2445] {strides = array<i32>} : memref<8x2048xf32, #tpu.memory_space<vmem>>, vector<16xf32>,
      %parallel_loop3A_2447 = arith.subf %parallel_loop3A_2446, %get3A_1237 : vector<16xf32>
      %parallel_loop3A_2448 = arith.mulf %parallel_loop3A_2437, %parallel_loop3A_2437 : vector<16xf32>
      %parallel_loop3A_2449 = arith.mulf %parallel_loop3A_2442, %parallel_loop3A_2442 : vector<16xf32>
      %parallel_loop3A_2450 = arith.addf %parallel_loop3A_2448, %parallel_loop3A_2449 : vector<16xf32>
      %parallel_loop3A_2451 = arith.mulf %parallel_loop3A_2447, %parallel_loop3A_2447 : vector<16xf32>
      %parallel_loop3A_2452 = arith.addf %parallel_loop3A_2450, %parallel_loop3A_2451 : vector<16xf32>
      %parallel_loop3A_2453 = arith.constant 1.000000e+10 : f32
      %parallel_loop3A_2454 = vector.broadcast %parallel_loop3A_2453 : f32 to vector<16xf32>
      %parallel_loop3A_2455 = arith.minimumf %parallel_loop3A_2452, %parallel_loop3A_2454 : vector<16xf32>
      %parallel_loop3A_2456 = arith.cmpf ogt, %parallel_loop3A_2455, %parallel_loop3A_2318 : vector<16xf32>
      %parallel_loop3A_2457 = arith.select %parallel_loop3A_2456, %parallel_loop3A_2455, %parallel_loop3A_2318 : vector<16xi1>, vector<16xf32>
      %parallel_loop3A_2458 = arith.select %parallel_loop3A_2456, %parallel_loop3A_2328, %parallel_loop3A_2319 : vector<16xi1>, vector<16xi32>
      %parallel_loop3A_2459 = arith.constant 5 : i32
      %parallel_loop3A_2460 = arith.index_cast %parallel_loop3A_2459 : i32 to index
      %parallel_loop3A_2461 = arith.index_cast %parallel_loop3A_2309 : i32 to index
      %parallel_loop3A_2462 = tpu.vector_load %arg4[%parallel_loop3A_2460, %parallel_loop3A_2461] {strides = array<i32>} : memref<8x2048xf32, #tpu.memory_space<vmem>>, vector<16xf32>,
      %parallel_loop3A_2463 = arith.subf %parallel_loop3A_2462, %get3A_1244 : vector<16xf32>
      %parallel_loop3A_2464 = arith.constant 5 : i32
      %parallel_loop3A_2465 = arith.index_cast %parallel_loop3A_2464 : i32 to index
      %parallel_loop3A_2466 = arith.index_cast %parallel_loop3A_2309 : i32 to index
      %parallel_loop3A_2467 = tpu.vector_load %arg5[%parallel_loop3A_2465, %parallel_loop3A_2466] {strides = array<i32>} : memref<8x2048xf32, #tpu.memory_space<vmem>>, vector<16xf32>,
      %parallel_loop3A_2468 = arith.subf %parallel_loop3A_2467, %get3A_1239 : vector<16xf32>
      %parallel_loop3A_2469 = arith.constant 5 : i32
      %parallel_loop3A_2470 = arith.index_cast %parallel_loop3A_2469 : i32 to index
      %parallel_loop3A_2471 = arith.index_cast %parallel_loop3A_2309 : i32 to index
      %parallel_loop3A_2472 = tpu.vector_load %arg6[%parallel_loop3A_2470, %parallel_loop3A_2471] {strides = array<i32>} : memref<8x2048xf32, #tpu.memory_space<vmem>>, vector<16xf32>,
      %parallel_loop3A_2473 = arith.subf %parallel_loop3A_2472, %get3A_1246 : vector<16xf32>
      %parallel_loop3A_2474 = arith.mulf %parallel_loop3A_2463, %parallel_loop3A_2463 : vector<16xf32>
      %parallel_loop3A_2475 = arith.mulf %parallel_loop3A_2468, %parallel_loop3A_2468 : vector<16xf32>
      %parallel_loop3A_2476 = arith.addf %parallel_loop3A_2474, %parallel_loop3A_2475 : vector<16xf32>
      %parallel_loop3A_2477 = arith.mulf %parallel_loop3A_2473, %parallel_loop3A_2473 : vector<16xf32>
      %parallel_loop3A_2478 = arith.addf %parallel_loop3A_2476, %parallel_loop3A_2477 : vector<16xf32>
      %parallel_loop3A_2479 = arith.constant 1.000000e+10 : f32
      %parallel_loop3A_2480 = vector.broadcast %parallel_loop3A_2479 : f32 to vector<16xf32>
      %parallel_loop3A_2481 = arith.minimumf %parallel_loop3A_2478, %parallel_loop3A_2480 : vector<16xf32>
      %parallel_loop3A_2482 = arith.cmpf ogt, %parallel_loop3A_2481, %parallel_loop3A_2320 : vector<16xf32>
      %parallel_loop3A_2483 = arith.select %parallel_loop3A_2482, %parallel_loop3A_2481, %parallel_loop3A_2320 : vector<16xi1>, vector<16xf32>
      %parallel_loop3A_2484 = arith.select %parallel_loop3A_2482, %parallel_loop3A_2328, %parallel_loop3A_2321 : vector<16xi1>, vector<16xi32>
      %parallel_loop3A_2485 = arith.constant 6 : i32
      %parallel_loop3A_2486 = arith.index_cast %parallel_loop3A_2485 : i32 to index
      %parallel_loop3A_2487 = arith.index_cast %parallel_loop3A_2309 : i32 to index
      %parallel_loop3A_2488 = tpu.vector_load %arg4[%parallel_loop3A_2486, %parallel_loop3A_2487] {strides = array<i32>} : memref<8x2048xf32, #tpu.memory_space<vmem>>, vector<16xf32>,
      %parallel_loop3A_2489 = arith.subf %parallel_loop3A_2488, %get3A_1253 : vector<16xf32>
      %parallel_loop3A_2490 = arith.constant 6 : i32
      %parallel_loop3A_2491 = arith.index_cast %parallel_loop3A_2490 : i32 to index
      %parallel_loop3A_2492 = arith.index_cast %parallel_loop3A_2309 : i32 to index
      %parallel_loop3A_2493 = tpu.vector_load %arg5[%parallel_loop3A_2491, %parallel_loop3A_2492] {strides = array<i32>} : memref<8x2048xf32, #tpu.memory_space<vmem>>, vector<16xf32>,
      %parallel_loop3A_2494 = arith.subf %parallel_loop3A_2493, %get3A_1248 : vector<16xf32>
      %parallel_loop3A_2495 = arith.constant 6 : i32
      %parallel_loop3A_2496 = arith.index_cast %parallel_loop3A_2495 : i32 to index
      %parallel_loop3A_2497 = arith.index_cast %parallel_loop3A_2309 : i32 to index
      %parallel_loop3A_2498 = tpu.vector_load %arg6[%parallel_loop3A_2496, %parallel_loop3A_2497] {strides = array<i32>} : memref<8x2048xf32, #tpu.memory_space<vmem>>, vector<16xf32>,
      %parallel_loop3A_2499 = arith.subf %parallel_loop3A_2498, %get3A_1255 : vector<16xf32>
      %parallel_loop3A_2500 = arith.mulf %parallel_loop3A_2489, %parallel_loop3A_2489 : vector<16xf32>
      %parallel_loop3A_2501 = arith.mulf %parallel_loop3A_2494, %parallel_loop3A_2494 : vector<16xf32>
      %parallel_loop3A_2502 = arith.addf %parallel_loop3A_2500, %parallel_loop3A_2501 : vector<16xf32>
      %parallel_loop3A_2503 = arith.mulf %parallel_loop3A_2499, %parallel_loop3A_2499 : vector<16xf32>
      %parallel_loop3A_2504 = arith.addf %parallel_loop3A_2502, %parallel_loop3A_2503 : vector<16xf32>
      %parallel_loop3A_2505 = arith.constant 1.000000e+10 : f32
      %parallel_loop3A_2506 = vector.broadcast %parallel_loop3A_2505 : f32 to vector<16xf32>
      %parallel_loop3A_2507 = arith.minimumf %parallel_loop3A_2504, %parallel_loop3A_2506 : vector<16xf32>
      %parallel_loop3A_2508 = arith.cmpf ogt, %parallel_loop3A_2507, %parallel_loop3A_2322 : vector<16xf32>
      %parallel_loop3A_2509 = arith.select %parallel_loop3A_2508, %parallel_loop3A_2507, %parallel_loop3A_2322 : vector<16xi1>, vector<16xf32>
      %parallel_loop3A_2510 = arith.select %parallel_loop3A_2508, %parallel_loop3A_2328, %parallel_loop3A_2323 : vector<16xi1>, vector<16xi32>
      %parallel_loop3A_2511 = arith.constant 7 : i32
      %parallel_loop3A_2512 = arith.index_cast %parallel_loop3A_2511 : i32 to index
      %parallel_loop3A_2513 = arith.index_cast %parallel_loop3A_2309 : i32 to index
      %parallel_loop3A_2514 = tpu.vector_load %arg4[%parallel_loop3A_2512, %parallel_loop3A_2513] {strides = array<i32>} : memref<8x2048xf32, #tpu.memory_space<vmem>>, vector<16xf32>,
      %parallel_loop3A_2515 = arith.subf %parallel_loop3A_2514, %get3A_1262 : vector<16xf32>
      %parallel_loop3A_2516 = arith.constant 7 : i32
      %parallel_loop3A_2517 = arith.index_cast %parallel_loop3A_2516 : i32 to index
      %parallel_loop3A_2518 = arith.index_cast %parallel_loop3A_2309 : i32 to index
      %parallel_loop3A_2519 = tpu.vector_load %arg5[%parallel_loop3A_2517, %parallel_loop3A_2518] {strides = array<i32>} : memref<8x2048xf32, #tpu.memory_space<vmem>>, vector<16xf32>,
      %parallel_loop3A_2520 = arith.subf %parallel_loop3A_2519, %get3A_1257 : vector<16xf32>
      %parallel_loop3A_2521 = arith.constant 7 : i32
      %parallel_loop3A_2522 = arith.index_cast %parallel_loop3A_2521 : i32 to index
      %parallel_loop3A_2523 = arith.index_cast %parallel_loop3A_2309 : i32 to index
      %parallel_loop3A_2524 = tpu.vector_load %arg6[%parallel_loop3A_2522, %parallel_loop3A_2523] {strides = array<i32>} : memref<8x2048xf32, #tpu.memory_space<vmem>>, vector<16xf32>,
      %parallel_loop3A_2525 = arith.subf %parallel_loop3A_2524, %get3A_1264 : vector<16xf32>
      %parallel_loop3A_2526 = arith.mulf %parallel_loop3A_2515, %parallel_loop3A_2515 : vector<16xf32>
      %parallel_loop3A_2527 = arith.mulf %parallel_loop3A_2520, %parallel_loop3A_2520 : vector<16xf32>
      %parallel_loop3A_2528 = arith.addf %parallel_loop3A_2526, %parallel_loop3A_2527 : vector<16xf32>
      %parallel_loop3A_2529 = arith.mulf %parallel_loop3A_2525, %parallel_loop3A_2525 : vector<16xf32>
      %parallel_loop3A_2530 = arith.addf %parallel_loop3A_2528, %parallel_loop3A_2529 : vector<16xf32>
      %parallel_loop3A_2531 = arith.constant 1.000000e+10 : f32
      %parallel_loop3A_2532 = vector.broadcast %parallel_loop3A_2531 : f32 to vector<16xf32>
      %parallel_loop3A_2533 = arith.minimumf %parallel_loop3A_2530, %parallel_loop3A_2532 : vector<16xf32>
      %parallel_loop3A_2534 = arith.cmpf ogt, %parallel_loop3A_2533, %parallel_loop3A_2324 : vector<16xf32>
      %parallel_loop3A_2535 = arith.select %parallel_loop3A_2534, %parallel_loop3A_2533, %parallel_loop3A_2324 : vector<16xi1>, vector<16xf32>
      %parallel_loop3A_2536 = arith.select %parallel_loop3A_2534, %parallel_loop3A_2328, %parallel_loop3A_2325 : vector<16xi1>, vector<16xi32>
      scf.yield %parallel_loop3A_2353, %parallel_loop3A_2354, %parallel_loop3A_2379, %parallel_loop3A_2380, %parallel_loop3A_2405, %parallel_loop3A_2406, %parallel_loop3A_2431, %parallel_loop3A_2432, %parallel_loop3A_2457, %parallel_loop3A_2458, %parallel_loop3A_2483, %parallel_loop3A_2484, %parallel_loop3A_2509, %parallel_loop3A_2510, %parallel_loop3A_2535, %parallel_loop3A_2536 : vector<16xf32>, vector<16xi32>, vector<16xf32>, vector<16xi32>, vector<16xf32>, vector<16xi32>, vector<16xf32>, vector<16xi32>, vector<16xf32>, vector<16xi32>, vector<16xf32>, vector<16xi32>, vector<16xf32>, vector<16xi32>, vector<16xf32>, vector<16xi32>
    } {sc.loop_unroll_factor = 1 : i64, sc.parallel_access}
    %xor3A_1301 = arith.constant 8 : i32
    %xor3A_1302 = vector.broadcast %xor3A_1301 : i32 to vector<16xi32>
    %xor3A_1303 = arith.xori %iota3A, %xor3A_1302 : vector<16xi32>
    %lt3A_1304 = arith.constant 0 : i32
    %lt3A_1305 = vector.broadcast %lt3A_1304 : i32 to vector<16xi32>
    %lt3A_1306 = arith.cmpi slt, %xor3A_1303, %lt3A_1305 : vector<16xi32>
    %add3A_1307 = arith.constant 16 : i32
    %add3A_1308 = vector.broadcast %add3A_1307 : i32 to vector<16xi32>
    %add3A_1309 = arith.addi %xor3A_1303, %add3A_1308 : vector<16xi32>
    %select_n3A_1310 = arith.select %lt3A_1306, %add3A_1309, %xor3A_1303 : vector<16xi1>, vector<16xi32>
    %broadcast_in_dim3A_1311 = vector.shape_cast %select_n3A_1310 : vector<16xi32> to vector<16x1xi32>
    %gather3A_1312 = vector.shape_cast %broadcast_in_dim3A_1311 : vector<16x1xi32> to vector<16xi32>
    %gather3A_1313 = tpu.dynamic_gather %parallel_loop3A_1300#0[%gather3A_1312] in [0] : vector<16xf32>, vector<16xi32> -> vector<16xf32>
    %lt3A_1314 = arith.constant 0 : i32
    %lt3A_1315 = vector.broadcast %lt3A_1314 : i32 to vector<16xi32>
    %lt3A_1316 = arith.cmpi slt, %xor3A_1303, %lt3A_1315 : vector<16xi32>
    %add3A_1317 = arith.constant 16 : i32
    %add3A_1318 = vector.broadcast %add3A_1317 : i32 to vector<16xi32>
    %add3A_1319 = arith.addi %xor3A_1303, %add3A_1318 : vector<16xi32>
    %select_n3A_1320 = arith.select %lt3A_1316, %add3A_1319, %xor3A_1303 : vector<16xi1>, vector<16xi32>
    %broadcast_in_dim3A_1321 = vector.shape_cast %select_n3A_1320 : vector<16xi32> to vector<16x1xi32>
    %gather3A_1322 = vector.shape_cast %broadcast_in_dim3A_1321 : vector<16x1xi32> to vector<16xi32>
    %gather3A_1323 = tpu.dynamic_gather %parallel_loop3A_1300#1[%gather3A_1322] in [0] : vector<16xi32>, vector<16xi32> -> vector<16xi32>
    %gt3A_1324 = arith.cmpf ogt, %gather3A_1313, %parallel_loop3A_1300#0 : vector<16xf32>
    %eq3A_1325 = arith.cmpf oeq, %gather3A_1313, %parallel_loop3A_1300#0 : vector<16xf32>
    %lt3A_1326 = arith.cmpi slt, %gather3A_1323, %parallel_loop3A_1300#1 : vector<16xi32>
    %and3A_1327 = arith.andi %eq3A_1325, %lt3A_1326 : vector<16xi1>
    %or3A_1328 = arith.ori %gt3A_1324, %and3A_1327 : vector<16xi1>
    %select_n3A_1329 = arith.select %or3A_1328, %gather3A_1313, %parallel_loop3A_1300#0 : vector<16xi1>, vector<16xf32>
    %select_n3A_1330 = arith.select %or3A_1328, %gather3A_1323, %parallel_loop3A_1300#1 : vector<16xi1>, vector<16xi32>
    %xor3A_1331 = arith.constant 4 : i32
    %xor3A_1332 = vector.broadcast %xor3A_1331 : i32 to vector<16xi32>
    %xor3A_1333 = arith.xori %iota3A, %xor3A_1332 : vector<16xi32>
    %lt3A_1334 = arith.constant 0 : i32
    %lt3A_1335 = vector.broadcast %lt3A_1334 : i32 to vector<16xi32>
    %lt3A_1336 = arith.cmpi slt, %xor3A_1333, %lt3A_1335 : vector<16xi32>
    %add3A_1337 = arith.constant 16 : i32
    %add3A_1338 = vector.broadcast %add3A_1337 : i32 to vector<16xi32>
    %add3A_1339 = arith.addi %xor3A_1333, %add3A_1338 : vector<16xi32>
    %select_n3A_1340 = arith.select %lt3A_1336, %add3A_1339, %xor3A_1333 : vector<16xi1>, vector<16xi32>
    %broadcast_in_dim3A_1341 = vector.shape_cast %select_n3A_1340 : vector<16xi32> to vector<16x1xi32>
    %gather3A_1342 = vector.shape_cast %broadcast_in_dim3A_1341 : vector<16x1xi32> to vector<16xi32>
    %gather3A_1343 = tpu.dynamic_gather %select_n3A_1329[%gather3A_1342] in [0] : vector<16xf32>, vector<16xi32> -> vector<16xf32>
    %lt3A_1344 = arith.constant 0 : i32
    %lt3A_1345 = vector.broadcast %lt3A_1344 : i32 to vector<16xi32>
    %lt3A_1346 = arith.cmpi slt, %xor3A_1333, %lt3A_1345 : vector<16xi32>
    %add3A_1347 = arith.constant 16 : i32
    %add3A_1348 = vector.broadcast %add3A_1347 : i32 to vector<16xi32>
    %add3A_1349 = arith.addi %xor3A_1333, %add3A_1348 : vector<16xi32>
    %select_n3A_1350 = arith.select %lt3A_1346, %add3A_1349, %xor3A_1333 : vector<16xi1>, vector<16xi32>
    %broadcast_in_dim3A_1351 = vector.shape_cast %select_n3A_1350 : vector<16xi32> to vector<16x1xi32>
    %gather3A_1352 = vector.shape_cast %broadcast_in_dim3A_1351 : vector<16x1xi32> to vector<16xi32>
    %gather3A_1353 = tpu.dynamic_gather %select_n3A_1330[%gather3A_1352] in [0] : vector<16xi32>, vector<16xi32> -> vector<16xi32>
    %gt3A_1354 = arith.cmpf ogt, %gather3A_1343, %select_n3A_1329 : vector<16xf32>
    %eq3A_1355 = arith.cmpf oeq, %gather3A_1343, %select_n3A_1329 : vector<16xf32>
    %lt3A_1356 = arith.cmpi slt, %gather3A_1353, %select_n3A_1330 : vector<16xi32>
    %and3A_1357 = arith.andi %eq3A_1355, %lt3A_1356 : vector<16xi1>
    %or3A_1358 = arith.ori %gt3A_1354, %and3A_1357 : vector<16xi1>
    %select_n3A_1359 = arith.select %or3A_1358, %gather3A_1343, %select_n3A_1329 : vector<16xi1>, vector<16xf32>
    %select_n3A_1360 = arith.select %or3A_1358, %gather3A_1353, %select_n3A_1330 : vector<16xi1>, vector<16xi32>
    %xor3A_1361 = arith.constant 2 : i32
    %xor3A_1362 = vector.broadcast %xor3A_1361 : i32 to vector<16xi32>
    %xor3A_1363 = arith.xori %iota3A, %xor3A_1362 : vector<16xi32>
    %lt3A_1364 = arith.constant 0 : i32
    %lt3A_1365 = vector.broadcast %lt3A_1364 : i32 to vector<16xi32>
    %lt3A_1366 = arith.cmpi slt, %xor3A_1363, %lt3A_1365 : vector<16xi32>
    %add3A_1367 = arith.constant 16 : i32
    %add3A_1368 = vector.broadcast %add3A_1367 : i32 to vector<16xi32>
    %add3A_1369 = arith.addi %xor3A_1363, %add3A_1368 : vector<16xi32>
    %select_n3A_1370 = arith.select %lt3A_1366, %add3A_1369, %xor3A_1363 : vector<16xi1>, vector<16xi32>
    %broadcast_in_dim3A_1371 = vector.shape_cast %select_n3A_1370 : vector<16xi32> to vector<16x1xi32>
    %gather3A_1372 = vector.shape_cast %broadcast_in_dim3A_1371 : vector<16x1xi32> to vector<16xi32>
    %gather3A_1373 = tpu.dynamic_gather %select_n3A_1359[%gather3A_1372] in [0] : vector<16xf32>, vector<16xi32> -> vector<16xf32>
    %lt3A_1374 = arith.constant 0 : i32
    %lt3A_1375 = vector.broadcast %lt3A_1374 : i32 to vector<16xi32>
    %lt3A_1376 = arith.cmpi slt, %xor3A_1363, %lt3A_1375 : vector<16xi32>
    %add3A_1377 = arith.constant 16 : i32
    %add3A_1378 = vector.broadcast %add3A_1377 : i32 to vector<16xi32>
    %add3A_1379 = arith.addi %xor3A_1363, %add3A_1378 : vector<16xi32>
    %select_n3A_1380 = arith.select %lt3A_1376, %add3A_1379, %xor3A_1363 : vector<16xi1>, vector<16xi32>
    %broadcast_in_dim3A_1381 = vector.shape_cast %select_n3A_1380 : vector<16xi32> to vector<16x1xi32>
    %gather3A_1382 = vector.shape_cast %broadcast_in_dim3A_1381 : vector<16x1xi32> to vector<16xi32>
    %gather3A_1383 = tpu.dynamic_gather %select_n3A_1360[%gather3A_1382] in [0] : vector<16xi32>, vector<16xi32> -> vector<16xi32>
    %gt3A_1384 = arith.cmpf ogt, %gather3A_1373, %select_n3A_1359 : vector<16xf32>
    %eq3A_1385 = arith.cmpf oeq, %gather3A_1373, %select_n3A_1359 : vector<16xf32>
    %lt3A_1386 = arith.cmpi slt, %gather3A_1383, %select_n3A_1360 : vector<16xi32>
    %and3A_1387 = arith.andi %eq3A_1385, %lt3A_1386 : vector<16xi1>
    %or3A_1388 = arith.ori %gt3A_1384, %and3A_1387 : vector<16xi1>
    %select_n3A_1389 = arith.select %or3A_1388, %gather3A_1373, %select_n3A_1359 : vector<16xi1>, vector<16xf32>
    %select_n3A_1390 = arith.select %or3A_1388, %gather3A_1383, %select_n3A_1360 : vector<16xi1>, vector<16xi32>
    %xor3A_1391 = arith.constant 1 : i32
    %xor3A_1392 = vector.broadcast %xor3A_1391 : i32 to vector<16xi32>
    %xor3A_1393 = arith.xori %iota3A, %xor3A_1392 : vector<16xi32>
    %lt3A_1394 = arith.constant 0 : i32
    %lt3A_1395 = vector.broadcast %lt3A_1394 : i32 to vector<16xi32>
    %lt3A_1396 = arith.cmpi slt, %xor3A_1393, %lt3A_1395 : vector<16xi32>
    %add3A_1397 = arith.constant 16 : i32
    %add3A_1398 = vector.broadcast %add3A_1397 : i32 to vector<16xi32>
    %add3A_1399 = arith.addi %xor3A_1393, %add3A_1398 : vector<16xi32>
    %select_n3A_1400 = arith.select %lt3A_1396, %add3A_1399, %xor3A_1393 : vector<16xi1>, vector<16xi32>
    %broadcast_in_dim3A_1401 = vector.shape_cast %select_n3A_1400 : vector<16xi32> to vector<16x1xi32>
    %gather3A_1402 = vector.shape_cast %broadcast_in_dim3A_1401 : vector<16x1xi32> to vector<16xi32>
    %gather3A_1403 = tpu.dynamic_gather %select_n3A_1389[%gather3A_1402] in [0] : vector<16xf32>, vector<16xi32> -> vector<16xf32>
    %lt3A_1404 = arith.constant 0 : i32
    %lt3A_1405 = vector.broadcast %lt3A_1404 : i32 to vector<16xi32>
    %lt3A_1406 = arith.cmpi slt, %xor3A_1393, %lt3A_1405 : vector<16xi32>
    %add3A_1407 = arith.constant 16 : i32
    %add3A_1408 = vector.broadcast %add3A_1407 : i32 to vector<16xi32>
    %add3A_1409 = arith.addi %xor3A_1393, %add3A_1408 : vector<16xi32>
    %select_n3A_1410 = arith.select %lt3A_1406, %add3A_1409, %xor3A_1393 : vector<16xi1>, vector<16xi32>
    %broadcast_in_dim3A_1411 = vector.shape_cast %select_n3A_1410 : vector<16xi32> to vector<16x1xi32>
    %gather3A_1412 = vector.shape_cast %broadcast_in_dim3A_1411 : vector<16x1xi32> to vector<16xi32>
    %gather3A_1413 = tpu.dynamic_gather %select_n3A_1390[%gather3A_1412] in [0] : vector<16xi32>, vector<16xi32> -> vector<16xi32>
    %gt3A_1414 = arith.cmpf ogt, %gather3A_1403, %select_n3A_1389 : vector<16xf32>
    %eq3A_1415 = arith.cmpf oeq, %gather3A_1403, %select_n3A_1389 : vector<16xf32>
    %lt3A_1416 = arith.cmpi slt, %gather3A_1413, %select_n3A_1390 : vector<16xi32>
    %and3A_1417 = arith.andi %eq3A_1415, %lt3A_1416 : vector<16xi1>
    %or3A_1418 = arith.ori %gt3A_1414, %and3A_1417 : vector<16xi1>
    %select_n3A_1419 = arith.select %or3A_1418, %gather3A_1403, %select_n3A_1389 : vector<16xi1>, vector<16xf32>
    %select_n3A_1420 = arith.select %or3A_1418, %gather3A_1413, %select_n3A_1390 : vector<16xi1>, vector<16xi32>
    %swap3A_1421 = arith.constant 0 : index
    %swap3A_1422 = tpu.vector_load %arg9[%swap3A_1421] {strides = array<i32>} : memref<512xf32, #tpu.memory_space<vmem>>, vector<16xf32>,
    tpu.vector_store %arg9[%swap3A_1421], %select_n3A_1419 {strides = array<i32>} : memref<512xf32, #tpu.memory_space<vmem>>, vector<16xf32>,
    %bitcast3A_1423 = vector.bitcast %select_n3A_1420 : vector<16xi32> to vector<16xf32>
    %swap3A_1424 = arith.constant 16 : index
    %swap3A_1425 = tpu.vector_load %arg9[%swap3A_1424] {strides = array<i32>} : memref<512xf32, #tpu.memory_space<vmem>>, vector<16xf32>,
    tpu.vector_store %arg9[%swap3A_1424], %bitcast3A_1423 {strides = array<i32>} : memref<512xf32, #tpu.memory_space<vmem>>, vector<16xf32>,
    %xor3A_1426 = arith.constant 8 : i32
    %xor3A_1427 = vector.broadcast %xor3A_1426 : i32 to vector<16xi32>
    %xor3A_1428 = arith.xori %iota3A, %xor3A_1427 : vector<16xi32>
    %lt3A_1429 = arith.constant 0 : i32
    %lt3A_1430 = vector.broadcast %lt3A_1429 : i32 to vector<16xi32>
    %lt3A_1431 = arith.cmpi slt, %xor3A_1428, %lt3A_1430 : vector<16xi32>
    %add3A_1432 = arith.constant 16 : i32
    %add3A_1433 = vector.broadcast %add3A_1432 : i32 to vector<16xi32>
    %add3A_1434 = arith.addi %xor3A_1428, %add3A_1433 : vector<16xi32>
    %select_n3A_1435 = arith.select %lt3A_1431, %add3A_1434, %xor3A_1428 : vector<16xi1>, vector<16xi32>
    %broadcast_in_dim3A_1436 = vector.shape_cast %select_n3A_1435 : vector<16xi32> to vector<16x1xi32>
    %gather3A_1437 = vector.shape_cast %broadcast_in_dim3A_1436 : vector<16x1xi32> to vector<16xi32>
    %gather3A_1438 = tpu.dynamic_gather %parallel_loop3A_1300#2[%gather3A_1437] in [0] : vector<16xf32>, vector<16xi32> -> vector<16xf32>
    %lt3A_1439 = arith.constant 0 : i32
    %lt3A_1440 = vector.broadcast %lt3A_1439 : i32 to vector<16xi32>
    %lt3A_1441 = arith.cmpi slt, %xor3A_1428, %lt3A_1440 : vector<16xi32>
    %add3A_1442 = arith.constant 16 : i32
    %add3A_1443 = vector.broadcast %add3A_1442 : i32 to vector<16xi32>
    %add3A_1444 = arith.addi %xor3A_1428, %add3A_1443 : vector<16xi32>
    %select_n3A_1445 = arith.select %lt3A_1441, %add3A_1444, %xor3A_1428 : vector<16xi1>, vector<16xi32>
    %broadcast_in_dim3A_1446 = vector.shape_cast %select_n3A_1445 : vector<16xi32> to vector<16x1xi32>
    %gather3A_1447 = vector.shape_cast %broadcast_in_dim3A_1446 : vector<16x1xi32> to vector<16xi32>
    %gather3A_1448 = tpu.dynamic_gather %parallel_loop3A_1300#3[%gather3A_1447] in [0] : vector<16xi32>, vector<16xi32> -> vector<16xi32>
    %gt3A_1449 = arith.cmpf ogt, %gather3A_1438, %parallel_loop3A_1300#2 : vector<16xf32>
    %eq3A_1450 = arith.cmpf oeq, %gather3A_1438, %parallel_loop3A_1300#2 : vector<16xf32>
    %lt3A_1451 = arith.cmpi slt, %gather3A_1448, %parallel_loop3A_1300#3 : vector<16xi32>
    %and3A_1452 = arith.andi %eq3A_1450, %lt3A_1451 : vector<16xi1>
    %or3A_1453 = arith.ori %gt3A_1449, %and3A_1452 : vector<16xi1>
    %select_n3A_1454 = arith.select %or3A_1453, %gather3A_1438, %parallel_loop3A_1300#2 : vector<16xi1>, vector<16xf32>
    %select_n3A_1455 = arith.select %or3A_1453, %gather3A_1448, %parallel_loop3A_1300#3 : vector<16xi1>, vector<16xi32>
    %xor3A_1456 = arith.constant 4 : i32
    %xor3A_1457 = vector.broadcast %xor3A_1456 : i32 to vector<16xi32>
    %xor3A_1458 = arith.xori %iota3A, %xor3A_1457 : vector<16xi32>
    %lt3A_1459 = arith.constant 0 : i32
    %lt3A_1460 = vector.broadcast %lt3A_1459 : i32 to vector<16xi32>
    %lt3A_1461 = arith.cmpi slt, %xor3A_1458, %lt3A_1460 : vector<16xi32>
    %add3A_1462 = arith.constant 16 : i32
    %add3A_1463 = vector.broadcast %add3A_1462 : i32 to vector<16xi32>
    %add3A_1464 = arith.addi %xor3A_1458, %add3A_1463 : vector<16xi32>
    %select_n3A_1465 = arith.select %lt3A_1461, %add3A_1464, %xor3A_1458 : vector<16xi1>, vector<16xi32>
    %broadcast_in_dim3A_1466 = vector.shape_cast %select_n3A_1465 : vector<16xi32> to vector<16x1xi32>
    %gather3A_1467 = vector.shape_cast %broadcast_in_dim3A_1466 : vector<16x1xi32> to vector<16xi32>
    %gather3A_1468 = tpu.dynamic_gather %select_n3A_1454[%gather3A_1467] in [0] : vector<16xf32>, vector<16xi32> -> vector<16xf32>
    %lt3A_1469 = arith.constant 0 : i32
    %lt3A_1470 = vector.broadcast %lt3A_1469 : i32 to vector<16xi32>
    %lt3A_1471 = arith.cmpi slt, %xor3A_1458, %lt3A_1470 : vector<16xi32>
    %add3A_1472 = arith.constant 16 : i32
    %add3A_1473 = vector.broadcast %add3A_1472 : i32 to vector<16xi32>
    %add3A_1474 = arith.addi %xor3A_1458, %add3A_1473 : vector<16xi32>
    %select_n3A_1475 = arith.select %lt3A_1471, %add3A_1474, %xor3A_1458 : vector<16xi1>, vector<16xi32>
    %broadcast_in_dim3A_1476 = vector.shape_cast %select_n3A_1475 : vector<16xi32> to vector<16x1xi32>
    %gather3A_1477 = vector.shape_cast %broadcast_in_dim3A_1476 : vector<16x1xi32> to vector<16xi32>
    %gather3A_1478 = tpu.dynamic_gather %select_n3A_1455[%gather3A_1477] in [0] : vector<16xi32>, vector<16xi32> -> vector<16xi32>
    %gt3A_1479 = arith.cmpf ogt, %gather3A_1468, %select_n3A_1454 : vector<16xf32>
    %eq3A_1480 = arith.cmpf oeq, %gather3A_1468, %select_n3A_1454 : vector<16xf32>
    %lt3A_1481 = arith.cmpi slt, %gather3A_1478, %select_n3A_1455 : vector<16xi32>
    %and3A_1482 = arith.andi %eq3A_1480, %lt3A_1481 : vector<16xi1>
    %or3A_1483 = arith.ori %gt3A_1479, %and3A_1482 : vector<16xi1>
    %select_n3A_1484 = arith.select %or3A_1483, %gather3A_1468, %select_n3A_1454 : vector<16xi1>, vector<16xf32>
    %select_n3A_1485 = arith.select %or3A_1483, %gather3A_1478, %select_n3A_1455 : vector<16xi1>, vector<16xi32>
    %xor3A_1486 = arith.constant 2 : i32
    %xor3A_1487 = vector.broadcast %xor3A_1486 : i32 to vector<16xi32>
    %xor3A_1488 = arith.xori %iota3A, %xor3A_1487 : vector<16xi32>
    %lt3A_1489 = arith.constant 0 : i32
    %lt3A_1490 = vector.broadcast %lt3A_1489 : i32 to vector<16xi32>
    %lt3A_1491 = arith.cmpi slt, %xor3A_1488, %lt3A_1490 : vector<16xi32>
    %add3A_1492 = arith.constant 16 : i32
    %add3A_1493 = vector.broadcast %add3A_1492 : i32 to vector<16xi32>
    %add3A_1494 = arith.addi %xor3A_1488, %add3A_1493 : vector<16xi32>
    %select_n3A_1495 = arith.select %lt3A_1491, %add3A_1494, %xor3A_1488 : vector<16xi1>, vector<16xi32>
    %broadcast_in_dim3A_1496 = vector.shape_cast %select_n3A_1495 : vector<16xi32> to vector<16x1xi32>
    %gather3A_1497 = vector.shape_cast %broadcast_in_dim3A_1496 : vector<16x1xi32> to vector<16xi32>
    %gather3A_1498 = tpu.dynamic_gather %select_n3A_1484[%gather3A_1497] in [0] : vector<16xf32>, vector<16xi32> -> vector<16xf32>
    %lt3A_1499 = arith.constant 0 : i32
    %lt3A_1500 = vector.broadcast %lt3A_1499 : i32 to vector<16xi32>
    %lt3A_1501 = arith.cmpi slt, %xor3A_1488, %lt3A_1500 : vector<16xi32>
    %add3A_1502 = arith.constant 16 : i32
    %add3A_1503 = vector.broadcast %add3A_1502 : i32 to vector<16xi32>
    %add3A_1504 = arith.addi %xor3A_1488, %add3A_1503 : vector<16xi32>
    %select_n3A_1505 = arith.select %lt3A_1501, %add3A_1504, %xor3A_1488 : vector<16xi1>, vector<16xi32>
    %broadcast_in_dim3A_1506 = vector.shape_cast %select_n3A_1505 : vector<16xi32> to vector<16x1xi32>
    %gather3A_1507 = vector.shape_cast %broadcast_in_dim3A_1506 : vector<16x1xi32> to vector<16xi32>
    %gather3A_1508 = tpu.dynamic_gather %select_n3A_1485[%gather3A_1507] in [0] : vector<16xi32>, vector<16xi32> -> vector<16xi32>
    %gt3A_1509 = arith.cmpf ogt, %gather3A_1498, %select_n3A_1484 : vector<16xf32>
    %eq3A_1510 = arith.cmpf oeq, %gather3A_1498, %select_n3A_1484 : vector<16xf32>
    %lt3A_1511 = arith.cmpi slt, %gather3A_1508, %select_n3A_1485 : vector<16xi32>
    %and3A_1512 = arith.andi %eq3A_1510, %lt3A_1511 : vector<16xi1>
    %or3A_1513 = arith.ori %gt3A_1509, %and3A_1512 : vector<16xi1>
    %select_n3A_1514 = arith.select %or3A_1513, %gather3A_1498, %select_n3A_1484 : vector<16xi1>, vector<16xf32>
    %select_n3A_1515 = arith.select %or3A_1513, %gather3A_1508, %select_n3A_1485 : vector<16xi1>, vector<16xi32>
    %xor3A_1516 = arith.constant 1 : i32
    %xor3A_1517 = vector.broadcast %xor3A_1516 : i32 to vector<16xi32>
    %xor3A_1518 = arith.xori %iota3A, %xor3A_1517 : vector<16xi32>
    %lt3A_1519 = arith.constant 0 : i32
    %lt3A_1520 = vector.broadcast %lt3A_1519 : i32 to vector<16xi32>
    %lt3A_1521 = arith.cmpi slt, %xor3A_1518, %lt3A_1520 : vector<16xi32>
    %add3A_1522 = arith.constant 16 : i32
    %add3A_1523 = vector.broadcast %add3A_1522 : i32 to vector<16xi32>
    %add3A_1524 = arith.addi %xor3A_1518, %add3A_1523 : vector<16xi32>
    %select_n3A_1525 = arith.select %lt3A_1521, %add3A_1524, %xor3A_1518 : vector<16xi1>, vector<16xi32>
    %broadcast_in_dim3A_1526 = vector.shape_cast %select_n3A_1525 : vector<16xi32> to vector<16x1xi32>
    %gather3A_1527 = vector.shape_cast %broadcast_in_dim3A_1526 : vector<16x1xi32> to vector<16xi32>
    %gather3A_1528 = tpu.dynamic_gather %select_n3A_1514[%gather3A_1527] in [0] : vector<16xf32>, vector<16xi32> -> vector<16xf32>
    %lt3A_1529 = arith.constant 0 : i32
    %lt3A_1530 = vector.broadcast %lt3A_1529 : i32 to vector<16xi32>
    %lt3A_1531 = arith.cmpi slt, %xor3A_1518, %lt3A_1530 : vector<16xi32>
    %add3A_1532 = arith.constant 16 : i32
    %add3A_1533 = vector.broadcast %add3A_1532 : i32 to vector<16xi32>
    %add3A_1534 = arith.addi %xor3A_1518, %add3A_1533 : vector<16xi32>
    %select_n3A_1535 = arith.select %lt3A_1531, %add3A_1534, %xor3A_1518 : vector<16xi1>, vector<16xi32>
    %broadcast_in_dim3A_1536 = vector.shape_cast %select_n3A_1535 : vector<16xi32> to vector<16x1xi32>
    %gather3A_1537 = vector.shape_cast %broadcast_in_dim3A_1536 : vector<16x1xi32> to vector<16xi32>
    %gather3A_1538 = tpu.dynamic_gather %select_n3A_1515[%gather3A_1537] in [0] : vector<16xi32>, vector<16xi32> -> vector<16xi32>
    %gt3A_1539 = arith.cmpf ogt, %gather3A_1528, %select_n3A_1514 : vector<16xf32>
    %eq3A_1540 = arith.cmpf oeq, %gather3A_1528, %select_n3A_1514 : vector<16xf32>
    %lt3A_1541 = arith.cmpi slt, %gather3A_1538, %select_n3A_1515 : vector<16xi32>
    %and3A_1542 = arith.andi %eq3A_1540, %lt3A_1541 : vector<16xi1>
    %or3A_1543 = arith.ori %gt3A_1539, %and3A_1542 : vector<16xi1>
    %select_n3A_1544 = arith.select %or3A_1543, %gather3A_1528, %select_n3A_1514 : vector<16xi1>, vector<16xf32>
    %select_n3A_1545 = arith.select %or3A_1543, %gather3A_1538, %select_n3A_1515 : vector<16xi1>, vector<16xi32>
    %swap3A_1546 = arith.constant 64 : index
    %swap3A_1547 = tpu.vector_load %arg9[%swap3A_1546] {strides = array<i32>} : memref<512xf32, #tpu.memory_space<vmem>>, vector<16xf32>,
    tpu.vector_store %arg9[%swap3A_1546], %select_n3A_1544 {strides = array<i32>} : memref<512xf32, #tpu.memory_space<vmem>>, vector<16xf32>,
    %bitcast3A_1548 = vector.bitcast %select_n3A_1545 : vector<16xi32> to vector<16xf32>
    %swap3A_1549 = arith.constant 80 : index
    %swap3A_1550 = tpu.vector_load %arg9[%swap3A_1549] {strides = array<i32>} : memref<512xf32, #tpu.memory_space<vmem>>, vector<16xf32>,
    tpu.vector_store %arg9[%swap3A_1549], %bitcast3A_1548 {strides = array<i32>} : memref<512xf32, #tpu.memory_space<vmem>>, vector<16xf32>,
    %xor3A_1551 = arith.constant 8 : i32
    %xor3A_1552 = vector.broadcast %xor3A_1551 : i32 to vector<16xi32>
    %xor3A_1553 = arith.xori %iota3A, %xor3A_1552 : vector<16xi32>
    %lt3A_1554 = arith.constant 0 : i32
    %lt3A_1555 = vector.broadcast %lt3A_1554 : i32 to vector<16xi32>
    %lt3A_1556 = arith.cmpi slt, %xor3A_1553, %lt3A_1555 : vector<16xi32>
    %add3A_1557 = arith.constant 16 : i32
    %add3A_1558 = vector.broadcast %add3A_1557 : i32 to vector<16xi32>
    %add3A_1559 = arith.addi %xor3A_1553, %add3A_1558 : vector<16xi32>
    %select_n3A_1560 = arith.select %lt3A_1556, %add3A_1559, %xor3A_1553 : vector<16xi1>, vector<16xi32>
    %broadcast_in_dim3A_1561 = vector.shape_cast %select_n3A_1560 : vector<16xi32> to vector<16x1xi32>
    %gather3A_1562 = vector.shape_cast %broadcast_in_dim3A_1561 : vector<16x1xi32> to vector<16xi32>
    %gather3A_1563 = tpu.dynamic_gather %parallel_loop3A_1300#4[%gather3A_1562] in [0] : vector<16xf32>, vector<16xi32> -> vector<16xf32>
    %lt3A_1564 = arith.constant 0 : i32
    %lt3A_1565 = vector.broadcast %lt3A_1564 : i32 to vector<16xi32>
    %lt3A_1566 = arith.cmpi slt, %xor3A_1553, %lt3A_1565 : vector<16xi32>
    %add3A_1567 = arith.constant 16 : i32
    %add3A_1568 = vector.broadcast %add3A_1567 : i32 to vector<16xi32>
    %add3A_1569 = arith.addi %xor3A_1553, %add3A_1568 : vector<16xi32>
    %select_n3A_1570 = arith.select %lt3A_1566, %add3A_1569, %xor3A_1553 : vector<16xi1>, vector<16xi32>
    %broadcast_in_dim3A_1571 = vector.shape_cast %select_n3A_1570 : vector<16xi32> to vector<16x1xi32>
    %gather3A_1572 = vector.shape_cast %broadcast_in_dim3A_1571 : vector<16x1xi32> to vector<16xi32>
    %gather3A_1573 = tpu.dynamic_gather %parallel_loop3A_1300#5[%gather3A_1572] in [0] : vector<16xi32>, vector<16xi32> -> vector<16xi32>
    %gt3A_1574 = arith.cmpf ogt, %gather3A_1563, %parallel_loop3A_1300#4 : vector<16xf32>
    %eq3A_1575 = arith.cmpf oeq, %gather3A_1563, %parallel_loop3A_1300#4 : vector<16xf32>
    %lt3A_1576 = arith.cmpi slt, %gather3A_1573, %parallel_loop3A_1300#5 : vector<16xi32>
    %and3A_1577 = arith.andi %eq3A_1575, %lt3A_1576 : vector<16xi1>
    %or3A_1578 = arith.ori %gt3A_1574, %and3A_1577 : vector<16xi1>
    %select_n3A_1579 = arith.select %or3A_1578, %gather3A_1563, %parallel_loop3A_1300#4 : vector<16xi1>, vector<16xf32>
    %select_n3A_1580 = arith.select %or3A_1578, %gather3A_1573, %parallel_loop3A_1300#5 : vector<16xi1>, vector<16xi32>
    %xor3A_1581 = arith.constant 4 : i32
    %xor3A_1582 = vector.broadcast %xor3A_1581 : i32 to vector<16xi32>
    %xor3A_1583 = arith.xori %iota3A, %xor3A_1582 : vector<16xi32>
    %lt3A_1584 = arith.constant 0 : i32
    %lt3A_1585 = vector.broadcast %lt3A_1584 : i32 to vector<16xi32>
    %lt3A_1586 = arith.cmpi slt, %xor3A_1583, %lt3A_1585 : vector<16xi32>
    %add3A_1587 = arith.constant 16 : i32
    %add3A_1588 = vector.broadcast %add3A_1587 : i32 to vector<16xi32>
    %add3A_1589 = arith.addi %xor3A_1583, %add3A_1588 : vector<16xi32>
    %select_n3A_1590 = arith.select %lt3A_1586, %add3A_1589, %xor3A_1583 : vector<16xi1>, vector<16xi32>
    %broadcast_in_dim3A_1591 = vector.shape_cast %select_n3A_1590 : vector<16xi32> to vector<16x1xi32>
    %gather3A_1592 = vector.shape_cast %broadcast_in_dim3A_1591 : vector<16x1xi32> to vector<16xi32>
    %gather3A_1593 = tpu.dynamic_gather %select_n3A_1579[%gather3A_1592] in [0] : vector<16xf32>, vector<16xi32> -> vector<16xf32>
    %lt3A_1594 = arith.constant 0 : i32
    %lt3A_1595 = vector.broadcast %lt3A_1594 : i32 to vector<16xi32>
    %lt3A_1596 = arith.cmpi slt, %xor3A_1583, %lt3A_1595 : vector<16xi32>
    %add3A_1597 = arith.constant 16 : i32
    %add3A_1598 = vector.broadcast %add3A_1597 : i32 to vector<16xi32>
    %add3A_1599 = arith.addi %xor3A_1583, %add3A_1598 : vector<16xi32>
    %select_n3A_1600 = arith.select %lt3A_1596, %add3A_1599, %xor3A_1583 : vector<16xi1>, vector<16xi32>
    %broadcast_in_dim3A_1601 = vector.shape_cast %select_n3A_1600 : vector<16xi32> to vector<16x1xi32>
    %gather3A_1602 = vector.shape_cast %broadcast_in_dim3A_1601 : vector<16x1xi32> to vector<16xi32>
    %gather3A_1603 = tpu.dynamic_gather %select_n3A_1580[%gather3A_1602] in [0] : vector<16xi32>, vector<16xi32> -> vector<16xi32>
    %gt3A_1604 = arith.cmpf ogt, %gather3A_1593, %select_n3A_1579 : vector<16xf32>
    %eq3A_1605 = arith.cmpf oeq, %gather3A_1593, %select_n3A_1579 : vector<16xf32>
    %lt3A_1606 = arith.cmpi slt, %gather3A_1603, %select_n3A_1580 : vector<16xi32>
    %and3A_1607 = arith.andi %eq3A_1605, %lt3A_1606 : vector<16xi1>
    %or3A_1608 = arith.ori %gt3A_1604, %and3A_1607 : vector<16xi1>
    %select_n3A_1609 = arith.select %or3A_1608, %gather3A_1593, %select_n3A_1579 : vector<16xi1>, vector<16xf32>
    %select_n3A_1610 = arith.select %or3A_1608, %gather3A_1603, %select_n3A_1580 : vector<16xi1>, vector<16xi32>
    %xor3A_1611 = arith.constant 2 : i32
    %xor3A_1612 = vector.broadcast %xor3A_1611 : i32 to vector<16xi32>
    %xor3A_1613 = arith.xori %iota3A, %xor3A_1612 : vector<16xi32>
    %lt3A_1614 = arith.constant 0 : i32
    %lt3A_1615 = vector.broadcast %lt3A_1614 : i32 to vector<16xi32>
    %lt3A_1616 = arith.cmpi slt, %xor3A_1613, %lt3A_1615 : vector<16xi32>
    %add3A_1617 = arith.constant 16 : i32
    %add3A_1618 = vector.broadcast %add3A_1617 : i32 to vector<16xi32>
    %add3A_1619 = arith.addi %xor3A_1613, %add3A_1618 : vector<16xi32>
    %select_n3A_1620 = arith.select %lt3A_1616, %add3A_1619, %xor3A_1613 : vector<16xi1>, vector<16xi32>
    %broadcast_in_dim3A_1621 = vector.shape_cast %select_n3A_1620 : vector<16xi32> to vector<16x1xi32>
    %gather3A_1622 = vector.shape_cast %broadcast_in_dim3A_1621 : vector<16x1xi32> to vector<16xi32>
    %gather3A_1623 = tpu.dynamic_gather %select_n3A_1609[%gather3A_1622] in [0] : vector<16xf32>, vector<16xi32> -> vector<16xf32>
    %lt3A_1624 = arith.constant 0 : i32
    %lt3A_1625 = vector.broadcast %lt3A_1624 : i32 to vector<16xi32>
    %lt3A_1626 = arith.cmpi slt, %xor3A_1613, %lt3A_1625 : vector<16xi32>
    %add3A_1627 = arith.constant 16 : i32
    %add3A_1628 = vector.broadcast %add3A_1627 : i32 to vector<16xi32>
    %add3A_1629 = arith.addi %xor3A_1613, %add3A_1628 : vector<16xi32>
    %select_n3A_1630 = arith.select %lt3A_1626, %add3A_1629, %xor3A_1613 : vector<16xi1>, vector<16xi32>
    %broadcast_in_dim3A_1631 = vector.shape_cast %select_n3A_1630 : vector<16xi32> to vector<16x1xi32>
    %gather3A_1632 = vector.shape_cast %broadcast_in_dim3A_1631 : vector<16x1xi32> to vector<16xi32>
    %gather3A_1633 = tpu.dynamic_gather %select_n3A_1610[%gather3A_1632] in [0] : vector<16xi32>, vector<16xi32> -> vector<16xi32>
    %gt3A_1634 = arith.cmpf ogt, %gather3A_1623, %select_n3A_1609 : vector<16xf32>
    %eq3A_1635 = arith.cmpf oeq, %gather3A_1623, %select_n3A_1609 : vector<16xf32>
    %lt3A_1636 = arith.cmpi slt, %gather3A_1633, %select_n3A_1610 : vector<16xi32>
    %and3A_1637 = arith.andi %eq3A_1635, %lt3A_1636 : vector<16xi1>
    %or3A_1638 = arith.ori %gt3A_1634, %and3A_1637 : vector<16xi1>
    %select_n3A_1639 = arith.select %or3A_1638, %gather3A_1623, %select_n3A_1609 : vector<16xi1>, vector<16xf32>
    %select_n3A_1640 = arith.select %or3A_1638, %gather3A_1633, %select_n3A_1610 : vector<16xi1>, vector<16xi32>
    %xor3A_1641 = arith.constant 1 : i32
    %xor3A_1642 = vector.broadcast %xor3A_1641 : i32 to vector<16xi32>
    %xor3A_1643 = arith.xori %iota3A, %xor3A_1642 : vector<16xi32>
    %lt3A_1644 = arith.constant 0 : i32
    %lt3A_1645 = vector.broadcast %lt3A_1644 : i32 to vector<16xi32>
    %lt3A_1646 = arith.cmpi slt, %xor3A_1643, %lt3A_1645 : vector<16xi32>
    %add3A_1647 = arith.constant 16 : i32
    %add3A_1648 = vector.broadcast %add3A_1647 : i32 to vector<16xi32>
    %add3A_1649 = arith.addi %xor3A_1643, %add3A_1648 : vector<16xi32>
    %select_n3A_1650 = arith.select %lt3A_1646, %add3A_1649, %xor3A_1643 : vector<16xi1>, vector<16xi32>
    %broadcast_in_dim3A_1651 = vector.shape_cast %select_n3A_1650 : vector<16xi32> to vector<16x1xi32>
    %gather3A_1652 = vector.shape_cast %broadcast_in_dim3A_1651 : vector<16x1xi32> to vector<16xi32>
    %gather3A_1653 = tpu.dynamic_gather %select_n3A_1639[%gather3A_1652] in [0] : vector<16xf32>, vector<16xi32> -> vector<16xf32>
    %lt3A_1654 = arith.constant 0 : i32
    %lt3A_1655 = vector.broadcast %lt3A_1654 : i32 to vector<16xi32>
    %lt3A_1656 = arith.cmpi slt, %xor3A_1643, %lt3A_1655 : vector<16xi32>
    %add3A_1657 = arith.constant 16 : i32
    %add3A_1658 = vector.broadcast %add3A_1657 : i32 to vector<16xi32>
    %add3A_1659 = arith.addi %xor3A_1643, %add3A_1658 : vector<16xi32>
    %select_n3A_1660 = arith.select %lt3A_1656, %add3A_1659, %xor3A_1643 : vector<16xi1>, vector<16xi32>
    %broadcast_in_dim3A_1661 = vector.shape_cast %select_n3A_1660 : vector<16xi32> to vector<16x1xi32>
    %gather3A_1662 = vector.shape_cast %broadcast_in_dim3A_1661 : vector<16x1xi32> to vector<16xi32>
    %gather3A_1663 = tpu.dynamic_gather %select_n3A_1640[%gather3A_1662] in [0] : vector<16xi32>, vector<16xi32> -> vector<16xi32>
    %gt3A_1664 = arith.cmpf ogt, %gather3A_1653, %select_n3A_1639 : vector<16xf32>
    %eq3A_1665 = arith.cmpf oeq, %gather3A_1653, %select_n3A_1639 : vector<16xf32>
    %lt3A_1666 = arith.cmpi slt, %gather3A_1663, %select_n3A_1640 : vector<16xi32>
    %and3A_1667 = arith.andi %eq3A_1665, %lt3A_1666 : vector<16xi1>
    %or3A_1668 = arith.ori %gt3A_1664, %and3A_1667 : vector<16xi1>
    %select_n3A_1669 = arith.select %or3A_1668, %gather3A_1653, %select_n3A_1639 : vector<16xi1>, vector<16xf32>
    %select_n3A_1670 = arith.select %or3A_1668, %gather3A_1663, %select_n3A_1640 : vector<16xi1>, vector<16xi32>
    %swap3A_1671 = arith.constant 128 : index
    %swap3A_1672 = tpu.vector_load %arg9[%swap3A_1671] {strides = array<i32>} : memref<512xf32, #tpu.memory_space<vmem>>, vector<16xf32>,
    tpu.vector_store %arg9[%swap3A_1671], %select_n3A_1669 {strides = array<i32>} : memref<512xf32, #tpu.memory_space<vmem>>, vector<16xf32>,
    %bitcast3A_1673 = vector.bitcast %select_n3A_1670 : vector<16xi32> to vector<16xf32>
    %swap3A_1674 = arith.constant 144 : index
    %swap3A_1675 = tpu.vector_load %arg9[%swap3A_1674] {strides = array<i32>} : memref<512xf32, #tpu.memory_space<vmem>>, vector<16xf32>,
    tpu.vector_store %arg9[%swap3A_1674], %bitcast3A_1673 {strides = array<i32>} : memref<512xf32, #tpu.memory_space<vmem>>, vector<16xf32>,
    %xor3A_1676 = arith.constant 8 : i32
    %xor3A_1677 = vector.broadcast %xor3A_1676 : i32 to vector<16xi32>
    %xor3A_1678 = arith.xori %iota3A, %xor3A_1677 : vector<16xi32>
    %lt3A_1679 = arith.constant 0 : i32
    %lt3A_1680 = vector.broadcast %lt3A_1679 : i32 to vector<16xi32>
    %lt3A_1681 = arith.cmpi slt, %xor3A_1678, %lt3A_1680 : vector<16xi32>
    %add3A_1682 = arith.constant 16 : i32
    %add3A_1683 = vector.broadcast %add3A_1682 : i32 to vector<16xi32>
    %add3A_1684 = arith.addi %xor3A_1678, %add3A_1683 : vector<16xi32>
    %select_n3A_1685 = arith.select %lt3A_1681, %add3A_1684, %xor3A_1678 : vector<16xi1>, vector<16xi32>
    %broadcast_in_dim3A_1686 = vector.shape_cast %select_n3A_1685 : vector<16xi32> to vector<16x1xi32>
    %gather3A_1687 = vector.shape_cast %broadcast_in_dim3A_1686 : vector<16x1xi32> to vector<16xi32>
    %gather3A_1688 = tpu.dynamic_gather %parallel_loop3A_1300#6[%gather3A_1687] in [0] : vector<16xf32>, vector<16xi32> -> vector<16xf32>
    %lt3A_1689 = arith.constant 0 : i32
    %lt3A_1690 = vector.broadcast %lt3A_1689 : i32 to vector<16xi32>
    %lt3A_1691 = arith.cmpi slt, %xor3A_1678, %lt3A_1690 : vector<16xi32>
    %add3A_1692 = arith.constant 16 : i32
    %add3A_1693 = vector.broadcast %add3A_1692 : i32 to vector<16xi32>
    %add3A_1694 = arith.addi %xor3A_1678, %add3A_1693 : vector<16xi32>
    %select_n3A_1695 = arith.select %lt3A_1691, %add3A_1694, %xor3A_1678 : vector<16xi1>, vector<16xi32>
    %broadcast_in_dim3A_1696 = vector.shape_cast %select_n3A_1695 : vector<16xi32> to vector<16x1xi32>
    %gather3A_1697 = vector.shape_cast %broadcast_in_dim3A_1696 : vector<16x1xi32> to vector<16xi32>
    %gather3A_1698 = tpu.dynamic_gather %parallel_loop3A_1300#7[%gather3A_1697] in [0] : vector<16xi32>, vector<16xi32> -> vector<16xi32>
    %gt3A_1699 = arith.cmpf ogt, %gather3A_1688, %parallel_loop3A_1300#6 : vector<16xf32>
    %eq3A_1700 = arith.cmpf oeq, %gather3A_1688, %parallel_loop3A_1300#6 : vector<16xf32>
    %lt3A_1701 = arith.cmpi slt, %gather3A_1698, %parallel_loop3A_1300#7 : vector<16xi32>
    %and3A_1702 = arith.andi %eq3A_1700, %lt3A_1701 : vector<16xi1>
    %or3A_1703 = arith.ori %gt3A_1699, %and3A_1702 : vector<16xi1>
    %select_n3A_1704 = arith.select %or3A_1703, %gather3A_1688, %parallel_loop3A_1300#6 : vector<16xi1>, vector<16xf32>
    %select_n3A_1705 = arith.select %or3A_1703, %gather3A_1698, %parallel_loop3A_1300#7 : vector<16xi1>, vector<16xi32>
    %xor3A_1706 = arith.constant 4 : i32
    %xor3A_1707 = vector.broadcast %xor3A_1706 : i32 to vector<16xi32>
    %xor3A_1708 = arith.xori %iota3A, %xor3A_1707 : vector<16xi32>
    %lt3A_1709 = arith.constant 0 : i32
    %lt3A_1710 = vector.broadcast %lt3A_1709 : i32 to vector<16xi32>
    %lt3A_1711 = arith.cmpi slt, %xor3A_1708, %lt3A_1710 : vector<16xi32>
    %add3A_1712 = arith.constant 16 : i32
    %add3A_1713 = vector.broadcast %add3A_1712 : i32 to vector<16xi32>
    %add3A_1714 = arith.addi %xor3A_1708, %add3A_1713 : vector<16xi32>
    %select_n3A_1715 = arith.select %lt3A_1711, %add3A_1714, %xor3A_1708 : vector<16xi1>, vector<16xi32>
    %broadcast_in_dim3A_1716 = vector.shape_cast %select_n3A_1715 : vector<16xi32> to vector<16x1xi32>
    %gather3A_1717 = vector.shape_cast %broadcast_in_dim3A_1716 : vector<16x1xi32> to vector<16xi32>
    %gather3A_1718 = tpu.dynamic_gather %select_n3A_1704[%gather3A_1717] in [0] : vector<16xf32>, vector<16xi32> -> vector<16xf32>
    %lt3A_1719 = arith.constant 0 : i32
    %lt3A_1720 = vector.broadcast %lt3A_1719 : i32 to vector<16xi32>
    %lt3A_1721 = arith.cmpi slt, %xor3A_1708, %lt3A_1720 : vector<16xi32>
    %add3A_1722 = arith.constant 16 : i32
    %add3A_1723 = vector.broadcast %add3A_1722 : i32 to vector<16xi32>
    %add3A_1724 = arith.addi %xor3A_1708, %add3A_1723 : vector<16xi32>
    %select_n3A_1725 = arith.select %lt3A_1721, %add3A_1724, %xor3A_1708 : vector<16xi1>, vector<16xi32>
    %broadcast_in_dim3A_1726 = vector.shape_cast %select_n3A_1725 : vector<16xi32> to vector<16x1xi32>
    %gather3A_1727 = vector.shape_cast %broadcast_in_dim3A_1726 : vector<16x1xi32> to vector<16xi32>
    %gather3A_1728 = tpu.dynamic_gather %select_n3A_1705[%gather3A_1727] in [0] : vector<16xi32>, vector<16xi32> -> vector<16xi32>
    %gt3A_1729 = arith.cmpf ogt, %gather3A_1718, %select_n3A_1704 : vector<16xf32>
    %eq3A_1730 = arith.cmpf oeq, %gather3A_1718, %select_n3A_1704 : vector<16xf32>
    %lt3A_1731 = arith.cmpi slt, %gather3A_1728, %select_n3A_1705 : vector<16xi32>
    %and3A_1732 = arith.andi %eq3A_1730, %lt3A_1731 : vector<16xi1>
    %or3A_1733 = arith.ori %gt3A_1729, %and3A_1732 : vector<16xi1>
    %select_n3A_1734 = arith.select %or3A_1733, %gather3A_1718, %select_n3A_1704 : vector<16xi1>, vector<16xf32>
    %select_n3A_1735 = arith.select %or3A_1733, %gather3A_1728, %select_n3A_1705 : vector<16xi1>, vector<16xi32>
    %xor3A_1736 = arith.constant 2 : i32
    %xor3A_1737 = vector.broadcast %xor3A_1736 : i32 to vector<16xi32>
    %xor3A_1738 = arith.xori %iota3A, %xor3A_1737 : vector<16xi32>
    %lt3A_1739 = arith.constant 0 : i32
    %lt3A_1740 = vector.broadcast %lt3A_1739 : i32 to vector<16xi32>
    %lt3A_1741 = arith.cmpi slt, %xor3A_1738, %lt3A_1740 : vector<16xi32>
    %add3A_1742 = arith.constant 16 : i32
    %add3A_1743 = vector.broadcast %add3A_1742 : i32 to vector<16xi32>
    %add3A_1744 = arith.addi %xor3A_1738, %add3A_1743 : vector<16xi32>
    %select_n3A_1745 = arith.select %lt3A_1741, %add3A_1744, %xor3A_1738 : vector<16xi1>, vector<16xi32>
    %broadcast_in_dim3A_1746 = vector.shape_cast %select_n3A_1745 : vector<16xi32> to vector<16x1xi32>
    %gather3A_1747 = vector.shape_cast %broadcast_in_dim3A_1746 : vector<16x1xi32> to vector<16xi32>
    %gather3A_1748 = tpu.dynamic_gather %select_n3A_1734[%gather3A_1747] in [0] : vector<16xf32>, vector<16xi32> -> vector<16xf32>
    %lt3A_1749 = arith.constant 0 : i32
    %lt3A_1750 = vector.broadcast %lt3A_1749 : i32 to vector<16xi32>
    %lt3A_1751 = arith.cmpi slt, %xor3A_1738, %lt3A_1750 : vector<16xi32>
    %add3A_1752 = arith.constant 16 : i32
    %add3A_1753 = vector.broadcast %add3A_1752 : i32 to vector<16xi32>
    %add3A_1754 = arith.addi %xor3A_1738, %add3A_1753 : vector<16xi32>
    %select_n3A_1755 = arith.select %lt3A_1751, %add3A_1754, %xor3A_1738 : vector<16xi1>, vector<16xi32>
    %broadcast_in_dim3A_1756 = vector.shape_cast %select_n3A_1755 : vector<16xi32> to vector<16x1xi32>
    %gather3A_1757 = vector.shape_cast %broadcast_in_dim3A_1756 : vector<16x1xi32> to vector<16xi32>
    %gather3A_1758 = tpu.dynamic_gather %select_n3A_1735[%gather3A_1757] in [0] : vector<16xi32>, vector<16xi32> -> vector<16xi32>
    %gt3A_1759 = arith.cmpf ogt, %gather3A_1748, %select_n3A_1734 : vector<16xf32>
    %eq3A_1760 = arith.cmpf oeq, %gather3A_1748, %select_n3A_1734 : vector<16xf32>
    %lt3A_1761 = arith.cmpi slt, %gather3A_1758, %select_n3A_1735 : vector<16xi32>
    %and3A_1762 = arith.andi %eq3A_1760, %lt3A_1761 : vector<16xi1>
    %or3A_1763 = arith.ori %gt3A_1759, %and3A_1762 : vector<16xi1>
    %select_n3A_1764 = arith.select %or3A_1763, %gather3A_1748, %select_n3A_1734 : vector<16xi1>, vector<16xf32>
    %select_n3A_1765 = arith.select %or3A_1763, %gather3A_1758, %select_n3A_1735 : vector<16xi1>, vector<16xi32>
    %xor3A_1766 = arith.constant 1 : i32
    %xor3A_1767 = vector.broadcast %xor3A_1766 : i32 to vector<16xi32>
    %xor3A_1768 = arith.xori %iota3A, %xor3A_1767 : vector<16xi32>
    %lt3A_1769 = arith.constant 0 : i32
    %lt3A_1770 = vector.broadcast %lt3A_1769 : i32 to vector<16xi32>
    %lt3A_1771 = arith.cmpi slt, %xor3A_1768, %lt3A_1770 : vector<16xi32>
    %add3A_1772 = arith.constant 16 : i32
    %add3A_1773 = vector.broadcast %add3A_1772 : i32 to vector<16xi32>
    %add3A_1774 = arith.addi %xor3A_1768, %add3A_1773 : vector<16xi32>
    %select_n3A_1775 = arith.select %lt3A_1771, %add3A_1774, %xor3A_1768 : vector<16xi1>, vector<16xi32>
    %broadcast_in_dim3A_1776 = vector.shape_cast %select_n3A_1775 : vector<16xi32> to vector<16x1xi32>
    %gather3A_1777 = vector.shape_cast %broadcast_in_dim3A_1776 : vector<16x1xi32> to vector<16xi32>
    %gather3A_1778 = tpu.dynamic_gather %select_n3A_1764[%gather3A_1777] in [0] : vector<16xf32>, vector<16xi32> -> vector<16xf32>
    %lt3A_1779 = arith.constant 0 : i32
    %lt3A_1780 = vector.broadcast %lt3A_1779 : i32 to vector<16xi32>
    %lt3A_1781 = arith.cmpi slt, %xor3A_1768, %lt3A_1780 : vector<16xi32>
    %add3A_1782 = arith.constant 16 : i32
    %add3A_1783 = vector.broadcast %add3A_1782 : i32 to vector<16xi32>
    %add3A_1784 = arith.addi %xor3A_1768, %add3A_1783 : vector<16xi32>
    %select_n3A_1785 = arith.select %lt3A_1781, %add3A_1784, %xor3A_1768 : vector<16xi1>, vector<16xi32>
    %broadcast_in_dim3A_1786 = vector.shape_cast %select_n3A_1785 : vector<16xi32> to vector<16x1xi32>
    %gather3A_1787 = vector.shape_cast %broadcast_in_dim3A_1786 : vector<16x1xi32> to vector<16xi32>
    %gather3A_1788 = tpu.dynamic_gather %select_n3A_1765[%gather3A_1787] in [0] : vector<16xi32>, vector<16xi32> -> vector<16xi32>
    %gt3A_1789 = arith.cmpf ogt, %gather3A_1778, %select_n3A_1764 : vector<16xf32>
    %eq3A_1790 = arith.cmpf oeq, %gather3A_1778, %select_n3A_1764 : vector<16xf32>
    %lt3A_1791 = arith.cmpi slt, %gather3A_1788, %select_n3A_1765 : vector<16xi32>
    %and3A_1792 = arith.andi %eq3A_1790, %lt3A_1791 : vector<16xi1>
    %or3A_1793 = arith.ori %gt3A_1789, %and3A_1792 : vector<16xi1>
    %select_n3A_1794 = arith.select %or3A_1793, %gather3A_1778, %select_n3A_1764 : vector<16xi1>, vector<16xf32>
    %select_n3A_1795 = arith.select %or3A_1793, %gather3A_1788, %select_n3A_1765 : vector<16xi1>, vector<16xi32>
    %swap3A_1796 = arith.constant 192 : index
    %swap3A_1797 = tpu.vector_load %arg9[%swap3A_1796] {strides = array<i32>} : memref<512xf32, #tpu.memory_space<vmem>>, vector<16xf32>,
    tpu.vector_store %arg9[%swap3A_1796], %select_n3A_1794 {strides = array<i32>} : memref<512xf32, #tpu.memory_space<vmem>>, vector<16xf32>,
    %bitcast3A_1798 = vector.bitcast %select_n3A_1795 : vector<16xi32> to vector<16xf32>
    %swap3A_1799 = arith.constant 208 : index
    %swap3A_1800 = tpu.vector_load %arg9[%swap3A_1799] {strides = array<i32>} : memref<512xf32, #tpu.memory_space<vmem>>, vector<16xf32>,
    tpu.vector_store %arg9[%swap3A_1799], %bitcast3A_1798 {strides = array<i32>} : memref<512xf32, #tpu.memory_space<vmem>>, vector<16xf32>,
    %xor3A_1801 = arith.constant 8 : i32
    %xor3A_1802 = vector.broadcast %xor3A_1801 : i32 to vector<16xi32>
    %xor3A_1803 = arith.xori %iota3A, %xor3A_1802 : vector<16xi32>
    %lt3A_1804 = arith.constant 0 : i32
    %lt3A_1805 = vector.broadcast %lt3A_1804 : i32 to vector<16xi32>
    %lt3A_1806 = arith.cmpi slt, %xor3A_1803, %lt3A_1805 : vector<16xi32>
    %add3A_1807 = arith.constant 16 : i32
    %add3A_1808 = vector.broadcast %add3A_1807 : i32 to vector<16xi32>
    %add3A_1809 = arith.addi %xor3A_1803, %add3A_1808 : vector<16xi32>
    %select_n3A_1810 = arith.select %lt3A_1806, %add3A_1809, %xor3A_1803 : vector<16xi1>, vector<16xi32>
    %broadcast_in_dim3A_1811 = vector.shape_cast %select_n3A_1810 : vector<16xi32> to vector<16x1xi32>
    %gather3A_1812 = vector.shape_cast %broadcast_in_dim3A_1811 : vector<16x1xi32> to vector<16xi32>
    %gather3A_1813 = tpu.dynamic_gather %parallel_loop3A_1300#8[%gather3A_1812] in [0] : vector<16xf32>, vector<16xi32> -> vector<16xf32>
    %lt3A_1814 = arith.constant 0 : i32
    %lt3A_1815 = vector.broadcast %lt3A_1814 : i32 to vector<16xi32>
    %lt3A_1816 = arith.cmpi slt, %xor3A_1803, %lt3A_1815 : vector<16xi32>
    %add3A_1817 = arith.constant 16 : i32
    %add3A_1818 = vector.broadcast %add3A_1817 : i32 to vector<16xi32>
    %add3A_1819 = arith.addi %xor3A_1803, %add3A_1818 : vector<16xi32>
    %select_n3A_1820 = arith.select %lt3A_1816, %add3A_1819, %xor3A_1803 : vector<16xi1>, vector<16xi32>
    %broadcast_in_dim3A_1821 = vector.shape_cast %select_n3A_1820 : vector<16xi32> to vector<16x1xi32>
    %gather3A_1822 = vector.shape_cast %broadcast_in_dim3A_1821 : vector<16x1xi32> to vector<16xi32>
    %gather3A_1823 = tpu.dynamic_gather %parallel_loop3A_1300#9[%gather3A_1822] in [0] : vector<16xi32>, vector<16xi32> -> vector<16xi32>
    %gt3A_1824 = arith.cmpf ogt, %gather3A_1813, %parallel_loop3A_1300#8 : vector<16xf32>
    %eq3A_1825 = arith.cmpf oeq, %gather3A_1813, %parallel_loop3A_1300#8 : vector<16xf32>
    %lt3A_1826 = arith.cmpi slt, %gather3A_1823, %parallel_loop3A_1300#9 : vector<16xi32>
    %and3A_1827 = arith.andi %eq3A_1825, %lt3A_1826 : vector<16xi1>
    %or3A_1828 = arith.ori %gt3A_1824, %and3A_1827 : vector<16xi1>
    %select_n3A_1829 = arith.select %or3A_1828, %gather3A_1813, %parallel_loop3A_1300#8 : vector<16xi1>, vector<16xf32>
    %select_n3A_1830 = arith.select %or3A_1828, %gather3A_1823, %parallel_loop3A_1300#9 : vector<16xi1>, vector<16xi32>
    %xor3A_1831 = arith.constant 4 : i32
    %xor3A_1832 = vector.broadcast %xor3A_1831 : i32 to vector<16xi32>
    %xor3A_1833 = arith.xori %iota3A, %xor3A_1832 : vector<16xi32>
    %lt3A_1834 = arith.constant 0 : i32
    %lt3A_1835 = vector.broadcast %lt3A_1834 : i32 to vector<16xi32>
    %lt3A_1836 = arith.cmpi slt, %xor3A_1833, %lt3A_1835 : vector<16xi32>
    %add3A_1837 = arith.constant 16 : i32
    %add3A_1838 = vector.broadcast %add3A_1837 : i32 to vector<16xi32>
    %add3A_1839 = arith.addi %xor3A_1833, %add3A_1838 : vector<16xi32>
    %select_n3A_1840 = arith.select %lt3A_1836, %add3A_1839, %xor3A_1833 : vector<16xi1>, vector<16xi32>
    %broadcast_in_dim3A_1841 = vector.shape_cast %select_n3A_1840 : vector<16xi32> to vector<16x1xi32>
    %gather3A_1842 = vector.shape_cast %broadcast_in_dim3A_1841 : vector<16x1xi32> to vector<16xi32>
    %gather3A_1843 = tpu.dynamic_gather %select_n3A_1829[%gather3A_1842] in [0] : vector<16xf32>, vector<16xi32> -> vector<16xf32>
    %lt3A_1844 = arith.constant 0 : i32
    %lt3A_1845 = vector.broadcast %lt3A_1844 : i32 to vector<16xi32>
    %lt3A_1846 = arith.cmpi slt, %xor3A_1833, %lt3A_1845 : vector<16xi32>
    %add3A_1847 = arith.constant 16 : i32
    %add3A_1848 = vector.broadcast %add3A_1847 : i32 to vector<16xi32>
    %add3A_1849 = arith.addi %xor3A_1833, %add3A_1848 : vector<16xi32>
    %select_n3A_1850 = arith.select %lt3A_1846, %add3A_1849, %xor3A_1833 : vector<16xi1>, vector<16xi32>
    %broadcast_in_dim3A_1851 = vector.shape_cast %select_n3A_1850 : vector<16xi32> to vector<16x1xi32>
    %gather3A_1852 = vector.shape_cast %broadcast_in_dim3A_1851 : vector<16x1xi32> to vector<16xi32>
    %gather3A_1853 = tpu.dynamic_gather %select_n3A_1830[%gather3A_1852] in [0] : vector<16xi32>, vector<16xi32> -> vector<16xi32>
    %gt3A_1854 = arith.cmpf ogt, %gather3A_1843, %select_n3A_1829 : vector<16xf32>
    %eq3A_1855 = arith.cmpf oeq, %gather3A_1843, %select_n3A_1829 : vector<16xf32>
    %lt3A_1856 = arith.cmpi slt, %gather3A_1853, %select_n3A_1830 : vector<16xi32>
    %and3A_1857 = arith.andi %eq3A_1855, %lt3A_1856 : vector<16xi1>
    %or3A_1858 = arith.ori %gt3A_1854, %and3A_1857 : vector<16xi1>
    %select_n3A_1859 = arith.select %or3A_1858, %gather3A_1843, %select_n3A_1829 : vector<16xi1>, vector<16xf32>
    %select_n3A_1860 = arith.select %or3A_1858, %gather3A_1853, %select_n3A_1830 : vector<16xi1>, vector<16xi32>
    %xor3A_1861 = arith.constant 2 : i32
    %xor3A_1862 = vector.broadcast %xor3A_1861 : i32 to vector<16xi32>
    %xor3A_1863 = arith.xori %iota3A, %xor3A_1862 : vector<16xi32>
    %lt3A_1864 = arith.constant 0 : i32
    %lt3A_1865 = vector.broadcast %lt3A_1864 : i32 to vector<16xi32>
    %lt3A_1866 = arith.cmpi slt, %xor3A_1863, %lt3A_1865 : vector<16xi32>
    %add3A_1867 = arith.constant 16 : i32
    %add3A_1868 = vector.broadcast %add3A_1867 : i32 to vector<16xi32>
    %add3A_1869 = arith.addi %xor3A_1863, %add3A_1868 : vector<16xi32>
    %select_n3A_1870 = arith.select %lt3A_1866, %add3A_1869, %xor3A_1863 : vector<16xi1>, vector<16xi32>
    %broadcast_in_dim3A_1871 = vector.shape_cast %select_n3A_1870 : vector<16xi32> to vector<16x1xi32>
    %gather3A_1872 = vector.shape_cast %broadcast_in_dim3A_1871 : vector<16x1xi32> to vector<16xi32>
    %gather3A_1873 = tpu.dynamic_gather %select_n3A_1859[%gather3A_1872] in [0] : vector<16xf32>, vector<16xi32> -> vector<16xf32>
    %lt3A_1874 = arith.constant 0 : i32
    %lt3A_1875 = vector.broadcast %lt3A_1874 : i32 to vector<16xi32>
    %lt3A_1876 = arith.cmpi slt, %xor3A_1863, %lt3A_1875 : vector<16xi32>
    %add3A_1877 = arith.constant 16 : i32
    %add3A_1878 = vector.broadcast %add3A_1877 : i32 to vector<16xi32>
    %add3A_1879 = arith.addi %xor3A_1863, %add3A_1878 : vector<16xi32>
    %select_n3A_1880 = arith.select %lt3A_1876, %add3A_1879, %xor3A_1863 : vector<16xi1>, vector<16xi32>
    %broadcast_in_dim3A_1881 = vector.shape_cast %select_n3A_1880 : vector<16xi32> to vector<16x1xi32>
    %gather3A_1882 = vector.shape_cast %broadcast_in_dim3A_1881 : vector<16x1xi32> to vector<16xi32>
    %gather3A_1883 = tpu.dynamic_gather %select_n3A_1860[%gather3A_1882] in [0] : vector<16xi32>, vector<16xi32> -> vector<16xi32>
    %gt3A_1884 = arith.cmpf ogt, %gather3A_1873, %select_n3A_1859 : vector<16xf32>
    %eq3A_1885 = arith.cmpf oeq, %gather3A_1873, %select_n3A_1859 : vector<16xf32>
    %lt3A_1886 = arith.cmpi slt, %gather3A_1883, %select_n3A_1860 : vector<16xi32>
    %and3A_1887 = arith.andi %eq3A_1885, %lt3A_1886 : vector<16xi1>
    %or3A_1888 = arith.ori %gt3A_1884, %and3A_1887 : vector<16xi1>
    %select_n3A_1889 = arith.select %or3A_1888, %gather3A_1873, %select_n3A_1859 : vector<16xi1>, vector<16xf32>
    %select_n3A_1890 = arith.select %or3A_1888, %gather3A_1883, %select_n3A_1860 : vector<16xi1>, vector<16xi32>
    %xor3A_1891 = arith.constant 1 : i32
    %xor3A_1892 = vector.broadcast %xor3A_1891 : i32 to vector<16xi32>
    %xor3A_1893 = arith.xori %iota3A, %xor3A_1892 : vector<16xi32>
    %lt3A_1894 = arith.constant 0 : i32
    %lt3A_1895 = vector.broadcast %lt3A_1894 : i32 to vector<16xi32>
    %lt3A_1896 = arith.cmpi slt, %xor3A_1893, %lt3A_1895 : vector<16xi32>
    %add3A_1897 = arith.constant 16 : i32
    %add3A_1898 = vector.broadcast %add3A_1897 : i32 to vector<16xi32>
    %add3A_1899 = arith.addi %xor3A_1893, %add3A_1898 : vector<16xi32>
    %select_n3A_1900 = arith.select %lt3A_1896, %add3A_1899, %xor3A_1893 : vector<16xi1>, vector<16xi32>
    %broadcast_in_dim3A_1901 = vector.shape_cast %select_n3A_1900 : vector<16xi32> to vector<16x1xi32>
    %gather3A_1902 = vector.shape_cast %broadcast_in_dim3A_1901 : vector<16x1xi32> to vector<16xi32>
    %gather3A_1903 = tpu.dynamic_gather %select_n3A_1889[%gather3A_1902] in [0] : vector<16xf32>, vector<16xi32> -> vector<16xf32>
    %lt3A_1904 = arith.constant 0 : i32
    %lt3A_1905 = vector.broadcast %lt3A_1904 : i32 to vector<16xi32>
    %lt3A_1906 = arith.cmpi slt, %xor3A_1893, %lt3A_1905 : vector<16xi32>
    %add3A_1907 = arith.constant 16 : i32
    %add3A_1908 = vector.broadcast %add3A_1907 : i32 to vector<16xi32>
    %add3A_1909 = arith.addi %xor3A_1893, %add3A_1908 : vector<16xi32>
    %select_n3A_1910 = arith.select %lt3A_1906, %add3A_1909, %xor3A_1893 : vector<16xi1>, vector<16xi32>
    %broadcast_in_dim3A_1911 = vector.shape_cast %select_n3A_1910 : vector<16xi32> to vector<16x1xi32>
    %gather3A_1912 = vector.shape_cast %broadcast_in_dim3A_1911 : vector<16x1xi32> to vector<16xi32>
    %gather3A_1913 = tpu.dynamic_gather %select_n3A_1890[%gather3A_1912] in [0] : vector<16xi32>, vector<16xi32> -> vector<16xi32>
    %gt3A_1914 = arith.cmpf ogt, %gather3A_1903, %select_n3A_1889 : vector<16xf32>
    %eq3A_1915 = arith.cmpf oeq, %gather3A_1903, %select_n3A_1889 : vector<16xf32>
    %lt3A_1916 = arith.cmpi slt, %gather3A_1913, %select_n3A_1890 : vector<16xi32>
    %and3A_1917 = arith.andi %eq3A_1915, %lt3A_1916 : vector<16xi1>
    %or3A_1918 = arith.ori %gt3A_1914, %and3A_1917 : vector<16xi1>
    %select_n3A_1919 = arith.select %or3A_1918, %gather3A_1903, %select_n3A_1889 : vector<16xi1>, vector<16xf32>
    %select_n3A_1920 = arith.select %or3A_1918, %gather3A_1913, %select_n3A_1890 : vector<16xi1>, vector<16xi32>
    %swap3A_1921 = arith.constant 256 : index
    %swap3A_1922 = tpu.vector_load %arg9[%swap3A_1921] {strides = array<i32>} : memref<512xf32, #tpu.memory_space<vmem>>, vector<16xf32>,
    tpu.vector_store %arg9[%swap3A_1921], %select_n3A_1919 {strides = array<i32>} : memref<512xf32, #tpu.memory_space<vmem>>, vector<16xf32>,
    %bitcast3A_1923 = vector.bitcast %select_n3A_1920 : vector<16xi32> to vector<16xf32>
    %swap3A_1924 = arith.constant 272 : index
    %swap3A_1925 = tpu.vector_load %arg9[%swap3A_1924] {strides = array<i32>} : memref<512xf32, #tpu.memory_space<vmem>>, vector<16xf32>,
    tpu.vector_store %arg9[%swap3A_1924], %bitcast3A_1923 {strides = array<i32>} : memref<512xf32, #tpu.memory_space<vmem>>, vector<16xf32>,
    %xor3A_1926 = arith.constant 8 : i32
    %xor3A_1927 = vector.broadcast %xor3A_1926 : i32 to vector<16xi32>
    %xor3A_1928 = arith.xori %iota3A, %xor3A_1927 : vector<16xi32>
    %lt3A_1929 = arith.constant 0 : i32
    %lt3A_1930 = vector.broadcast %lt3A_1929 : i32 to vector<16xi32>
    %lt3A_1931 = arith.cmpi slt, %xor3A_1928, %lt3A_1930 : vector<16xi32>
    %add3A_1932 = arith.constant 16 : i32
    %add3A_1933 = vector.broadcast %add3A_1932 : i32 to vector<16xi32>
    %add3A_1934 = arith.addi %xor3A_1928, %add3A_1933 : vector<16xi32>
    %select_n3A_1935 = arith.select %lt3A_1931, %add3A_1934, %xor3A_1928 : vector<16xi1>, vector<16xi32>
    %broadcast_in_dim3A_1936 = vector.shape_cast %select_n3A_1935 : vector<16xi32> to vector<16x1xi32>
    %gather3A_1937 = vector.shape_cast %broadcast_in_dim3A_1936 : vector<16x1xi32> to vector<16xi32>
    %gather3A_1938 = tpu.dynamic_gather %parallel_loop3A_1300#10[%gather3A_1937] in [0] : vector<16xf32>, vector<16xi32> -> vector<16xf32>
    %lt3A_1939 = arith.constant 0 : i32
    %lt3A_1940 = vector.broadcast %lt3A_1939 : i32 to vector<16xi32>
    %lt3A_1941 = arith.cmpi slt, %xor3A_1928, %lt3A_1940 : vector<16xi32>
    %add3A_1942 = arith.constant 16 : i32
    %add3A_1943 = vector.broadcast %add3A_1942 : i32 to vector<16xi32>
    %add3A_1944 = arith.addi %xor3A_1928, %add3A_1943 : vector<16xi32>
    %select_n3A_1945 = arith.select %lt3A_1941, %add3A_1944, %xor3A_1928 : vector<16xi1>, vector<16xi32>
    %broadcast_in_dim3A_1946 = vector.shape_cast %select_n3A_1945 : vector<16xi32> to vector<16x1xi32>
    %gather3A_1947 = vector.shape_cast %broadcast_in_dim3A_1946 : vector<16x1xi32> to vector<16xi32>
    %gather3A_1948 = tpu.dynamic_gather %parallel_loop3A_1300#11[%gather3A_1947] in [0] : vector<16xi32>, vector<16xi32> -> vector<16xi32>
    %gt3A_1949 = arith.cmpf ogt, %gather3A_1938, %parallel_loop3A_1300#10 : vector<16xf32>
    %eq3A_1950 = arith.cmpf oeq, %gather3A_1938, %parallel_loop3A_1300#10 : vector<16xf32>
    %lt3A_1951 = arith.cmpi slt, %gather3A_1948, %parallel_loop3A_1300#11 : vector<16xi32>
    %and3A_1952 = arith.andi %eq3A_1950, %lt3A_1951 : vector<16xi1>
    %or3A_1953 = arith.ori %gt3A_1949, %and3A_1952 : vector<16xi1>
    %select_n3A_1954 = arith.select %or3A_1953, %gather3A_1938, %parallel_loop3A_1300#10 : vector<16xi1>, vector<16xf32>
    %select_n3A_1955 = arith.select %or3A_1953, %gather3A_1948, %parallel_loop3A_1300#11 : vector<16xi1>, vector<16xi32>
    %xor3A_1956 = arith.constant 4 : i32
    %xor3A_1957 = vector.broadcast %xor3A_1956 : i32 to vector<16xi32>
    %xor3A_1958 = arith.xori %iota3A, %xor3A_1957 : vector<16xi32>
    %lt3A_1959 = arith.constant 0 : i32
    %lt3A_1960 = vector.broadcast %lt3A_1959 : i32 to vector<16xi32>
    %lt3A_1961 = arith.cmpi slt, %xor3A_1958, %lt3A_1960 : vector<16xi32>
    %add3A_1962 = arith.constant 16 : i32
    %add3A_1963 = vector.broadcast %add3A_1962 : i32 to vector<16xi32>
    %add3A_1964 = arith.addi %xor3A_1958, %add3A_1963 : vector<16xi32>
    %select_n3A_1965 = arith.select %lt3A_1961, %add3A_1964, %xor3A_1958 : vector<16xi1>, vector<16xi32>
    %broadcast_in_dim3A_1966 = vector.shape_cast %select_n3A_1965 : vector<16xi32> to vector<16x1xi32>
    %gather3A_1967 = vector.shape_cast %broadcast_in_dim3A_1966 : vector<16x1xi32> to vector<16xi32>
    %gather3A_1968 = tpu.dynamic_gather %select_n3A_1954[%gather3A_1967] in [0] : vector<16xf32>, vector<16xi32> -> vector<16xf32>
    %lt3A_1969 = arith.constant 0 : i32
    %lt3A_1970 = vector.broadcast %lt3A_1969 : i32 to vector<16xi32>
    %lt3A_1971 = arith.cmpi slt, %xor3A_1958, %lt3A_1970 : vector<16xi32>
    %add3A_1972 = arith.constant 16 : i32
    %add3A_1973 = vector.broadcast %add3A_1972 : i32 to vector<16xi32>
    %add3A_1974 = arith.addi %xor3A_1958, %add3A_1973 : vector<16xi32>
    %select_n3A_1975 = arith.select %lt3A_1971, %add3A_1974, %xor3A_1958 : vector<16xi1>, vector<16xi32>
    %broadcast_in_dim3A_1976 = vector.shape_cast %select_n3A_1975 : vector<16xi32> to vector<16x1xi32>
    %gather3A_1977 = vector.shape_cast %broadcast_in_dim3A_1976 : vector<16x1xi32> to vector<16xi32>
    %gather3A_1978 = tpu.dynamic_gather %select_n3A_1955[%gather3A_1977] in [0] : vector<16xi32>, vector<16xi32> -> vector<16xi32>
    %gt3A_1979 = arith.cmpf ogt, %gather3A_1968, %select_n3A_1954 : vector<16xf32>
    %eq3A_1980 = arith.cmpf oeq, %gather3A_1968, %select_n3A_1954 : vector<16xf32>
    %lt3A_1981 = arith.cmpi slt, %gather3A_1978, %select_n3A_1955 : vector<16xi32>
    %and3A_1982 = arith.andi %eq3A_1980, %lt3A_1981 : vector<16xi1>
    %or3A_1983 = arith.ori %gt3A_1979, %and3A_1982 : vector<16xi1>
    %select_n3A_1984 = arith.select %or3A_1983, %gather3A_1968, %select_n3A_1954 : vector<16xi1>, vector<16xf32>
    %select_n3A_1985 = arith.select %or3A_1983, %gather3A_1978, %select_n3A_1955 : vector<16xi1>, vector<16xi32>
    %xor3A_1986 = arith.constant 2 : i32
    %xor3A_1987 = vector.broadcast %xor3A_1986 : i32 to vector<16xi32>
    %xor3A_1988 = arith.xori %iota3A, %xor3A_1987 : vector<16xi32>
    %lt3A_1989 = arith.constant 0 : i32
    %lt3A_1990 = vector.broadcast %lt3A_1989 : i32 to vector<16xi32>
    %lt3A_1991 = arith.cmpi slt, %xor3A_1988, %lt3A_1990 : vector<16xi32>
    %add3A_1992 = arith.constant 16 : i32
    %add3A_1993 = vector.broadcast %add3A_1992 : i32 to vector<16xi32>
    %add3A_1994 = arith.addi %xor3A_1988, %add3A_1993 : vector<16xi32>
    %select_n3A_1995 = arith.select %lt3A_1991, %add3A_1994, %xor3A_1988 : vector<16xi1>, vector<16xi32>
    %broadcast_in_dim3A_1996 = vector.shape_cast %select_n3A_1995 : vector<16xi32> to vector<16x1xi32>
    %gather3A_1997 = vector.shape_cast %broadcast_in_dim3A_1996 : vector<16x1xi32> to vector<16xi32>
    %gather3A_1998 = tpu.dynamic_gather %select_n3A_1984[%gather3A_1997] in [0] : vector<16xf32>, vector<16xi32> -> vector<16xf32>
    %lt3A_1999 = arith.constant 0 : i32
    %lt3A_2000 = vector.broadcast %lt3A_1999 : i32 to vector<16xi32>
    %lt3A_2001 = arith.cmpi slt, %xor3A_1988, %lt3A_2000 : vector<16xi32>
    %add3A_2002 = arith.constant 16 : i32
    %add3A_2003 = vector.broadcast %add3A_2002 : i32 to vector<16xi32>
    %add3A_2004 = arith.addi %xor3A_1988, %add3A_2003 : vector<16xi32>
    %select_n3A_2005 = arith.select %lt3A_2001, %add3A_2004, %xor3A_1988 : vector<16xi1>, vector<16xi32>
    %broadcast_in_dim3A_2006 = vector.shape_cast %select_n3A_2005 : vector<16xi32> to vector<16x1xi32>
    %gather3A_2007 = vector.shape_cast %broadcast_in_dim3A_2006 : vector<16x1xi32> to vector<16xi32>
    %gather3A_2008 = tpu.dynamic_gather %select_n3A_1985[%gather3A_2007] in [0] : vector<16xi32>, vector<16xi32> -> vector<16xi32>
    %gt3A_2009 = arith.cmpf ogt, %gather3A_1998, %select_n3A_1984 : vector<16xf32>
    %eq3A_2010 = arith.cmpf oeq, %gather3A_1998, %select_n3A_1984 : vector<16xf32>
    %lt3A_2011 = arith.cmpi slt, %gather3A_2008, %select_n3A_1985 : vector<16xi32>
    %and3A_2012 = arith.andi %eq3A_2010, %lt3A_2011 : vector<16xi1>
    %or3A_2013 = arith.ori %gt3A_2009, %and3A_2012 : vector<16xi1>
    %select_n3A_2014 = arith.select %or3A_2013, %gather3A_1998, %select_n3A_1984 : vector<16xi1>, vector<16xf32>
    %select_n3A_2015 = arith.select %or3A_2013, %gather3A_2008, %select_n3A_1985 : vector<16xi1>, vector<16xi32>
    %xor3A_2016 = arith.constant 1 : i32
    %xor3A_2017 = vector.broadcast %xor3A_2016 : i32 to vector<16xi32>
    %xor3A_2018 = arith.xori %iota3A, %xor3A_2017 : vector<16xi32>
    %lt3A_2019 = arith.constant 0 : i32
    %lt3A_2020 = vector.broadcast %lt3A_2019 : i32 to vector<16xi32>
    %lt3A_2021 = arith.cmpi slt, %xor3A_2018, %lt3A_2020 : vector<16xi32>
    %add3A_2022 = arith.constant 16 : i32
    %add3A_2023 = vector.broadcast %add3A_2022 : i32 to vector<16xi32>
    %add3A_2024 = arith.addi %xor3A_2018, %add3A_2023 : vector<16xi32>
    %select_n3A_2025 = arith.select %lt3A_2021, %add3A_2024, %xor3A_2018 : vector<16xi1>, vector<16xi32>
    %broadcast_in_dim3A_2026 = vector.shape_cast %select_n3A_2025 : vector<16xi32> to vector<16x1xi32>
    %gather3A_2027 = vector.shape_cast %broadcast_in_dim3A_2026 : vector<16x1xi32> to vector<16xi32>
    %gather3A_2028 = tpu.dynamic_gather %select_n3A_2014[%gather3A_2027] in [0] : vector<16xf32>, vector<16xi32> -> vector<16xf32>
    %lt3A_2029 = arith.constant 0 : i32
    %lt3A_2030 = vector.broadcast %lt3A_2029 : i32 to vector<16xi32>
    %lt3A_2031 = arith.cmpi slt, %xor3A_2018, %lt3A_2030 : vector<16xi32>
    %add3A_2032 = arith.constant 16 : i32
    %add3A_2033 = vector.broadcast %add3A_2032 : i32 to vector<16xi32>
    %add3A_2034 = arith.addi %xor3A_2018, %add3A_2033 : vector<16xi32>
    %select_n3A_2035 = arith.select %lt3A_2031, %add3A_2034, %xor3A_2018 : vector<16xi1>, vector<16xi32>
    %broadcast_in_dim3A_2036 = vector.shape_cast %select_n3A_2035 : vector<16xi32> to vector<16x1xi32>
    %gather3A_2037 = vector.shape_cast %broadcast_in_dim3A_2036 : vector<16x1xi32> to vector<16xi32>
    %gather3A_2038 = tpu.dynamic_gather %select_n3A_2015[%gather3A_2037] in [0] : vector<16xi32>, vector<16xi32> -> vector<16xi32>
    %gt3A_2039 = arith.cmpf ogt, %gather3A_2028, %select_n3A_2014 : vector<16xf32>
    %eq3A_2040 = arith.cmpf oeq, %gather3A_2028, %select_n3A_2014 : vector<16xf32>
    %lt3A_2041 = arith.cmpi slt, %gather3A_2038, %select_n3A_2015 : vector<16xi32>
    %and3A_2042 = arith.andi %eq3A_2040, %lt3A_2041 : vector<16xi1>
    %or3A_2043 = arith.ori %gt3A_2039, %and3A_2042 : vector<16xi1>
    %select_n3A_2044 = arith.select %or3A_2043, %gather3A_2028, %select_n3A_2014 : vector<16xi1>, vector<16xf32>
    %select_n3A_2045 = arith.select %or3A_2043, %gather3A_2038, %select_n3A_2015 : vector<16xi1>, vector<16xi32>
    %swap3A_2046 = arith.constant 320 : index
    %swap3A_2047 = tpu.vector_load %arg9[%swap3A_2046] {strides = array<i32>} : memref<512xf32, #tpu.memory_space<vmem>>, vector<16xf32>,
    tpu.vector_store %arg9[%swap3A_2046], %select_n3A_2044 {strides = array<i32>} : memref<512xf32, #tpu.memory_space<vmem>>, vector<16xf32>,
    %bitcast3A_2048 = vector.bitcast %select_n3A_2045 : vector<16xi32> to vector<16xf32>
    %swap3A_2049 = arith.constant 336 : index
    %swap3A_2050 = tpu.vector_load %arg9[%swap3A_2049] {strides = array<i32>} : memref<512xf32, #tpu.memory_space<vmem>>, vector<16xf32>,
    tpu.vector_store %arg9[%swap3A_2049], %bitcast3A_2048 {strides = array<i32>} : memref<512xf32, #tpu.memory_space<vmem>>, vector<16xf32>,
    %xor3A_2051 = arith.constant 8 : i32
    %xor3A_2052 = vector.broadcast %xor3A_2051 : i32 to vector<16xi32>
    %xor3A_2053 = arith.xori %iota3A, %xor3A_2052 : vector<16xi32>
    %lt3A_2054 = arith.constant 0 : i32
    %lt3A_2055 = vector.broadcast %lt3A_2054 : i32 to vector<16xi32>
    %lt3A_2056 = arith.cmpi slt, %xor3A_2053, %lt3A_2055 : vector<16xi32>
    %add3A_2057 = arith.constant 16 : i32
    %add3A_2058 = vector.broadcast %add3A_2057 : i32 to vector<16xi32>
    %add3A_2059 = arith.addi %xor3A_2053, %add3A_2058 : vector<16xi32>
    %select_n3A_2060 = arith.select %lt3A_2056, %add3A_2059, %xor3A_2053 : vector<16xi1>, vector<16xi32>
    %broadcast_in_dim3A_2061 = vector.shape_cast %select_n3A_2060 : vector<16xi32> to vector<16x1xi32>
    %gather3A_2062 = vector.shape_cast %broadcast_in_dim3A_2061 : vector<16x1xi32> to vector<16xi32>
    %gather3A_2063 = tpu.dynamic_gather %parallel_loop3A_1300#12[%gather3A_2062] in [0] : vector<16xf32>, vector<16xi32> -> vector<16xf32>
    %lt3A_2064 = arith.constant 0 : i32
    %lt3A_2065 = vector.broadcast %lt3A_2064 : i32 to vector<16xi32>
    %lt3A_2066 = arith.cmpi slt, %xor3A_2053, %lt3A_2065 : vector<16xi32>
    %add3A_2067 = arith.constant 16 : i32
    %add3A_2068 = vector.broadcast %add3A_2067 : i32 to vector<16xi32>
    %add3A_2069 = arith.addi %xor3A_2053, %add3A_2068 : vector<16xi32>
    %select_n3A_2070 = arith.select %lt3A_2066, %add3A_2069, %xor3A_2053 : vector<16xi1>, vector<16xi32>
    %broadcast_in_dim3A_2071 = vector.shape_cast %select_n3A_2070 : vector<16xi32> to vector<16x1xi32>
    %gather3A_2072 = vector.shape_cast %broadcast_in_dim3A_2071 : vector<16x1xi32> to vector<16xi32>
    %gather3A_2073 = tpu.dynamic_gather %parallel_loop3A_1300#13[%gather3A_2072] in [0] : vector<16xi32>, vector<16xi32> -> vector<16xi32>
    %gt3A_2074 = arith.cmpf ogt, %gather3A_2063, %parallel_loop3A_1300#12 : vector<16xf32>
    %eq3A_2075 = arith.cmpf oeq, %gather3A_2063, %parallel_loop3A_1300#12 : vector<16xf32>
    %lt3A_2076 = arith.cmpi slt, %gather3A_2073, %parallel_loop3A_1300#13 : vector<16xi32>
    %and3A_2077 = arith.andi %eq3A_2075, %lt3A_2076 : vector<16xi1>
    %or3A_2078 = arith.ori %gt3A_2074, %and3A_2077 : vector<16xi1>
    %select_n3A_2079 = arith.select %or3A_2078, %gather3A_2063, %parallel_loop3A_1300#12 : vector<16xi1>, vector<16xf32>
    %select_n3A_2080 = arith.select %or3A_2078, %gather3A_2073, %parallel_loop3A_1300#13 : vector<16xi1>, vector<16xi32>
    %xor3A_2081 = arith.constant 4 : i32
    %xor3A_2082 = vector.broadcast %xor3A_2081 : i32 to vector<16xi32>
    %xor3A_2083 = arith.xori %iota3A, %xor3A_2082 : vector<16xi32>
    %lt3A_2084 = arith.constant 0 : i32
    %lt3A_2085 = vector.broadcast %lt3A_2084 : i32 to vector<16xi32>
    %lt3A_2086 = arith.cmpi slt, %xor3A_2083, %lt3A_2085 : vector<16xi32>
    %add3A_2087 = arith.constant 16 : i32
    %add3A_2088 = vector.broadcast %add3A_2087 : i32 to vector<16xi32>
    %add3A_2089 = arith.addi %xor3A_2083, %add3A_2088 : vector<16xi32>
    %select_n3A_2090 = arith.select %lt3A_2086, %add3A_2089, %xor3A_2083 : vector<16xi1>, vector<16xi32>
    %broadcast_in_dim3A_2091 = vector.shape_cast %select_n3A_2090 : vector<16xi32> to vector<16x1xi32>
    %gather3A_2092 = vector.shape_cast %broadcast_in_dim3A_2091 : vector<16x1xi32> to vector<16xi32>
    %gather3A_2093 = tpu.dynamic_gather %select_n3A_2079[%gather3A_2092] in [0] : vector<16xf32>, vector<16xi32> -> vector<16xf32>
    %lt3A_2094 = arith.constant 0 : i32
    %lt3A_2095 = vector.broadcast %lt3A_2094 : i32 to vector<16xi32>
    %lt3A_2096 = arith.cmpi slt, %xor3A_2083, %lt3A_2095 : vector<16xi32>
    %add3A_2097 = arith.constant 16 : i32
    %add3A_2098 = vector.broadcast %add3A_2097 : i32 to vector<16xi32>
    %add3A_2099 = arith.addi %xor3A_2083, %add3A_2098 : vector<16xi32>
    %select_n3A_2100 = arith.select %lt3A_2096, %add3A_2099, %xor3A_2083 : vector<16xi1>, vector<16xi32>
    %broadcast_in_dim3A_2101 = vector.shape_cast %select_n3A_2100 : vector<16xi32> to vector<16x1xi32>
    %gather3A_2102 = vector.shape_cast %broadcast_in_dim3A_2101 : vector<16x1xi32> to vector<16xi32>
    %gather3A_2103 = tpu.dynamic_gather %select_n3A_2080[%gather3A_2102] in [0] : vector<16xi32>, vector<16xi32> -> vector<16xi32>
    %gt3A_2104 = arith.cmpf ogt, %gather3A_2093, %select_n3A_2079 : vector<16xf32>
    %eq3A_2105 = arith.cmpf oeq, %gather3A_2093, %select_n3A_2079 : vector<16xf32>
    %lt3A_2106 = arith.cmpi slt, %gather3A_2103, %select_n3A_2080 : vector<16xi32>
    %and3A_2107 = arith.andi %eq3A_2105, %lt3A_2106 : vector<16xi1>
    %or3A_2108 = arith.ori %gt3A_2104, %and3A_2107 : vector<16xi1>
    %select_n3A_2109 = arith.select %or3A_2108, %gather3A_2093, %select_n3A_2079 : vector<16xi1>, vector<16xf32>
    %select_n3A_2110 = arith.select %or3A_2108, %gather3A_2103, %select_n3A_2080 : vector<16xi1>, vector<16xi32>
    %xor3A_2111 = arith.constant 2 : i32
    %xor3A_2112 = vector.broadcast %xor3A_2111 : i32 to vector<16xi32>
    %xor3A_2113 = arith.xori %iota3A, %xor3A_2112 : vector<16xi32>
    %lt3A_2114 = arith.constant 0 : i32
    %lt3A_2115 = vector.broadcast %lt3A_2114 : i32 to vector<16xi32>
    %lt3A_2116 = arith.cmpi slt, %xor3A_2113, %lt3A_2115 : vector<16xi32>
    %add3A_2117 = arith.constant 16 : i32
    %add3A_2118 = vector.broadcast %add3A_2117 : i32 to vector<16xi32>
    %add3A_2119 = arith.addi %xor3A_2113, %add3A_2118 : vector<16xi32>
    %select_n3A_2120 = arith.select %lt3A_2116, %add3A_2119, %xor3A_2113 : vector<16xi1>, vector<16xi32>
    %broadcast_in_dim3A_2121 = vector.shape_cast %select_n3A_2120 : vector<16xi32> to vector<16x1xi32>
    %gather3A_2122 = vector.shape_cast %broadcast_in_dim3A_2121 : vector<16x1xi32> to vector<16xi32>
    %gather3A_2123 = tpu.dynamic_gather %select_n3A_2109[%gather3A_2122] in [0] : vector<16xf32>, vector<16xi32> -> vector<16xf32>
    %lt3A_2124 = arith.constant 0 : i32
    %lt3A_2125 = vector.broadcast %lt3A_2124 : i32 to vector<16xi32>
    %lt3A_2126 = arith.cmpi slt, %xor3A_2113, %lt3A_2125 : vector<16xi32>
    %add3A_2127 = arith.constant 16 : i32
    %add3A_2128 = vector.broadcast %add3A_2127 : i32 to vector<16xi32>
    %add3A_2129 = arith.addi %xor3A_2113, %add3A_2128 : vector<16xi32>
    %select_n3A_2130 = arith.select %lt3A_2126, %add3A_2129, %xor3A_2113 : vector<16xi1>, vector<16xi32>
    %broadcast_in_dim3A_2131 = vector.shape_cast %select_n3A_2130 : vector<16xi32> to vector<16x1xi32>
    %gather3A_2132 = vector.shape_cast %broadcast_in_dim3A_2131 : vector<16x1xi32> to vector<16xi32>
    %gather3A_2133 = tpu.dynamic_gather %select_n3A_2110[%gather3A_2132] in [0] : vector<16xi32>, vector<16xi32> -> vector<16xi32>
    %gt3A_2134 = arith.cmpf ogt, %gather3A_2123, %select_n3A_2109 : vector<16xf32>
    %eq3A_2135 = arith.cmpf oeq, %gather3A_2123, %select_n3A_2109 : vector<16xf32>
    %lt3A_2136 = arith.cmpi slt, %gather3A_2133, %select_n3A_2110 : vector<16xi32>
    %and3A_2137 = arith.andi %eq3A_2135, %lt3A_2136 : vector<16xi1>
    %or3A_2138 = arith.ori %gt3A_2134, %and3A_2137 : vector<16xi1>
    %select_n3A_2139 = arith.select %or3A_2138, %gather3A_2123, %select_n3A_2109 : vector<16xi1>, vector<16xf32>
    %select_n3A_2140 = arith.select %or3A_2138, %gather3A_2133, %select_n3A_2110 : vector<16xi1>, vector<16xi32>
    %xor3A_2141 = arith.constant 1 : i32
    %xor3A_2142 = vector.broadcast %xor3A_2141 : i32 to vector<16xi32>
    %xor3A_2143 = arith.xori %iota3A, %xor3A_2142 : vector<16xi32>
    %lt3A_2144 = arith.constant 0 : i32
    %lt3A_2145 = vector.broadcast %lt3A_2144 : i32 to vector<16xi32>
    %lt3A_2146 = arith.cmpi slt, %xor3A_2143, %lt3A_2145 : vector<16xi32>
    %add3A_2147 = arith.constant 16 : i32
    %add3A_2148 = vector.broadcast %add3A_2147 : i32 to vector<16xi32>
    %add3A_2149 = arith.addi %xor3A_2143, %add3A_2148 : vector<16xi32>
    %select_n3A_2150 = arith.select %lt3A_2146, %add3A_2149, %xor3A_2143 : vector<16xi1>, vector<16xi32>
    %broadcast_in_dim3A_2151 = vector.shape_cast %select_n3A_2150 : vector<16xi32> to vector<16x1xi32>
    %gather3A_2152 = vector.shape_cast %broadcast_in_dim3A_2151 : vector<16x1xi32> to vector<16xi32>
    %gather3A_2153 = tpu.dynamic_gather %select_n3A_2139[%gather3A_2152] in [0] : vector<16xf32>, vector<16xi32> -> vector<16xf32>
    %lt3A_2154 = arith.constant 0 : i32
    %lt3A_2155 = vector.broadcast %lt3A_2154 : i32 to vector<16xi32>
    %lt3A_2156 = arith.cmpi slt, %xor3A_2143, %lt3A_2155 : vector<16xi32>
    %add3A_2157 = arith.constant 16 : i32
    %add3A_2158 = vector.broadcast %add3A_2157 : i32 to vector<16xi32>
    %add3A_2159 = arith.addi %xor3A_2143, %add3A_2158 : vector<16xi32>
    %select_n3A_2160 = arith.select %lt3A_2156, %add3A_2159, %xor3A_2143 : vector<16xi1>, vector<16xi32>
    %broadcast_in_dim3A_2161 = vector.shape_cast %select_n3A_2160 : vector<16xi32> to vector<16x1xi32>
    %gather3A_2162 = vector.shape_cast %broadcast_in_dim3A_2161 : vector<16x1xi32> to vector<16xi32>
    %gather3A_2163 = tpu.dynamic_gather %select_n3A_2140[%gather3A_2162] in [0] : vector<16xi32>, vector<16xi32> -> vector<16xi32>
    %gt3A_2164 = arith.cmpf ogt, %gather3A_2153, %select_n3A_2139 : vector<16xf32>
    %eq3A_2165 = arith.cmpf oeq, %gather3A_2153, %select_n3A_2139 : vector<16xf32>
    %lt3A_2166 = arith.cmpi slt, %gather3A_2163, %select_n3A_2140 : vector<16xi32>
    %and3A_2167 = arith.andi %eq3A_2165, %lt3A_2166 : vector<16xi1>
    %or3A_2168 = arith.ori %gt3A_2164, %and3A_2167 : vector<16xi1>
    %select_n3A_2169 = arith.select %or3A_2168, %gather3A_2153, %select_n3A_2139 : vector<16xi1>, vector<16xf32>
    %select_n3A_2170 = arith.select %or3A_2168, %gather3A_2163, %select_n3A_2140 : vector<16xi1>, vector<16xi32>
    %swap3A_2171 = arith.constant 384 : index
    %swap3A_2172 = tpu.vector_load %arg9[%swap3A_2171] {strides = array<i32>} : memref<512xf32, #tpu.memory_space<vmem>>, vector<16xf32>,
    tpu.vector_store %arg9[%swap3A_2171], %select_n3A_2169 {strides = array<i32>} : memref<512xf32, #tpu.memory_space<vmem>>, vector<16xf32>,
    %bitcast3A_2173 = vector.bitcast %select_n3A_2170 : vector<16xi32> to vector<16xf32>
    %swap3A_2174 = arith.constant 400 : index
    %swap3A_2175 = tpu.vector_load %arg9[%swap3A_2174] {strides = array<i32>} : memref<512xf32, #tpu.memory_space<vmem>>, vector<16xf32>,
    tpu.vector_store %arg9[%swap3A_2174], %bitcast3A_2173 {strides = array<i32>} : memref<512xf32, #tpu.memory_space<vmem>>, vector<16xf32>,
    %xor3A_2176 = arith.constant 8 : i32
    %xor3A_2177 = vector.broadcast %xor3A_2176 : i32 to vector<16xi32>
    %xor3A_2178 = arith.xori %iota3A, %xor3A_2177 : vector<16xi32>
    %lt3A_2179 = arith.constant 0 : i32
    %lt3A_2180 = vector.broadcast %lt3A_2179 : i32 to vector<16xi32>
    %lt3A_2181 = arith.cmpi slt, %xor3A_2178, %lt3A_2180 : vector<16xi32>
    %add3A_2182 = arith.constant 16 : i32
    %add3A_2183 = vector.broadcast %add3A_2182 : i32 to vector<16xi32>
    %add3A_2184 = arith.addi %xor3A_2178, %add3A_2183 : vector<16xi32>
    %select_n3A_2185 = arith.select %lt3A_2181, %add3A_2184, %xor3A_2178 : vector<16xi1>, vector<16xi32>
    %broadcast_in_dim3A_2186 = vector.shape_cast %select_n3A_2185 : vector<16xi32> to vector<16x1xi32>
    %gather3A_2187 = vector.shape_cast %broadcast_in_dim3A_2186 : vector<16x1xi32> to vector<16xi32>
    %gather3A_2188 = tpu.dynamic_gather %parallel_loop3A_1300#14[%gather3A_2187] in [0] : vector<16xf32>, vector<16xi32> -> vector<16xf32>
    %lt3A_2189 = arith.constant 0 : i32
    %lt3A_2190 = vector.broadcast %lt3A_2189 : i32 to vector<16xi32>
    %lt3A_2191 = arith.cmpi slt, %xor3A_2178, %lt3A_2190 : vector<16xi32>
    %add3A_2192 = arith.constant 16 : i32
    %add3A_2193 = vector.broadcast %add3A_2192 : i32 to vector<16xi32>
    %add3A_2194 = arith.addi %xor3A_2178, %add3A_2193 : vector<16xi32>
    %select_n3A_2195 = arith.select %lt3A_2191, %add3A_2194, %xor3A_2178 : vector<16xi1>, vector<16xi32>
    %broadcast_in_dim3A_2196 = vector.shape_cast %select_n3A_2195 : vector<16xi32> to vector<16x1xi32>
    %gather3A_2197 = vector.shape_cast %broadcast_in_dim3A_2196 : vector<16x1xi32> to vector<16xi32>
    %gather3A_2198 = tpu.dynamic_gather %parallel_loop3A_1300#15[%gather3A_2197] in [0] : vector<16xi32>, vector<16xi32> -> vector<16xi32>
    %gt3A_2199 = arith.cmpf ogt, %gather3A_2188, %parallel_loop3A_1300#14 : vector<16xf32>
    %eq3A_2200 = arith.cmpf oeq, %gather3A_2188, %parallel_loop3A_1300#14 : vector<16xf32>
    %lt3A_2201 = arith.cmpi slt, %gather3A_2198, %parallel_loop3A_1300#15 : vector<16xi32>
    %and3A_2202 = arith.andi %eq3A_2200, %lt3A_2201 : vector<16xi1>
    %or3A_2203 = arith.ori %gt3A_2199, %and3A_2202 : vector<16xi1>
    %select_n3A_2204 = arith.select %or3A_2203, %gather3A_2188, %parallel_loop3A_1300#14 : vector<16xi1>, vector<16xf32>
    %select_n3A_2205 = arith.select %or3A_2203, %gather3A_2198, %parallel_loop3A_1300#15 : vector<16xi1>, vector<16xi32>
    %xor3A_2206 = arith.constant 4 : i32
    %xor3A_2207 = vector.broadcast %xor3A_2206 : i32 to vector<16xi32>
    %xor3A_2208 = arith.xori %iota3A, %xor3A_2207 : vector<16xi32>
    %lt3A_2209 = arith.constant 0 : i32
    %lt3A_2210 = vector.broadcast %lt3A_2209 : i32 to vector<16xi32>
    %lt3A_2211 = arith.cmpi slt, %xor3A_2208, %lt3A_2210 : vector<16xi32>
    %add3A_2212 = arith.constant 16 : i32
    %add3A_2213 = vector.broadcast %add3A_2212 : i32 to vector<16xi32>
    %add3A_2214 = arith.addi %xor3A_2208, %add3A_2213 : vector<16xi32>
    %select_n3A_2215 = arith.select %lt3A_2211, %add3A_2214, %xor3A_2208 : vector<16xi1>, vector<16xi32>
    %broadcast_in_dim3A_2216 = vector.shape_cast %select_n3A_2215 : vector<16xi32> to vector<16x1xi32>
    %gather3A_2217 = vector.shape_cast %broadcast_in_dim3A_2216 : vector<16x1xi32> to vector<16xi32>
    %gather3A_2218 = tpu.dynamic_gather %select_n3A_2204[%gather3A_2217] in [0] : vector<16xf32>, vector<16xi32> -> vector<16xf32>
    %lt3A_2219 = arith.constant 0 : i32
    %lt3A_2220 = vector.broadcast %lt3A_2219 : i32 to vector<16xi32>
    %lt3A_2221 = arith.cmpi slt, %xor3A_2208, %lt3A_2220 : vector<16xi32>
    %add3A_2222 = arith.constant 16 : i32
    %add3A_2223 = vector.broadcast %add3A_2222 : i32 to vector<16xi32>
    %add3A_2224 = arith.addi %xor3A_2208, %add3A_2223 : vector<16xi32>
    %select_n3A_2225 = arith.select %lt3A_2221, %add3A_2224, %xor3A_2208 : vector<16xi1>, vector<16xi32>
    %broadcast_in_dim3A_2226 = vector.shape_cast %select_n3A_2225 : vector<16xi32> to vector<16x1xi32>
    %gather3A_2227 = vector.shape_cast %broadcast_in_dim3A_2226 : vector<16x1xi32> to vector<16xi32>
    %gather3A_2228 = tpu.dynamic_gather %select_n3A_2205[%gather3A_2227] in [0] : vector<16xi32>, vector<16xi32> -> vector<16xi32>
    %gt3A_2229 = arith.cmpf ogt, %gather3A_2218, %select_n3A_2204 : vector<16xf32>
    %eq3A_2230 = arith.cmpf oeq, %gather3A_2218, %select_n3A_2204 : vector<16xf32>
    %lt3A_2231 = arith.cmpi slt, %gather3A_2228, %select_n3A_2205 : vector<16xi32>
    %and3A_2232 = arith.andi %eq3A_2230, %lt3A_2231 : vector<16xi1>
    %or3A_2233 = arith.ori %gt3A_2229, %and3A_2232 : vector<16xi1>
    %select_n3A_2234 = arith.select %or3A_2233, %gather3A_2218, %select_n3A_2204 : vector<16xi1>, vector<16xf32>
    %select_n3A_2235 = arith.select %or3A_2233, %gather3A_2228, %select_n3A_2205 : vector<16xi1>, vector<16xi32>
    %xor3A_2236 = arith.constant 2 : i32
    %xor3A_2237 = vector.broadcast %xor3A_2236 : i32 to vector<16xi32>
    %xor3A_2238 = arith.xori %iota3A, %xor3A_2237 : vector<16xi32>
    %lt3A_2239 = arith.constant 0 : i32
    %lt3A_2240 = vector.broadcast %lt3A_2239 : i32 to vector<16xi32>
    %lt3A_2241 = arith.cmpi slt, %xor3A_2238, %lt3A_2240 : vector<16xi32>
    %add3A_2242 = arith.constant 16 : i32
    %add3A_2243 = vector.broadcast %add3A_2242 : i32 to vector<16xi32>
    %add3A_2244 = arith.addi %xor3A_2238, %add3A_2243 : vector<16xi32>
    %select_n3A_2245 = arith.select %lt3A_2241, %add3A_2244, %xor3A_2238 : vector<16xi1>, vector<16xi32>
    %broadcast_in_dim3A_2246 = vector.shape_cast %select_n3A_2245 : vector<16xi32> to vector<16x1xi32>
    %gather3A_2247 = vector.shape_cast %broadcast_in_dim3A_2246 : vector<16x1xi32> to vector<16xi32>
    %gather3A_2248 = tpu.dynamic_gather %select_n3A_2234[%gather3A_2247] in [0] : vector<16xf32>, vector<16xi32> -> vector<16xf32>
    %lt3A_2249 = arith.constant 0 : i32
    %lt3A_2250 = vector.broadcast %lt3A_2249 : i32 to vector<16xi32>
    %lt3A_2251 = arith.cmpi slt, %xor3A_2238, %lt3A_2250 : vector<16xi32>
    %add3A_2252 = arith.constant 16 : i32
    %add3A_2253 = vector.broadcast %add3A_2252 : i32 to vector<16xi32>
    %add3A_2254 = arith.addi %xor3A_2238, %add3A_2253 : vector<16xi32>
    %select_n3A_2255 = arith.select %lt3A_2251, %add3A_2254, %xor3A_2238 : vector<16xi1>, vector<16xi32>
    %broadcast_in_dim3A_2256 = vector.shape_cast %select_n3A_2255 : vector<16xi32> to vector<16x1xi32>
    %gather3A_2257 = vector.shape_cast %broadcast_in_dim3A_2256 : vector<16x1xi32> to vector<16xi32>
    %gather3A_2258 = tpu.dynamic_gather %select_n3A_2235[%gather3A_2257] in [0] : vector<16xi32>, vector<16xi32> -> vector<16xi32>
    %gt3A_2259 = arith.cmpf ogt, %gather3A_2248, %select_n3A_2234 : vector<16xf32>
    %eq3A_2260 = arith.cmpf oeq, %gather3A_2248, %select_n3A_2234 : vector<16xf32>
    %lt3A_2261 = arith.cmpi slt, %gather3A_2258, %select_n3A_2235 : vector<16xi32>
    %and3A_2262 = arith.andi %eq3A_2260, %lt3A_2261 : vector<16xi1>
    %or3A_2263 = arith.ori %gt3A_2259, %and3A_2262 : vector<16xi1>
    %select_n3A_2264 = arith.select %or3A_2263, %gather3A_2248, %select_n3A_2234 : vector<16xi1>, vector<16xf32>
    %select_n3A_2265 = arith.select %or3A_2263, %gather3A_2258, %select_n3A_2235 : vector<16xi1>, vector<16xi32>
    %xor3A_2266 = arith.constant 1 : i32
    %xor3A_2267 = vector.broadcast %xor3A_2266 : i32 to vector<16xi32>
    %xor3A_2268 = arith.xori %iota3A, %xor3A_2267 : vector<16xi32>
    %lt3A_2269 = arith.constant 0 : i32
    %lt3A_2270 = vector.broadcast %lt3A_2269 : i32 to vector<16xi32>
    %lt3A_2271 = arith.cmpi slt, %xor3A_2268, %lt3A_2270 : vector<16xi32>
    %add3A_2272 = arith.constant 16 : i32
    %add3A_2273 = vector.broadcast %add3A_2272 : i32 to vector<16xi32>
    %add3A_2274 = arith.addi %xor3A_2268, %add3A_2273 : vector<16xi32>
    %select_n3A_2275 = arith.select %lt3A_2271, %add3A_2274, %xor3A_2268 : vector<16xi1>, vector<16xi32>
    %broadcast_in_dim3A_2276 = vector.shape_cast %select_n3A_2275 : vector<16xi32> to vector<16x1xi32>
    %gather3A_2277 = vector.shape_cast %broadcast_in_dim3A_2276 : vector<16x1xi32> to vector<16xi32>
    %gather3A_2278 = tpu.dynamic_gather %select_n3A_2264[%gather3A_2277] in [0] : vector<16xf32>, vector<16xi32> -> vector<16xf32>
    %lt3A_2279 = arith.constant 0 : i32
    %lt3A_2280 = vector.broadcast %lt3A_2279 : i32 to vector<16xi32>
    %lt3A_2281 = arith.cmpi slt, %xor3A_2268, %lt3A_2280 : vector<16xi32>
    %add3A_2282 = arith.constant 16 : i32
    %add3A_2283 = vector.broadcast %add3A_2282 : i32 to vector<16xi32>
    %add3A_2284 = arith.addi %xor3A_2268, %add3A_2283 : vector<16xi32>
    %select_n3A_2285 = arith.select %lt3A_2281, %add3A_2284, %xor3A_2268 : vector<16xi1>, vector<16xi32>
    %broadcast_in_dim3A_2286 = vector.shape_cast %select_n3A_2285 : vector<16xi32> to vector<16x1xi32>
    %gather3A_2287 = vector.shape_cast %broadcast_in_dim3A_2286 : vector<16x1xi32> to vector<16xi32>
    %gather3A_2288 = tpu.dynamic_gather %select_n3A_2265[%gather3A_2287] in [0] : vector<16xi32>, vector<16xi32> -> vector<16xi32>
    %gt3A_2289 = arith.cmpf ogt, %gather3A_2278, %select_n3A_2264 : vector<16xf32>
    %eq3A_2290 = arith.cmpf oeq, %gather3A_2278, %select_n3A_2264 : vector<16xf32>
    %lt3A_2291 = arith.cmpi slt, %gather3A_2288, %select_n3A_2265 : vector<16xi32>
    %and3A_2292 = arith.andi %eq3A_2290, %lt3A_2291 : vector<16xi1>
    %or3A_2293 = arith.ori %gt3A_2289, %and3A_2292 : vector<16xi1>
    %select_n3A_2294 = arith.select %or3A_2293, %gather3A_2278, %select_n3A_2264 : vector<16xi1>, vector<16xf32>
    %select_n3A_2295 = arith.select %or3A_2293, %gather3A_2288, %select_n3A_2265 : vector<16xi1>, vector<16xi32>
    %swap3A_2296 = arith.constant 448 : index
    %swap3A_2297 = tpu.vector_load %arg9[%swap3A_2296] {strides = array<i32>} : memref<512xf32, #tpu.memory_space<vmem>>, vector<16xf32>,
    tpu.vector_store %arg9[%swap3A_2296], %select_n3A_2294 {strides = array<i32>} : memref<512xf32, #tpu.memory_space<vmem>>, vector<16xf32>,
    %bitcast3A_2298 = vector.bitcast %select_n3A_2295 : vector<16xi32> to vector<16xf32>
    %swap3A_2299 = arith.constant 464 : index
    %swap3A_2300 = tpu.vector_load %arg9[%swap3A_2299] {strides = array<i32>} : memref<512xf32, #tpu.memory_space<vmem>>, vector<16xf32>,
    tpu.vector_store %arg9[%swap3A_2299], %bitcast3A_2298 {strides = array<i32>} : memref<512xf32, #tpu.memory_space<vmem>>, vector<16xf32>,
    %mul3A_2301 = arith.constant 512 : i32
    %mul3A_2302 = arith.muli %arg1, %mul3A_2301 : i32
    %add3A_2303 = arith.constant 8192 : i32
    %add3A_2304 = arith.addi %add3A_2303, %mul3A_2302 : i32
    "tpu.region"() ({
      %run_scoped3A = tpu.sem_alloc : memref<!tpu.dma_semaphore, #tpu.memory_space<semaphore_mem>>
      %dma_start3A_2309 = tpu.memref_slice %arg7[%add3A_2304] : memref<16384xf32, #tpu.memory_space<vmem_shared>> -> memref<512xf32, #tpu.memory_space<vmem_shared>>
      %dma_start3A_2310 = tpu.memref_slice %arg7[%add3A_2304] : memref<16384xf32, #tpu.memory_space<vmem_shared>> -> memref<512xf32, #tpu.memory_space<vmem_shared>>
      tpu.enqueue_dma source(%arg9 : memref<512xf32, #tpu.memory_space<vmem>>) target(%dma_start3A_2310 : memref<512xf32, #tpu.memory_space<vmem_shared>>) target_semaphore(%run_scoped3A : memref<!tpu.dma_semaphore, #tpu.memory_space<semaphore_mem>>)
      %dma_wait3A_2311 = tpu.memref_slice %arg7[%add3A_2304] : memref<16384xf32, #tpu.memory_space<vmem_shared>> -> memref<512xf32, #tpu.memory_space<vmem_shared>>
      %dma_wait3A_2312 = tpu.memref_slice %arg7[%add3A_2304] : memref<16384xf32, #tpu.memory_space<vmem_shared>> -> memref<512xf32, #tpu.memory_space<vmem_shared>>
      tpu.wait_dma2 semaphore(%run_scoped3A : memref<!tpu.dma_semaphore, #tpu.memory_space<semaphore_mem>>) src(%arg9 : memref<512xf32, #tpu.memory_space<vmem>>) dst(%dma_wait3A_2312 : memref<512xf32, #tpu.memory_space<vmem_shared>>)
      tpu.yield
    }) : () -> ()
    %barrier3A_2305 = arith.constant 0 : index
    tpu.barrier barrier_id(%barrier3A_2305)
    %eq3A_2306 = arith.constant 0 : i32
    %eq3A_2307 = arith.cmpi eq, %select_n3A_28, %eq3A_2306 : i32
    %convert_element_type3A = arith.extui %eq3A_2307 : i1 to i32
    %cond3A = arith.constant 0 : i32
    %cond3A_2308 = arith.cmpi ne, %convert_element_type3A, %cond3A : i32
    scf.if %cond3A_2308 {
      %mul3A_2309 = arith.constant 8 : i32
      %mul3A_2310 = arith.muli %select_n3A, %mul3A_2309 : i32
      %mul3A_2311 = arith.constant 512 : i32
      %mul3A_2312 = arith.muli %mul3A_2310, %mul3A_2311 : i32
      %add3A_2313 = arith.constant 8192 : i32
      %add3A_2314 = arith.addi %add3A_2313, %mul3A_2312 : i32
      "tpu.region"() ({
        %run_scoped3A = tpu.sem_alloc : memref<!tpu.dma_semaphore, #tpu.memory_space<semaphore_mem>>
        %dma_start3A_2374 = tpu.memref_slice %arg7[%add3A_2314] : memref<16384xf32, #tpu.memory_space<vmem_shared>> -> memref<4096xf32, #tpu.memory_space<vmem_shared>>
        %dma_start3A_2375 = tpu.memref_slice %arg7[%add3A_2314] : memref<16384xf32, #tpu.memory_space<vmem_shared>> -> memref<4096xf32, #tpu.memory_space<vmem_shared>>
        tpu.enqueue_dma source(%dma_start3A_2375 : memref<4096xf32, #tpu.memory_space<vmem_shared>>) target(%arg8 : memref<4096xf32, #tpu.memory_space<vmem>>) target_semaphore(%run_scoped3A : memref<!tpu.dma_semaphore, #tpu.memory_space<semaphore_mem>>)
        %dma_wait3A_2376 = tpu.memref_slice %arg7[%add3A_2314] : memref<16384xf32, #tpu.memory_space<vmem_shared>> -> memref<4096xf32, #tpu.memory_space<vmem_shared>>
        %dma_wait3A_2377 = tpu.memref_slice %arg7[%add3A_2314] : memref<16384xf32, #tpu.memory_space<vmem_shared>> -> memref<4096xf32, #tpu.memory_space<vmem_shared>>
        tpu.wait_dma2 semaphore(%run_scoped3A : memref<!tpu.dma_semaphore, #tpu.memory_space<semaphore_mem>>) src(%dma_wait3A_2377 : memref<4096xf32, #tpu.memory_space<vmem_shared>>) dst(%arg8 : memref<4096xf32, #tpu.memory_space<vmem>>)
        tpu.yield
      }) : () -> ()
      %parallel_loop3A_2315 = arith.constant 0 : i32
      %parallel_loop3A_2316 = arith.constant 8 : i32
      %parallel_loop3A_2317 = arith.constant 1 : i32
      scf.for %parallel_loop3A_2374 = %parallel_loop3A_2315 to %parallel_loop3A_2316 step %parallel_loop3A_2317  : i32 {
        %parallel_loop3A_2375 = arith.constant 64 : i32
        %parallel_loop3A_2376 = arith.muli %parallel_loop3A_2374, %parallel_loop3A_2375 : i32
        %parallel_loop3A_2377 = arith.constant 0 : i32
        %parallel_loop3A_2378 = arith.addi %parallel_loop3A_2377, %parallel_loop3A_2376 : i32
        %parallel_loop3A_2379 = arith.index_cast %parallel_loop3A_2378 : i32 to index
        %parallel_loop3A_2380 = tpu.vector_load %arg8[%parallel_loop3A_2379] {strides = array<i32>} : memref<4096xf32, #tpu.memory_space<vmem>>, vector<16xf32>,
        %parallel_loop3A_2381 = arith.constant 16 : i32
        %parallel_loop3A_2382 = arith.addi %parallel_loop3A_2378, %parallel_loop3A_2381 : i32
        %parallel_loop3A_2383 = arith.index_cast %parallel_loop3A_2382 : i32 to index
        %parallel_loop3A_2384 = tpu.vector_load %arg8[%parallel_loop3A_2383] {strides = array<i32>} : memref<4096xf32, #tpu.memory_space<vmem>>, vector<16xf32>,
        %parallel_loop3A_2385 = vector.bitcast %parallel_loop3A_2384 : vector<16xf32> to vector<16xi32>
        %parallel_loop3A_2386 = arith.constant 64 : i32
        %parallel_loop3A_2387 = arith.muli %parallel_loop3A_2374, %parallel_loop3A_2386 : i32
        %parallel_loop3A_2388 = arith.constant 512 : i32
        %parallel_loop3A_2389 = arith.addi %parallel_loop3A_2388, %parallel_loop3A_2387 : i32
        %parallel_loop3A_2390 = arith.index_cast %parallel_loop3A_2389 : i32 to index
        %parallel_loop3A_2391 = tpu.vector_load %arg8[%parallel_loop3A_2390] {strides = array<i32>} : memref<4096xf32, #tpu.memory_space<vmem>>, vector<16xf32>,
        %parallel_loop3A_2392 = arith.constant 16 : i32
        %parallel_loop3A_2393 = arith.addi %parallel_loop3A_2389, %parallel_loop3A_2392 : i32
        %parallel_loop3A_2394 = arith.index_cast %parallel_loop3A_2393 : i32 to index
        %parallel_loop3A_2395 = tpu.vector_load %arg8[%parallel_loop3A_2394] {strides = array<i32>} : memref<4096xf32, #tpu.memory_space<vmem>>, vector<16xf32>,
        %parallel_loop3A_2396 = vector.bitcast %parallel_loop3A_2395 : vector<16xf32> to vector<16xi32>
        %parallel_loop3A_2397 = arith.cmpf ogt, %parallel_loop3A_2391, %parallel_loop3A_2380 : vector<16xf32>
        %parallel_loop3A_2398 = arith.cmpf oeq, %parallel_loop3A_2391, %parallel_loop3A_2380 : vector<16xf32>
        %parallel_loop3A_2399 = arith.cmpi slt, %parallel_loop3A_2396, %parallel_loop3A_2385 : vector<16xi32>
        %parallel_loop3A_2400 = arith.andi %parallel_loop3A_2398, %parallel_loop3A_2399 : vector<16xi1>
        %parallel_loop3A_2401 = arith.ori %parallel_loop3A_2397, %parallel_loop3A_2400 : vector<16xi1>
        %parallel_loop3A_2402 = arith.select %parallel_loop3A_2401, %parallel_loop3A_2391, %parallel_loop3A_2380 : vector<16xi1>, vector<16xf32>
        %parallel_loop3A_2403 = arith.select %parallel_loop3A_2401, %parallel_loop3A_2396, %parallel_loop3A_2385 : vector<16xi1>, vector<16xi32>
        %parallel_loop3A_2404 = arith.constant 64 : i32
        %parallel_loop3A_2405 = arith.muli %parallel_loop3A_2374, %parallel_loop3A_2404 : i32
        %parallel_loop3A_2406 = arith.constant 1024 : i32
        %parallel_loop3A_2407 = arith.addi %parallel_loop3A_2406, %parallel_loop3A_2405 : i32
        %parallel_loop3A_2408 = arith.index_cast %parallel_loop3A_2407 : i32 to index
        %parallel_loop3A_2409 = tpu.vector_load %arg8[%parallel_loop3A_2408] {strides = array<i32>} : memref<4096xf32, #tpu.memory_space<vmem>>, vector<16xf32>,
        %parallel_loop3A_2410 = arith.constant 16 : i32
        %parallel_loop3A_2411 = arith.addi %parallel_loop3A_2407, %parallel_loop3A_2410 : i32
        %parallel_loop3A_2412 = arith.index_cast %parallel_loop3A_2411 : i32 to index
        %parallel_loop3A_2413 = tpu.vector_load %arg8[%parallel_loop3A_2412] {strides = array<i32>} : memref<4096xf32, #tpu.memory_space<vmem>>, vector<16xf32>,
        %parallel_loop3A_2414 = vector.bitcast %parallel_loop3A_2413 : vector<16xf32> to vector<16xi32>
        %parallel_loop3A_2415 = arith.cmpf ogt, %parallel_loop3A_2409, %parallel_loop3A_2402 : vector<16xf32>
        %parallel_loop3A_2416 = arith.cmpf oeq, %parallel_loop3A_2409, %parallel_loop3A_2402 : vector<16xf32>
        %parallel_loop3A_2417 = arith.cmpi slt, %parallel_loop3A_2414, %parallel_loop3A_2403 : vector<16xi32>
        %parallel_loop3A_2418 = arith.andi %parallel_loop3A_2416, %parallel_loop3A_2417 : vector<16xi1>
        %parallel_loop3A_2419 = arith.ori %parallel_loop3A_2415, %parallel_loop3A_2418 : vector<16xi1>
        %parallel_loop3A_2420 = arith.select %parallel_loop3A_2419, %parallel_loop3A_2409, %parallel_loop3A_2402 : vector<16xi1>, vector<16xf32>
        %parallel_loop3A_2421 = arith.select %parallel_loop3A_2419, %parallel_loop3A_2414, %parallel_loop3A_2403 : vector<16xi1>, vector<16xi32>
        %parallel_loop3A_2422 = arith.constant 64 : i32
        %parallel_loop3A_2423 = arith.muli %parallel_loop3A_2374, %parallel_loop3A_2422 : i32
        %parallel_loop3A_2424 = arith.constant 1536 : i32
        %parallel_loop3A_2425 = arith.addi %parallel_loop3A_2424, %parallel_loop3A_2423 : i32
        %parallel_loop3A_2426 = arith.index_cast %parallel_loop3A_2425 : i32 to index
        %parallel_loop3A_2427 = tpu.vector_load %arg8[%parallel_loop3A_2426] {strides = array<i32>} : memref<4096xf32, #tpu.memory_space<vmem>>, vector<16xf32>,
        %parallel_loop3A_2428 = arith.constant 16 : i32
        %parallel_loop3A_2429 = arith.addi %parallel_loop3A_2425, %parallel_loop3A_2428 : i32
        %parallel_loop3A_2430 = arith.index_cast %parallel_loop3A_2429 : i32 to index
        %parallel_loop3A_2431 = tpu.vector_load %arg8[%parallel_loop3A_2430] {strides = array<i32>} : memref<4096xf32, #tpu.memory_space<vmem>>, vector<16xf32>,
        %parallel_loop3A_2432 = vector.bitcast %parallel_loop3A_2431 : vector<16xf32> to vector<16xi32>
        %parallel_loop3A_2433 = arith.cmpf ogt, %parallel_loop3A_2427, %parallel_loop3A_2420 : vector<16xf32>
        %parallel_loop3A_2434 = arith.cmpf oeq, %parallel_loop3A_2427, %parallel_loop3A_2420 : vector<16xf32>
        %parallel_loop3A_2435 = arith.cmpi slt, %parallel_loop3A_2432, %parallel_loop3A_2421 : vector<16xi32>
        %parallel_loop3A_2436 = arith.andi %parallel_loop3A_2434, %parallel_loop3A_2435 : vector<16xi1>
        %parallel_loop3A_2437 = arith.ori %parallel_loop3A_2433, %parallel_loop3A_2436 : vector<16xi1>
        %parallel_loop3A_2438 = arith.select %parallel_loop3A_2437, %parallel_loop3A_2427, %parallel_loop3A_2420 : vector<16xi1>, vector<16xf32>
        %parallel_loop3A_2439 = arith.select %parallel_loop3A_2437, %parallel_loop3A_2432, %parallel_loop3A_2421 : vector<16xi1>, vector<16xi32>
        %parallel_loop3A_2440 = arith.constant 64 : i32
        %parallel_loop3A_2441 = arith.muli %parallel_loop3A_2374, %parallel_loop3A_2440 : i32
        %parallel_loop3A_2442 = arith.constant 2048 : i32
        %parallel_loop3A_2443 = arith.addi %parallel_loop3A_2442, %parallel_loop3A_2441 : i32
        %parallel_loop3A_2444 = arith.index_cast %parallel_loop3A_2443 : i32 to index
        %parallel_loop3A_2445 = tpu.vector_load %arg8[%parallel_loop3A_2444] {strides = array<i32>} : memref<4096xf32, #tpu.memory_space<vmem>>, vector<16xf32>,
        %parallel_loop3A_2446 = arith.constant 16 : i32
        %parallel_loop3A_2447 = arith.addi %parallel_loop3A_2443, %parallel_loop3A_2446 : i32
        %parallel_loop3A_2448 = arith.index_cast %parallel_loop3A_2447 : i32 to index
        %parallel_loop3A_2449 = tpu.vector_load %arg8[%parallel_loop3A_2448] {strides = array<i32>} : memref<4096xf32, #tpu.memory_space<vmem>>, vector<16xf32>,
        %parallel_loop3A_2450 = vector.bitcast %parallel_loop3A_2449 : vector<16xf32> to vector<16xi32>
        %parallel_loop3A_2451 = arith.cmpf ogt, %parallel_loop3A_2445, %parallel_loop3A_2438 : vector<16xf32>
        %parallel_loop3A_2452 = arith.cmpf oeq, %parallel_loop3A_2445, %parallel_loop3A_2438 : vector<16xf32>
        %parallel_loop3A_2453 = arith.cmpi slt, %parallel_loop3A_2450, %parallel_loop3A_2439 : vector<16xi32>
        %parallel_loop3A_2454 = arith.andi %parallel_loop3A_2452, %parallel_loop3A_2453 : vector<16xi1>
        %parallel_loop3A_2455 = arith.ori %parallel_loop3A_2451, %parallel_loop3A_2454 : vector<16xi1>
        %parallel_loop3A_2456 = arith.select %parallel_loop3A_2455, %parallel_loop3A_2445, %parallel_loop3A_2438 : vector<16xi1>, vector<16xf32>
        %parallel_loop3A_2457 = arith.select %parallel_loop3A_2455, %parallel_loop3A_2450, %parallel_loop3A_2439 : vector<16xi1>, vector<16xi32>
        %parallel_loop3A_2458 = arith.constant 64 : i32
        %parallel_loop3A_2459 = arith.muli %parallel_loop3A_2374, %parallel_loop3A_2458 : i32
        %parallel_loop3A_2460 = arith.constant 2560 : i32
        %parallel_loop3A_2461 = arith.addi %parallel_loop3A_2460, %parallel_loop3A_2459 : i32
        %parallel_loop3A_2462 = arith.index_cast %parallel_loop3A_2461 : i32 to index
        %parallel_loop3A_2463 = tpu.vector_load %arg8[%parallel_loop3A_2462] {strides = array<i32>} : memref<4096xf32, #tpu.memory_space<vmem>>, vector<16xf32>,
        %parallel_loop3A_2464 = arith.constant 16 : i32
        %parallel_loop3A_2465 = arith.addi %parallel_loop3A_2461, %parallel_loop3A_2464 : i32
        %parallel_loop3A_2466 = arith.index_cast %parallel_loop3A_2465 : i32 to index
        %parallel_loop3A_2467 = tpu.vector_load %arg8[%parallel_loop3A_2466] {strides = array<i32>} : memref<4096xf32, #tpu.memory_space<vmem>>, vector<16xf32>,
        %parallel_loop3A_2468 = vector.bitcast %parallel_loop3A_2467 : vector<16xf32> to vector<16xi32>
        %parallel_loop3A_2469 = arith.cmpf ogt, %parallel_loop3A_2463, %parallel_loop3A_2456 : vector<16xf32>
        %parallel_loop3A_2470 = arith.cmpf oeq, %parallel_loop3A_2463, %parallel_loop3A_2456 : vector<16xf32>
        %parallel_loop3A_2471 = arith.cmpi slt, %parallel_loop3A_2468, %parallel_loop3A_2457 : vector<16xi32>
        %parallel_loop3A_2472 = arith.andi %parallel_loop3A_2470, %parallel_loop3A_2471 : vector<16xi1>
        %parallel_loop3A_2473 = arith.ori %parallel_loop3A_2469, %parallel_loop3A_2472 : vector<16xi1>
        %parallel_loop3A_2474 = arith.select %parallel_loop3A_2473, %parallel_loop3A_2463, %parallel_loop3A_2456 : vector<16xi1>, vector<16xf32>
        %parallel_loop3A_2475 = arith.select %parallel_loop3A_2473, %parallel_loop3A_2468, %parallel_loop3A_2457 : vector<16xi1>, vector<16xi32>
        %parallel_loop3A_2476 = arith.constant 64 : i32
        %parallel_loop3A_2477 = arith.muli %parallel_loop3A_2374, %parallel_loop3A_2476 : i32
        %parallel_loop3A_2478 = arith.constant 3072 : i32
        %parallel_loop3A_2479 = arith.addi %parallel_loop3A_2478, %parallel_loop3A_2477 : i32
        %parallel_loop3A_2480 = arith.index_cast %parallel_loop3A_2479 : i32 to index
        %parallel_loop3A_2481 = tpu.vector_load %arg8[%parallel_loop3A_2480] {strides = array<i32>} : memref<4096xf32, #tpu.memory_space<vmem>>, vector<16xf32>,
        %parallel_loop3A_2482 = arith.constant 16 : i32
        %parallel_loop3A_2483 = arith.addi %parallel_loop3A_2479, %parallel_loop3A_2482 : i32
        %parallel_loop3A_2484 = arith.index_cast %parallel_loop3A_2483 : i32 to index
        %parallel_loop3A_2485 = tpu.vector_load %arg8[%parallel_loop3A_2484] {strides = array<i32>} : memref<4096xf32, #tpu.memory_space<vmem>>, vector<16xf32>,
        %parallel_loop3A_2486 = vector.bitcast %parallel_loop3A_2485 : vector<16xf32> to vector<16xi32>
        %parallel_loop3A_2487 = arith.cmpf ogt, %parallel_loop3A_2481, %parallel_loop3A_2474 : vector<16xf32>
        %parallel_loop3A_2488 = arith.cmpf oeq, %parallel_loop3A_2481, %parallel_loop3A_2474 : vector<16xf32>
        %parallel_loop3A_2489 = arith.cmpi slt, %parallel_loop3A_2486, %parallel_loop3A_2475 : vector<16xi32>
        %parallel_loop3A_2490 = arith.andi %parallel_loop3A_2488, %parallel_loop3A_2489 : vector<16xi1>
        %parallel_loop3A_2491 = arith.ori %parallel_loop3A_2487, %parallel_loop3A_2490 : vector<16xi1>
        %parallel_loop3A_2492 = arith.select %parallel_loop3A_2491, %parallel_loop3A_2481, %parallel_loop3A_2474 : vector<16xi1>, vector<16xf32>
        %parallel_loop3A_2493 = arith.select %parallel_loop3A_2491, %parallel_loop3A_2486, %parallel_loop3A_2475 : vector<16xi1>, vector<16xi32>
        %parallel_loop3A_2494 = arith.constant 64 : i32
        %parallel_loop3A_2495 = arith.muli %parallel_loop3A_2374, %parallel_loop3A_2494 : i32
        %parallel_loop3A_2496 = arith.constant 3584 : i32
        %parallel_loop3A_2497 = arith.addi %parallel_loop3A_2496, %parallel_loop3A_2495 : i32
        %parallel_loop3A_2498 = arith.index_cast %parallel_loop3A_2497 : i32 to index
        %parallel_loop3A_2499 = tpu.vector_load %arg8[%parallel_loop3A_2498] {strides = array<i32>} : memref<4096xf32, #tpu.memory_space<vmem>>, vector<16xf32>,
        %parallel_loop3A_2500 = arith.constant 16 : i32
        %parallel_loop3A_2501 = arith.addi %parallel_loop3A_2497, %parallel_loop3A_2500 : i32
        %parallel_loop3A_2502 = arith.index_cast %parallel_loop3A_2501 : i32 to index
        %parallel_loop3A_2503 = tpu.vector_load %arg8[%parallel_loop3A_2502] {strides = array<i32>} : memref<4096xf32, #tpu.memory_space<vmem>>, vector<16xf32>,
        %parallel_loop3A_2504 = vector.bitcast %parallel_loop3A_2503 : vector<16xf32> to vector<16xi32>
        %parallel_loop3A_2505 = arith.cmpf ogt, %parallel_loop3A_2499, %parallel_loop3A_2492 : vector<16xf32>
        %parallel_loop3A_2506 = arith.cmpf oeq, %parallel_loop3A_2499, %parallel_loop3A_2492 : vector<16xf32>
        %parallel_loop3A_2507 = arith.cmpi slt, %parallel_loop3A_2504, %parallel_loop3A_2493 : vector<16xi32>
        %parallel_loop3A_2508 = arith.andi %parallel_loop3A_2506, %parallel_loop3A_2507 : vector<16xi1>
        %parallel_loop3A_2509 = arith.ori %parallel_loop3A_2505, %parallel_loop3A_2508 : vector<16xi1>
        %parallel_loop3A_2510 = arith.select %parallel_loop3A_2509, %parallel_loop3A_2499, %parallel_loop3A_2492 : vector<16xi1>, vector<16xf32>
        %parallel_loop3A_2511 = arith.select %parallel_loop3A_2509, %parallel_loop3A_2504, %parallel_loop3A_2493 : vector<16xi1>, vector<16xi32>
        %parallel_loop3A_2512 = arith.constant 64 : i32
        %parallel_loop3A_2513 = arith.muli %parallel_loop3A_2374, %parallel_loop3A_2512 : i32
        %parallel_loop3A_2514 = arith.constant 16 : i32
        %parallel_loop3A_2515 = arith.addi %parallel_loop3A_2513, %parallel_loop3A_2514 : i32
        %parallel_loop3A_2516 = arith.index_cast %parallel_loop3A_2515 : i32 to index
        %parallel_loop3A_2517 = tpu.vector_load %arg10[%parallel_loop3A_2516] {strides = array<i32>} : memref<512xf32, #tpu.memory_space<vmem>>, vector<16xf32>,
        %parallel_loop3A_2518 = vector.bitcast %parallel_loop3A_2517 : vector<16xf32> to vector<16xi32>
        %parallel_loop3A_2519 = arith.constant 0 : i32
        %parallel_loop3A_2520 = vector.broadcast %parallel_loop3A_2519 : i32 to vector<16xi32>
        %parallel_loop3A_2521 = arith.cmpi eq, %iota3A, %parallel_loop3A_2520 : vector<16xi32>
        %parallel_loop3A_2522 = arith.select %parallel_loop3A_2521, %parallel_loop3A_2518, %parallel_loop3A_2511 : vector<16xi1>, vector<16xi32>
        %parallel_loop3A_2523 = vector.bitcast %parallel_loop3A_2522 : vector<16xi32> to vector<16xf32>
        %parallel_loop3A_2524 = arith.constant 64 : i32
        %parallel_loop3A_2525 = arith.muli %parallel_loop3A_2374, %parallel_loop3A_2524 : i32
        %parallel_loop3A_2526 = arith.index_cast %parallel_loop3A_2525 : i32 to index
        %parallel_loop3A_2527 = tpu.vector_load %arg9[%parallel_loop3A_2526] {strides = array<i32>} : memref<512xf32, #tpu.memory_space<vmem>>, vector<16xf32>,
        tpu.vector_store %arg9[%parallel_loop3A_2526], %parallel_loop3A_2523 {strides = array<i32>} : memref<512xf32, #tpu.memory_space<vmem>>, vector<16xf32>,
      } {sc.loop_unroll_factor = 1 : i64, sc.parallel_access}
      %get3A_2318 = arith.constant 0 : index
      %get3A_2319 = tpu.vector_load %arg9[%get3A_2318] {strides = array<i32>} : memref<512xf32, #tpu.memory_space<vmem>>, vector<16xf32>,
      %bitcast3A_2320 = vector.bitcast %get3A_2319 : vector<16xf32> to vector<16xi32>
      %swap3A_2321 = arith.constant 0 : index
      %swap3A_2322 = tpu.vector_load %arg11[%swap3A_2321] {strides = array<i32>} : memref<16xi32, #tpu.memory_space<vmem>>, vector<16xi32>,
      tpu.vector_store %arg11[%swap3A_2321], %bitcast3A_2320 {strides = array<i32>} : memref<16xi32, #tpu.memory_space<vmem>>, vector<16xi32>,
      %add3A_2323 = arith.constant 0 : i32
      %add3A_2324 = arith.addi %add3A_32, %add3A_2323 : i32
      "tpu.region"() ({
        %run_scoped3A = tpu.sem_alloc : memref<!tpu.dma_semaphore, #tpu.memory_space<semaphore_mem>>
        %dma_start3A_2374 = arith.constant 0 : i32
        %dma_start3A_2375 = tpu.memref_slice %arg3[%add3A_2324, %dma_start3A_2374] : memref<32x16xi32, #tpu.memory_space<hbm>> -> memref<1x16xi32, #tpu.memory_space<hbm>>
        %dma_start3A_2376 = tpu.memref_squeeze %dma_start3A_2375 : memref<1x16xi32, #tpu.memory_space<hbm>> -> memref<16xi32, #tpu.memory_space<hbm>>
        %dma_start3A_2377 = arith.constant 0 : i32
        %dma_start3A_2378 = tpu.memref_slice %arg3[%add3A_2324, %dma_start3A_2377] : memref<32x16xi32, #tpu.memory_space<hbm>> -> memref<1x16xi32, #tpu.memory_space<hbm>>
        %dma_start3A_2379 = tpu.memref_squeeze %dma_start3A_2378 : memref<1x16xi32, #tpu.memory_space<hbm>> -> memref<16xi32, #tpu.memory_space<hbm>>
        tpu.enqueue_dma source(%arg11 : memref<16xi32, #tpu.memory_space<vmem>>) target(%dma_start3A_2379 : memref<16xi32, #tpu.memory_space<hbm>>) target_semaphore(%run_scoped3A : memref<!tpu.dma_semaphore, #tpu.memory_space<semaphore_mem>>)
        %dma_wait3A_2380 = arith.constant 0 : i32
        %dma_wait3A_2381 = tpu.memref_slice %arg3[%add3A_2324, %dma_wait3A_2380] : memref<32x16xi32, #tpu.memory_space<hbm>> -> memref<1x16xi32, #tpu.memory_space<hbm>>
        %dma_wait3A_2382 = tpu.memref_squeeze %dma_wait3A_2381 : memref<1x16xi32, #tpu.memory_space<hbm>> -> memref<16xi32, #tpu.memory_space<hbm>>
        %dma_wait3A_2383 = arith.constant 0 : i32
        %dma_wait3A_2384 = tpu.memref_slice %arg3[%add3A_2324, %dma_wait3A_2383] : memref<32x16xi32, #tpu.memory_space<hbm>> -> memref<1x16xi32, #tpu.memory_space<hbm>>
        %dma_wait3A_2385 = tpu.memref_squeeze %dma_wait3A_2384 : memref<1x16xi32, #tpu.memory_space<hbm>> -> memref<16xi32, #tpu.memory_space<hbm>>
        tpu.wait_dma2 semaphore(%run_scoped3A : memref<!tpu.dma_semaphore, #tpu.memory_space<semaphore_mem>>) src(%arg11 : memref<16xi32, #tpu.memory_space<vmem>>) dst(%dma_wait3A_2385 : memref<16xi32, #tpu.memory_space<hbm>>)
        tpu.yield
      }) : () -> ()
      %get3A_2325 = arith.constant 64 : index
      %get3A_2326 = tpu.vector_load %arg9[%get3A_2325] {strides = array<i32>} : memref<512xf32, #tpu.memory_space<vmem>>, vector<16xf32>,
      %bitcast3A_2327 = vector.bitcast %get3A_2326 : vector<16xf32> to vector<16xi32>
      %swap3A_2328 = arith.constant 0 : index
      %swap3A_2329 = tpu.vector_load %arg11[%swap3A_2328] {strides = array<i32>} : memref<16xi32, #tpu.memory_space<vmem>>, vector<16xi32>,
      tpu.vector_store %arg11[%swap3A_2328], %bitcast3A_2327 {strides = array<i32>} : memref<16xi32, #tpu.memory_space<vmem>>, vector<16xi32>,
      %add3A_2330 = arith.constant 1 : i32
      %add3A_2331 = arith.addi %add3A_32, %add3A_2330 : i32
      "tpu.region"() ({
        %run_scoped3A = tpu.sem_alloc : memref<!tpu.dma_semaphore, #tpu.memory_space<semaphore_mem>>
        %dma_start3A_2374 = arith.constant 0 : i32
        %dma_start3A_2375 = tpu.memref_slice %arg3[%add3A_2331, %dma_start3A_2374] : memref<32x16xi32, #tpu.memory_space<hbm>> -> memref<1x16xi32, #tpu.memory_space<hbm>>
        %dma_start3A_2376 = tpu.memref_squeeze %dma_start3A_2375 : memref<1x16xi32, #tpu.memory_space<hbm>> -> memref<16xi32, #tpu.memory_space<hbm>>
        %dma_start3A_2377 = arith.constant 0 : i32
        %dma_start3A_2378 = tpu.memref_slice %arg3[%add3A_2331, %dma_start3A_2377] : memref<32x16xi32, #tpu.memory_space<hbm>> -> memref<1x16xi32, #tpu.memory_space<hbm>>
        %dma_start3A_2379 = tpu.memref_squeeze %dma_start3A_2378 : memref<1x16xi32, #tpu.memory_space<hbm>> -> memref<16xi32, #tpu.memory_space<hbm>>
        tpu.enqueue_dma source(%arg11 : memref<16xi32, #tpu.memory_space<vmem>>) target(%dma_start3A_2379 : memref<16xi32, #tpu.memory_space<hbm>>) target_semaphore(%run_scoped3A : memref<!tpu.dma_semaphore, #tpu.memory_space<semaphore_mem>>)
        %dma_wait3A_2380 = arith.constant 0 : i32
        %dma_wait3A_2381 = tpu.memref_slice %arg3[%add3A_2331, %dma_wait3A_2380] : memref<32x16xi32, #tpu.memory_space<hbm>> -> memref<1x16xi32, #tpu.memory_space<hbm>>
        %dma_wait3A_2382 = tpu.memref_squeeze %dma_wait3A_2381 : memref<1x16xi32, #tpu.memory_space<hbm>> -> memref<16xi32, #tpu.memory_space<hbm>>
        %dma_wait3A_2383 = arith.constant 0 : i32
        %dma_wait3A_2384 = tpu.memref_slice %arg3[%add3A_2331, %dma_wait3A_2383] : memref<32x16xi32, #tpu.memory_space<hbm>> -> memref<1x16xi32, #tpu.memory_space<hbm>>
        %dma_wait3A_2385 = tpu.memref_squeeze %dma_wait3A_2384 : memref<1x16xi32, #tpu.memory_space<hbm>> -> memref<16xi32, #tpu.memory_space<hbm>>
        tpu.wait_dma2 semaphore(%run_scoped3A : memref<!tpu.dma_semaphore, #tpu.memory_space<semaphore_mem>>) src(%arg11 : memref<16xi32, #tpu.memory_space<vmem>>) dst(%dma_wait3A_2385 : memref<16xi32, #tpu.memory_space<hbm>>)
        tpu.yield
      }) : () -> ()
      %get3A_2332 = arith.constant 128 : index
      %get3A_2333 = tpu.vector_load %arg9[%get3A_2332] {strides = array<i32>} : memref<512xf32, #tpu.memory_space<vmem>>, vector<16xf32>,
      %bitcast3A_2334 = vector.bitcast %get3A_2333 : vector<16xf32> to vector<16xi32>
      %swap3A_2335 = arith.constant 0 : index
      %swap3A_2336 = tpu.vector_load %arg11[%swap3A_2335] {strides = array<i32>} : memref<16xi32, #tpu.memory_space<vmem>>, vector<16xi32>,
      tpu.vector_store %arg11[%swap3A_2335], %bitcast3A_2334 {strides = array<i32>} : memref<16xi32, #tpu.memory_space<vmem>>, vector<16xi32>,
      %add3A_2337 = arith.constant 2 : i32
      %add3A_2338 = arith.addi %add3A_32, %add3A_2337 : i32
      "tpu.region"() ({
        %run_scoped3A = tpu.sem_alloc : memref<!tpu.dma_semaphore, #tpu.memory_space<semaphore_mem>>
        %dma_start3A_2374 = arith.constant 0 : i32
        %dma_start3A_2375 = tpu.memref_slice %arg3[%add3A_2338, %dma_start3A_2374] : memref<32x16xi32, #tpu.memory_space<hbm>> -> memref<1x16xi32, #tpu.memory_space<hbm>>
        %dma_start3A_2376 = tpu.memref_squeeze %dma_start3A_2375 : memref<1x16xi32, #tpu.memory_space<hbm>> -> memref<16xi32, #tpu.memory_space<hbm>>
        %dma_start3A_2377 = arith.constant 0 : i32
        %dma_start3A_2378 = tpu.memref_slice %arg3[%add3A_2338, %dma_start3A_2377] : memref<32x16xi32, #tpu.memory_space<hbm>> -> memref<1x16xi32, #tpu.memory_space<hbm>>
        %dma_start3A_2379 = tpu.memref_squeeze %dma_start3A_2378 : memref<1x16xi32, #tpu.memory_space<hbm>> -> memref<16xi32, #tpu.memory_space<hbm>>
        tpu.enqueue_dma source(%arg11 : memref<16xi32, #tpu.memory_space<vmem>>) target(%dma_start3A_2379 : memref<16xi32, #tpu.memory_space<hbm>>) target_semaphore(%run_scoped3A : memref<!tpu.dma_semaphore, #tpu.memory_space<semaphore_mem>>)
        %dma_wait3A_2380 = arith.constant 0 : i32
        %dma_wait3A_2381 = tpu.memref_slice %arg3[%add3A_2338, %dma_wait3A_2380] : memref<32x16xi32, #tpu.memory_space<hbm>> -> memref<1x16xi32, #tpu.memory_space<hbm>>
        %dma_wait3A_2382 = tpu.memref_squeeze %dma_wait3A_2381 : memref<1x16xi32, #tpu.memory_space<hbm>> -> memref<16xi32, #tpu.memory_space<hbm>>
        %dma_wait3A_2383 = arith.constant 0 : i32
        %dma_wait3A_2384 = tpu.memref_slice %arg3[%add3A_2338, %dma_wait3A_2383] : memref<32x16xi32, #tpu.memory_space<hbm>> -> memref<1x16xi32, #tpu.memory_space<hbm>>
        %dma_wait3A_2385 = tpu.memref_squeeze %dma_wait3A_2384 : memref<1x16xi32, #tpu.memory_space<hbm>> -> memref<16xi32, #tpu.memory_space<hbm>>
        tpu.wait_dma2 semaphore(%run_scoped3A : memref<!tpu.dma_semaphore, #tpu.memory_space<semaphore_mem>>) src(%arg11 : memref<16xi32, #tpu.memory_space<vmem>>) dst(%dma_wait3A_2385 : memref<16xi32, #tpu.memory_space<hbm>>)
        tpu.yield
      }) : () -> ()
      %get3A_2339 = arith.constant 192 : index
      %get3A_2340 = tpu.vector_load %arg9[%get3A_2339] {strides = array<i32>} : memref<512xf32, #tpu.memory_space<vmem>>, vector<16xf32>,
      %bitcast3A_2341 = vector.bitcast %get3A_2340 : vector<16xf32> to vector<16xi32>
      %swap3A_2342 = arith.constant 0 : index
      %swap3A_2343 = tpu.vector_load %arg11[%swap3A_2342] {strides = array<i32>} : memref<16xi32, #tpu.memory_space<vmem>>, vector<16xi32>,
      tpu.vector_store %arg11[%swap3A_2342], %bitcast3A_2341 {strides = array<i32>} : memref<16xi32, #tpu.memory_space<vmem>>, vector<16xi32>,
      %add3A_2344 = arith.constant 3 : i32
      %add3A_2345 = arith.addi %add3A_32, %add3A_2344 : i32
      "tpu.region"() ({
        %run_scoped3A = tpu.sem_alloc : memref<!tpu.dma_semaphore, #tpu.memory_space<semaphore_mem>>
        %dma_start3A_2374 = arith.constant 0 : i32
        %dma_start3A_2375 = tpu.memref_slice %arg3[%add3A_2345, %dma_start3A_2374] : memref<32x16xi32, #tpu.memory_space<hbm>> -> memref<1x16xi32, #tpu.memory_space<hbm>>
        %dma_start3A_2376 = tpu.memref_squeeze %dma_start3A_2375 : memref<1x16xi32, #tpu.memory_space<hbm>> -> memref<16xi32, #tpu.memory_space<hbm>>
        %dma_start3A_2377 = arith.constant 0 : i32
        %dma_start3A_2378 = tpu.memref_slice %arg3[%add3A_2345, %dma_start3A_2377] : memref<32x16xi32, #tpu.memory_space<hbm>> -> memref<1x16xi32, #tpu.memory_space<hbm>>
        %dma_start3A_2379 = tpu.memref_squeeze %dma_start3A_2378 : memref<1x16xi32, #tpu.memory_space<hbm>> -> memref<16xi32, #tpu.memory_space<hbm>>
        tpu.enqueue_dma source(%arg11 : memref<16xi32, #tpu.memory_space<vmem>>) target(%dma_start3A_2379 : memref<16xi32, #tpu.memory_space<hbm>>) target_semaphore(%run_scoped3A : memref<!tpu.dma_semaphore, #tpu.memory_space<semaphore_mem>>)
        %dma_wait3A_2380 = arith.constant 0 : i32
        %dma_wait3A_2381 = tpu.memref_slice %arg3[%add3A_2345, %dma_wait3A_2380] : memref<32x16xi32, #tpu.memory_space<hbm>> -> memref<1x16xi32, #tpu.memory_space<hbm>>
        %dma_wait3A_2382 = tpu.memref_squeeze %dma_wait3A_2381 : memref<1x16xi32, #tpu.memory_space<hbm>> -> memref<16xi32, #tpu.memory_space<hbm>>
        %dma_wait3A_2383 = arith.constant 0 : i32
        %dma_wait3A_2384 = tpu.memref_slice %arg3[%add3A_2345, %dma_wait3A_2383] : memref<32x16xi32, #tpu.memory_space<hbm>> -> memref<1x16xi32, #tpu.memory_space<hbm>>
        %dma_wait3A_2385 = tpu.memref_squeeze %dma_wait3A_2384 : memref<1x16xi32, #tpu.memory_space<hbm>> -> memref<16xi32, #tpu.memory_space<hbm>>
        tpu.wait_dma2 semaphore(%run_scoped3A : memref<!tpu.dma_semaphore, #tpu.memory_space<semaphore_mem>>) src(%arg11 : memref<16xi32, #tpu.memory_space<vmem>>) dst(%dma_wait3A_2385 : memref<16xi32, #tpu.memory_space<hbm>>)
        tpu.yield
      }) : () -> ()
      %get3A_2346 = arith.constant 256 : index
      %get3A_2347 = tpu.vector_load %arg9[%get3A_2346] {strides = array<i32>} : memref<512xf32, #tpu.memory_space<vmem>>, vector<16xf32>,
      %bitcast3A_2348 = vector.bitcast %get3A_2347 : vector<16xf32> to vector<16xi32>
      %swap3A_2349 = arith.constant 0 : index
      %swap3A_2350 = tpu.vector_load %arg11[%swap3A_2349] {strides = array<i32>} : memref<16xi32, #tpu.memory_space<vmem>>, vector<16xi32>,
      tpu.vector_store %arg11[%swap3A_2349], %bitcast3A_2348 {strides = array<i32>} : memref<16xi32, #tpu.memory_space<vmem>>, vector<16xi32>,
      %add3A_2351 = arith.constant 4 : i32
      %add3A_2352 = arith.addi %add3A_32, %add3A_2351 : i32
      "tpu.region"() ({
        %run_scoped3A = tpu.sem_alloc : memref<!tpu.dma_semaphore, #tpu.memory_space<semaphore_mem>>
        %dma_start3A_2374 = arith.constant 0 : i32
        %dma_start3A_2375 = tpu.memref_slice %arg3[%add3A_2352, %dma_start3A_2374] : memref<32x16xi32, #tpu.memory_space<hbm>> -> memref<1x16xi32, #tpu.memory_space<hbm>>
        %dma_start3A_2376 = tpu.memref_squeeze %dma_start3A_2375 : memref<1x16xi32, #tpu.memory_space<hbm>> -> memref<16xi32, #tpu.memory_space<hbm>>
        %dma_start3A_2377 = arith.constant 0 : i32
        %dma_start3A_2378 = tpu.memref_slice %arg3[%add3A_2352, %dma_start3A_2377] : memref<32x16xi32, #tpu.memory_space<hbm>> -> memref<1x16xi32, #tpu.memory_space<hbm>>
        %dma_start3A_2379 = tpu.memref_squeeze %dma_start3A_2378 : memref<1x16xi32, #tpu.memory_space<hbm>> -> memref<16xi32, #tpu.memory_space<hbm>>
        tpu.enqueue_dma source(%arg11 : memref<16xi32, #tpu.memory_space<vmem>>) target(%dma_start3A_2379 : memref<16xi32, #tpu.memory_space<hbm>>) target_semaphore(%run_scoped3A : memref<!tpu.dma_semaphore, #tpu.memory_space<semaphore_mem>>)
        %dma_wait3A_2380 = arith.constant 0 : i32
        %dma_wait3A_2381 = tpu.memref_slice %arg3[%add3A_2352, %dma_wait3A_2380] : memref<32x16xi32, #tpu.memory_space<hbm>> -> memref<1x16xi32, #tpu.memory_space<hbm>>
        %dma_wait3A_2382 = tpu.memref_squeeze %dma_wait3A_2381 : memref<1x16xi32, #tpu.memory_space<hbm>> -> memref<16xi32, #tpu.memory_space<hbm>>
        %dma_wait3A_2383 = arith.constant 0 : i32
        %dma_wait3A_2384 = tpu.memref_slice %arg3[%add3A_2352, %dma_wait3A_2383] : memref<32x16xi32, #tpu.memory_space<hbm>> -> memref<1x16xi32, #tpu.memory_space<hbm>>
        %dma_wait3A_2385 = tpu.memref_squeeze %dma_wait3A_2384 : memref<1x16xi32, #tpu.memory_space<hbm>> -> memref<16xi32, #tpu.memory_space<hbm>>
        tpu.wait_dma2 semaphore(%run_scoped3A : memref<!tpu.dma_semaphore, #tpu.memory_space<semaphore_mem>>) src(%arg11 : memref<16xi32, #tpu.memory_space<vmem>>) dst(%dma_wait3A_2385 : memref<16xi32, #tpu.memory_space<hbm>>)
        tpu.yield
      }) : () -> ()
      %get3A_2353 = arith.constant 320 : index
      %get3A_2354 = tpu.vector_load %arg9[%get3A_2353] {strides = array<i32>} : memref<512xf32, #tpu.memory_space<vmem>>, vector<16xf32>,
      %bitcast3A_2355 = vector.bitcast %get3A_2354 : vector<16xf32> to vector<16xi32>
      %swap3A_2356 = arith.constant 0 : index
      %swap3A_2357 = tpu.vector_load %arg11[%swap3A_2356] {strides = array<i32>} : memref<16xi32, #tpu.memory_space<vmem>>, vector<16xi32>,
      tpu.vector_store %arg11[%swap3A_2356], %bitcast3A_2355 {strides = array<i32>} : memref<16xi32, #tpu.memory_space<vmem>>, vector<16xi32>,
      %add3A_2358 = arith.constant 5 : i32
      %add3A_2359 = arith.addi %add3A_32, %add3A_2358 : i32
      "tpu.region"() ({
        %run_scoped3A = tpu.sem_alloc : memref<!tpu.dma_semaphore, #tpu.memory_space<semaphore_mem>>
        %dma_start3A_2374 = arith.constant 0 : i32
        %dma_start3A_2375 = tpu.memref_slice %arg3[%add3A_2359, %dma_start3A_2374] : memref<32x16xi32, #tpu.memory_space<hbm>> -> memref<1x16xi32, #tpu.memory_space<hbm>>
        %dma_start3A_2376 = tpu.memref_squeeze %dma_start3A_2375 : memref<1x16xi32, #tpu.memory_space<hbm>> -> memref<16xi32, #tpu.memory_space<hbm>>
        %dma_start3A_2377 = arith.constant 0 : i32
        %dma_start3A_2378 = tpu.memref_slice %arg3[%add3A_2359, %dma_start3A_2377] : memref<32x16xi32, #tpu.memory_space<hbm>> -> memref<1x16xi32, #tpu.memory_space<hbm>>
        %dma_start3A_2379 = tpu.memref_squeeze %dma_start3A_2378 : memref<1x16xi32, #tpu.memory_space<hbm>> -> memref<16xi32, #tpu.memory_space<hbm>>
        tpu.enqueue_dma source(%arg11 : memref<16xi32, #tpu.memory_space<vmem>>) target(%dma_start3A_2379 : memref<16xi32, #tpu.memory_space<hbm>>) target_semaphore(%run_scoped3A : memref<!tpu.dma_semaphore, #tpu.memory_space<semaphore_mem>>)
        %dma_wait3A_2380 = arith.constant 0 : i32
        %dma_wait3A_2381 = tpu.memref_slice %arg3[%add3A_2359, %dma_wait3A_2380] : memref<32x16xi32, #tpu.memory_space<hbm>> -> memref<1x16xi32, #tpu.memory_space<hbm>>
        %dma_wait3A_2382 = tpu.memref_squeeze %dma_wait3A_2381 : memref<1x16xi32, #tpu.memory_space<hbm>> -> memref<16xi32, #tpu.memory_space<hbm>>
        %dma_wait3A_2383 = arith.constant 0 : i32
        %dma_wait3A_2384 = tpu.memref_slice %arg3[%add3A_2359, %dma_wait3A_2383] : memref<32x16xi32, #tpu.memory_space<hbm>> -> memref<1x16xi32, #tpu.memory_space<hbm>>
        %dma_wait3A_2385 = tpu.memref_squeeze %dma_wait3A_2384 : memref<1x16xi32, #tpu.memory_space<hbm>> -> memref<16xi32, #tpu.memory_space<hbm>>
        tpu.wait_dma2 semaphore(%run_scoped3A : memref<!tpu.dma_semaphore, #tpu.memory_space<semaphore_mem>>) src(%arg11 : memref<16xi32, #tpu.memory_space<vmem>>) dst(%dma_wait3A_2385 : memref<16xi32, #tpu.memory_space<hbm>>)
        tpu.yield
      }) : () -> ()
      %get3A_2360 = arith.constant 384 : index
      %get3A_2361 = tpu.vector_load %arg9[%get3A_2360] {strides = array<i32>} : memref<512xf32, #tpu.memory_space<vmem>>, vector<16xf32>,
      %bitcast3A_2362 = vector.bitcast %get3A_2361 : vector<16xf32> to vector<16xi32>
      %swap3A_2363 = arith.constant 0 : index
      %swap3A_2364 = tpu.vector_load %arg11[%swap3A_2363] {strides = array<i32>} : memref<16xi32, #tpu.memory_space<vmem>>, vector<16xi32>,
      tpu.vector_store %arg11[%swap3A_2363], %bitcast3A_2362 {strides = array<i32>} : memref<16xi32, #tpu.memory_space<vmem>>, vector<16xi32>,
      %add3A_2365 = arith.constant 6 : i32
      %add3A_2366 = arith.addi %add3A_32, %add3A_2365 : i32
      "tpu.region"() ({
        %run_scoped3A = tpu.sem_alloc : memref<!tpu.dma_semaphore, #tpu.memory_space<semaphore_mem>>
        %dma_start3A_2374 = arith.constant 0 : i32
        %dma_start3A_2375 = tpu.memref_slice %arg3[%add3A_2366, %dma_start3A_2374] : memref<32x16xi32, #tpu.memory_space<hbm>> -> memref<1x16xi32, #tpu.memory_space<hbm>>
        %dma_start3A_2376 = tpu.memref_squeeze %dma_start3A_2375 : memref<1x16xi32, #tpu.memory_space<hbm>> -> memref<16xi32, #tpu.memory_space<hbm>>
        %dma_start3A_2377 = arith.constant 0 : i32
        %dma_start3A_2378 = tpu.memref_slice %arg3[%add3A_2366, %dma_start3A_2377] : memref<32x16xi32, #tpu.memory_space<hbm>> -> memref<1x16xi32, #tpu.memory_space<hbm>>
        %dma_start3A_2379 = tpu.memref_squeeze %dma_start3A_2378 : memref<1x16xi32, #tpu.memory_space<hbm>> -> memref<16xi32, #tpu.memory_space<hbm>>
        tpu.enqueue_dma source(%arg11 : memref<16xi32, #tpu.memory_space<vmem>>) target(%dma_start3A_2379 : memref<16xi32, #tpu.memory_space<hbm>>) target_semaphore(%run_scoped3A : memref<!tpu.dma_semaphore, #tpu.memory_space<semaphore_mem>>)
        %dma_wait3A_2380 = arith.constant 0 : i32
        %dma_wait3A_2381 = tpu.memref_slice %arg3[%add3A_2366, %dma_wait3A_2380] : memref<32x16xi32, #tpu.memory_space<hbm>> -> memref<1x16xi32, #tpu.memory_space<hbm>>
        %dma_wait3A_2382 = tpu.memref_squeeze %dma_wait3A_2381 : memref<1x16xi32, #tpu.memory_space<hbm>> -> memref<16xi32, #tpu.memory_space<hbm>>
        %dma_wait3A_2383 = arith.constant 0 : i32
        %dma_wait3A_2384 = tpu.memref_slice %arg3[%add3A_2366, %dma_wait3A_2383] : memref<32x16xi32, #tpu.memory_space<hbm>> -> memref<1x16xi32, #tpu.memory_space<hbm>>
        %dma_wait3A_2385 = tpu.memref_squeeze %dma_wait3A_2384 : memref<1x16xi32, #tpu.memory_space<hbm>> -> memref<16xi32, #tpu.memory_space<hbm>>
        tpu.wait_dma2 semaphore(%run_scoped3A : memref<!tpu.dma_semaphore, #tpu.memory_space<semaphore_mem>>) src(%arg11 : memref<16xi32, #tpu.memory_space<vmem>>) dst(%dma_wait3A_2385 : memref<16xi32, #tpu.memory_space<hbm>>)
        tpu.yield
      }) : () -> ()
      %get3A_2367 = arith.constant 448 : index
      %get3A_2368 = tpu.vector_load %arg9[%get3A_2367] {strides = array<i32>} : memref<512xf32, #tpu.memory_space<vmem>>, vector<16xf32>,
      %bitcast3A_2369 = vector.bitcast %get3A_2368 : vector<16xf32> to vector<16xi32>
      %swap3A_2370 = arith.constant 0 : index
      %swap3A_2371 = tpu.vector_load %arg11[%swap3A_2370] {strides = array<i32>} : memref<16xi32, #tpu.memory_space<vmem>>, vector<16xi32>,
      tpu.vector_store %arg11[%swap3A_2370], %bitcast3A_2369 {strides = array<i32>} : memref<16xi32, #tpu.memory_space<vmem>>, vector<16xi32>,
      %add3A_2372 = arith.constant 7 : i32
      %add3A_2373 = arith.addi %add3A_32, %add3A_2372 : i32
      "tpu.region"() ({
        %run_scoped3A = tpu.sem_alloc : memref<!tpu.dma_semaphore, #tpu.memory_space<semaphore_mem>>
        %dma_start3A_2374 = arith.constant 0 : i32
        %dma_start3A_2375 = tpu.memref_slice %arg3[%add3A_2373, %dma_start3A_2374] : memref<32x16xi32, #tpu.memory_space<hbm>> -> memref<1x16xi32, #tpu.memory_space<hbm>>
        %dma_start3A_2376 = tpu.memref_squeeze %dma_start3A_2375 : memref<1x16xi32, #tpu.memory_space<hbm>> -> memref<16xi32, #tpu.memory_space<hbm>>
        %dma_start3A_2377 = arith.constant 0 : i32
        %dma_start3A_2378 = tpu.memref_slice %arg3[%add3A_2373, %dma_start3A_2377] : memref<32x16xi32, #tpu.memory_space<hbm>> -> memref<1x16xi32, #tpu.memory_space<hbm>>
        %dma_start3A_2379 = tpu.memref_squeeze %dma_start3A_2378 : memref<1x16xi32, #tpu.memory_space<hbm>> -> memref<16xi32, #tpu.memory_space<hbm>>
        tpu.enqueue_dma source(%arg11 : memref<16xi32, #tpu.memory_space<vmem>>) target(%dma_start3A_2379 : memref<16xi32, #tpu.memory_space<hbm>>) target_semaphore(%run_scoped3A : memref<!tpu.dma_semaphore, #tpu.memory_space<semaphore_mem>>)
        %dma_wait3A_2380 = arith.constant 0 : i32
        %dma_wait3A_2381 = tpu.memref_slice %arg3[%add3A_2373, %dma_wait3A_2380] : memref<32x16xi32, #tpu.memory_space<hbm>> -> memref<1x16xi32, #tpu.memory_space<hbm>>
        %dma_wait3A_2382 = tpu.memref_squeeze %dma_wait3A_2381 : memref<1x16xi32, #tpu.memory_space<hbm>> -> memref<16xi32, #tpu.memory_space<hbm>>
        %dma_wait3A_2383 = arith.constant 0 : i32
        %dma_wait3A_2384 = tpu.memref_slice %arg3[%add3A_2373, %dma_wait3A_2383] : memref<32x16xi32, #tpu.memory_space<hbm>> -> memref<1x16xi32, #tpu.memory_space<hbm>>
        %dma_wait3A_2385 = tpu.memref_squeeze %dma_wait3A_2384 : memref<1x16xi32, #tpu.memory_space<hbm>> -> memref<16xi32, #tpu.memory_space<hbm>>
        tpu.wait_dma2 semaphore(%run_scoped3A : memref<!tpu.dma_semaphore, #tpu.memory_space<semaphore_mem>>) src(%arg11 : memref<16xi32, #tpu.memory_space<vmem>>) dst(%dma_wait3A_2385 : memref<16xi32, #tpu.memory_space<hbm>>)
        tpu.yield
      }) : () -> ()
    } else {
    }
    return
  }
}

</mosaic_0001>

<sc_bundles>
// kernel: kernel.3.cloned.1.call-start
scs
__scs_entry_jumppad:
0x0: {  	(pc) =	sbr.rel $0x88, $3  }
0x1: {  	(tag) =	ssettag $0x0;
	lr =	simm.s32 $0x1  }
0x2: {  	[smem:$0x3FA0] =	sst lr;
	_ =	strace $0xD0000000  }
0x3: {  	_ = 	snop  }
0x4: {  	_ = 	snop  }
0x5: {  	_ = 	snop  }
0x6: {  	_ = 	snop  }
0x7: {  	_ = 	snop  }
__scs_overlays_trampoline_lowered:
0x8: {  	[smem:$0x3FAF] =	sst s0  }
0x9: {  	[smem:$0x3FB0] =	sst s1  }
0xa: {  	[smem:$0x3FB1] =	sst s2  }
0xb: {  	[smem:$0x3FB2] =	sst s3  }
0xc: {  	[smem:$0x3FB3] =	sst s4  }
0xd: {  	[smem:$0x3FB4] =	sst s5  }
0xe: {  	[smem:$0x3FB5] =	sst s6  }
0xf: {  	[smem:$0x3FB6] =	sst s7  }
0x10: {  	[smem:$0x3FB7] =	sst s8  }
0x11: {  	[smem:$0x3FB8] =	sst s9;
	s0 =	simm.s32 @!p0 $0x0  }
0x12: {  	s1 =	sld [smem:$0x3F9E];
	s0 =	simm.s32 @p0 $0x1  }
0x13: {  	[smem:$0x3FB9] =	sst s0;
	s0 =	simm.s32 @!p1 $0x0  }
0x14: {  	s2 =	sld [smem:$0x3F9D];
	s0 =	simm.s32 @p1 $0x1  }
0x15: {  	[smem:$0x3FBA] =	sst s0;
	s0 =	simm.s32 @!p2 $0x0  }
0x16: {  	s3 =	sld [smem:$0x3FDB];
	s0 =	simm.s32 @p2 $0x1  }
0x17: {  	s4 =	simm.s32 $0x1BF5;
	[smem:$0x3FBC] =	sst s0  }
0x18: {  	s0 =	sld [smem:$0x3F9F];
	_ =	swait.ge [sflag:s4], $0x0  }
0x19: {  	s7 =	sld [smem:$0x3FA0]  }
0x1a: {  	s8 =	sadd.s32 $0xFFFFE003, lr  }
0x1b: {  	s9 =	sadd.s32 $0xFFFFFEF7, lr;
	s5 =	simm.s32 $0xFFFFFFFF;
	p2 =	slt.u32 s8, $0xFFFFF086  }
0x1c: {  	p1 =	slt.u32 s9, $0xF7A;
	s5 =	simm.s32 @!p2 $0x0  }
0x1d: {  	s5 =	simm.s32 @p1 $0x1;
	p0 =	seq.s32 s7, s2  }
0x1e: {  	s7 =	smul.u32 @!p0 $0xF7A, s2;
	p2 =	seq.s32 @!p0 s5, $0x0  }
0x1f: {  	s9 =	smul.u32 $0xF7A, s1;
	s8 =	simm.s32 @!p0 $0x1BF5;
	p2 =	por !p2, p0  }
0x20: {  	[sflag:s8] =	ssyncset.s32 @!p0 $0xFFFFF086;
	s6 =	sadd.s32 @!p0 s3, s7;
	s7 =	simm.s32 @!p0 $0x108  }
0x21: {  	s3 =	sadd.s32 s3, s9;
	s6 =	sadd.s32 @!p0 $0x88, s6;
	s7 =	simm.s32 @p2 $0x1082  }
0x22: {  	[simem:s7], [sflag:s8] =	dma.local @!p0 [hbm:s6], $0xF7A  }
0x23: {  	s9 =	sor.u32 $0xD0000000, s2;
	s6 =	simm.s32 $0x108;
	_ =	swait.ge @!p0 [sflag:s8], $0x0  }
0x24: {  	s3 =	sadd.s32 $0x88, s3;
	s6 =	simm.s32 @!p1 $0x1082;
	[sflag:s4] =	ssyncset.s32 $0xFFFFF086  }
0x25: {  	[simem:s6], [sflag:s4] =	dma.local [hbm:s3], $0xF7A  }
0x26: {  	[smem:$0x3FA0] =	sst s1;
	(tag) =	ssettag s2;
	_ =	strace s9  }
0x27: {  	s1 =	sld [smem:$0x3FB0]  }
0x28: {  	s2 =	sld [smem:$0x3FB1]  }
0x29: {  	s4 =	sld [smem:$0x3FB3]  }
0x2a: {  	p0 =	seq.s32 s5, $0x0;
	s5 =	sld [smem:$0x3FB4]  }
0x2b: {  	s6 =	sld [smem:$0x3FB5]  }
0x2c: {  	s7 =	sld [smem:$0x3FB6]  }
0x2d: {  	s3 =	simm.s32 $0x108;
	s8 =	sld [smem:$0x3FB7]  }
0x2e: {  	s3 =	simm.s32 @!p0 $0x1082;
	s9 =	sld [smem:$0x3FB8]  }
0x2f: {  	lr =	sadd.s32 s0, s3;
	s0 =	sld [smem:$0x3FAF]  }
0x30: {  	s3 =	sld [smem:$0x3FB2]  }
0x31: {  	[smem:$0x3FBB] =	sst s10  }
0x32: {  	s10 =	sld [smem:$0x3FB9];
	_ =	sdelay $0x3  }
0x33: {  	p0 =	seq.s32 s10, $0x1;
	s10 =	sld [smem:$0x3FBB];
	_ =	sdelay $0x3  }
0x34: {  	[smem:$0x3FBB] =	sst s10  }
0x35: {  	s10 =	sld [smem:$0x3FBA];
	_ =	sdelay $0x3  }
0x36: {  	p1 =	seq.s32 s10, $0x1;
	s10 =	sld [smem:$0x3FBB];
	_ =	sdelay $0x3  }
0x37: {  	[smem:$0x3FBB] =	sst s10  }
0x38: {  	s10 =	sld [smem:$0x3FBC]  }
0x39: {  	_ = 	snop;
	(pc) =	sbr.ind lr, $3  }
0x3a: {  	_ = 	snop  }
0x3b: {  	_ = 	snop  }
0x3c: {  	p2 =	seq.s32 s10, $0x1;
	s10 =	sld [smem:$0x3FBB]  }
0x3d: {  	_ =	shalt  }
0x3e: {  	_ =	shalt  }
0x3f: {  	_ =	shalt  }
0x40: {  	_ =	shalt  }
0x41: {  	_ =	shalt  }
0x42: {  	_ =	shalt  }
0x43: {  	_ =	shalt  }
0x44: {  	_ =	shalt  }
0x45: {  	_ =	shalt  }
0x46: {  	_ =	shalt  }
0x47: {  	_ =	shalt  }
0x48: {  	_ =	shalt  }
0x49: {  	_ =	shalt  }
0x4a: {  	_ =	shalt  }
0x4b: {  	_ =	shalt  }
0x4c: {  	_ =	shalt  }
0x4d: {  	_ =	shalt  }
0x4e: {  	_ =	shalt  }
0x4f: {  	_ =	shalt  }
0x50: {  	_ =	shalt  }
0x51: {  	_ =	shalt  }
0x52: {  	_ =	shalt  }
0x53: {  	_ =	shalt  }
0x54: {  	_ =	shalt  }
0x55: {  	_ =	shalt  }
0x56: {  	_ =	shalt  }
0x57: {  	_ =	shalt  }
0x58: {  	_ =	shalt  }
0x59: {  	_ =	shalt  }
0x5a: {  	_ =	shalt  }
0x5b: {  	_ =	shalt  }
0x5c: {  	_ =	shalt  }
0x5d: {  	_ =	shalt  }
0x5e: {  	_ =	shalt  }
0x5f: {  	_ =	shalt  }
0x60: {  	_ =	shalt  }
0x61: {  	_ =	shalt  }
0x62: {  	_ =	shalt  }
0x63: {  	_ =	shalt  }
0x64: {  	_ =	shalt  }
0x65: {  	_ =	shalt  }
0x66: {  	_ =	shalt  }
0x67: {  	_ =	shalt  }
0x68: {  	_ =	shalt  }
0x69: {  	_ =	shalt  }
0x6a: {  	_ =	shalt  }
0x6b: {  	_ =	shalt  }
0x6c: {  	_ =	shalt  }
0x6d: {  	_ =	shalt  }
0x6e: {  	_ =	shalt  }
0x6f: {  	_ =	shalt  }
0x70: {  	_ =	shalt  }
0x71: {  	_ =	shalt  }
0x72: {  	_ =	shalt  }
0x73: {  	_ =	shalt  }
0x74: {  	_ =	shalt  }
0x75: {  	_ =	shalt  }
0x76: {  	_ =	shalt  }
0x77: {  	_ =	shalt  }
0x78: {  	_ =	shalt  }
0x79: {  	_ =	shalt  }
0x7a: {  	_ =	shalt  }
0x7b: {  	_ =	shalt  }
0x7c: {  	_ =	shalt  }
0x7d: {  	_ =	shalt  }
0x7e: {  	_ =	shalt  }
0x7f: {  	_ =	shalt  }
0x80: {  	_ =	shalt  }
0x81: {  	_ =	shalt  }
0x82: {  	_ =	shalt  }
0x83: {  	_ =	shalt  }
0x84: {  	_ =	shalt  }
0x85: {  	_ =	shalt  }
0x86: {  	_ =	shalt  }
0x87: {  	_ =	shalt  }
.Lfunc_end0:
.L_simem_size_0:
called_computation_lowered:
.L_overlay_start_0:
0x88: {  	s2 =	sld [smem:$0x3FD9]  }
0x89: {  	s3 =	sld [smem:$0x3FFE];
	_ =	sdelay $0x1  }
0x8a: {  	s1 =	srdreg.scid  }
0x8b: {  	s0 =	sand.u32 $0x1, s1  }
0x8c: {  	s17 =	sshll.u32 s0, $0xA;
	s2 =	sadd.s32 s3, s2  }
0x8d: {  	s2 =	sadd.s32 s2, s17  }
0x8e: {  	[smem:$0x3FC7] =	sst s2  }
0x8f: {  	_ = 	snop  }
0x90: {  	s2 =	sld [smem:$0x3FC9];
	(tm) =	ssettm $0x1  }
0x91: {  	s18 =	sld [smem:$0x3FFB];
	_ =	sdelay $0x3  }
0x92: {  	_ =	strace s18  }
0x93: {  	s3 =	sld [smem:$0x3FFC];
	_ =	sdelay $0x3  }
0x94: {  	_ =	strace s3  }
0x95: {  	s3 =	sld [smem:$0x3FFD];
	_ =	sdelay $0x3  }
0x96: {  	_ =	strace s3  }
0x97: {  	_ =	strace $0x8FFFFFFF  }
0x98: {  	s19 =	sld [smem:$0x3FDB];
	_ =	sdelay $0x1  }
0x99: {  	s4 =	simm.s32 $_scs_section_size  }
0x9a: {  	s5 =	simm.s32 $_size__tile_overlayer_lowered;
	s6 =	simm.s32 $_tile_overlayer_lowered  }
0x9b: {  	s22 =	simm.s32 $0x1BFF;
	s21 =	sshll.u32 s6, $0x1;
	s3 =	sadd.s32 s4, s19  }
0x9c: {  	s7 =	simm.s32 $0x0;
	s20 =	sshll.u32 s5, $0x1;
	s5 =	sadd.s32 s21, s3  }
0x9d: {  	[timem:s7], [sflag:s22] =	dma.local [hbm:s5], s20  }
0x9e: {  	_ =	swait.ge [sflag:s22], s20  }
0x9f: {  	s4 =	ssub.s32 $0x0, s20;
	[sflag:s22] =	ssyncset.done $0x0  }
0xa0: {  	[sflag:s22] =	ssyncadd.s32 s4;
	_ =	sdelay $0x1  }
0xa1: {  	s23 =	simm.s32 $0x1B8B  }
0xa2: {  	_ =	swait.ge [sflag:s23], $0x1  }
0xa3: {  	[sflag:s23] =	ssyncset.done $0x0  }
0xa4: {  	s25 =	simm.s32 $0x1B8E;
	s24 =	sld [smem:$0x3FFE];
	[sflag:s23] =	ssyncadd.s32 $0xFFFFFFFF  }
0xa5: {  	s26 =	simm.s32 $execute0_lowered;
	[smem:$0x3FD2] =	sst s25  }
0xa6: {  	s5 =	sshll.u32 s26, $0x1;
	_ =	strace $0x80000046;
	[dreg:$0x1] =	wrdreg $0xFFFFFFFF  }
0xa7: {  	s28 =	simm.s32 $_size_execute0_lowered;
	s3 =	sadd.s32 s3, s5;
	[dreg:$0x0] =	wrdreg $0x0  }
0xa8: {  	s5 =	sshll.u32 s28, $0x1;
	[dreg:$0x2] =	wrdreg s3  }
0xa9: {  	[dreg:$0x3] =	wrdreg s5  }
0xaa: {  	[dreg:$0x4] =	wrdreg $0xC0  }
0xab: {  	_ =	task [dreg:s7], $0x5FFFF  }
0xac: {  	[dreg:$0x1] =	wrdreg $0xFFFFFFFF  }
0xad: {  	[dreg:$0x0] =	wrdreg $0x60  }
0xae: {  	[dreg:$0x2] =	wrdreg s2  }
0xaf: {  	[dreg:$0x3] =	wrdreg s24  }
0xb0: {  	[dreg:$0x4] =	wrdreg $0xC0000  }
0xb1: {  	[dreg:$0x5] =	wrdreg $0x9  }
0xb2: {  	_ =	task.clear_ibuf [dreg:s7], $0x6FFFF;
	_ =	strace $0x90000046  }
0xb3: {  	s29 =	simm.s32 $0x9;
	_ =	strace $0x80000048  }
0xb4: {  	_ =	swait.ge [sflag:s29], $0x1  }
0xb5: {  	[sflag:s29] =	ssyncadd.s32 $0xFFFFFFFF  }
0xb6: {  	_ =	strace $0x90000048  }
0xb7: {  	_ =	sfence  }
0xb8: {  	s30 =	sld [smem:$0x0];
	_ =	sdelay $0x2  }
0xb9: {  	s31 =	sshll.u32 s1, $0xD;
	s1 =	sshrl.u32 s1, $0x2  }
0xba: {  	s3 =	sand.u32 $0x4000, s31;
	s1 =	sadd.s32 s1, s30  }
0xbb: {  	s0 =	sor.u32 s3, s0;
	s1 =	sshll.u32 s1, $0x11  }
0xbc: {  	s0 =	sor.u32 s1, s0  }
0xbd: {  	s0 =	sadd.s32 $0x8F2B, s0  }
0xbe: {  	[sflag:s0] =	ssyncadd.remote.s32 $0x1  }
0xbf: {  	_ =	sfence.sel $0xFFFF  }
0xc0: {  	[dreg:$0x0] =	wrdreg $0xFFFFFFFF;
	(pc) =	sbr.abs _section_cstart, $3  }
0xc1: {  	[dreg:$0x1] =	wrdreg $0xFFFFFFFF  }
0xc2: {  	_ =	task.clear_ibuf [dreg:s7], $0x2FFFF;
	_ =	strace $0x9FFFFFFF  }
0xc3: {  	(tm) =	ssettm $0x7FFFFFFF  }
tec
execute0_lowered:
.L_overlay_start_1:
0x0: {  	(tag) =	ssettag $0x1  }
0x1: {  	s1 =	rddreg [dreg:$0x0]  }
0x2: {  	s0 =	srdreg.scid;
	s9 =	rddreg [dreg:$0x1]  }
0x3: {  	s7 =	stileid.u32;
	s10 =	rddreg [dreg:$0x2]  }
0x4: {  	s28 =	simm.s32 $0xC400;
	s29 =	simm.s32 $0xD800;
	s30 =	simm.s32 $0x0  }
0x5: {  	s3 =	sand.u32 $0x1, s0;
	s2 =	sand.u32 $0x8, s7;
	s17 =	sand.u32 $0x7, s7  }
0x6: {  	s20 =	sshll.u32 s7, $0x9;
	s0 =	sshll.u32 s3, $0x4;
	s11 =	ssub.s32 $0x2, s3  }
0x7: {  	p0 =	sne.s32 s17, $0x0;
	s6 =	sor.u32 s2, s0;
	s2 =	simm.s32 $0x0  }
0x8: {  	v0 =	vimm.s32 $0xFEDCBA98;
	v1 =	vimm.s32 $0x76543210;
	s13 =	sshrl.u32 s11, $0x1;
	s4 =	sor.u32 s17, s6;
	[smem:$0x7FF] =	sst s2  }
0x9: {  	v2 =	vimm.s32 $0xBA98FEDC;
	v3 =	vimm.s32 $0x32107654;
	v4 =	vimm.s32 $0xDCFE98BA;
	s12 =	sshll.u32 s6, $0x4;
	s6 =	sadd.s32 s20, s10;
	s11 =	ssub.s32 s11, s13  }
0xa: {  	v5 =	vimm.s32 $0x54761032;
	s4 =	sshll.u32 s4, $0xB;
	_ =	strace $0x80000047;
	s8 =	sadd.s32 $0x2000, s6  }
0xb: {  	v6 =	vimm.s32 $0xEFCDAB89;
	v7 =	vimm.s32 $0x67452301;
	v0 =	vunpack.c.l.s4.s8 v0;
	s12 =	sadd.s32 s12, s9;
	s19 =	smax.u32 s11, $0x1;
	s3 =	sadd.s32 s1, s4  }
0xc: {  	v1 =	vunpack.c.l.s4.s8 v1;
	v2 =	vunpack.c.l.s4.s8 v2;
	v3 =	vunpack.c.l.s4.s8 v3;
	s4 =	sshll.u32 s17, $0xB;
	s1 =	sand.u32 $0x1000, s20;
	s21 =	sadd.s32 $0x400, s12  }
0xd: {  	v4 =	vunpack.c.l.s4.s8 v4;
	v5 =	vunpack.c.l.s4.s8 v5;
	v6 =	vunpack.c.l.s4.s8 v6;
	s22 =	sadd.s32 $0x410, s12;
	s23 =	sadd.s32 $0x420, s12;
	[dreg:$0x5] =	wrdreg s21  }
0xe: {  	v7 =	vunpack.c.l.s4.s8 v7;
	v0 =	vunpack.c.0.s8.s32 v0;
	v2 =	vunpack.c.0.s8.s32 v2;
	s24 =	sadd.s32 $0x430, s12;
	s25 =	sadd.s32 $0x440, s12;
	[dreg:$0x6] =	wrdreg s22  }
0xf: {  	v3 =	vunpack.c.0.s8.s32 v3;
	v4 =	vunpack.c.0.s8.s32 v4;
	v5 =	vunpack.c.0.s8.s32 v5;
	s26 =	sadd.s32 $0x450, s12;
	s31 =	sadd.s32 $0x460, s12;
	[dreg:$0x7] =	wrdreg s23  }
0x10: {  	v6 =	vunpack.c.0.s8.s32 v6;
	v7 =	vunpack.c.0.s8.s32 v7;
	v1 =	vunpack.c.0.s8.s32 v1;
	s18 =	sadd.s32 $0x470, s12;
	s20 =	simm.s32 $0x4000;
	[dreg:$0x8] =	wrdreg s24  }
.Ltmp0:
0x11: {  	v2 =	vcombine.low v3, v2;
	v3 =	vcombine.low v5, v4;
	v4 =	vand.u32 $0xF, v0;
	s5 =	sadd.s32 $0x10000, s3;
	[dreg:$0x9] =	wrdreg s25;
	(pc) =	sbr.rel .LBB2_1-.Ltmp0, $4  }
0x12: {  	v31 =	vcombine.low v4, v1;
	s7 =	sadd.s32 $0x20000, s3;
	s9 =	sadd.s32 s1, s10;
	[dreg:$0xa] =	wrdreg s26  }
0x13: {  	v5 =	vcombine.low v7, v6;
	[dreg:$0xb] =	wrdreg s31;
	s21 =	simm.s32 $0x8000;
	s22 =	simm.s32 $0x2  }
0x14: {  	s23 =	simm.s32 $0x1;
	s24 =	simm.s32 $0x3;
	v32 =	vand.u32 $0xF, v2;
	s1 =	sadd.s32 $0x2000, s9;
	[tilespmem:$0x1FFE0] =	vst v31  }
0x15: {  	v0 =	vlaneseq.u32;
	s25 =	simm.s32 $0xD400;
	s26 =	simm.s32 $0x4;
	v3 =	vand.u32 $0xF, v3;
	v4 =	vand.u32 $0xF, v5;
	[tilespmem:$0x1FFF0] =	vst v32;
	[dreg:$0x4] =	wrdreg s1  }
.LBB2_10:
0x16: {  	v1 =	vld [tilespmem:s12+$0xC800]  }
0x17: {  	v2 =	vld [tilespmem:s10+$0x410]  }
0x18: {  	vm1 =	vlt.s32 v13, v11;
	vm2 =	veq.f32 v14, v10  }
0x19: {  	vm3 =	vgt.f32 v14, v10;
	vm1 =	vmand vm2, vm1  }
0x1a: {  	v17 =	vld [tilespmem:s12+$0xCA00];
	vm1 =	vmor vm3, vm1  }
0x1b: {  	v51 =	vld [tilespmem:s10+$0x610];
	v49 =	vsel vm1, v14, v10;
	v50 =	vsel vm1, v13, v11  }
0x1c: {  	vm9 =	veq.f32 v7, v16;
	vm10 =	veq.f32 v1, v49;
	vm11 =	vlt.s32 v2, v50  }
0x1d: {  	vm4 =	vlt.s32 v5, v15;
	vm5 =	vgt.f32 v1, v49;
	vm2 =	vmand vm10, vm11  }
0x1e: {  	vm12 =	vgt.f32 v7, v16;
	v52 =	vld [tilespmem:s10+$0x810];
	vm1 =	vmand vm9, vm4;
	vm2 =	vmor vm5, vm2  }
0x1f: {  	v53 =	vld [tilespmem:s12+$0xCC00];
	vm1 =	vmor vm12, vm1;
	v1 =	vsel vm2, v1, v49;
	v2 =	vsel vm2, v2, v50  }
0x20: {  	v7 =	vsel vm1, v7, v16;
	vm13 =	veq.f32 v17, v1;
	vm14 =	vlt.s32 v51, v2  }
0x21: {  	v54 =	vld [tilespmem:s1+$0xD000];
	v5 =	vsel vm1, v5, v15;
	vm15 =	vgt.f32 v17, v1;
	vm2 =	vmand vm13, vm14  }
0x22: {  	v55 =	vld [tilespmem:s10+$0xA10];
	vm8 =	veq.f32 v12, v7;
	vm9 =	vlt.s32 v8, v5;
	vm1 =	vmor vm15, vm2  }
0x23: {  	v56 =	vld [tilespmem:s12+$0xCE00];
	vm10 =	vgt.f32 v12, v7;
	v1 =	vsel vm1, v17, v1;
	v2 =	vsel vm1, v51, v2  }
0x24: {  	v57 =	vld [tilespmem:s0+$0xC10];
	vm11 =	vmand vm8, vm9;
	vm12 =	veq.f32 v53, v1;
	vm13 =	vlt.s32 v52, v2  }
0x25: {  	vm1 =	vmor vm10, vm11;
	vm14 =	vgt.f32 v53, v1;
	vm3 =	vmand vm12, vm13  }
0x26: {  	v58 =	vld [tilespmem:s10+$0xC10];
	v7 =	vsel vm1, v12, v7;
	vm2 =	vmor vm14, vm3  }
0x27: {  	v59 =	vld [tilespmem:s12+$0xD000];
	v5 =	vsel vm1, v8, v5;
	v1 =	vsel vm2, v53, v1;
	v2 =	vsel vm2, v52, v2  }
0x28: {  	v60 =	vld [tilespmem:s0+$0xE10];
	vm15 =	veq.f32 v54, v7;
	vm8 =	veq.f32 v56, v1;
	vm9 =	vlt.s32 v55, v2  }
0x29: {  	v61 =	vld [tilespmem:s1+$0xD200];
	vm10 =	vlt.s32 v57, v5;
	vm11 =	vgt.f32 v56, v1;
	vm2 =	vmand vm8, vm9  }
0x2a: {  	v62 =	vld [tilespmem:s10+$0xE10];
	vm12 =	vgt.f32 v54, v7;
	vm1 =	vmand vm15, vm10;
	vm2 =	vmor vm11, vm2  }
0x2b: {  	v63 =	vld [tilespmem:s12+$0xD200];
	vm1 =	vmor vm12, vm1;
	v1 =	vsel vm2, v56, v1;
	v2 =	vsel vm2, v55, v2  }
0x2c: {  	v7 =	vsel vm1, v54, v7;
	vm13 =	veq.f32 v59, v1;
	vm14 =	vlt.s32 v58, v2  }
0x2d: {  	v5 =	vsel vm1, v57, v5;
	vm15 =	vgt.f32 v59, v1;
	vm2 =	vmand vm13, vm14  }
0x2e: {  	s11 =	sadd.s32 $0x40, s11;
	vm8 =	veq.f32 v61, v7;
	vm9 =	vlt.s32 v60, v5;
	vm1 =	vmor vm15, vm2  }
0x2f: {  	vm10 =	vgt.f32 v61, v7;
	v7 =	vld [tilespmem:s11+$0x0];
	v1 =	vsel vm1, v59, v1;
	v2 =	vsel vm1, v58, v2  }
0x30: {  	vm11 =	vmand vm8, vm9;
	vm12 =	veq.f32 v63, v1;
	vm13 =	vlt.s32 v62, v2  }
0x31: {  	vm1 =	vmor vm10, vm11;
	vm14 =	vgt.f32 v63, v1;
	vm3 =	vmand vm12, vm13  }
0x32: {  	v1 =	vsel vm1, v60, v5;
	vm15 =	vmor vm14, vm3  }
0x33: {  	[tilespmem:s31+$0x0] =	vst v9;
	s12 =	sadd.s32 $0x40, s31;
	v1 =	vsel vm0, v6, v1;
	v2 =	vsel vm15, v62, v2  }
0x34: {  	s0 =	sadd.s32 $0x40, s12;
	[tilespmem:s12+$0x0] =	vst v1;
	v1 =	vsel vm0, v7, v2  }
0x35: {  	[tilespmem:s0+$0x0] =	vst v1  }
0x36: {  	v1 =	vld [tilespmem:$0xD400];
	_ =	sdelay $0x4  }
0x37: {  	s0 =	rddreg [dreg:$0x5];
	[tilespmem:$0xD800] =	vst v1  }
0x38: {  	[hbm4b:s0+s2] =	stream.linear.scatter [tilespmem:s29], [sflag:$0x4], $0x80, $0x38;
	[tilespmem:$0xD880] =	vst v63  }
0x39: {  	_ =	swait.ge [sflag:s26], $0x80  }
0x3a: {  	[sflag:s26] =	ssyncset.done $0x0  }
0x3b: {  	[sflag:s26] =	ssyncadd.s32 $0xFFFFFF80  }
0x3c: {  	v1 =	vld [tilespmem:$0xD440];
	_ =	sdelay $0x4  }
0x3d: {  	s13 =	rddreg [dreg:$0x6];
	[tilespmem:$0xD800] =	vst v1  }
0x3e: {  	[hbm4b:s13+s2] =	stream.linear.scatter [tilespmem:s29], [sflag:$0x4], $0x80, $0x38;
	[tilespmem:$0xD880] =	vst v63  }
0x3f: {  	_ =	swait.ge [sflag:s26], $0x80  }
0x40: {  	[sflag:s26] =	ssyncset.done $0x0  }
0x41: {  	[sflag:s26] =	ssyncadd.s32 $0xFFFFFF80  }
0x42: {  	v1 =	vld [tilespmem:$0xD480];
	_ =	sdelay $0x4  }
0x43: {  	s14 =	rddreg [dreg:$0x7];
	[tilespmem:$0xD800] =	vst v1  }
0x44: {  	[hbm4b:s14+s2] =	stream.linear.scatter [tilespmem:s29], [sflag:$0x4], $0x80, $0x38;
	[tilespmem:$0xD880] =	vst v63  }
0x45: {  	_ =	swait.ge [sflag:s26], $0x80  }
0x46: {  	[sflag:s26] =	ssyncset.done $0x0  }
0x47: {  	[sflag:s26] =	ssyncadd.s32 $0xFFFFFF80  }
0x48: {  	v1 =	vld [tilespmem:$0xD4C0];
	_ =	sdelay $0x4  }
0x49: {  	s15 =	rddreg [dreg:$0x8];
	[tilespmem:$0xD800] =	vst v1  }
0x4a: {  	[hbm4b:s15+s2] =	stream.linear.scatter [tilespmem:s29], [sflag:$0x4], $0x80, $0x38;
	[tilespmem:$0xD880] =	vst v63  }
0x4b: {  	_ =	swait.ge [sflag:s26], $0x80  }
0x4c: {  	[sflag:s26] =	ssyncset.done $0x0  }
0x4d: {  	[sflag:s26] =	ssyncadd.s32 $0xFFFFFF80  }
0x4e: {  	v1 =	vld [tilespmem:$0xD500];
	_ =	sdelay $0x4  }
0x4f: {  	s16 =	rddreg [dreg:$0x9];
	[tilespmem:$0xD800] =	vst v1  }
0x50: {  	[hbm4b:s16+s2] =	stream.linear.scatter [tilespmem:s29], [sflag:$0x4], $0x80, $0x38;
	[tilespmem:$0xD880] =	vst v63  }
0x51: {  	_ =	swait.ge [sflag:s26], $0x80  }
0x52: {  	[sflag:s26] =	ssyncset.done $0x0  }
0x53: {  	[sflag:s26] =	ssyncadd.s32 $0xFFFFFF80  }
0x54: {  	v1 =	vld [tilespmem:$0xD540];
	_ =	sdelay $0x4  }
0x55: {  	s17 =	rddreg [dreg:$0xa];
	[tilespmem:$0xD800] =	vst v1  }
0x56: {  	[hbm4b:s17+s2] =	stream.linear.scatter [tilespmem:s29], [sflag:$0x4], $0x80, $0x38;
	[tilespmem:$0xD880] =	vst v63  }
0x57: {  	_ =	swait.ge [sflag:s26], $0x80  }
0x58: {  	[sflag:s26] =	ssyncset.done $0x0  }
0x59: {  	[sflag:s26] =	ssyncadd.s32 $0xFFFFFF80  }
0x5a: {  	v1 =	vld [tilespmem:$0xD580];
	_ =	sdelay $0x4  }
0x5b: {  	s31 =	rddreg [dreg:$0xb];
	[tilespmem:$0xD800] =	vst v1  }
0x5c: {  	[hbm4b:s31+s2] =	stream.linear.scatter [tilespmem:s29], [sflag:$0x4], $0x80, $0x38;
	[tilespmem:$0xD880] =	vst v63  }
0x5d: {  	_ =	swait.ge [sflag:s26], $0x80  }
0x5e: {  	[sflag:s26] =	ssyncset.done $0x0  }
0x5f: {  	[sflag:s26] =	ssyncadd.s32 $0xFFFFFF80  }
0x60: {  	v1 =	vld [tilespmem:$0xD5C0];
	_ =	sdelay $0x4  }
0x61: {  	[tilespmem:$0xD800] =	vst v1  }
0x62: {  	[hbm4b:s18+s2] =	stream.linear.scatter [tilespmem:s29], [sflag:$0x4], $0x80, $0x38;
	[tilespmem:$0xD880] =	vst v63  }
0x63: {  	_ =	swait.ge [sflag:s26], $0x80  }
0x64: {  	[sflag:s26] =	ssyncset.done $0x0  }
0x65: {  	[sflag:s26] =	ssyncadd.s32 $0xFFFFFF80  }
.LBB2_11:
0x66: {  	s30 =	sadd.s32 $0x1, s30  }
0x67: {  	p1 =	sne.s32 s30, s19  }
.Ltmp1:
0x68: {  	_ = 	snop;
	(pc) =	sbr.rel @!p1 .LBB2_12-.Ltmp1, $1  }
0x69: {  	_ =	sdelay $0x3  }
.LBB2_1:
0x6a: {  	[tilespmem:s20], [sflag:$0x2] =	stream.linear.gather [hbm4b:s5+s2], $0x4000, $0x38;
	[tilespmem:$0xD880] =	vst v63  }
0x6b: {  	_ = 	snop  }
0x6c: {  	[tilespmem:s2], [sflag:$0x1] =	stream.linear.gather [hbm4b:s3+s2], $0x4000, $0x38;
	[tilespmem:$0xD880] =	vst v63  }
0x6d: {  	_ = 	snop  }
0x6e: {  	[tilespmem:s21], [sflag:$0x3] =	stream.linear.gather [hbm4b:s7+s2], $0x4000, $0x38;
	[tilespmem:$0xD880] =	vst v63  }
0x6f: {  	_ =	swait.ge [sflag:s22], $0x4000  }
0x70: {  	s0 =	sand.u32 $0x70, s2;
	s1 =	sand.u32 $0x3C00, s2;
	[sflag:s22] =	ssyncset.done $0x0  }
0x71: {  	s1 =	sor.u32 s0, s1;
	[sflag:s22] =	ssyncadd.s32 $0xFFFFC000  }
0x72: {  	v6 =	vld [tilespmem:s1+$0x4280]  }
0x73: {  	v8 =	vld [tilespmem:s1+$0x4300]  }
0x74: {  	v18 =	vld [tilespmem:s1+$0x4000]  }
0x75: {  	s16 =	sand.u32 $0x7, s2;
	v11 =	vld [tilespmem:s1+$0x4100]  }
0x76: {  	s10 =	simm.s32 $0x10;
	s11 =	sshll.u32 s16, $0x4;
	v19 =	vld [tilespmem:s1+$0x4080]  }
0x77: {  	v7 =	vimm.f32 $-Inf;
	s12 =	sadd.s32 $0x0, s4;
	s0 =	simm.s32 $0x80;
	s11 =	sadd.s32 $0x0, s11;
	v12 =	vld [tilespmem:s1+$0x4180]  }
0x78: {  	v5 =	vimm.s32 $0x0;
	s10 =	sand.u32 $0x70, s10;
	v20 =	vor.u32 s12, v0;
	s13 =	sand.u32 $0x3C00, s0;
	s11 =	sor.u32 $0x380, s11;
	v13 =	vld [tilespmem:s1+$0x4200];
	vm0 =	vgt.f32 v8, v7  }
0x79: {  	s1 =	sor.u32 s10, s13;
	v25 =	vld [tilespmem:s11+$0x4000];
	vm1 =	vgt.f32 v6, v7;
	vm2 =	vgt.f32 v18, v7;
	v9 =	vsel vm0, v8, v7  }
0x7a: {  	v22 =	vld [tilespmem:s1+$0x4280];
	v10 =	vsel vm1, v6, v7;
	v16 =	vsel vm1, v20, v5;
	vm1 =	vgt.f32 v11, v7  }
0x7b: {  	v23 =	vld [tilespmem:s1+$0x4300];
	v6 =	vsel vm0, v20, v5;
	v27 =	vsel vm2, v18, v7;
	vm0 =	vgt.f32 v19, v7  }
0x7c: {  	v21 =	vld [tilespmem:s1+$0x4100];
	v28 =	vsel vm2, v20, v5;
	v14 =	vsel vm1, v11, v7;
	v15 =	vsel vm1, v20, v5  }
0x7d: {  	s10 =	simm.s32 $0x1;
	v17 =	vld [tilespmem:s1+$0x4180];
	vm1 =	vgt.f32 v12, v7;
	v18 =	vsel vm0, v19, v7;
	v19 =	vsel vm0, v20, v5  }
0x7e: {  	s31 =	simm.s32 $0x20;
	s17 =	sand.u32 $0x7, s10;
	v26 =	vld [tilespmem:s1+$0x4000];
	v8 =	vsel vm1, v12, v7;
	v11 =	vsel vm1, v20, v5;
	vm1 =	vgt.f32 v13, v7  }
0x7f: {  	s12 =	sadd.s32 $0x10, s4;
	s11 =	simm.s32 $0x100;
	v24 =	vld [tilespmem:s1+$0x4200];
	s13 =	sshll.u32 s17, $0x4;
	v12 =	vsel vm1, v13, v7;
	v13 =	vsel vm1, v20, v5;
	vm1 =	vgt.f32 v25, v7  }
.LBB2_2:
0x80: {  	s14 =	sand.u32 $0x70, s31;
	s15 =	sand.u32 $0x3C00, s11  }
0x81: {  	s13 =	sadd.s32 s13, s0;
	vm0 =	vgt.f32 v23, v9;
	v7 =	vsel vm1, v25, v7;
	v5 =	vsel vm1, v20, v5;
	s16 =	smov.u32 s31;
	s0 =	smov.u32 s11  }
0x82: {  	s17 =	sadd.s32 $0x10, s31;
	v20 =	vor.u32 s12, v0;
	vm1 =	vgt.f32 v22, v10;
	v29 =	vld [tilespmem:s1+$0x4080];
	s1 =	sor.u32 s14, s15;
	v9 =	vsel vm0, v23, v9;
	s13 =	sor.u32 $0x380, s13  }
0x83: {  	p1 =	slt.u32 s31, $0x7F0;
	s12 =	sadd.s32 s16, s4;
	v10 =	vsel vm1, v22, v10;
	v16 =	vsel vm1, v20, v16;
	v25 =	vld [tilespmem:s13+$0x4000]  }
0x84: {  	vm1 =	vgt.f32 v21, v14;
	v22 =	vld [tilespmem:s1+$0x4280];
	vm2 =	vgt.f32 v26, v27  }
.Ltmp2:
0x85: {  	v14 =	vsel vm1, v21, v14;
	v15 =	vsel vm1, v20, v15;
	vm1 =	vgt.f32 v17, v8;
	v23 =	vld [tilespmem:s1+$0x4300];
	(pc) =	sbr.rel @p1 .LBB2_2-.Ltmp2, $4  }
0x86: {  	v8 =	vsel vm1, v17, v8;
	v11 =	vsel vm1, v20, v11;
	vm1 =	vgt.f32 v24, v12;
	v21 =	vld [tilespmem:s1+$0x4100]  }
0x87: {  	s10 =	sadd.s32 $0x1, s10;
	v6 =	vsel vm0, v20, v6;
	v12 =	vsel vm1, v24, v12;
	v13 =	vsel vm1, v20, v13;
	v17 =	vld [tilespmem:s1+$0x4180]  }
0x88: {  	s13 =	sand.u32 $0x7, s10;
	v27 =	vsel vm2, v26, v27;
	vm0 =	vgt.f32 v29, v18;
	v26 =	vld [tilespmem:s1+$0x4000];
	vm1 =	vgt.f32 v25, v7  }
0x89: {  	s11 =	sadd.s32 $0x80, s11;
	s31 =	smov.u32 s17;
	s13 =	sshll.u32 s13, $0x4;
	v28 =	vsel vm2, v20, v28;
	v18 =	vsel vm0, v29, v18;
	v19 =	vsel vm0, v20, v19;
	v24 =	vld [tilespmem:s1+$0x4200]  }
0x8a: {  	_ = 	snop  }
0x8b: {  	vm0 =	vgt.f32 v23, v9  }
0x8c: {  	v29 =	vor.u32 s12, v0;
	v7 =	vsel vm1, v25, v7;
	v20 =	vsel vm1, v20, v5  }
0x8d: {  	v5 =	vsel vm0, v23, v9;
	vm3 =	vgt.f32 v21, v14;
	vm2 =	vgt.f32 v26, v27  }
0x8e: {  	v14 =	vsel vm3, v21, v14;
	v40 =	vsel vm2, v26, v27;
	v41 =	vsel vm2, v29, v28  }
0x8f: {  	vm2 =	vgt.f32 v22, v10;
	v27 =	vperm.xlane v40, v31;
	v28 =	vperm.xlane v41, v31  }
0x90: {  	v21 =	vsel vm3, v29, v15;
	v9 =	vsel vm2, v22, v10;
	v10 =	vsel vm2, v29, v16;
	v22 =	vld [tilespmem:s1+$0x4080]  }
0x91: {  	v33 =	vperm.xlane v9, v31;
	vm1 =	veq.f32 v27, v40;
	vm2 =	vlt.s32 v28, v41  }
0x92: {  	vm4 =	vgt.f32 v27, v40;
	vm1 =	vmand vm1, vm2;
	vm2 =	vgt.f32 v17, v8  }
0x93: {  	vm1 =	vmor vm4, vm1;
	v17 =	vsel vm2, v17, v8;
	v45 =	vsel vm2, v29, v11  }
0x94: {  	v23 =	vsel vm1, v27, v40;
	v42 =	vsel vm1, v28, v41;
	vm1 =	vgt.f32 v24, v12  }
0x95: {  	vm3 =	vgt.f32 v22, v18;
	v43 =	vperm.xlane v23, v32;
	v44 =	vperm.xlane v42, v32  }
0x96: {  	v15 =	vsel vm1, v24, v12;
	v16 =	vsel vm1, v29, v13;
	v11 =	vsel vm3, v22, v18  }
0x97: {  	v12 =	vsel vm3, v29, v19;
	vm1 =	veq.f32 v43, v23;
	vm2 =	vlt.s32 v44, v42  }
0x98: {  	v18 =	vperm.xlane v11, v31;
	vm4 =	vgt.f32 v43, v23;
	vm1 =	vmand vm1, vm2  }
0x99: {  	s0 =	sadd.s32 s13, s0;
	v34 =	vperm.xlane v10, v31;
	v19 =	vperm.xlane v12, v31;
	vm1 =	vmor vm4, vm1  }
0x9a: {  	s0 =	sor.u32 $0x380, s0;
	v8 =	vsel vm0, v29, v6;
	vm0 =	veq.f32 v18, v11;
	v13 =	vsel vm1, v43, v23  }
0x9b: {  	v6 =	vsel vm1, v44, v42;
	v23 =	vld [tilespmem:s0+$0x4000];
	vm1 =	vlt.s32 v19, v12;
	v22 =	vperm.xlane v13, v3  }
0x9c: {  	vm3 =	vgt.f32 v18, v11;
	v46 =	vperm.xlane v6, v3;
	vm0 =	vmand vm0, vm1  }
0x9d: {  	v42 =	vperm.xlane v8, v31;
	vm0 =	vmor vm3, vm0;
	vm2 =	vgt.f32 v22, v13  }
0x9e: {  	vm1 =	veq.f32 v22, v13;
	vm4 =	vlt.s32 v46, v6;
	v11 =	vsel vm0, v18, v11  }
0x9f: {  	v12 =	vsel vm0, v19, v12;
	vm1 =	vmand vm1, vm4;
	v18 =	vperm.xlane v11, v32  }
0xa0: {  	v19 =	vperm.xlane v12, v32;
	vm0 =	vmor vm2, vm1;
	vm1 =	vgt.f32 v23, v7  }
0xa1: {  	v13 =	vsel vm0, v22, v13;
	v22 =	vsel vm0, v46, v6;
	vm0 =	veq.f32 v18, v11  }
0xa2: {  	vm2 =	vlt.s32 v19, v12;
	vm3 =	vgt.f32 v18, v11;
	v47 =	vperm.xlane v13, v4  }
0xa3: {  	v6 =	vsel vm1, v23, v7;
	v48 =	vperm.xlane v22, v4;
	vm0 =	vmand vm0, vm2  }
0xa4: {  	vm0 =	vmor vm3, vm0;
	vm2 =	vgt.f32 v47, v13;
	vm4 =	veq.f32 v47, v13  }
0xa5: {  	vm3 =	vlt.s32 v48, v22;
	v18 =	vsel vm0, v18, v11;
	v19 =	vsel vm0, v19, v12  }
0xa6: {  	vm0 =	vmand vm4, vm3;
	v49 =	vperm.xlane v18, v3;
	v50 =	vperm.xlane v19, v3  }
0xa7: {  	v7 =	vsel vm1, v29, v20;
	v20 =	vperm.xlane v21, v31;
	vm0 =	vmor vm2, vm0  }
0xa8: {  	v12 =	vsel vm0, v47, v13;
	vm1 =	veq.f32 v49, v18;
	vm2 =	vlt.s32 v50, v19  }
0xa9: {  	v11 =	vsel vm0, v48, v22;
	vm0 =	vgt.f32 v49, v18;
	v13 =	vperm.xlane v14, v31  }
0xaa: {  	vm1 =	vmand vm1, vm2;
	v22 =	vand.u32 $0x7F, v11;
	v23 =	vshll.u32 v11, $0x3  }
0xab: {  	vm0 =	vmor vm0, vm1;
	vm1 =	vlt.s32 v20, v21;
	vm2 =	vgt.f32 v13, v14  }
0xac: {  	v18 =	vsel vm0, v49, v18;
	v51 =	vsel vm0, v50, v19;
	vm0 =	veq.f32 v13, v14  }
0xad: {  	v19 =	vand.u32 $0x3C00, v23;
	v52 =	vperm.xlane v18, v4;
	vm0 =	vmand vm0, vm1  }
0xae: {  	v23 =	vperm.xlane v51, v4;
	v19 =	vor.u32 v22, v19;
	vm0 =	vmor vm2, vm0  }
0xaf: {  	vm1 =	veq.f32 v52, v18;
	v53 =	vsel vm0, v13, v14;
	v20 =	vsel vm0, v20, v21  }
0xb0: {  	vm0 =	vlt.s32 v23, v51;
	v21 =	vperm.xlane v53, v32;
	v54 =	vperm.xlane v20, v32  }
0xb1: {  	v22 =	vperm.xlane v17, v31;
	vm2 =	vgt.f32 v52, v18;
	vm0 =	vmand vm1, vm0  }
0xb2: {  	vm0 =	vmor vm2, vm0;
	vm1 =	veq.f32 v21, v53;
	vm2 =	vlt.s32 v54, v20  }
0xb3: {  	v13 =	vsel vm0, v23, v51;
	vm3 =	vgt.f32 v21, v53;
	v23 =	vperm.xlane v45, v31  }
0xb4: {  	v14 =	vsel vm0, v52, v18;
	vm1 =	vmand vm1, vm2;
	v24 =	vshll.u32 v13, $0x3  }
0xb5: {  	vm0 =	vmor vm3, vm1;
	vm1 =	vlt.s32 v23, v45;
	vm3 =	vgt.f32 v22, v17  }
0xb6: {  	_ =	swait.ge [sflag:s23], $0x4000;
	v21 =	vsel vm0, v21, v53;
	v20 =	vsel vm0, v54, v20;
	vm0 =	veq.f32 v22, v17  }
0xb7: {  	[sflag:s23] =	ssyncset.done $0x0;
	v55 =	vperm.xlane v21, v3;
	v56 =	vperm.xlane v20, v3;
	vm0 =	vmand vm0, vm1  }
0xb8: {  	[sflag:s23] =	ssyncadd.s32 $0xFFFFC000;
	v18 =	vand.u32 $0x7F, v13;
	v24 =	vand.u32 $0x3C00, v24;
	vm0 =	vmor vm3, vm0  }
0xb9: {  	_ =	swait.ge [sflag:s24], $0x4000;
	vm2 =	vgt.f32 v55, v21;
	vm1 =	veq.f32 v55, v21;
	vm4 =	vlt.s32 v56, v20  }
0xba: {  	[sflag:s24] =	ssyncset.done $0x0;
	v17 =	vsel vm0, v22, v17;
	v22 =	vsel vm0, v23, v45;
	vm1 =	vmand vm1, vm4  }
0xbb: {  	s15 =	simm.s32 $0x0;
	[sflag:s24] =	ssyncadd.s32 $0xFFFFC000;
	v23 =	vperm.xlane v17, v32;
	v57 =	vperm.xlane v22, v32;
	vm0 =	vmor vm2, vm1  }
0xbc: {  	v40 =	vld.idx.msk [tilespmem:v19+s15+$0x0], $0xffff;
	v18 =	vor.u32 v24, v18;
	v21 =	vsel vm0, v55, v21;
	v20 =	vsel vm0, v56, v20  }
0xbd: {  	v19 =	vld.idx.msk [tilespmem:v19+s21+$0x0], $0xffff;
	vm0 =	veq.f32 v23, v17;
	vm1 =	vlt.s32 v57, v22;
	v25 =	vperm.xlane v21, v4  }
0xbe: {  	vm2 =	vgt.f32 v23, v17;
	v26 =	vperm.xlane v20, v4;
	vm0 =	vmand vm0, vm1  }
0xbf: {  	v59 =	vor.u32 $0x80, v18;
	vm0 =	vmor vm2, vm0;
	vm1 =	vgt.f32 v25, v21  }
0xc0: {  	vm2 =	veq.f32 v25, v21;
	vm3 =	vlt.s32 v26, v20;
	v23 =	vsel vm0, v23, v17  }
0xc1: {  	v22 =	vsel vm0, v57, v22;
	vm2 =	vmand vm2, vm3;
	v58 =	vperm.xlane v23, v3  }
0xc2: {  	[tilespmem:$0xD430] =	vst v19;
	v19 =	vperm.xlane v5, v31;
	v60 =	vperm.xlane v22, v3;
	vm0 =	vmor vm1, vm2  }
0xc3: {  	v18 =	vsel vm0, v25, v21;
	v17 =	vsel vm0, v26, v20;
	vm0 =	veq.f32 v58, v23  }
0xc4: {  	vm1 =	vlt.s32 v60, v22;
	v20 =	vperm.xlane v15, v31;
	v21 =	vperm.xlane v16, v31  }
0xc5: {  	vm2 =	vgt.f32 v58, v23;
	v61 =	vand.u32 $0x7F, v17;
	vm0 =	vmand vm0, vm1  }
0xc6: {  	vm0 =	vmor vm2, vm0;
	vm1 =	veq.f32 v20, v15;
	vm2 =	vlt.s32 v21, v16  }
0xc7: {  	vm3 =	vgt.f32 v20, v15;
	v23 =	vsel vm0, v58, v23;
	vm1 =	vmand vm1, vm2  }
0xc8: {  	v22 =	vsel vm0, v60, v22;
	v24 =	vperm.xlane v23, v4;
	vm0 =	vmor vm3, vm1  }
0xc9: {  	v62 =	vperm.xlane v22, v4;
	v20 =	vsel vm0, v20, v15;
	v21 =	vsel vm0, v21, v16  }
0xca: {  	v15 =	vshll.u32 v17, $0x3;
	v16 =	vperm.xlane v20, v32;
	v63 =	vperm.xlane v21, v32  }
0xcb: {  	v15 =	vand.u32 $0x3C00, v15;
	vm1 =	veq.f32 v24, v23;
	vm2 =	vlt.s32 v62, v22  }
0xcc: {  	vm0 =	vgt.f32 v24, v23;
	vm1 =	vmand vm1, vm2;
	v15 =	vor.u32 v15, v61  }
0xcd: {  	vm3 =	veq.f32 v16, v20;
	vm4 =	vlt.s32 v63, v21;
	vm2 =	vgt.f32 v16, v20  }
0xce: {  	vm0 =	vmor vm0, vm1;
	v25 =	vor.u32 $0x100, v15;
	vm3 =	vmand vm3, vm4  }
0xcf: {  	v15 =	vsel vm0, v62, v22;
	vm1 =	vmor vm2, vm3;
	vm2 =	vlt.s32 v34, v10  }
0xd0: {  	v20 =	vsel vm1, v16, v20;
	v16 =	vsel vm0, v24, v23;
	v21 =	vsel vm1, v63, v21  }
0xd1: {  	vm1 =	veq.f32 v33, v9;
	v23 =	vperm.xlane v20, v3;
	v36 =	vperm.xlane v21, v3  }
0xd2: {  	vm4 =	vgt.f32 v33, v9;
	v22 =	vshll.u32 v15, $0x3;
	vm1 =	vmand vm1, vm2  }
0xd3: {  	vm1 =	vmor vm4, vm1;
	vm0 =	veq.f32 v23, v20;
	vm3 =	vlt.s32 v36, v21  }
0xd4: {  	vm2 =	vgt.f32 v23, v20;
	v10 =	vsel vm1, v34, v10;
	vm0 =	vmand vm0, vm3  }
0xd5: {  	v9 =	vsel vm1, v33, v9;
	v37 =	vperm.xlane v10, v32;
	vm0 =	vmor vm2, vm0  }
0xd6: {  	v35 =	vand.u32 $0x7F, v15;
	v20 =	vsel vm0, v23, v20;
	v23 =	vperm.xlane v9, v32  }
0xd7: {  	[tilespmem:$0xD400] =	vst v12;
	v22 =	vand.u32 $0x3C00, v22;
	v21 =	vsel vm0, v36, v21;
	vm1 =	vlt.s32 v37, v10  }
0xd8: {  	[tilespmem:$0xD410] =	vst v11;
	v38 =	vperm.xlane v20, v4;
	v39 =	vperm.xlane v21, v4;
	vm0 =	veq.f32 v23, v9  }
0xd9: {  	[tilespmem:$0xD420] =	vst v40;
	v22 =	vor.u32 v22, v35;
	vm2 =	vgt.f32 v23, v9;
	vm0 =	vmand vm0, vm1  }
0xda: {  	v43 =	vld.idx.msk [tilespmem:v59+s15+$0x0], $0xffff;
	vm1 =	veq.f32 v38, v20;
	vm3 =	vlt.s32 v39, v21;
	vm0 =	vmor vm2, vm0  }
0xdb: {  	v27 =	vld.idx.msk [tilespmem:v59+s21+$0x0], $0xffff;
	vm2 =	vgt.f32 v38, v20;
	vm1 =	vmand vm1, vm3;
	v9 =	vsel vm0, v23, v9  }
0xdc: {  	vm1 =	vmor vm2, vm1;
	v10 =	vsel vm0, v37, v10;
	v12 =	vperm.xlane v9, v3  }
0xdd: {  	[tilespmem:$0xD440] =	vst v14;
	v11 =	vsel vm1, v38, v20;
	v20 =	vsel vm1, v39, v21;
	v21 =	vperm.xlane v10, v3  }
0xde: {  	[tilespmem:$0xD450] =	vst v13;
	vm3 =	vgt.f32 v19, v5;
	v23 =	vand.u32 $0x7F, v20;
	v41 =	vshll.u32 v20, $0x3  }
0xdf: {  	[tilespmem:$0xD460] =	vst v43;
	vm0 =	veq.f32 v12, v9;
	vm1 =	vlt.s32 v21, v10;
	v24 =	vand.u32 $0x3C00, v41  }
0xe0: {  	[tilespmem:$0xD470] =	vst v27;
	vm2 =	vgt.f32 v12, v9;
	vm0 =	vmand vm0, vm1;
	vm1 =	veq.f32 v19, v5  }
0xe1: {  	v44 =	vld.idx.msk [tilespmem:v25+s21+$0x0], $0xffff;
	v14 =	vor.u32 v24, v23;
	vm0 =	vmor vm2, vm0;
	vm2 =	vlt.s32 v42, v8  }
0xe2: {  	v23 =	vld.idx.msk [tilespmem:v25+s15+$0x0], $0xffff;
	[tilespmem:$0xD480] =	vst v18;
	v18 =	vperm.xlane v7, v31;
	v9 =	vsel vm0, v12, v9;
	vm1 =	vmand vm1, vm2  }
0xe3: {  	v10 =	vsel vm0, v21, v10;
	v12 =	vperm.xlane v9, v4;
	vm0 =	vmor vm3, vm1  }
0xe4: {  	v13 =	vperm.xlane v10, v4;
	v5 =	vsel vm0, v19, v5;
	v8 =	vsel vm0, v42, v8  }
0xe5: {  	v22 =	vor.u32 $0x180, v22;
	v19 =	vperm.xlane v5, v32;
	v21 =	vperm.xlane v8, v32  }
0xe6: {  	vm0 =	vgt.f32 v12, v9;
	vm1 =	veq.f32 v12, v9;
	vm2 =	vlt.s32 v13, v10  }
0xe7: {  	vm1 =	vmand vm1, vm2;
	vm2 =	veq.f32 v19, v5;
	vm3 =	vlt.s32 v21, v8  }
0xe8: {  	vm0 =	vmor vm0, vm1;
	vm1 =	vgt.f32 v19, v5;
	vm2 =	vmand vm2, vm3  }
0xe9: {  	v10 =	vsel vm0, v13, v10;
	v13 =	vperm.xlane v6, v31;
	vm1 =	vmor vm1, vm2  }
0xea: {  	vm2 =	vlt.s32 v18, v7;
	v5 =	vsel vm1, v19, v5  }
0xeb: {  	[tilespmem:$0xD490] =	vst v17;
	v8 =	vsel vm1, v21, v8;
	vm1 =	veq.f32 v13, v6;
	vm4 =	vgt.f32 v13, v6  }
0xec: {  	[tilespmem:$0xD4B0] =	vst v44;
	v19 =	vperm.xlane v5, v3;
	v21 =	vperm.xlane v8, v3;
	vm1 =	vmand vm1, vm2  }
0xed: {  	v14 =	vor.u32 $0x200, v14;
	[tilespmem:$0xD4A0] =	vst v23;
	v17 =	vshll.u32 v10, $0x3;
	vm1 =	vmor vm4, vm1  }
0xee: {  	v23 =	vld.idx.msk [tilespmem:v22+s15+$0x0], $0xffff;
	vm3 =	vgt.f32 v19, v5;
	vm2 =	veq.f32 v19, v5;
	vm5 =	vlt.s32 v21, v8  }
0xef: {  	v22 =	vld.idx.msk [tilespmem:v22+s21+$0x0], $0xffff;
	v6 =	vsel vm1, v13, v6;
	v7 =	vsel vm1, v18, v7;
	vm2 =	vmand vm2, vm5  }
0xf0: {  	v13 =	vperm.xlane v6, v32;
	v18 =	vperm.xlane v7, v32;
	vm1 =	vmor vm3, vm2  }
0xf1: {  	[tilespmem:$0xD4C0] =	vst v16;
	v16 =	vand.u32 $0x7F, v10;
	v17 =	vand.u32 $0x3C00, v17;
	v5 =	vsel vm1, v19, v5  }
0xf2: {  	[tilespmem:$0xD4D0] =	vst v15;
	v8 =	vsel vm1, v21, v8;
	vm1 =	veq.f32 v13, v6;
	vm2 =	vlt.s32 v18, v7  }
0xf3: {  	[tilespmem:$0xD4E0] =	vst v23;
	vm3 =	vgt.f32 v13, v6;
	v15 =	vperm.xlane v5, v4;
	vm1 =	vmand vm1, vm2  }
0xf4: {  	[tilespmem:$0xD4F0] =	vst v22;
	v16 =	vor.u32 v17, v16;
	v17 =	vperm.xlane v8, v4;
	vm1 =	vmor vm3, vm1  }
0xf5: {  	v19 =	vld.idx.msk [tilespmem:v14+s15+$0x0], $0xffff;
	vm2 =	veq.f32 v15, v5;
	v6 =	vsel vm1, v13, v6;
	v7 =	vsel vm1, v18, v7  }
0xf6: {  	v13 =	vld.idx.msk [tilespmem:v14+s21+$0x0], $0xffff;
	vm1 =	vlt.s32 v17, v8;
	v14 =	vperm.xlane v6, v3;
	v18 =	vperm.xlane v7, v3  }
0xf7: {  	v16 =	vor.u32 $0x280, v16;
	vm3 =	vgt.f32 v15, v5;
	vm1 =	vmand vm2, vm1  }
0xf8: {  	[tilespmem:$0xD500] =	vst v11;
	vm1 =	vmor vm3, vm1;
	vm2 =	veq.f32 v14, v6;
	vm3 =	vlt.s32 v18, v7  }
0xf9: {  	[tilespmem:$0xD510] =	vst v20;
	v8 =	vsel vm1, v17, v8;
	vm4 =	vgt.f32 v14, v6;
	vm2 =	vmand vm2, vm3  }
0xfa: {  	[tilespmem:$0xD520] =	vst v19;
	v11 =	vand.u32 $0x7F, v8;
	vm2 =	vmor vm4, vm2  }
0xfb: {  	[tilespmem:$0xD530] =	vst v13;
	v13 =	vshll.u32 v8, $0x3;
	v6 =	vsel vm2, v14, v6;
	v7 =	vsel vm2, v18, v7  }
0xfc: {  	v14 =	vld.idx.msk [tilespmem:v16+s15+$0x0], $0xffff;
	v13 =	vand.u32 $0x3C00, v13;
	v17 =	vperm.xlane v6, v4;
	v18 =	vperm.xlane v7, v4  }
0xfd: {  	v9 =	vsel vm0, v12, v9;
	v12 =	vld.idx.msk [tilespmem:v16+s21+$0x0], $0xffff;
	v11 =	vor.u32 v13, v11  }
0xfe: {  	v11 =	vor.u32 $0x300, v11;
	vm0 =	veq.f32 v17, v6;
	vm2 =	vlt.s32 v18, v7  }
0xff: {  	[tilespmem:$0xD540] =	vst v9;
	vm3 =	vgt.f32 v17, v6;
	vm0 =	vmand vm0, vm2  }
0x100: {  	[tilespmem:$0xD550] =	vst v10;
	vm0 =	vmor vm3, vm0  }
0x101: {  	[tilespmem:$0xD560] =	vst v14;
	v7 =	vsel vm0, v18, v7  }
0x102: {  	[tilespmem:$0xD570] =	vst v12;
	v9 =	vshll.u32 v7, $0x3  }
0x103: {  	v10 =	vld.idx.msk [tilespmem:v11+s15+$0x0], $0xffff;
	v12 =	vand.u32 $0x7F, v7;
	v9 =	vand.u32 $0x3C00, v9  }
0x104: {  	v11 =	vld.idx.msk [tilespmem:v11+s21+$0x0], $0xffff;
	v9 =	vor.u32 v9, v12  }
0x105: {  	v5 =	vsel vm1, v15, v5;
	v9 =	vor.u32 $0x380, v9  }
0x106: {  	[tilespmem:$0xD580] =	vst v5  }
0x107: {  	[tilespmem:$0xD590] =	vst v8  }
0x108: {  	[tilespmem:$0xD5A0] =	vst v10  }
0x109: {  	[tilespmem:$0xD5B0] =	vst v11  }
0x10a: {  	v5 =	vld.idx.msk [tilespmem:v9+s15+$0x0], $0xffff  }
0x10b: {  	v8 =	vld.idx.msk [tilespmem:v9+s21+$0x0], $0xffff  }
0x10c: {  	v6 =	vsel vm0, v17, v6  }
0x10d: {  	[tilespmem:$0xD5C0] =	vst v6  }
0x10e: {  	[tilespmem:$0xD5D0] =	vst v7  }
0x10f: {  	[tilespmem:$0xD5E0] =	vst v5  }
0x110: {  	[tilespmem:$0xD5F0] =	vst v8  }
0x111: {  	[spmem:s6] =	stream.linear.scatter [tilespmem:s25], [sflag:$0x4], $0x200, $0x38;
	[tilespmem:$0xD880] =	vst v63  }
0x112: {  	_ =	swait.ge [sflag:s26], $0x200  }
0x113: {  	[sflag:s26] =	ssyncset.done $0x0  }
0x114: {  	[sflag:s26] =	ssyncadd.s32 $0xFFFFFE00  }
0x115: {  	[bflag:$0x0] =	sbarrier.arrive $0xFFFF  }
0x116: {  	[tilespmem:s28], [sflag:$0x4] =	stream.linear.gather [spmem:s9], $0x1000, $0x38;
	[tilespmem:$0xD880] =	vst v63  }
0x117: {  	_ =	swait.ge [sflag:s26], $0x1000  }
0x118: {  	[sflag:s26] =	ssyncset.done $0x0  }
0x119: {  	s16 =	simm.s32 $0xCC10;
	[sflag:s26] =	ssyncadd.s32 $0xFFFFF000  }
0x11a: {  	v5 =	vld [tilespmem:s16+$0xFFFFF7F0]  }
0x11b: {  	v6 =	vld [tilespmem:s16+$0xFFFFF800]  }
0x11c: {  	s0 =	sand.u32 $0x1C0, s15;
	v7 =	vld [tilespmem:s16+$0xFFFFFA00]  }
0x11d: {  	v8 =	vld [tilespmem:s0+$0xC600]  }
0x11e: {  	v11 =	vld [tilespmem:s16+$0x610]  }
0x11f: {  	v9 =	vld [tilespmem:s16+$0xFFFFFC00]  }
0x120: {  	v14 =	vld [tilespmem:s0+$0xC800]  }
0x121: {  	v12 =	vld [tilespmem:s16+$0x620]  }
0x122: {  	v10 =	vld [tilespmem:s16+$0x410]  }
0x123: {  	v15 =	vld [tilespmem:s16+$0xFFFFFE00]  }
0x124: {  	v16 =	vld [tilespmem:s0+$0xCA00]  }
0x125: {  	v17 =	vld [tilespmem:s16+$0x420]  }
0x126: {  	v13 =	vld [tilespmem:s16+$0x210]  }
0x127: {  	v18 =	vld [tilespmem:s16+$0x0]  }
0x128: {  	v19 =	vld [tilespmem:s0+$0xCC00]  }
0x129: {  	v20 =	vld [tilespmem:s16+$0x220]  }
0x12a: {  	v21 =	vld [tilespmem:s16+$0x20]  }
0x12b: {  	v22 =	vld [tilespmem:s16+$0x200]  }
0x12c: {  	v23 =	vld [tilespmem:s0+$0xCE00];
	vm0 =	veq.f32 v8, v5;
	vm1 =	vlt.s32 v7, v6  }
0x12d: {  	v45 =	vld [tilespmem:s16+$0x600];
	vm2 =	vgt.f32 v8, v5;
	vm0 =	vmand vm0, vm1  }
0x12e: {  	v46 =	vld [tilespmem:s16+$0xFFFFF820];
	vm3 =	vmor vm2, vm0  }
0x12f: {  	v47 =	vld [tilespmem:s16+$0x400];
	v5 =	vsel vm3, v8, v5;
	v6 =	vsel vm3, v7, v6  }
0x130: {  	v48 =	vld [tilespmem:s16+$0xFFFFFA20];
	vm0 =	veq.f32 v14, v5;
	vm1 =	vlt.s32 v9, v6  }
0x131: {  	v49 =	vld [tilespmem:s16+$0xFFFFFC20];
	vm2 =	vgt.f32 v14, v5;
	vm0 =	vmand vm0, vm1  }
0x132: {  	v50 =	vld [tilespmem:s16+$0x10];
	vm4 =	vmor vm2, vm0  }
0x133: {  	s31 =	simm.s32 $0xCC50;
	v30 =	vld [tilespmem:s16+$0xFFFFFE10];
	v5 =	vsel vm4, v14, v5;
	v6 =	vsel vm4, v9, v6  }
0x134: {  	v51 =	vld [tilespmem:s31+$0xFFFFF7F0];
	vm0 =	veq.f32 v16, v5;
	vm1 =	vlt.s32 v15, v6  }
0x135: {  	v52 =	vld [tilespmem:s31+$0xFFFFF800];
	vm2 =	vgt.f32 v16, v5;
	vm0 =	vmand vm0, vm1  }
0x136: {  	v33 =	vld [tilespmem:s16+$0xFFFFFA10];
	vm5 =	vmor vm2, vm0  }
0x137: {  	v34 =	vld [tilespmem:s31+$0xFFFFFC00];
	v5 =	vsel vm5, v16, v5;
	v6 =	vsel vm5, v15, v6  }
0x138: {  	v53 =	vld [tilespmem:s31+$0xFFFFFE00];
	vm0 =	veq.f32 v19, v5;
	vm1 =	vlt.s32 v18, v6  }
0x139: {  	v7 =	vld [tilespmem:s0+$0xD000];
	vm2 =	vgt.f32 v19, v5;
	vm0 =	vmand vm0, vm1  }
0x13a: {  	s17 =	simm.s32 $0x40;
	v14 =	vld [tilespmem:s0+$0xD200];
	vm6 =	vmor vm2, vm0  }
0x13b: {  	s0 =	sand.u32 $0x1C0, s17;
	v6 =	vsel vm6, v18, v6;
	v18 =	vld [tilespmem:s31+$0xFFFFFA00]  }
0x13c: {  	v8 =	vsel vm6, v19, v5;
	v19 =	vld [tilespmem:s0+$0xC600]  }
0x13d: {  	v55 =	vld [tilespmem:s31+$0x420];
	vm0 =	veq.f32 v23, v8;
	vm1 =	vlt.s32 v22, v6  }
0x13e: {  	v56 =	vld [tilespmem:s31+$0x0];
	vm2 =	vgt.f32 v23, v8;
	vm0 =	vmand vm0, vm1  }
0x13f: {  	v58 =	vld [tilespmem:s31+$0x220];
	v25 =	vsel vm3, v48, v46;
	vm7 =	vmor vm2, vm0  }
0x140: {  	v25 =	vsel vm4, v49, v25;
	v35 =	vld [tilespmem:s0+$0xC800];
	v23 =	vsel vm7, v23, v8  }
0x141: {  	v59 =	vld [tilespmem:s31+$0x20];
	v22 =	vsel vm7, v22, v6;
	vm0 =	veq.f32 v19, v51;
	vm8 =	vlt.s32 v18, v52  }
0x142: {  	v60 =	vld [tilespmem:s31+$0x200];
	vm1 =	veq.f32 v7, v23;
	vm9 =	vgt.f32 v19, v51;
	vm0 =	vmand vm0, vm8  }
0x143: {  	v62 =	vld [tilespmem:s31+$0xFFFFFC20];
	vm2 =	vlt.s32 v47, v22;
	vm8 =	vgt.f32 v7, v23;
	vm0 =	vmor vm9, vm0  }
0x144: {  	v54 =	vld [tilespmem:s0+$0xCA00];
	vm1 =	vmand vm1, vm2;
	v19 =	vsel vm0, v19, v51;
	v18 =	vsel vm0, v18, v52  }
0x145: {  	v9 =	vld [tilespmem:s16+$0xFFFFFE20];
	vm8 =	vmor vm8, vm1;
	vm1 =	veq.f32 v35, v19;
	vm2 =	vlt.s32 v34, v18  }
0x146: {  	v16 =	vld [tilespmem:s16+$0xFFFFF810];
	v22 =	vsel vm8, v47, v22;
	vm14 =	vgt.f32 v35, v19;
	vm1 =	vmand vm1, vm2  }
0x147: {  	v63 =	vld [tilespmem:s31+$0xFFFFFE20];
	v23 =	vsel vm8, v7, v23;
	vm15 =	vlt.s32 v45, v22;
	vm1 =	vmor vm14, vm1  }
0x148: {  	v57 =	vld [tilespmem:s0+$0xCC00];
	vm2 =	veq.f32 v14, v23;
	v19 =	vsel vm1, v35, v19;
	v18 =	vsel vm1, v34, v18  }
0x149: {  	v61 =	vld [tilespmem:s0+$0xCE00];
	vm9 =	vmand vm2, vm15;
	vm2 =	veq.f32 v54, v19;
	vm10 =	vlt.s32 v53, v18  }
0x14a: {  	v15 =	vld [tilespmem:s16+$0xFFFFFC10];
	v9 =	vsel vm5, v9, v25;
	vm12 =	vgt.f32 v54, v19;
	vm2 =	vmand vm2, vm10  }
0x14b: {  	v5 =	vld [tilespmem:s31+$0x610];
	v21 =	vsel vm6, v21, v9;
	v16 =	vsel vm3, v33, v16;
	vm2 =	vmor vm12, vm2  }
0x14c: {  	v9 =	vld [tilespmem:s31+$0x600];
	v20 =	vsel vm7, v20, v21;
	v19 =	vsel vm2, v54, v19;
	v18 =	vsel vm2, v53, v18  }
0x14d: {  	v8 =	vld [tilespmem:s31+$0x620];
	vm13 =	vgt.f32 v14, v23;
	vm3 =	veq.f32 v57, v19;
	vm14 =	vlt.s32 v56, v18  }
0x14e: {  	v21 =	vld [tilespmem:s31+$0xFFFFF820];
	vm9 =	vmor vm13, vm9;
	vm15 =	vgt.f32 v57, v19;
	vm3 =	vmand vm3, vm14  }
0x14f: {  	v17 =	vsel vm8, v17, v20;
	v20 =	vsel vm9, v14, v23;
	v23 =	vld [tilespmem:s31+$0x400];
	vm3 =	vmor vm15, vm3  }
0x150: {  	v14 =	vsel vm4, v15, v16;
	v15 =	vsel vm3, v57, v19;
	v16 =	vsel vm3, v56, v18;
	v18 =	vld [tilespmem:s0+$0xD000]  }
0x151: {  	v14 =	vsel vm5, v30, v14;
	v19 =	vld [tilespmem:s31+$0xFFFFFA20];
	vm4 =	veq.f32 v61, v15;
	vm5 =	vlt.s32 v60, v16  }
0x152: {  	v6 =	vld [tilespmem:s31+$0x410];
	v22 =	vsel vm9, v45, v22;
	vm4 =	vmand vm4, vm5;
	vm5 =	vgt.f32 v61, v15  }
0x153: {  	v7 =	vld [tilespmem:s31+$0x210];
	v17 =	vsel vm9, v12, v17;
	v14 =	vsel vm6, v50, v14;
	vm4 =	vmor vm5, vm4  }
0x154: {  	s1 =	simm.s32 $0xCC90;
	v12 =	vsel vm7, v13, v14;
	v13 =	vld [tilespmem:s0+$0xD200];
	s0 =	simm.s32 $0xD620;
	v14 =	vsel vm4, v61, v15;
	v15 =	vsel vm4, v60, v16  }
0x155: {  	[tilespmem:s0+$0x10] =	vst v17;
	v17 =	vld [tilespmem:s1+$0xFFFFF7F0];
	v16 =	vsel vm8, v10, v12;
	vm5 =	veq.f32 v18, v14;
	vm6 =	vlt.s32 v23, v15  }
0x156: {  	[tilespmem:s0+$0xFFFFFFE0] =	vst v20;
	v20 =	vld [tilespmem:s1+$0xFFFFFA00];
	v19 =	vsel vm0, v19, v21;
	vm5 =	vmand vm5, vm6;
	vm6 =	vgt.f32 v18, v14  }
0x157: {  	v10 =	vld [tilespmem:s31+$0x10];
	v21 =	vsel vm9, v11, v16;
	v16 =	vsel vm1, v62, v19;
	vm5 =	vmor vm6, vm5  }
0x158: {  	v12 =	vld [tilespmem:s31+$0xFFFFFE10];
	v19 =	vsel vm2, v63, v16;
	v16 =	vsel vm5, v18, v14;
	v15 =	vsel vm5, v23, v15  }
0x159: {  	v11 =	vld [tilespmem:s31+$0xFFFFFC10];
	v18 =	vsel vm3, v59, v19;
	vm6 =	veq.f32 v13, v16;
	vm7 =	vlt.s32 v9, v15  }
0x15a: {  	s10 =	simm.s32 $0x80;
	[tilespmem:s0+$0xFFFFFFF0] =	vst v22;
	v14 =	vld [tilespmem:s31+$0xFFFFF810];
	v18 =	vsel vm4, v58, v18;
	vm8 =	vgt.f32 v13, v16;
	vm6 =	vmand vm6, vm7  }
0x15b: {  	s11 =	simm.s32 $0xC0;
	s10 =	sand.u32 $0x1C0, s10;
	[tilespmem:s0+$0x0] =	vst v21;
	v19 =	vld [tilespmem:s1+$0xFFFFF800];
	v18 =	vsel vm5, v55, v18;
	vm6 =	vmor vm8, vm6  }
.LBB2_4:
0x15c: {  	p1 =	sne.s32 s11, $0x1C0;
	v21 =	vld [tilespmem:s10+$0xC600];
	v13 =	vsel vm6, v13, v16;
	v9 =	vsel vm6, v9, v15;
	v8 =	vsel vm6, v8, v18;
	s0 =	sadd.s32 $0x40, s0  }
0x15d: {  	v15 =	vld [tilespmem:s31+$0xFFFFFA10];
	[tilespmem:s0+$0x10] =	vst v8;
	s31 =	smov.u32 s1  }
0x15e: {  	v16 =	vld [tilespmem:s1+$0x610];
	[tilespmem:s0+$0xFFFFFFE0] =	vst v13  }
0x15f: {  	v13 =	vld [tilespmem:s1+$0xFFFFFC00];
	[tilespmem:s0+$0xFFFFFFF0] =	vst v9  }
0x160: {  	v9 =	vld [tilespmem:s10+$0xC800]  }
0x161: {  	vm8 =	vlt.s32 v20, v19;
	vm7 =	veq.f32 v21, v17;
	v8 =	vld [tilespmem:s1+$0x620]  }
0x162: {  	vm9 =	vgt.f32 v21, v17;
	vm7 =	vmand vm7, vm8;
	v18 =	vld [tilespmem:s1+$0x410];
	v14 =	vsel vm0, v15, v14  }
0x163: {  	vm0 =	vmor vm9, vm7;
	v15 =	vld [tilespmem:s1+$0xFFFFFE00];
	v11 =	vsel vm1, v11, v14  }
0x164: {  	v14 =	vsel vm0, v21, v17;
	v17 =	vsel vm0, v20, v19;
	v19 =	vld [tilespmem:s10+$0xCA00];
	v11 =	vsel vm2, v12, v11  }
0x165: {  	vm1 =	veq.f32 v9, v14;
	vm2 =	vlt.s32 v13, v17;
	v21 =	vld [tilespmem:s1+$0x420];
	v10 =	vsel vm3, v10, v11  }
0x166: {  	vm3 =	vgt.f32 v9, v14;
	vm1 =	vmand vm1, vm2;
	v10 =	vsel vm4, v7, v10;
	v7 =	vld [tilespmem:s1+$0x210]  }
0x167: {  	vm1 =	vmor vm3, vm1;
	v11 =	vld [tilespmem:s1+$0x0];
	v10 =	vsel vm5, v6, v10;
	v6 =	vmov v18  }
0x168: {  	v9 =	vsel vm1, v9, v14;
	v12 =	vsel vm1, v13, v17;
	v13 =	vld [tilespmem:s10+$0xCC00];
	v10 =	vsel vm6, v5, v10;
	v5 =	vmovc v16  }
0x169: {  	vm2 =	veq.f32 v19, v9;
	vm3 =	vlt.s32 v15, v12;
	v18 =	vld [tilespmem:s1+$0x220];
	[tilespmem:s0+$0x0] =	vst v10  }
0x16a: {  	vm4 =	vgt.f32 v19, v9;
	vm2 =	vmand vm2, vm3;
	v20 =	vld [tilespmem:s1+$0x20]  }
0x16b: {  	vm2 =	vmor vm4, vm2;
	v10 =	vld [tilespmem:s1+$0x200]  }
0x16c: {  	v14 =	vsel vm2, v19, v9;
	v12 =	vsel vm2, v15, v12;
	v15 =	vld [tilespmem:s10+$0xCE00]  }
0x16d: {  	vm3 =	veq.f32 v13, v14;
	vm4 =	vlt.s32 v11, v12;
	v9 =	vld [tilespmem:s1+$0x600]  }
0x16e: {  	vm5 =	vgt.f32 v13, v14;
	v16 =	vld [tilespmem:s1+$0xFFFFF820];
	vm3 =	vmand vm3, vm4  }
0x16f: {  	vm3 =	vmor vm5, vm3;
	v17 =	vld [tilespmem:s1+$0x400]  }
0x170: {  	v13 =	vsel vm3, v13, v14;
	v11 =	vsel vm3, v11, v12;
	v19 =	vld [tilespmem:s10+$0xD000]  }
0x171: {  	v12 =	vld [tilespmem:s1+$0xFFFFFA20];
	vm4 =	veq.f32 v15, v13;
	vm5 =	vlt.s32 v10, v11  }
0x172: {  	vm6 =	vgt.f32 v15, v13;
	v14 =	vld [tilespmem:s1+$0xFFFFFC20];
	vm4 =	vmand vm4, vm5  }
0x173: {  	v22 =	vld [tilespmem:s1+$0xFFFFFE20];
	vm4 =	vmor vm6, vm4  }
0x174: {  	v15 =	vsel vm4, v15, v13;
	v23 =	vsel vm4, v10, v11;
	v13 =	vld [tilespmem:s10+$0xD200]  }
0x175: {  	v10 =	vld [tilespmem:s1+$0x10];
	vm5 =	veq.f32 v19, v15;
	vm6 =	vlt.s32 v17, v23  }
0x176: {  	vm7 =	vgt.f32 v19, v15;
	v16 =	vsel vm0, v12, v16;
	v12 =	vld [tilespmem:s1+$0xFFFFFE10];
	vm5 =	vmand vm5, vm6  }
.Ltmp3:
0x177: {  	v11 =	vld [tilespmem:s1+$0xFFFFFC10];
	v16 =	vsel vm1, v14, v16;
	vm5 =	vmor vm7, vm5;
	(pc) =	sbr.rel @p1 .LBB2_4-.Ltmp3, $4  }
0x178: {  	s1 =	sadd.s32 $0x40, s1;
	v14 =	vld [tilespmem:s31+$0xFFFFF810];
	v22 =	vsel vm2, v22, v16;
	v16 =	vsel vm5, v19, v15;
	v15 =	vsel vm5, v17, v23  }
0x179: {  	v17 =	vld [tilespmem:s1+$0xFFFFF7F0];
	v20 =	vsel vm3, v20, v22;
	vm6 =	veq.f32 v13, v16;
	vm7 =	vlt.s32 v9, v15  }
0x17a: {  	vm8 =	vgt.f32 v13, v16;
	v19 =	vld [tilespmem:s1+$0xFFFFF800];
	v18 =	vsel vm4, v18, v20;
	vm6 =	vmand vm6, vm7  }
0x17b: {  	s10 =	sand.u32 $0x1C0, s11;
	s11 =	sadd.s32 $0x40, s11;
	v20 =	vld [tilespmem:s1+$0xFFFFFA00];
	v18 =	vsel vm5, v21, v18;
	vm6 =	vmor vm8, vm6  }
0x17c: {  	v21 =	vld [tilespmem:s10+$0xC600];
	_ =	sdelay $0x2  }
0x17d: {  	v22 =	vld [tilespmem:s1+$0xFFFFFC00]  }
0x17e: {  	v23 =	vld [tilespmem:s10+$0xC800]  }
0x17f: {  	v24 =	vld [tilespmem:s31+$0xFFFFFA10];
	vm8 =	vlt.s32 v20, v19;
	vm7 =	veq.f32 v21, v17  }
0x180: {  	v25 =	vld [tilespmem:s1+$0x620];
	vm9 =	vgt.f32 v21, v17;
	vm7 =	vmand vm7, vm8  }
0x181: {  	v26 =	vld [tilespmem:s1+$0xFFFFFE00];
	vm7 =	vmor vm9, vm7  }
0x182: {  	v17 =	vsel vm7, v21, v17;
	v19 =	vsel vm7, v20, v19;
	v20 =	vld [tilespmem:s10+$0xCA00]  }
0x183: {  	v27 =	vld [tilespmem:s1+$0x0];
	vm14 =	veq.f32 v23, v17;
	vm15 =	vlt.s32 v22, v19  }
0x184: {  	v28 =	vld [tilespmem:s10+$0xCC00];
	vm10 =	vgt.f32 v23, v17;
	vm8 =	vmand vm14, vm15  }
0x185: {  	v29 =	vld [tilespmem:s1+$0x200];
	vm8 =	vmor vm10, vm8  }
0x186: {  	v30 =	vld [tilespmem:s10+$0xCE00];
	v17 =	vsel vm8, v23, v17;
	v19 =	vsel vm8, v22, v19  }
0x187: {  	v31 =	vld [tilespmem:s1+$0x400];
	vm12 =	veq.f32 v20, v17;
	vm13 =	vlt.s32 v26, v19  }
0x188: {  	v13 =	vsel vm6, v13, v16;
	v16 =	vld [tilespmem:s1+$0xFFFFFE20];
	vm11 =	vgt.f32 v20, v17;
	vm9 =	vmand vm12, vm13  }
0x189: {  	v9 =	vsel vm6, v9, v15;
	v15 =	vld [tilespmem:s10+$0xD200];
	v14 =	vsel vm0, v24, v14;
	vm9 =	vmor vm11, vm9  }
0x18a: {  	v24 =	vld [tilespmem:s10+$0xD000];
	v11 =	vsel vm1, v11, v14;
	v17 =	vsel vm9, v20, v17;
	v19 =	vsel vm9, v26, v19  }
0x18b: {  	v11 =	vsel vm2, v12, v11;
	v12 =	vld [tilespmem:s1+$0xFFFFFC20];
	vm14 =	veq.f32 v28, v17;
	vm15 =	vlt.s32 v27, v19  }
0x18c: {  	v21 =	vld [tilespmem:s1+$0x420];
	v10 =	vsel vm3, v10, v11;
	vm12 =	vgt.f32 v28, v17;
	vm10 =	vmand vm14, vm15  }
0x18d: {  	v7 =	vsel vm4, v7, v10;
	v10 =	vld [tilespmem:s1+$0xFFFFFA10];
	vm0 =	vmor vm12, vm10  }
0x18e: {  	v26 =	vld [tilespmem:s1+$0xFFFFF820];
	v14 =	vsel vm0, v28, v17;
	v17 =	vsel vm0, v27, v19  }
0x18f: {  	v19 =	vld [tilespmem:s1+$0xFFFFFA20];
	vm13 =	veq.f32 v30, v14;
	vm14 =	vlt.s32 v29, v17  }
0x190: {  	v22 =	vld [tilespmem:s1+$0x220];
	vm15 =	vgt.f32 v30, v14;
	vm1 =	vmand vm13, vm14  }
0x191: {  	v23 =	vld [tilespmem:s1+$0x20];
	vm1 =	vmor vm15, vm1  }
0x192: {  	v20 =	vld [tilespmem:s1+$0x600];
	v11 =	vsel vm1, v30, v14;
	v14 =	vsel vm1, v29, v17  }
0x193: {  	v8 =	vsel vm6, v8, v18;
	v17 =	vld [tilespmem:s1+$0xFFFFF810];
	vm10 =	veq.f32 v24, v11;
	vm11 =	vlt.s32 v31, v14  }
0x194: {  	v18 =	vsel vm7, v19, v26;
	vm12 =	vgt.f32 v24, v11;
	v19 =	vld [tilespmem:s1+$0xFFFFFC10];
	vm2 =	vmand vm10, vm11  }
0x195: {  	v6 =	vsel vm5, v6, v7;
	v7 =	vld [tilespmem:s1+$0xFFFFFE10];
	v12 =	vsel vm8, v12, v18;
	vm2 =	vmor vm12, vm2  }
0x196: {  	v5 =	vsel vm6, v5, v6;
	v6 =	vld [tilespmem:s1+$0x10];
	v12 =	vsel vm9, v16, v12;
	v11 =	vsel vm2, v24, v11  }
0x197: {  	s0 =	sadd.s32 $0x40, s0;
	v16 =	vld [tilespmem:s1+$0x210];
	v14 =	vsel vm2, v31, v14;
	v12 =	vsel vm0, v23, v12;
	vm13 =	veq.f32 v15, v11  }
0x198: {  	[tilespmem:s0+$0x10] =	vst v8;
	v8 =	vld [tilespmem:s1+$0x410];
	vm14 =	vlt.s32 v20, v14;
	v12 =	vsel vm1, v22, v12;
	v10 =	vsel vm7, v10, v17  }
0x199: {  	[tilespmem:s0+$0xFFFFFFE0] =	vst v13;
	v17 =	vld [tilespmem:s1+$0x610];
	vm15 =	vgt.f32 v15, v11;
	vm3 =	vmand vm13, vm14;
	v10 =	vsel vm8, v19, v10  }
0x19a: {  	[tilespmem:s0+$0xFFFFFFF0] =	vst v9;
	v9 =	vsel vm2, v21, v12;
	vm3 =	vmor vm15, vm3;
	v7 =	vsel vm9, v7, v10  }
0x19b: {  	[tilespmem:s0+$0x0] =	vst v5;
	s0 =	sadd.s32 $0x40, s0;
	v5 =	vsel vm3, v25, v9;
	v6 =	vsel vm0, v6, v7  }
0x19c: {  	v7 =	vsel vm3, v15, v11;
	[tilespmem:s0+$0x10] =	vst v5;
	v5 =	vsel vm1, v16, v6  }
0x19d: {  	v6 =	vsel vm3, v20, v14;
	[tilespmem:s0+$0xFFFFFFE0] =	vst v7;
	v5 =	vsel vm2, v8, v5  }
0x19e: {  	[tilespmem:s0+$0xFFFFFFF0] =	vst v6;
	v5 =	vsel vm3, v17, v5  }
0x19f: {  	[tilespmem:s0+$0x0] =	vst v5  }
0x1a0: {  	v5 =	vld [tilespmem:$0xD600]  }
0x1a1: {  	v6 =	vld [tilespmem:$0xD620]  }
0x1a2: {  	v7 =	vld [tilespmem:$0xD630]  }
0x1a3: {  	v8 =	vld [tilespmem:$0xD640]  }
0x1a4: {  	v9 =	vld [tilespmem:$0xD660]  }
0x1a5: {  	v10 =	vld [tilespmem:$0xD670]  }
0x1a6: {  	v11 =	vld [tilespmem:$0xD680]  }
0x1a7: {  	v12 =	vld [tilespmem:$0xD6A0]  }
0x1a8: {  	v13 =	vld [tilespmem:$0xD6B0]  }
0x1a9: {  	v14 =	vld [tilespmem:$0xD6C0]  }
0x1aa: {  	v15 =	vld [tilespmem:$0xD6E0]  }
0x1ab: {  	v16 =	vld [tilespmem:$0xD6F0]  }
0x1ac: {  	v17 =	vld [tilespmem:$0xD730]  }
0x1ad: {  	v18 =	vld [tilespmem:$0xD740]  }
0x1ae: {  	v19 =	vld [tilespmem:$0xD760]  }
0x1af: {  	v20 =	vld [tilespmem:$0xD770]  }
0x1b0: {  	v21 =	vld [tilespmem:$0xD780]  }
0x1b1: {  	s16 =	simm.s32 $0x0;
	v22 =	vld [tilespmem:$0xD7A0]  }
0x1b2: {  	s17 =	sand.u32 $0x70, s16;
	s31 =	sand.u32 $0x3C00, s16;
	v23 =	vld [tilespmem:$0xD7B0]  }
0x1b3: {  	s0 =	sor.u32 s17, s31;
	v25 =	vld [tilespmem:$0xD7C0]  }
0x1b4: {  	v24 =	vld [tilespmem:s0+$0x8080]  }
0x1b5: {  	v28 =	vld [tilespmem:s0+$0x8300]  }
0x1b6: {  	v27 =	vld [tilespmem:s0+$0x4300]  }
0x1b7: {  	v29 =	vld [tilespmem:s0+$0x8280]  }
0x1b8: {  	v30 =	vld [tilespmem:s0+$0x8200]  }
0x1b9: {  	v31 =	vld [tilespmem:s0+$0x300]  }
0x1ba: {  	v32 =	vld [tilespmem:s0+$0x4280]  }
0x1bb: {  	v33 =	vld [tilespmem:s0+$0x280]  }
0x1bc: {  	v34 =	vld [tilespmem:s0+$0x0]  }
0x1bd: {  	v35 =	vld [tilespmem:s0+$0x100]  }
0x1be: {  	v40 =	vld [tilespmem:s0+$0x4100]  }
0x1bf: {  	v38 =	vld [tilespmem:s0+$0x4000];
	v37 =	vsub.f32 v24, v10  }
0x1c0: {  	v41 =	vld [tilespmem:s0+$0x180];
	v39 =	vsub.f32 v27, v21;
	v31 =	vsub.f32 v31, v22  }
0x1c1: {  	s1 =	sand.u32 $0x7, s16;
	v44 =	vld [tilespmem:s0+$0x4180];
	v28 =	vsub.f32 v28, v23;
	v29 =	vsub.f32 v29, v20  }
0x1c2: {  	s1 =	sshll.u32 s1, $0x4;
	v42 =	vld [tilespmem:s0+$0x8100];
	v30 =	vsub.f32 v30, v17;
	v43 =	vsub.f32 v32, v18  }
0x1c3: {  	s1 =	sadd.s32 $0x0, s1;
	v55 =	vld [tilespmem:s0+$0x8180];
	v24 =	vimm.f32 $-Inf;
	v35 =	vsub.f32 v35, v12;
	v54 =	vsub.f32 v40, v11  }
0x1c4: {  	s1 =	sor.u32 $0x380, s1;
	v56 =	vld [tilespmem:s0+$0x8000];
	v27 =	vimm.s32 $0x0;
	v33 =	vsub.f32 v33, v19;
	v38 =	vsub.f32 v38, v5  }
0x1c5: {  	v45 =	vld [tilespmem:s1+$0x4000];
	v34 =	vsub.f32 v34, v6;
	v41 =	vsub.f32 v41, v15;
	v39 =	vmul.f32 v39, v39  }
0x1c6: {  	v49 =	vld [tilespmem:s0+$0x80];
	v44 =	vsub.f32 v44, v14;
	v31 =	vmul.f32 v31, v31;
	v28 =	vmul.f32 v28, v28  }
0x1c7: {  	v26 =	vld [tilespmem:$0xD7E0];
	v42 =	vsub.f32 v42, v13;
	v47 =	vmul.f32 v29, v29;
	v29 =	vmul.f32 v30, v30  }
0x1c8: {  	v36 =	vld [tilespmem:s0+$0x4080];
	v57 =	vsub.f32 v55, v16;
	v32 =	vmul.f32 v37, v37;
	v35 =	vmul.f32 v35, v35  }
0x1c9: {  	v53 =	vld [tilespmem:s1+$0x0];
	v40 =	vsub.f32 v56, v7;
	v37 =	vmul.f32 v54, v54;
	v38 =	vmul.f32 v38, v38  }
0x1ca: {  	v58 =	vsub.f32 v45, v25;
	v33 =	vmul.f32 v33, v33;
	v34 =	vmul.f32 v34, v34  }
0x1cb: {  	v61 =	vsub.f32 v49, v9;
	v44 =	vmul.f32 v44, v44;
	v41 =	vmul.f32 v41, v41  }
0x1cc: {  	v45 =	vimm.f32 $-Inf;
	v40 =	vmul.f32 v40, v40;
	v43 =	vmul.f32 v43, v43  }
0x1cd: {  	v63 =	vmul.f32 v42, v42;
	v30 =	vadd.f32 v39, v31;
	v31 =	vsub.f32 v36, v8  }
0x1ce: {  	v46 =	vld [tilespmem:s1+$0x8000];
	v51 =	vmul.f32 v61, v61;
	v42 =	vimm.f32 $-Inf;
	v36 =	vsub.f32 v53, v26  }
0x1cf: {  	v35 =	vadd.f32 v37, v35;
	v34 =	vadd.f32 v38, v34;
	v48 =	vmul.f32 v31, v31;
	v31 =	vld [tilespmem:$0xD7F0]  }
0x1d0: {  	v37 =	vmul.f32 v57, v57;
	v41 =	vadd.f32 v44, v41;
	v54 =	vadd.f32 v43, v33  }
0x1d1: {  	v38 =	vimm.f32 $-Inf;
	v43 =	vimm.f32 $-Inf;
	v44 =	vimm.s32 $0x0  }
0x1d2: {  	v59 =	vld [tilespmem:s0+$0x4200];
	v33 =	vimm.f32 $-Inf;
	v36 =	vmul.f32 v36, v36;
	v52 =	vadd.f32 v28, v30  }
0x1d3: {  	v39 =	vld [tilespmem:$0xD700];
	v28 =	vmul.f32 v58, v58;
	v30 =	vadd.f32 v40, v34;
	v49 =	vadd.f32 v37, v41  }
0x1d4: {  	v55 =	vadd.f32 v63, v35;
	v41 =	vimm.s32 $0x0;
	v60 =	vsub.f32 v46, v31  }
0x1d5: {  	v56 =	vld [tilespmem:s0+$0x200];
	v40 =	vimm.s32 $0x0;
	v35 =	vimm.s32 $0x0;
	v37 =	vimm.s32 $0x0  }
0x1d6: {  	v34 =	vimm.s32 $0x0;
	v28 =	vadd.f32 v28, v36;
	v46 =	vld [tilespmem:$0xD720];
	v62 =	vmul.f32 v60, v60  }
0x1d7: {  	s13 =	simm.s32 $0x10;
	v50 =	vmin.f32 v30, $1.000000000e+10;
	v36 =	vimm.f32 $-Inf;
	v30 =	vimm.s32 $0x0  }
0x1d8: {  	s11 =	sadd.s32 $0x0, s4;
	s1 =	simm.s32 $0x1;
	s0 =	simm.s32 $0x80;
	v57 =	vsub.f32 v59, v39;
	v53 =	vadd.f32 v62, v28;
	v28 =	vimm.f32 $-Inf  }
.LBB2_6:
0x1d9: {  	s10 =	sand.u32 $0x7, s1  }
0x1da: {  	s12 =	sand.u32 $0x70, s13;
	s14 =	sand.u32 $0x3C00, s0;
	v58 =	vor.u32 s11, v0;
	v57 =	vmul.f32 v57, v57;
	v47 =	vadd.f32 v47, v54;
	s11 =	smov.u32 s13  }
0x1db: {  	v52 =	vmin.f32 v52, $1.000000000e+10;
	s15 =	sshll.u32 s10, $0x4;
	s12 =	sor.u32 s12, s14;
	s10 =	sadd.s32 $0x10, s13;
	v54 =	vmin.f32 v55, $1.000000000e+10;
	v55 =	vsub.f32 v56, v46  }
0x1dc: {  	p1 =	slt.u32 s13, $0x7F0;
	vm0 =	vgt.f32 v52, v24;
	v53 =	vmin.f32 v53, $1.000000000e+10;
	s14 =	sadd.s32 s15, s0;
	v56 =	vld [tilespmem:s12+$0x8080];
	v47 =	vmin.f32 v47, $1.000000000e+10  }
0x1dd: {  	vm1 =	vgt.f32 v54, v42;
	v59 =	vld [tilespmem:s12+$0x8300];
	s13 =	sor.u32 $0x380, s14;
	v55 =	vmul.f32 v55, v55;
	vm2 =	vgt.f32 v47, v45  }
0x1de: {  	v48 =	vadd.f32 v48, v51;
	v27 =	vsel vm0, v58, v27;
	v60 =	vld [tilespmem:s12+$0x4300];
	v45 =	vsel vm2, v47, v45  }
0x1df: {  	v24 =	vsel vm0, v52, v24;
	v42 =	vsel vm1, v54, v42;
	v47 =	vld [tilespmem:s12+$0x8280];
	v51 =	vadd.f32 v57, v55  }
0x1e0: {  	v41 =	vsel vm1, v58, v41;
	vm1 =	vgt.f32 v53, v38;
	v40 =	vsel vm2, v58, v40;
	v52 =	vld [tilespmem:s12+$0x8200]  }
0x1e1: {  	v38 =	vsel vm1, v53, v38;
	v54 =	vld [tilespmem:s12+$0x300];
	v29 =	vadd.f32 v29, v51  }
0x1e2: {  	v32 =	vadd.f32 v32, v48;
	v51 =	vsub.f32 v56, v10;
	v53 =	vld [tilespmem:s12+$0x4280]  }
0x1e3: {  	v56 =	vsub.f32 v59, v23;
	v48 =	vld [tilespmem:s12+$0x280];
	v55 =	vsub.f32 v60, v21;
	v29 =	vmin.f32 v29, $1.000000000e+10  }
0x1e4: {  	vm2 =	vgt.f32 v50, v43;
	v32 =	vmin.f32 v32, $1.000000000e+10;
	v57 =	vld [tilespmem:s12+$0x0];
	v47 =	vsub.f32 v47, v20  }
0x1e5: {  	v44 =	vsel vm2, v58, v44;
	vm0 =	vgt.f32 v29, v33;
	v59 =	vld [tilespmem:s12+$0x100];
	v55 =	vmul.f32 v55, v55  }
0x1e6: {  	v43 =	vsel vm2, v50, v43;
	v52 =	vsub.f32 v52, v17;
	v60 =	vld [tilespmem:s12+$0x4080];
	v54 =	vsub.f32 v54, v22  }
0x1e7: {  	v35 =	vsel vm1, v58, v35;
	v56 =	vmul.f32 v56, v56;
	v33 =	vsel vm0, v29, v33;
	v50 =	vld [tilespmem:s12+$0x4000]  }
0x1e8: {  	vm1 =	vgt.f32 v32, v36;
	v47 =	vmul.f32 v47, v47;
	v61 =	vld [tilespmem:s12+$0x4100];
	v54 =	vmul.f32 v54, v54  }
0x1e9: {  	v36 =	vsel vm1, v32, v36;
	v29 =	vmul.f32 v52, v52;
	v52 =	vsub.f32 v53, v18;
	v62 =	vld [tilespmem:s12+$0x180]  }
0x1ea: {  	v49 =	vmin.f32 v49, $1.000000000e+10;
	v37 =	vsel vm1, v58, v37;
	v53 =	vld [tilespmem:s12+$0x8100];
	v54 =	vadd.f32 v55, v54  }
0x1eb: {  	vm1 =	vgt.f32 v49, v28;
	v32 =	vmul.f32 v51, v51;
	v55 =	vsub.f32 v60, v8;
	v51 =	vld [tilespmem:s12+$0x4180]  }
0x1ec: {  	v34 =	vsel vm0, v58, v34;
	v59 =	vsub.f32 v59, v12;
	v60 =	vsub.f32 v48, v19;
	v63 =	vld [tilespmem:s13+$0x0]  }
0x1ed: {  	v30 =	vsel vm1, v58, v30;
	v48 =	vmul.f32 v55, v55;
	v55 =	vsub.f32 v61, v11;
	v61 =	vld [tilespmem:s12+$0x8180]  }
0x1ee: {  	v28 =	vsel vm1, v49, v28;
	v50 =	vsub.f32 v50, v5;
	v59 =	vmul.f32 v59, v59;
	v58 =	vld [tilespmem:s12+$0x8000]  }
0x1ef: {  	v49 =	vsub.f32 v57, v6;
	v57 =	vsub.f32 v62, v15;
	v55 =	vmul.f32 v55, v55;
	v62 =	vld [tilespmem:s13+$0x4000]  }
0x1f0: {  	v60 =	vmul.f32 v60, v60;
	v50 =	vmul.f32 v50, v50;
	v51 =	vsub.f32 v51, v14;
	v1 =	vld [tilespmem:s13+$0x8000]  }
0x1f1: {  	v49 =	vmul.f32 v49, v49;
	v53 =	vsub.f32 v53, v13;
	v63 =	vsub.f32 v63, v26  }
0x1f2: {  	v55 =	vadd.f32 v55, v59;
	v2 =	vld [tilespmem:s12+$0x80];
	v59 =	vsub.f32 v61, v16;
	v51 =	vmul.f32 v51, v51  }
0x1f3: {  	v49 =	vadd.f32 v50, v49;
	v50 =	vmul.f32 v57, v57;
	v58 =	vsub.f32 v58, v7  }
0x1f4: {  	v57 =	vmul.f32 v59, v59;
	v59 =	vld [tilespmem:s12+$0x4200];
	v61 =	vsub.f32 v62, v25;
	v62 =	vmul.f32 v63, v63  }
0x1f5: {  	v50 =	vadd.f32 v51, v50;
	v58 =	vmul.f32 v58, v58;
	v1 =	vsub.f32 v1, v31  }
.Ltmp4:
0x1f6: {  	v51 =	vmul.f32 v52, v52;
	v52 =	vadd.f32 v56, v54;
	v61 =	vmul.f32 v61, v61;
	(pc) =	sbr.rel @p1 .LBB2_6-.Ltmp4, $4  }
0x1f7: {  	v58 =	vadd.f32 v58, v49;
	v2 =	vsub.f32 v2, v9;
	v56 =	vld [tilespmem:s12+$0x200];
	v1 =	vmul.f32 v1, v1  }
0x1f8: {  	v53 =	vmul.f32 v53, v53;
	v54 =	vadd.f32 v51, v60;
	v60 =	vadd.f32 v61, v62  }
0x1f9: {  	s1 =	sadd.s32 $0x1, s1;
	v49 =	vadd.f32 v57, v50;
	v51 =	vmul.f32 v2, v2;
	v57 =	vsub.f32 v59, v39  }
0x1fa: {  	s11 =	sadd.s32 s11, s4;
	s0 =	sadd.s32 $0x80, s0;
	s13 =	smov.u32 s10;
	v55 =	vadd.f32 v53, v55;
	v50 =	vmin.f32 v58, $1.000000000e+10;
	v53 =	vadd.f32 v1, v60  }
0x1fb: {  	v1 =	vor.u32 s11, v0;
	v2 =	vmul.f32 v57, v57;
	v5 =	vadd.f32 v47, v54  }
0x1fc: {  	v8 =	vmin.f32 v52, $1.000000000e+10;
	v12 =	vadd.f32 v48, v51;
	vm3 =	vgt.f32 v50, v43  }
0x1fd: {  	v20 =	vmin.f32 v49, $1.000000000e+10;
	v7 =	vmin.f32 v55, $1.000000000e+10;
	v6 =	vsub.f32 v56, v46  }
0x1fe: {  	vm0 =	vgt.f32 v8, v24;
	v11 =	vmin.f32 v53, $1.000000000e+10;
	v14 =	vsel vm3, v50, v43  }
0x1ff: {  	v31 =	vld [tilespmem:$0x1FFE0];
	vm11 =	vgt.f32 v20, v28;
	v5 =	vmin.f32 v5, $1.000000000e+10;
	vm1 =	vgt.f32 v7, v42  }
0x200: {  	v8 =	vsel vm0, v8, v24;
	vm13 =	vgt.f32 v11, v38;
	v12 =	vadd.f32 v32, v12  }
0x201: {  	v20 =	vsel vm11, v20, v28;
	v10 =	vmul.f32 v6, v6;
	vm2 =	vgt.f32 v5, v45  }
0x202: {  	v6 =	vsel vm0, v1, v27;
	v13 =	vsel vm1, v7, v42;
	v7 =	vsel vm3, v1, v44  }
0x203: {  	v17 =	vsel vm1, v1, v41;
	v9 =	vsel vm2, v5, v45;
	v5 =	vsel vm13, v11, v38  }
0x204: {  	v45 =	vmin.f32 v12, $1.000000000e+10;
	v2 =	vadd.f32 v2, v10;
	v15 =	vperm.xlane v14, v31  }
0x205: {  	v16 =	vperm.xlane v7, v31;
	v10 =	vsel vm2, v1, v40;
	v56 =	vperm.xlane v13, v31  }
0x206: {  	v32 =	vld [tilespmem:$0x1FFF0];
	vm7 =	vgt.f32 v45, v36;
	v25 =	vperm.xlane v17, v31;
	v62 =	vperm.xlane v20, v31  }
0x207: {  	v2 =	vadd.f32 v29, v2;
	vm14 =	veq.f32 v15, v14;
	vm15 =	vlt.s32 v16, v7  }
0x208: {  	v50 =	vsel vm7, v1, v37;
	vm3 =	vgt.f32 v15, v14;
	vm1 =	vmand vm14, vm15  }
0x209: {  	v21 =	vperm.xlane v50, v31;
	v2 =	vmin.f32 v2, $1.000000000e+10;
	vm1 =	vmor vm3, vm1  }
0x20a: {  	vm6 =	vgt.f32 v2, v33;
	v46 =	vsel vm1, v15, v14;
	v47 =	vsel vm1, v16, v7  }
0x20b: {  	v7 =	vsel vm13, v1, v35;
	vm13 =	vlt.s32 v21, v50;
	v18 =	vperm.xlane v46, v32  }
0x20c: {  	v19 =	vperm.xlane v47, v32;
	v48 =	vsel vm6, v2, v33;
	v2 =	vsel vm7, v45, v36  }
0x20d: {  	v51 =	vsel vm6, v1, v34;
	v1 =	vsel vm11, v1, v30;
	v52 =	vperm.xlane v2, v31  }
0x20e: {  	v63 =	vperm.xlane v1, v31;
	vm8 =	veq.f32 v18, v46;
	vm9 =	vlt.s32 v19, v47  }
0x20f: {  	v42 =	vperm.xlane v48, v31;
	vm10 =	vgt.f32 v18, v46;
	vm0 =	vmand vm8, vm9  }
0x210: {  	vm12 =	veq.f32 v52, v2;
	vm4 =	vgt.f32 v52, v2;
	vm0 =	vmor vm10, vm0  }
0x211: {  	v12 =	vsel vm0, v18, v46;
	v14 =	vsel vm0, v19, v47;
	vm0 =	vmand vm12, vm13  }
0x212: {  	v53 =	vperm.xlane v12, v3;
	v22 =	vperm.xlane v14, v3;
	vm0 =	vmor vm4, vm0  }
0x213: {  	v43 =	vperm.xlane v51, v31;
	v2 =	vsel vm0, v52, v2;
	v11 =	vsel vm0, v21, v50  }
0x214: {  	vm14 =	vgt.f32 v53, v12;
	vm15 =	veq.f32 v53, v12;
	vm5 =	vlt.s32 v22, v14  }
0x215: {  	v18 =	vperm.xlane v2, v32;
	v21 =	vperm.xlane v11, v32;
	vm2 =	vmand vm15, vm5  }
0x216: {  	v46 =	vperm.xlane v9, v31;
	v47 =	vperm.xlane v10, v31;
	vm4 =	vmor vm14, vm2  }
0x217: {  	vm5 =	veq.f32 v18, v2;
	vm6 =	vlt.s32 v21, v11;
	vm7 =	vgt.f32 v18, v2  }
0x218: {  	v12 =	vsel vm4, v53, v12;
	v14 =	vsel vm4, v22, v14;
	vm0 =	vmand vm5, vm6  }
0x219: {  	v19 =	vperm.xlane v12, v4;
	v22 =	vperm.xlane v14, v4;
	vm0 =	vmor vm7, vm0  }
0x21a: {  	v50 =	vperm.xlane v8, v31;
	v2 =	vsel vm0, v18, v2;
	v54 =	vsel vm0, v21, v11  }
0x21b: {  	vm8 =	vgt.f32 v19, v12;
	vm9 =	veq.f32 v19, v12;
	vm10 =	vlt.s32 v22, v14  }
0x21c: {  	v55 =	vperm.xlane v2, v3;
	v23 =	vperm.xlane v54, v3;
	vm11 =	vmand vm9, vm10  }
0x21d: {  	vm15 =	veq.f32 v56, v13;
	vm9 =	vgt.f32 v56, v13;
	vm0 =	vmor vm8, vm11  }
0x21e: {  	vm13 =	veq.f32 v55, v2;
	vm14 =	vlt.s32 v23, v54;
	vm8 =	vlt.s32 v25, v17  }
0x21f: {  	vm12 =	vgt.f32 v55, v2;
	vm2 =	vmand vm13, vm14;
	vm3 =	vmand vm15, vm8  }
0x220: {  	v11 =	vsel vm0, v19, v12;
	v60 =	vsel vm0, v22, v14;
	vm15 =	veq.f32 v62, v20  }
0x221: {  	vm8 =	vlt.s32 v63, v1;
	vm1 =	vmor vm12, vm2;
	vm2 =	vmor vm9, vm3  }
0x222: {  	v2 =	vsel vm1, v55, v2;
	v18 =	vsel vm1, v23, v54;
	v13 =	vsel vm2, v56, v13  }
0x223: {  	v17 =	vsel vm2, v25, v17;
	v57 =	vperm.xlane v2, v4;
	v58 =	vperm.xlane v18, v4  }
0x224: {  	vm9 =	vgt.f32 v62, v20;
	v59 =	vperm.xlane v13, v32;
	v61 =	vperm.xlane v17, v32  }
0x225: {  	v56 =	vperm.xlane v5, v31;
	vm0 =	vgt.f32 v57, v2;
	vm10 =	veq.f32 v57, v2  }
0x226: {  	vm11 =	vlt.s32 v58, v18;
	vm12 =	veq.f32 v59, v13;
	vm13 =	vlt.s32 v61, v17  }
0x227: {  	vm14 =	vgt.f32 v59, v13;
	vm1 =	vmand vm10, vm11;
	vm3 =	vmand vm12, vm13  }
0x228: {  	vm2 =	vmor vm14, vm3;
	vm3 =	vmand vm15, vm8;
	vm0 =	vmor vm0, vm1  }
0x229: {  	v23 =	vsel vm2, v59, v13;
	v14 =	vsel vm2, v61, v17;
	vm10 =	vmor vm9, vm3  }
0x22a: {  	v35 =	vsel vm0, v57, v2;
	v57 =	vperm.xlane v7, v31;
	v33 =	vperm.xlane v23, v3  }
0x22b: {  	v34 =	vperm.xlane v14, v3;
	v20 =	vsel vm10, v62, v20;
	v1 =	vsel vm10, v63, v1  }
0x22c: {  	v40 =	vsel vm0, v58, v18;
	v22 =	vperm.xlane v20, v32;
	v24 =	vperm.xlane v1, v32  }
0x22d: {  	vm11 =	vgt.f32 v33, v23;
	vm12 =	veq.f32 v33, v23;
	vm13 =	vlt.s32 v34, v14  }
0x22e: {  	vm2 =	vmand vm12, vm13;
	vm14 =	veq.f32 v22, v20;
	vm15 =	vlt.s32 v24, v1  }
0x22f: {  	vm8 =	vgt.f32 v22, v20;
	vm1 =	vmor vm11, vm2;
	vm3 =	vmand vm14, vm15  }
0x230: {  	vm14 =	veq.f32 v42, v48;
	vm15 =	vlt.s32 v43, v51;
	v2 =	vsel vm1, v33, v23  }
0x231: {  	vm2 =	vmor vm8, vm3;
	v36 =	vsel vm1, v34, v14;
	v37 =	vperm.xlane v2, v4  }
0x232: {  	v20 =	vsel vm2, v22, v20;
	v38 =	vperm.xlane v36, v4;
	v1 =	vsel vm2, v24, v1  }
0x233: {  	vm8 =	vgt.f32 v42, v48;
	v39 =	vperm.xlane v20, v3;
	v41 =	vperm.xlane v1, v3  }
0x234: {  	vm0 =	vgt.f32 v37, v2;
	vm9 =	veq.f32 v37, v2;
	vm10 =	vlt.s32 v38, v36  }
0x235: {  	vm11 =	veq.f32 v39, v20;
	vm12 =	vlt.s32 v41, v1;
	vm1 =	vmand vm9, vm10  }
0x236: {  	vm13 =	vgt.f32 v39, v20;
	vm3 =	vmand vm11, vm12;
	vm0 =	vmor vm0, vm1  }
0x237: {  	vm2 =	vmor vm13, vm3;
	vm3 =	vmand vm14, vm15;
	v2 =	vsel vm0, v37, v2  }
0x238: {  	v17 =	vsel vm0, v38, v36;
	v20 =	vsel vm2, v39, v20;
	vm9 =	vmor vm8, vm3  }
0x239: {  	v1 =	vsel vm2, v41, v1;
	v44 =	vperm.xlane v20, v4;
	v15 =	vsel vm9, v42, v48  }
0x23a: {  	v45 =	vperm.xlane v1, v4;
	v16 =	vsel vm9, v43, v51;
	v21 =	vperm.xlane v15, v32  }
0x23b: {  	v51 =	vperm.xlane v6, v31;
	v24 =	vperm.xlane v16, v32;
	vm10 =	vgt.f32 v44, v20  }
0x23c: {  	vm11 =	veq.f32 v44, v20;
	vm12 =	vlt.s32 v45, v1;
	vm13 =	veq.f32 v21, v15  }
0x23d: {  	vm14 =	vlt.s32 v24, v16;
	vm2 =	vmand vm11, vm12;
	vm15 =	vgt.f32 v21, v15  }
0x23e: {  	vm11 =	vlt.s32 v47, v10;
	vm4 =	vmand vm13, vm14;
	vm8 =	vmor vm10, vm2  }
0x23f: {  	vm10 =	veq.f32 v46, v9;
	vm13 =	vgt.f32 v46, v9;
	vm9 =	vmor vm15, vm4  }
0x240: {  	v18 =	vsel vm8, v44, v20;
	vm1 =	vmand vm10, vm11;
	v1 =	vsel vm8, v45, v1  }
0x241: {  	v15 =	vsel vm9, v21, v15;
	v16 =	vsel vm9, v24, v16;
	vm1 =	vmor vm13, vm1  }
0x242: {  	v48 =	vperm.xlane v15, v3;
	v49 =	vperm.xlane v16, v3;
	v9 =	vsel vm1, v46, v9  }
0x243: {  	vm10 =	veq.f32 v50, v8;
	v10 =	vsel vm1, v47, v10;
	v19 =	vperm.xlane v9, v32  }
0x244: {  	v21 =	vperm.xlane v10, v32;
	vm14 =	veq.f32 v48, v15;
	vm15 =	vlt.s32 v49, v16  }
0x245: {  	vm11 =	vlt.s32 v51, v6;
	vm12 =	vgt.f32 v48, v15;
	vm2 =	vmand vm14, vm15  }
0x246: {  	vm5 =	veq.f32 v19, v9;
	vm6 =	vlt.s32 v21, v10;
	vm7 =	vgt.f32 v19, v9  }
0x247: {  	vm4 =	vmor vm12, vm2;
	vm0 =	vmand vm5, vm6;
	vm12 =	vgt.f32 v50, v8  }
0x248: {  	v15 =	vsel vm4, v48, v15;
	v16 =	vsel vm4, v49, v16;
	vm0 =	vmor vm7, vm0  }
0x249: {  	v20 =	vperm.xlane v15, v4;
	v22 =	vperm.xlane v16, v4;
	v9 =	vsel vm0, v19, v9  }
0x24a: {  	v10 =	vsel vm0, v21, v10;
	vm0 =	vmand vm10, vm11;
	vm10 =	veq.f32 v56, v5  }
0x24b: {  	vm11 =	vlt.s32 v57, v7;
	v52 =	vperm.xlane v9, v3;
	v53 =	vperm.xlane v10, v3  }
0x24c: {  	vm0 =	vmor vm12, vm0;
	vm12 =	vgt.f32 v56, v5;
	vm1 =	vgt.f32 v20, v15  }
0x24d: {  	vm8 =	veq.f32 v20, v15;
	vm9 =	vlt.s32 v22, v16;
	v8 =	vsel vm0, v50, v8  }
0x24e: {  	v6 =	vsel vm0, v51, v6;
	vm2 =	vmand vm8, vm9;
	vm13 =	veq.f32 v52, v9  }
0x24f: {  	vm14 =	vlt.s32 v53, v10;
	vm15 =	vgt.f32 v52, v9;
	v19 =	vperm.xlane v8, v32  }
0x250: {  	v54 =	vperm.xlane v6, v32;
	vm4 =	vmand vm13, vm14;
	vm0 =	vmor vm1, vm2  }
0x251: {  	vm2 =	vmand vm10, vm11;
	vm3 =	vmor vm15, vm4;
	vm7 =	veq.f32 v19, v8  }
0x252: {  	vm8 =	vlt.s32 v54, v6;
	vm9 =	vgt.f32 v19, v8;
	vm13 =	vmor vm12, vm2  }
0x253: {  	v9 =	vsel vm3, v52, v9;
	v10 =	vsel vm3, v53, v10;
	vm1 =	vmand vm7, vm8  }
0x254: {  	v5 =	vsel vm13, v56, v5;
	v7 =	vsel vm13, v57, v7;
	v55 =	vperm.xlane v9, v4  }
0x255: {  	v26 =	vperm.xlane v10, v4;
	vm1 =	vmor vm9, vm1;
	v24 =	vperm.xlane v5, v32  }
0x256: {  	v25 =	vperm.xlane v7, v32;
	v8 =	vsel vm1, v19, v8;
	v6 =	vsel vm1, v54, v6  }
0x257: {  	v58 =	vsel vm0, v20, v15;
	v19 =	vperm.xlane v8, v3;
	v21 =	vperm.xlane v6, v3  }
0x258: {  	vm14 =	veq.f32 v55, v9;
	vm10 =	veq.f32 v24, v5;
	vm11 =	vlt.s32 v25, v7  }
0x259: {  	vm15 =	vlt.s32 v26, v10;
	vm12 =	vgt.f32 v24, v5;
	vm4 =	vmand vm10, vm11  }
0x25a: {  	vm1 =	vmand vm14, vm15;
	vm15 =	vgt.f32 v55, v9;
	vm8 =	veq.f32 v19, v8  }
0x25b: {  	[tilespmem:$0xD400] =	vst v11;
	vm9 =	vlt.s32 v21, v6;
	vm6 =	vgt.f32 v19, v8;
	vm14 =	vmor vm12, vm4  }
0x25c: {  	[tilespmem:$0xD410] =	vst v60;
	vm3 =	vmand vm8, vm9;
	v5 =	vsel vm14, v24, v5;
	v7 =	vsel vm14, v25, v7  }
0x25d: {  	[tilespmem:$0xD440] =	vst v35;
	vm13 =	vmor vm6, vm3;
	v59 =	vperm.xlane v5, v3;
	v60 =	vperm.xlane v7, v3  }
0x25e: {  	[tilespmem:$0xD450] =	vst v40;
	v61 =	vsel vm0, v22, v16;
	vm5 =	vmor vm15, vm1;
	v8 =	vsel vm13, v19, v8  }
0x25f: {  	[tilespmem:$0xD480] =	vst v2;
	v2 =	vsel vm13, v21, v6;
	vm6 =	veq.f32 v59, v5;
	vm7 =	vlt.s32 v60, v7  }
0x260: {  	[tilespmem:$0xD490] =	vst v17;
	v6 =	vperm.xlane v8, v4;
	vm8 =	vgt.f32 v59, v5;
	vm1 =	vmand vm6, vm7  }
0x261: {  	[tilespmem:$0xD4C0] =	vst v18;
	v9 =	vsel vm5, v55, v9;
	v62 =	vperm.xlane v2, v4;
	vm1 =	vmor vm8, vm1  }
0x262: {  	[tilespmem:$0xD4D0] =	vst v1;
	vm9 =	veq.f32 v6, v8;
	v1 =	vsel vm1, v59, v5;
	v5 =	vsel vm1, v60, v7  }
0x263: {  	[tilespmem:$0xD500] =	vst v58;
	vm10 =	vlt.s32 v62, v2;
	v7 =	vperm.xlane v1, v4;
	v63 =	vperm.xlane v5, v4  }
0x264: {  	[tilespmem:$0xD510] =	vst v61;
	v10 =	vsel vm5, v26, v10;
	vm11 =	vgt.f32 v6, v8;
	vm1 =	vmand vm9, vm10  }
0x265: {  	[tilespmem:$0xD540] =	vst v9;
	vm0 =	vmor vm11, vm1;
	vm12 =	veq.f32 v7, v1;
	vm13 =	vlt.s32 v63, v5  }
0x266: {  	[tilespmem:$0xD550] =	vst v10;
	v6 =	vsel vm0, v6, v8;
	vm14 =	vgt.f32 v7, v1;
	vm1 =	vmand vm12, vm13  }
0x267: {  	v2 =	vsel vm0, v62, v2;
	[tilespmem:$0xD580] =	vst v6;
	vm15 =	vmor vm14, vm1  }
0x268: {  	[tilespmem:$0xD590] =	vst v2;
	v1 =	vsel vm15, v7, v1  }
0x269: {  	v2 =	vsel vm15, v63, v5;
	[tilespmem:$0xD5C0] =	vst v1  }
0x26a: {  	[tilespmem:$0xD5D0] =	vst v2  }
0x26b: {  	[spmem:s8] =	stream.linear.scatter [tilespmem:s25], [sflag:$0x4], $0x200, $0x38;
	[tilespmem:$0xD880] =	vst v63  }
.Ltmp5:
0x26c: {  	_ =	swait.ge [sflag:s26], $0x200;
	(pc) =	sbr.rel @p0 .LBB2_11-.Ltmp5, $3  }
0x26d: {  	[sflag:s26] =	ssyncset.done $0x0  }
0x26e: {  	[sflag:s26] =	ssyncadd.s32 $0xFFFFFE00  }
0x26f: {  	[bflag:$0x0] =	sbarrier.arrive $0xFFFF;
	_ =	sdelay $0x1  }
0x270: {  	s10 =	simm.s32 $0xC400;
	s0 =	rddreg [dreg:$0x4]  }
0x271: {  	[tilespmem:s10], [sflag:$0x4] =	stream.linear.gather [spmem:s0], $0x1000, $0x38;
	[tilespmem:$0xD880] =	vst v63  }
0x272: {  	_ =	swait.ge [sflag:s26], $0x1000  }
0x273: {  	[sflag:s26] =	ssyncset.done $0x0  }
0x274: {  	[sflag:s26] =	ssyncadd.s32 $0xFFFFF000  }
0x275: {  	v1 =	vld [tilespmem:s10+$0x0]  }
0x276: {  	s16 =	simm.s32 $0x0;
	v2 =	vld [tilespmem:s10+$0x10]  }
0x277: {  	s11 =	sand.u32 $0x1C0, s16;
	v5 =	vld [tilespmem:s10+$0x210]  }
0x278: {  	v6 =	vld [tilespmem:s11+$0xC600];
	_ =	sdelay $0x2  }
0x279: {  	v7 =	vld [tilespmem:s11+$0xC800]  }
0x27a: {  	v8 =	vld [tilespmem:s10+$0x410]  }
0x27b: {  	vm0 =	vlt.s32 v5, v2;
	vm1 =	veq.f32 v6, v1  }
0x27c: {  	v9 =	vld [tilespmem:s10+$0x810];
	vm2 =	vgt.f32 v6, v1;
	vm0 =	vmand vm1, vm0  }
0x27d: {  	v10 =	vld [tilespmem:s11+$0xCA00];
	vm0 =	vmor vm2, vm0  }
0x27e: {  	s0 =	simm.s32 $0xC440;
	v1 =	vsel vm0, v6, v1;
	v2 =	vsel vm0, v5, v2;
	v5 =	vld [tilespmem:s10+$0x610]  }
0x27f: {  	v11 =	vld [tilespmem:s0+$0x0];
	vm0 =	veq.f32 v7, v1;
	vm1 =	vlt.s32 v8, v2  }
0x280: {  	v12 =	vld [tilespmem:s0+$0x10];
	vm2 =	vgt.f32 v7, v1;
	vm0 =	vmand vm0, vm1  }
0x281: {  	s1 =	simm.s32 $0x40;
	v6 =	vld [tilespmem:s11+$0xCC00];
	vm0 =	vmor vm2, vm0  }
0x282: {  	s1 =	sand.u32 $0x1C0, s1;
	v1 =	vsel vm0, v7, v1;
	v2 =	vsel vm0, v8, v2;
	v7 =	vld [tilespmem:s0+$0x210]  }
0x283: {  	s12 =	simm.s32 $0xD610;
	v8 =	vld [tilespmem:s1+$0xC600];
	vm0 =	veq.f32 v10, v1;
	vm1 =	vlt.s32 v5, v2  }
0x284: {  	v17 =	vld [tilespmem:s12+$0x0];
	vm2 =	vgt.f32 v10, v1;
	vm0 =	vmand vm0, vm1  }
0x285: {  	v13 =	vld [tilespmem:s10+$0xA10];
	vm0 =	vmor vm2, vm0  }
0x286: {  	v1 =	vsel vm0, v10, v1;
	v2 =	vsel vm0, v5, v2;
	v10 =	vld [tilespmem:s11+$0xCE00]  }
0x287: {  	v14 =	vld [tilespmem:s10+$0xC10];
	vm0 =	vlt.s32 v7, v12;
	vm1 =	veq.f32 v6, v1;
	vm2 =	vlt.s32 v9, v2  }
0x288: {  	v15 =	vld [tilespmem:s1+$0xC800];
	vm3 =	veq.f32 v8, v11;
	vm4 =	vgt.f32 v6, v1;
	vm1 =	vmand vm1, vm2  }
0x289: {  	v16 =	vld [tilespmem:s0+$0x410];
	vm2 =	vgt.f32 v8, v11;
	vm0 =	vmand vm3, vm0;
	vm1 =	vmor vm4, vm1  }
0x28a: {  	vm0 =	vmor vm2, vm0;
	v1 =	vsel vm1, v6, v1;
	v2 =	vsel vm1, v9, v2;
	v6 =	vld [tilespmem:s11+$0xD000]  }
0x28b: {  	v18 =	vld [tilespmem:s11+$0xD200];
	v8 =	vsel vm0, v8, v11;
	vm1 =	veq.f32 v10, v1;
	vm2 =	vlt.s32 v13, v2  }
0x28c: {  	v19 =	vld [tilespmem:s1+$0xCA00];
	v12 =	vsel vm0, v7, v12;
	vm0 =	vgt.f32 v10, v1;
	vm1 =	vmand vm1, vm2  }
0x28d: {  	v20 =	vld [tilespmem:s0+$0x610];
	vm3 =	veq.f32 v15, v8;
	vm2 =	vgt.f32 v15, v8;
	vm0 =	vmor vm0, vm1  }
0x28e: {  	v9 =	vld [tilespmem:s10+$0xE10];
	vm1 =	vlt.s32 v16, v12;
	v1 =	vsel vm0, v10, v1;
	v2 =	vsel vm0, v13, v2  }
0x28f: {  	v5 =	vld [tilespmem:s0+$0x810];
	vm0 =	vmand vm3, vm1;
	vm1 =	veq.f32 v6, v1;
	vm3 =	vlt.s32 v14, v2  }
0x290: {  	v7 =	vld [tilespmem:s1+$0xCC00];
	s10 =	simm.s32 $0xC480;
	vm0 =	vmor vm2, vm0;
	vm2 =	vgt.f32 v6, v1;
	vm1 =	vmand vm1, vm3  }
0x291: {  	v11 =	vld [tilespmem:s10+$0x10];
	v15 =	vsel vm0, v15, v8;
	vm1 =	vmor vm2, vm1  }
0x292: {  	s17 =	simm.s32 $0x80;
	v10 =	vld [tilespmem:s10+$0x0];
	v12 =	vsel vm0, v16, v12;
	v1 =	vsel vm1, v6, v1;
	v2 =	vsel vm1, v14, v2  }
0x293: {  	s12 =	sand.u32 $0x1C0, s17;
	v13 =	vld [tilespmem:s10+$0x210];
	vm0 =	veq.f32 v19, v15;
	vm1 =	veq.f32 v18, v1;
	vm2 =	vlt.s32 v9, v2  }
0x294: {  	s11 =	simm.s32 $0xD650;
	vm3 =	vlt.s32 v20, v12;
	v14 =	vld [tilespmem:s12+$0xC600];
	vm15 =	vgt.f32 v18, v1;
	vm1 =	vmand vm1, vm2  }
0x295: {  	vm0 =	vmand vm0, vm3;
	v6 =	vld [tilespmem:s11+$0x0];
	vm2 =	vgt.f32 v19, v15;
	vm1 =	vmor vm15, vm1  }
0x296: {  	v8 =	vld [tilespmem:s0+$0xA10];
	vm2 =	vmor vm2, vm0;
	vm0 =	vmmov $0x1;
	v1 =	vsel vm1, v9, v2  }
0x297: {  	s31 =	simm.s32 $0xD400;
	s13 =	simm.s32 $0xC0;
	v16 =	vsel vm2, v19, v15;
	v15 =	vsel vm2, v20, v12;
	v12 =	vld [tilespmem:s1+$0xCE00];
	v9 =	vsel vm0, v17, v1  }
.LBB2_9:
0x298: {  	p1 =	sne.s32 s13, $0x1C0;
	vm1 =	vlt.s32 v13, v11;
	vm2 =	veq.f32 v7, v16;
	vm3 =	vlt.s32 v5, v15;
	v1 =	vld [tilespmem:s0+$0xC10];
	[tilespmem:s31+$0x0] =	vst v9  }
0x299: {  	vm4 =	veq.f32 v14, v10;
	vm5 =	vgt.f32 v7, v16;
	v2 =	vld [tilespmem:s12+$0xC800];
	vm2 =	vmand vm2, vm3  }
0x29a: {  	v17 =	vmovc v6;
	vm3 =	vgt.f32 v14, v10;
	vm1 =	vmand vm4, vm1;
	v9 =	vld [tilespmem:s10+$0x410];
	vm2 =	vmor vm5, vm2  }
0x29b: {  	vm1 =	vmor vm3, vm1;
	v6 =	vsel vm2, v7, v16;
	v7 =	vsel vm2, v5, v15;
	v15 =	vld [tilespmem:s1+$0xD000]  }
0x29c: {  	v14 =	vsel vm1, v14, v10;
	vm2 =	veq.f32 v12, v6;
	vm3 =	vlt.s32 v8, v7;
	v16 =	vld [tilespmem:s0+$0xE10];
	s0 =	smov.u32 s10  }
0x29d: {  	v13 =	vsel vm1, v13, v11;
	vm1 =	vgt.f32 v12, v6;
	vm2 =	vmand vm2, vm3;
	v18 =	vld [tilespmem:s1+$0xD200];
	s1 =	smov.u32 s12  }
0x29e: {  	vm3 =	vgt.f32 v2, v14;
	vm4 =	veq.f32 v2, v14;
	v5 =	vld [tilespmem:s10+$0x810];
	vm1 =	vmor vm1, vm2  }
0x29f: {  	vm2 =	vlt.s32 v9, v13;
	v19 =	vld [tilespmem:s1+$0xCA00];
	v6 =	vsel vm1, v12, v6;
	v8 =	vsel vm1, v8, v7  }
0x2a0: {  	vm1 =	vmand vm4, vm2;
	v12 =	vld [tilespmem:s10+$0x610];
	vm2 =	veq.f32 v15, v6;
	vm4 =	vlt.s32 v1, v8  }
0x2a1: {  	s10 =	sadd.s32 $0x40, s10;
	vm1 =	vmor vm3, vm1;
	v7 =	vld [tilespmem:s1+$0xCC00];
	vm3 =	vgt.f32 v15, v6;
	vm2 =	vmand vm2, vm4  }
0x2a2: {  	v10 =	vld [tilespmem:s10+$0x0];
	v2 =	vsel vm1, v2, v14;
	vm2 =	vmor vm3, vm2  }
0x2a3: {  	v9 =	vsel vm1, v9, v13;
	v11 =	vld [tilespmem:s10+$0x10];
	v6 =	vsel vm2, v15, v6;
	v1 =	vsel vm2, v1, v8  }
.Ltmp6:
0x2a4: {  	s12 =	sand.u32 $0x1C0, s13;
	v13 =	vld [tilespmem:s10+$0x210];
	vm1 =	veq.f32 v19, v2;
	vm2 =	veq.f32 v18, v6;
	vm3 =	vlt.s32 v16, v1;
	(pc) =	sbr.rel @p1 .LBB2_9-.Ltmp6, $4  }
0x2a5: {  	s11 =	sadd.s32 $0x40, s11;
	vm5 =	vgt.f32 v18, v6;
	v14 =	vld [tilespmem:s12+$0xC600];
	vm4 =	vlt.s32 v12, v9;
	vm2 =	vmand vm2, vm3  }
0x2a6: {  	vm3 =	vgt.f32 v19, v2;
	vm1 =	vmand vm1, vm4;
	v6 =	vld [tilespmem:s11+$0x0];
	vm2 =	vmor vm5, vm2  }
0x2a7: {  	vm1 =	vmor vm3, vm1;
	v8 =	vld [tilespmem:s0+$0xA10];
	v1 =	vsel vm2, v16, v1  }
0x2a8: {  	s31 =	sadd.s32 $0x40, s31;
	s13 =	sadd.s32 $0x40, s13;
	v16 =	vsel vm1, v19, v2;
	v15 =	vsel vm1, v12, v9;
	v12 =	vld [tilespmem:s1+$0xCE00];
	v9 =	vsel vm0, v17, v1  }
.Ltmp7:
0x2a9: {  	_ = 	snop;
	(pc) =	sbr.rel .LBB2_10-.Ltmp7, $1  }
0x2aa: {  	_ =	sdelay $0x3  }
.LBB2_12:
0x2ab: {  	_ =	sfence.sel $0x180000  }
0x2ac: {  	[bflag:$0x0] =	sbarrier.arrive $0xFFFF  }
0x2ad: {  	_ =	strace $0x90000047  }
0x2ae: {  	s0 =	stileid.u32;
	[bflag:$0x2] =	sbarrier.arrive $0xFFFF  }
0x2af: {  	p0 =	sne.s32 s0, $0x0;
	s0 =	rddreg [dreg:$0x3]  }
0x2b0: {  	s0 =	sadd.s32 @!p0 $0x100000, s0  }
0x2b1: {  	[sflag:s0] =	ssyncadd.tile.s32 @!p0 $0x1;
	_ =	shalt  }
.Lfunc_end2:
_tile_overlayer_lowered:
.L_overlay_start_2:
0x2b2: {  	(tag) =	ssettag $0x2  }
0x2b3: {  	s0 =	rddreg [dreg:$0x0];
	s2 =	stileid.u32  }
0x2b4: {  	s1 =	rddreg [dreg:$0x1];
	p0 =	sne.s32 s2, $0x0  }
0x2b5: {  	s3 =	rddreg [dreg:$0x2];
	[bflag:$0x3] =	sbarrier.arrive $0xFFFF;
	s2 =	simm.s32 @!p0 $0x1C04  }
0x2b6: {  	[timem:s3], [sflag:s2] =	dma.local @!p0 [hbm:s0], s1  }
0x2b7: {  	s0 =	simm.s32 @!p0 $0x4  }
0x2b8: {  	_ =	swait.ge @!p0 [sflag:s0], s1  }
0x2b9: {  	s1 =	ssub.s32 @!p0 $0x0, s1;
	[sflag:s0] =	ssyncset.done @!p0 $0x0  }
0x2ba: {  	[sflag:s0] =	ssyncadd.s32 @!p0 s1  }
0x2bb: {  	[bflag:$0x3] =	sbarrier.arrive $0xFFFF  }
0x2bc: {  	_ =	shalt  }

</sc_bundles>
